<compile_context>
chip_gen: v7x
topology: tpu7x:2x2x1
jax: 0.10.2.dev20260603
libtpu: 0.0.44.dev20260713+nightly
codegen_flags: <defaults>
</compile_context>

<pallas_src>
import functools

import jax
import jax.numpy as jnp
from jax import lax
from jax.experimental import pallas as pl
from jax.experimental.pallas import tpu as pltpu
from jax.experimental.pallas import tpu_sc as plsc

M, D, B = 100000, 128, 16384
NC, NS, L = 2, 16, 16
NW = NC * NS
BPW = B // NW
PIECE = 2048
NPIECE = B // PIECE
VPP = PIECE // L
CH = 64
NCH = BPW // CH
DUMP = M

_mesh = plsc.VectorSubcoreMesh(core_axis_name="c", subcore_axis_name="s")


@functools.partial(
    pl.kernel,
    out_type=(
        jax.ShapeDtypeStruct((NW, BPW, D), jnp.float32),
        jax.ShapeDtypeStruct((NW, BPW, D), jnp.float32),
    ),
    mesh=_mesh,
    scratch_types=[
        pltpu.VMEM((2, PIECE), jnp.int32),
        pltpu.VMEM((BPW,), jnp.int32),
        pltpu.VMEM((BPW,), jnp.int32),
        pltpu.VMEM((PIECE + L,), jnp.int32),
        pltpu.VMEM((PIECE,), jnp.int32),
        pltpu.VMEM((2, CH, D), jnp.float32),
        pltpu.SemaphoreType.DMA,
        pltpu.SemaphoreType.DMA,
        pltpu.SemaphoreType.DMA,
        pltpu.SemaphoreType.DMA,
    ],
    compiler_params=pltpu.CompilerParams(needs_layout_passes=False),
)
def _sc_kernel(state_hbm, x_hbm, idx_hbm, g_hbm, xw_hbm,
               idxbuf, own_idx, win_v, srun, sval,
               rows, sem_i0, sem_i1, sem_r0, sem_r1):
    wid = lax.axis_index("s") * NC + lax.axis_index("c")
    base = pl.multiple_of(wid * BPW, BPW)
    idx_sems = (sem_i0, sem_i1)
    row_sems = (sem_r0, sem_r1)

    pltpu.sync_copy(idx_hbm.at[pl.ds(base, BPW)], own_idx)

    idx_d = [None] * NPIECE
    for p in range(2):
        idx_d[p] = pltpu.async_copy(
            idx_hbm.at[pl.ds(p * PIECE, PIECE)], idxbuf.at[p], idx_sems[p])
    g_d = [None] * NCH
    for c in range(2):
        g_d[c] = pltpu.async_copy(
            state_hbm.at[own_idx.at[pl.ds(c * CH, CH)]], rows.at[c],
            row_sems[c])

    lane = lax.iota(jnp.int32, L)
    srun[pl.ds(PIECE, L)] = jnp.full((L,), -1, jnp.int32)

    def scan_phase(pos):
        for p in range(NPIECE):
            b = p % 2
            idx_d[p].wait()

            @plsc.parallel_loop(0, VPP, unroll=4)
            def sort_body(t, b=b, p=p):
                idxv = idxbuf[b, pl.ds(t * L, L)]
                key = idxv * L + lane
                sk = lax.sort(key)
                srun[pl.ds(t * L, L)] = lax.shift_right_logical(sk, 4)
                sval[pl.ds(t * L, L)] = (
                    p * PIECE + t * L + lax.bitwise_and(sk, L - 1))

            def scatter_body(t2, _):
                for u in range(2):
                    t = t2 * 2 + u
                    sr = srun[pl.ds(t * L, L)]
                    nxt = srun[pl.ds(t * L + 1, L)]
                    sv = sval[pl.ds(t * L, L)]
                    tgt = jnp.where(sr != nxt, sr, DUMP)
                    plsc.store_scatter(pos, [tgt], sv)
                return 0

            lax.fori_loop(0, VPP // 2, scatter_body, 0)

            if p + 2 < NPIECE:
                idx_d[p + 2] = pltpu.async_copy(
                    idx_hbm.at[pl.ds((p + 2) * PIECE, PIECE)], idxbuf.at[b],
                    idx_sems[b])

            g_d[p].wait()
            pltpu.sync_copy(rows.at[p % 2],
                            g_hbm.at[wid, pl.ds(p * CH, CH)])
            if p + 2 < NCH:
                g_d[p + 2] = pltpu.async_copy(
                    state_hbm.at[own_idx.at[pl.ds((p + 2) * CH, CH)]],
                    rows.at[p % 2], row_sems[p % 2])

        @plsc.parallel_loop(0, BPW // L, unroll=4)
        def win_body(c):
            idxv = own_idx[pl.ds(c * L, L)]
            win_v[pl.ds(c * L, L)] = plsc.load_gather(pos, [idxv])

    pl.run_scoped(scan_phase, pltpu.VMEM((M + L,), jnp.int32))

    def xw_phase(big):
        q = BPW // 4
        qsems = (sem_r0, sem_r1, sem_i0, sem_i1)
        ds = []
        for k in range(4):
            ds.append(pltpu.async_copy(
                x_hbm.at[win_v.at[pl.ds(k * q, q)]],
                big.at[pl.ds(k * q, q)], qsems[k]))
        for k in range(4):
            ds[k].wait()
            pltpu.sync_copy(big.at[pl.ds(k * q, q)],
                            xw_hbm.at[wid, pl.ds(k * q, q)])

    pl.run_scoped(xw_phase, pltpu.VMEM((BPW, D), jnp.float32))


_MM_BLK = 4096


def _mm_body(epoch_ref, g_ref, xw_ref, w_ref, out_ref):
    s = jnp.where(epoch_ref[0, 0] == 0, 0.0, 1.0).astype(jnp.float32)
    g = g_ref[...]
    sg = s * g
    out_ref[...] = sg + jnp.dot(
        xw_ref[...] - sg, w_ref[...], preferred_element_type=jnp.float32
    )


def _mm(epoch, g, xw, W):
    return pl.pallas_call(
        _mm_body,
        grid=(B // _MM_BLK,),
        in_specs=[
            pl.BlockSpec(memory_space=pltpu.SMEM),
            pl.BlockSpec((_MM_BLK, D), lambda i: (i, 0)),
            pl.BlockSpec((_MM_BLK, D), lambda i: (i, 0)),
            pl.BlockSpec((D, D), lambda i: (0, 0)),
        ],
        out_specs=pl.BlockSpec((_MM_BLK, D), lambda i: (i, 0)),
        out_shape=jax.ShapeDtypeStruct((B, D), jnp.float32),
    )(epoch, g, xw, W)


def kernel(x, indices, epoch, W, state):
    idx = indices.astype(jnp.int32)
    g, xw = _sc_kernel(state, x, idx)
    g = g.reshape(B, D)
    xw = xw.reshape(B, D)
    ep = jnp.asarray(epoch, jnp.int32).reshape(1, 1)
    return _mm(ep, g, xw, W)

# --- scband reference (transcript-rebuilt; emitter-appended) ---
"""Pipeline reference for scband-efcompressor-67310727463479 (READ-ONLY COPY).

The authoritative reference and input builder live on the scoring server;
editing this copy changes nothing except your own understanding.
"""

import jax, jax.numpy as jnp
import numpy as np

M, D, B = 100000, 128, 16384

def setup_inputs(seed: int = 0) -> dict:
    key = jax.random.key(seed)
    k1, k2, k3, k4 = jax.random.split(key, 4)
    x = jax.random.normal(k1, (B, D), dtype=jnp.float32)
    indices = jax.random.randint(k2, (B,), 0, M, dtype=jnp.int32)
    W = jax.random.normal(k3, (D, D), dtype=jnp.float32) * 0.02
    state = jax.random.normal(k4, (M, D), dtype=jnp.float32) * 0.01
    return {"x": x, "indices": indices, "epoch": 1, "W": W, "state": state}

def reference(x, indices, epoch, W, state):
    # state is maintained detached (no grad) in the torch module
    state_detached = jax.lax.stop_gradient(state)
    rows_epoch0 = x @ W  # direct_compressor = Linear(D, D, bias=False)
    gathered = state_detached[indices]              # gather rows
    compressed = (x - gathered) @ W                 # compress the error
    rows_later = gathered + compressed
    new_rows = jnp.where(epoch == 0, rows_epoch0, rows_later)
    updated_state = state_detached.at[indices].set(new_rows)  # scatter-overwrite
    return updated_state[indices]

if __name__ == "__main__":
    import jax
    _d = setup_inputs()
    print(jax.jit(kernel)(*tuple(_d.values())))

</pallas_src>

<mosaic_0001>
#map = affine_map<(d0, d1) -> (0, 0)>
#map1 = affine_map<(d0, d1) -> (0)>
#map2 = affine_map<(d0, d1) -> (0, 0, 0)>
module attributes {stable_mosaic.version = 14 : i64} {
  func.func @_sc_kernel(%arg0: i32, %arg1: i32, %arg2: memref<100000x128xf32, #tpu.memory_space<hbm>>, %arg3: memref<16384x128xf32, #tpu.memory_space<hbm>>, %arg4: memref<16384xi32, #tpu.memory_space<hbm>>, %arg5: memref<32x512x128xf32, #tpu.memory_space<hbm>>, %arg6: memref<32x512x128xf32, #tpu.memory_space<hbm>>, %arg7: memref<2x2048xi32, #tpu.memory_space<vmem>>, %arg8: memref<512xi32, #tpu.memory_space<vmem>>, %arg9: memref<512xi32, #tpu.memory_space<vmem>>, %arg10: memref<2064xi32, #tpu.memory_space<vmem>>, %arg11: memref<2048xi32, #tpu.memory_space<vmem>>, %arg12: memref<2x64x128xf32, #tpu.memory_space<vmem>>, %arg13: memref<!tpu.dma_semaphore, #tpu.memory_space<semaphore_mem>>, %arg14: memref<!tpu.dma_semaphore, #tpu.memory_space<semaphore_mem>>, %arg15: memref<!tpu.dma_semaphore, #tpu.memory_space<semaphore_mem>>, %arg16: memref<!tpu.dma_semaphore, #tpu.memory_space<semaphore_mem>>) attributes {dimension_semantics = [#tpu.dimension_semantics<core_parallel>, #tpu.dimension_semantics<subcore_parallel>], iteration_bounds = array<i64: 2, 16>, scalar_prefetch = 0 : i64, scratch_operands = 10 : i64, tpu.core_type = #tpu.core_type<sc_vector_subcore>, window_params = [{transform_indices = #map}, {transform_indices = #map}, {transform_indices = #map1}, {transform_indices = #map2}, {transform_indices = #map2}]} {
    %mul3A = arith.constant 2 : i32
    %mul3A_0 = arith.muli %arg1, %mul3A : i32
    %add3A = arith.addi %mul3A_0, %arg0 : i32
    %mul3A_1 = arith.constant 512 : i32
    %mul3A_2 = arith.muli %add3A, %mul3A_1 : i32
    %multiple_of3A = tpu.assume_multiple %mul3A_2, 512 : i32
    "tpu.region"() ({
      %run_scoped3A_49 = tpu.sem_alloc : memref<!tpu.dma_semaphore, #tpu.memory_space<semaphore_mem>>
      %dma_start3A_50 = tpu.memref_slice %arg4[%multiple_of3A] : memref<16384xi32, #tpu.memory_space<hbm>> -> memref<512xi32, #tpu.memory_space<hbm>>
      %dma_start3A_51 = tpu.memref_slice %arg4[%multiple_of3A] : memref<16384xi32, #tpu.memory_space<hbm>> -> memref<512xi32, #tpu.memory_space<hbm>>
      tpu.enqueue_dma source(%dma_start3A_51 : memref<512xi32, #tpu.memory_space<hbm>>) target(%arg8 : memref<512xi32, #tpu.memory_space<vmem>>) target_semaphore(%run_scoped3A_49 : memref<!tpu.dma_semaphore, #tpu.memory_space<semaphore_mem>>)
      %dma_wait3A = tpu.memref_slice %arg4[%multiple_of3A] : memref<16384xi32, #tpu.memory_space<hbm>> -> memref<512xi32, #tpu.memory_space<hbm>>
      %dma_wait3A_52 = tpu.memref_slice %arg4[%multiple_of3A] : memref<16384xi32, #tpu.memory_space<hbm>> -> memref<512xi32, #tpu.memory_space<hbm>>
      tpu.wait_dma2 semaphore(%run_scoped3A_49 : memref<!tpu.dma_semaphore, #tpu.memory_space<semaphore_mem>>) src(%dma_wait3A_52 : memref<512xi32, #tpu.memory_space<hbm>>) dst(%arg8 : memref<512xi32, #tpu.memory_space<vmem>>)
      tpu.yield
    }) : () -> ()
    %dma_start3A = arith.constant 0 : i32
    %dma_start3A_3 = arith.constant 0 : i32
    %dma_start3A_4 = tpu.memref_slice %arg7[%dma_start3A, %dma_start3A_3] : memref<2x2048xi32, #tpu.memory_space<vmem>> -> memref<1x2048xi32, #tpu.memory_space<vmem>>
    %dma_start3A_5 = tpu.memref_squeeze %dma_start3A_4 : memref<1x2048xi32, #tpu.memory_space<vmem>> -> memref<2048xi32, #tpu.memory_space<vmem>>
    %dma_start3A_6 = arith.constant 0 : i32
    %dma_start3A_7 = tpu.memref_slice %arg4[%dma_start3A_6] : memref<16384xi32, #tpu.memory_space<hbm>> -> memref<2048xi32, #tpu.memory_space<hbm>>
    %dma_start3A_8 = arith.constant 0 : i32
    %dma_start3A_9 = tpu.memref_slice %arg7[%dma_start3A, %dma_start3A_8] : memref<2x2048xi32, #tpu.memory_space<vmem>> -> memref<1x2048xi32, #tpu.memory_space<vmem>>
    %dma_start3A_10 = tpu.memref_squeeze %dma_start3A_9 : memref<1x2048xi32, #tpu.memory_space<vmem>> -> memref<2048xi32, #tpu.memory_space<vmem>>
    %dma_start3A_11 = arith.constant 0 : i32
    %dma_start3A_12 = tpu.memref_slice %arg4[%dma_start3A_11] : memref<16384xi32, #tpu.memory_space<hbm>> -> memref<2048xi32, #tpu.memory_space<hbm>>
    tpu.enqueue_dma source(%dma_start3A_12 : memref<2048xi32, #tpu.memory_space<hbm>>) target(%dma_start3A_10 : memref<2048xi32, #tpu.memory_space<vmem>>) target_semaphore(%arg13 : memref<!tpu.dma_semaphore, #tpu.memory_space<semaphore_mem>>)
    %dma_start3A_13 = arith.constant 1 : i32
    %dma_start3A_14 = arith.constant 0 : i32
    %dma_start3A_15 = tpu.memref_slice %arg7[%dma_start3A_13, %dma_start3A_14] : memref<2x2048xi32, #tpu.memory_space<vmem>> -> memref<1x2048xi32, #tpu.memory_space<vmem>>
    %dma_start3A_16 = tpu.memref_squeeze %dma_start3A_15 : memref<1x2048xi32, #tpu.memory_space<vmem>> -> memref<2048xi32, #tpu.memory_space<vmem>>
    %dma_start3A_17 = arith.constant 2048 : i32
    %dma_start3A_18 = tpu.memref_slice %arg4[%dma_start3A_17] : memref<16384xi32, #tpu.memory_space<hbm>> -> memref<2048xi32, #tpu.memory_space<hbm>>
    %dma_start3A_19 = arith.constant 0 : i32
    %dma_start3A_20 = tpu.memref_slice %arg7[%dma_start3A_13, %dma_start3A_19] : memref<2x2048xi32, #tpu.memory_space<vmem>> -> memref<1x2048xi32, #tpu.memory_space<vmem>>
    %dma_start3A_21 = tpu.memref_squeeze %dma_start3A_20 : memref<1x2048xi32, #tpu.memory_space<vmem>> -> memref<2048xi32, #tpu.memory_space<vmem>>
    %dma_start3A_22 = arith.constant 2048 : i32
    %dma_start3A_23 = tpu.memref_slice %arg4[%dma_start3A_22] : memref<16384xi32, #tpu.memory_space<hbm>> -> memref<2048xi32, #tpu.memory_space<hbm>>
    tpu.enqueue_dma source(%dma_start3A_23 : memref<2048xi32, #tpu.memory_space<hbm>>) target(%dma_start3A_21 : memref<2048xi32, #tpu.memory_space<vmem>>) target_semaphore(%arg14 : memref<!tpu.dma_semaphore, #tpu.memory_space<semaphore_mem>>)
    %dma_start3A_24 = arith.constant 0 : i32
    %dma_start3A_25 = arith.constant 0 : i32
    %dma_start3A_26 = arith.constant 0 : i32
    %dma_start3A_27 = tpu.memref_slice %arg12[%dma_start3A_24, %dma_start3A_25, %dma_start3A_26] : memref<2x64x128xf32, #tpu.memory_space<vmem>> -> memref<1x64x128xf32, #tpu.memory_space<vmem>>
    %dma_start3A_28 = tpu.memref_squeeze %dma_start3A_27 : memref<1x64x128xf32, #tpu.memory_space<vmem>> -> memref<64x128xf32, #tpu.memory_space<vmem>>
    %dma_start3A_29 = arith.constant 0 : i32
    %dma_start3A_30 = tpu.memref_slice %arg8[%dma_start3A_29] : memref<512xi32, #tpu.memory_space<vmem>> -> memref<64xi32, #tpu.memory_space<vmem>>
    %dma_start3A_31 = arith.constant 0 : i32
    %dma_start3A_32 = arith.constant 0 : i32
    %dma_start3A_33 = tpu.memref_slice %arg2[%dma_start3A_31, %dma_start3A_32] : memref<100000x128xf32, #tpu.memory_space<hbm>> -> memref<100000x128xf32, #tpu.memory_space<hbm>>
    tpu.enqueue_indirect_dma source(%dma_start3A_33 : memref<100000x128xf32, #tpu.memory_space<hbm>>) target(%dma_start3A_28 : memref<64x128xf32, #tpu.memory_space<vmem>>) offsets(%dma_start3A_30 : memref<64xi32, #tpu.memory_space<vmem>>) semaphore(%arg15 : memref<!tpu.dma_semaphore, #tpu.memory_space<semaphore_mem>>)
    %dma_start3A_34 = arith.constant 1 : i32
    %dma_start3A_35 = arith.constant 0 : i32
    %dma_start3A_36 = arith.constant 0 : i32
    %dma_start3A_37 = tpu.memref_slice %arg12[%dma_start3A_34, %dma_start3A_35, %dma_start3A_36] : memref<2x64x128xf32, #tpu.memory_space<vmem>> -> memref<1x64x128xf32, #tpu.memory_space<vmem>>
    %dma_start3A_38 = tpu.memref_squeeze %dma_start3A_37 : memref<1x64x128xf32, #tpu.memory_space<vmem>> -> memref<64x128xf32, #tpu.memory_space<vmem>>
    %dma_start3A_39 = arith.constant 64 : i32
    %dma_start3A_40 = tpu.memref_slice %arg8[%dma_start3A_39] : memref<512xi32, #tpu.memory_space<vmem>> -> memref<64xi32, #tpu.memory_space<vmem>>
    %dma_start3A_41 = arith.constant 0 : i32
    %dma_start3A_42 = arith.constant 0 : i32
    %dma_start3A_43 = tpu.memref_slice %arg2[%dma_start3A_41, %dma_start3A_42] : memref<100000x128xf32, #tpu.memory_space<hbm>> -> memref<100000x128xf32, #tpu.memory_space<hbm>>
    tpu.enqueue_indirect_dma source(%dma_start3A_43 : memref<100000x128xf32, #tpu.memory_space<hbm>>) target(%dma_start3A_38 : memref<64x128xf32, #tpu.memory_space<vmem>>) offsets(%dma_start3A_40 : memref<64xi32, #tpu.memory_space<vmem>>) semaphore(%arg16 : memref<!tpu.dma_semaphore, #tpu.memory_space<semaphore_mem>>)
    %iota3A = tpu.iota {dimensions = array<i32: 0>} : vector<16xi32>
    %broadcast_in_dim3A = arith.constant -1 : i32
    %broadcast_in_dim3A_44 = vector.broadcast %broadcast_in_dim3A : i32 to vector<16xi32>
    %swap3A = arith.constant 2048 : index
    %swap3A_45 = tpu.vector_load %arg10[%swap3A] {strides = array<i32>} : memref<2064xi32, #tpu.memory_space<vmem>>, vector<16xi32>,
    tpu.vector_store %arg10[%swap3A], %broadcast_in_dim3A_44 {strides = array<i32>} : memref<2064xi32, #tpu.memory_space<vmem>>, vector<16xi32>,
    %run_scoped3A = arith.constant 0 : i32
    %run_scoped3A_46 = arith.constant 0 : i32
    %run_scoped3A_47 = arith.constant 1 : i32
    %run_scoped3A_48 = arith.constant 1 : i32
    "tpu.region"() ({
      %run_scoped3A_49 = memref.alloca() : memref<100016xi32, #tpu.memory_space<vmem>>
      %dma_wait3A = arith.constant 0 : i32
      %dma_wait3A_50 = tpu.memref_slice %arg7[%run_scoped3A, %dma_wait3A] : memref<2x2048xi32, #tpu.memory_space<vmem>> -> memref<1x2048xi32, #tpu.memory_space<vmem>>
      %dma_wait3A_51 = tpu.memref_squeeze %dma_wait3A_50 : memref<1x2048xi32, #tpu.memory_space<vmem>> -> memref<2048xi32, #tpu.memory_space<vmem>>
      %dma_wait3A_52 = arith.constant 0 : i32
      %dma_wait3A_53 = tpu.memref_slice %arg4[%dma_wait3A_52] : memref<16384xi32, #tpu.memory_space<hbm>> -> memref<2048xi32, #tpu.memory_space<hbm>>
      %dma_wait3A_54 = arith.constant 0 : i32
      %dma_wait3A_55 = tpu.memref_slice %arg7[%run_scoped3A, %dma_wait3A_54] : memref<2x2048xi32, #tpu.memory_space<vmem>> -> memref<1x2048xi32, #tpu.memory_space<vmem>>
      %dma_wait3A_56 = tpu.memref_squeeze %dma_wait3A_55 : memref<1x2048xi32, #tpu.memory_space<vmem>> -> memref<2048xi32, #tpu.memory_space<vmem>>
      %dma_wait3A_57 = arith.constant 0 : i32
      %dma_wait3A_58 = tpu.memref_slice %arg4[%dma_wait3A_57] : memref<16384xi32, #tpu.memory_space<hbm>> -> memref<2048xi32, #tpu.memory_space<hbm>>
      tpu.wait_dma2 semaphore(%arg13 : memref<!tpu.dma_semaphore, #tpu.memory_space<semaphore_mem>>) src(%dma_wait3A_58 : memref<2048xi32, #tpu.memory_space<hbm>>) dst(%dma_wait3A_56 : memref<2048xi32, #tpu.memory_space<vmem>>)
      %parallel_loop3A = arith.constant 0 : i32
      %parallel_loop3A_59 = arith.constant 128 : i32
      %parallel_loop3A_60 = arith.constant 1 : i32
      scf.for %parallel_loop3A_428 = %parallel_loop3A to %parallel_loop3A_59 step %parallel_loop3A_60  : i32 {
        %parallel_loop3A_429 = arith.constant 16 : i32
        %parallel_loop3A_430 = arith.muli %parallel_loop3A_428, %parallel_loop3A_429 : i32
        %parallel_loop3A_431 = arith.constant 0 : i32
        %parallel_loop3A_432 = arith.index_cast %parallel_loop3A_431 : i32 to index
        %parallel_loop3A_433 = arith.index_cast %parallel_loop3A_430 : i32 to index
        %parallel_loop3A_434 = tpu.vector_load %arg7[%parallel_loop3A_432, %parallel_loop3A_433] {strides = array<i32>} : memref<2x2048xi32, #tpu.memory_space<vmem>>, vector<16xi32>,
        %parallel_loop3A_435 = arith.constant 16 : i32
        %parallel_loop3A_436 = vector.broadcast %parallel_loop3A_435 : i32 to vector<16xi32>
        %parallel_loop3A_437 = arith.muli %parallel_loop3A_434, %parallel_loop3A_436 : vector<16xi32>
        %parallel_loop3A_438 = arith.addi %parallel_loop3A_437, %iota3A : vector<16xi32>
        %parallel_loop3A_439 = arith.constant dense<true> : vector<16xi1>
        %parallel_loop3A_440, %parallel_loop3A_441, %parallel_loop3A_442 = tpu.sort %parallel_loop3A_438, %parallel_loop3A_438 masked %parallel_loop3A_439 : (vector<16xi32>, vector<16xi32>, vector<16xi1>) -> (vector<16xi1>, vector<16xi32>, vector<16xi32>)
        %parallel_loop3A_443 = arith.constant 4 : i32
        %parallel_loop3A_444 = vector.broadcast %parallel_loop3A_443 : i32 to vector<16xi32>
        %parallel_loop3A_445 = arith.shrui %parallel_loop3A_441, %parallel_loop3A_444 : vector<16xi32>
        %parallel_loop3A_446 = arith.constant 16 : i32
        %parallel_loop3A_447 = arith.muli %parallel_loop3A_428, %parallel_loop3A_446 : i32
        %parallel_loop3A_448 = arith.index_cast %parallel_loop3A_447 : i32 to index
        %parallel_loop3A_449 = tpu.vector_load %arg10[%parallel_loop3A_448] {strides = array<i32>} : memref<2064xi32, #tpu.memory_space<vmem>>, vector<16xi32>,
        tpu.vector_store %arg10[%parallel_loop3A_448], %parallel_loop3A_445 {strides = array<i32>} : memref<2064xi32, #tpu.memory_space<vmem>>, vector<16xi32>,
        %parallel_loop3A_450 = arith.constant 16 : i32
        %parallel_loop3A_451 = arith.muli %parallel_loop3A_428, %parallel_loop3A_450 : i32
        %parallel_loop3A_452 = arith.constant 0 : i32
        %parallel_loop3A_453 = arith.addi %parallel_loop3A_452, %parallel_loop3A_451 : i32
        %parallel_loop3A_454 = arith.constant 15 : i32
        %parallel_loop3A_455 = vector.broadcast %parallel_loop3A_454 : i32 to vector<16xi32>
        %parallel_loop3A_456 = arith.andi %parallel_loop3A_441, %parallel_loop3A_455 : vector<16xi32>
        %parallel_loop3A_457 = vector.broadcast %parallel_loop3A_453 : i32 to vector<16xi32>
        %parallel_loop3A_458 = arith.addi %parallel_loop3A_457, %parallel_loop3A_456 : vector<16xi32>
        %parallel_loop3A_459 = arith.constant 16 : i32
        %parallel_loop3A_460 = arith.muli %parallel_loop3A_428, %parallel_loop3A_459 : i32
        %parallel_loop3A_461 = arith.index_cast %parallel_loop3A_460 : i32 to index
        %parallel_loop3A_462 = tpu.vector_load %arg11[%parallel_loop3A_461] {strides = array<i32>} : memref<2048xi32, #tpu.memory_space<vmem>>, vector<16xi32>,
        tpu.vector_store %arg11[%parallel_loop3A_461], %parallel_loop3A_458 {strides = array<i32>} : memref<2048xi32, #tpu.memory_space<vmem>>, vector<16xi32>,
      } {sc.loop_unroll_factor = 4 : i64, sc.parallel_access}
      %scan3A = arith.constant 0 : i32
      %scan3A_61 = arith.constant 0 : i32
      %scan3A_62 = arith.constant 64 : i32
      %scan3A_63 = arith.addi %scan3A_61, %scan3A_62 : i32
      %scan3A_64 = arith.constant 1 : i32
      %scan3A_65 = scf.for %scan3A_428 = %scan3A_61 to %scan3A_63 step %scan3A_64 iter_args(%scan3A_429 = %scan3A) -> (i32)  : i32 {
        %mul3A_430 = arith.constant 2 : i32
        %mul3A_431 = arith.muli %scan3A_428, %mul3A_430 : i32
        %add3A_432 = arith.constant 0 : i32
        %add3A_433 = arith.addi %mul3A_431, %add3A_432 : i32
        %mul3A_434 = arith.constant 16 : i32
        %mul3A_435 = arith.muli %add3A_433, %mul3A_434 : i32
        %get3A = arith.index_cast %mul3A_435 : i32 to index
        %get3A_436 = tpu.vector_load %arg10[%get3A] {strides = array<i32>} : memref<2064xi32, #tpu.memory_space<vmem>>, vector<16xi32>,
        %mul3A_437 = arith.constant 16 : i32
        %mul3A_438 = arith.muli %add3A_433, %mul3A_437 : i32
        %add3A_439 = arith.constant 1 : i32
        %add3A_440 = arith.addi %mul3A_438, %add3A_439 : i32
        %get3A_441 = arith.index_cast %add3A_440 : i32 to index
        %get3A_442 = tpu.vector_load %arg10[%get3A_441] {strides = array<i32>} : memref<2064xi32, #tpu.memory_space<vmem>>, vector<16xi32>,
        %mul3A_443 = arith.constant 16 : i32
        %mul3A_444 = arith.muli %add3A_433, %mul3A_443 : i32
        %get3A_445 = arith.index_cast %mul3A_444 : i32 to index
        %get3A_446 = tpu.vector_load %arg11[%get3A_445] {strides = array<i32>} : memref<2048xi32, #tpu.memory_space<vmem>>, vector<16xi32>,
        %ne3A = arith.cmpi ne, %get3A_436, %get3A_442 : vector<16xi32>
        %jit3A = arith.constant 100000 : i32
        %broadcast_in_dim3A_447 = vector.broadcast %jit3A : i32 to vector<16xi32>
        %select_n3A = arith.select %ne3A, %get3A_436, %broadcast_in_dim3A_447 : vector<16xi1>, vector<16xi32>
        tpu.vector_store_idx %run_scoped3A_49[%select_n3A], %get3A_446 : memref<100016xi32, #tpu.memory_space<vmem>>[vector<16xi32>], vector<16xi32>,
        %mul3A_448 = arith.constant 2 : i32
        %mul3A_449 = arith.muli %scan3A_428, %mul3A_448 : i32
        %add3A_450 = arith.constant 1 : i32
        %add3A_451 = arith.addi %mul3A_449, %add3A_450 : i32
        %mul3A_452 = arith.constant 16 : i32
        %mul3A_453 = arith.muli %add3A_451, %mul3A_452 : i32
        %get3A_454 = arith.index_cast %mul3A_453 : i32 to index
        %get3A_455 = tpu.vector_load %arg10[%get3A_454] {strides = array<i32>} : memref<2064xi32, #tpu.memory_space<vmem>>, vector<16xi32>,
        %mul3A_456 = arith.constant 16 : i32
        %mul3A_457 = arith.muli %add3A_451, %mul3A_456 : i32
        %add3A_458 = arith.constant 1 : i32
        %add3A_459 = arith.addi %mul3A_457, %add3A_458 : i32
        %get3A_460 = arith.index_cast %add3A_459 : i32 to index
        %get3A_461 = tpu.vector_load %arg10[%get3A_460] {strides = array<i32>} : memref<2064xi32, #tpu.memory_space<vmem>>, vector<16xi32>,
        %mul3A_462 = arith.constant 16 : i32
        %mul3A_463 = arith.muli %add3A_451, %mul3A_462 : i32
        %get3A_464 = arith.index_cast %mul3A_463 : i32 to index
        %get3A_465 = tpu.vector_load %arg11[%get3A_464] {strides = array<i32>} : memref<2048xi32, #tpu.memory_space<vmem>>, vector<16xi32>,
        %ne3A_466 = arith.cmpi ne, %get3A_455, %get3A_461 : vector<16xi32>
        %jit3A_467 = arith.constant 100000 : i32
        %broadcast_in_dim3A_468 = vector.broadcast %jit3A_467 : i32 to vector<16xi32>
        %select_n3A_469 = arith.select %ne3A_466, %get3A_455, %broadcast_in_dim3A_468 : vector<16xi1>, vector<16xi32>
        tpu.vector_store_idx %run_scoped3A_49[%select_n3A_469], %get3A_465 : memref<100016xi32, #tpu.memory_space<vmem>>[vector<16xi32>], vector<16xi32>,
        %scan3A_470 = arith.constant 0 : i32
        scf.yield %scan3A_470 : i32
      }
      %scan3A_66 = arith.constant 64 : i32
      %dma_start3A_67 = arith.constant 0 : i32
      %dma_start3A_68 = arith.constant 0 : i32
      %dma_start3A_69 = tpu.memref_slice %arg7[%dma_start3A_67, %dma_start3A_68] : memref<2x2048xi32, #tpu.memory_space<vmem>> -> memref<1x2048xi32, #tpu.memory_space<vmem>>
      %dma_start3A_70 = tpu.memref_squeeze %dma_start3A_69 : memref<1x2048xi32, #tpu.memory_space<vmem>> -> memref<2048xi32, #tpu.memory_space<vmem>>
      %dma_start3A_71 = arith.constant 4096 : i32
      %dma_start3A_72 = tpu.memref_slice %arg4[%dma_start3A_71] : memref<16384xi32, #tpu.memory_space<hbm>> -> memref<2048xi32, #tpu.memory_space<hbm>>
      %dma_start3A_73 = arith.constant 0 : i32
      %dma_start3A_74 = tpu.memref_slice %arg7[%dma_start3A_67, %dma_start3A_73] : memref<2x2048xi32, #tpu.memory_space<vmem>> -> memref<1x2048xi32, #tpu.memory_space<vmem>>
      %dma_start3A_75 = tpu.memref_squeeze %dma_start3A_74 : memref<1x2048xi32, #tpu.memory_space<vmem>> -> memref<2048xi32, #tpu.memory_space<vmem>>
      %dma_start3A_76 = arith.constant 4096 : i32
      %dma_start3A_77 = tpu.memref_slice %arg4[%dma_start3A_76] : memref<16384xi32, #tpu.memory_space<hbm>> -> memref<2048xi32, #tpu.memory_space<hbm>>
      tpu.enqueue_dma source(%dma_start3A_77 : memref<2048xi32, #tpu.memory_space<hbm>>) target(%dma_start3A_75 : memref<2048xi32, #tpu.memory_space<vmem>>) target_semaphore(%arg13 : memref<!tpu.dma_semaphore, #tpu.memory_space<semaphore_mem>>)
      %dma_wait3A_78 = arith.constant 0 : i32
      %dma_wait3A_79 = arith.constant 0 : i32
      %dma_wait3A_80 = tpu.memref_slice %arg12[%run_scoped3A_46, %dma_wait3A_78, %dma_wait3A_79] : memref<2x64x128xf32, #tpu.memory_space<vmem>> -> memref<1x64x128xf32, #tpu.memory_space<vmem>>
      %dma_wait3A_81 = tpu.memref_squeeze %dma_wait3A_80 : memref<1x64x128xf32, #tpu.memory_space<vmem>> -> memref<64x128xf32, #tpu.memory_space<vmem>>
      %dma_wait3A_82 = arith.constant 0 : i32
      %dma_wait3A_83 = tpu.memref_slice %arg8[%dma_wait3A_82] : memref<512xi32, #tpu.memory_space<vmem>> -> memref<64xi32, #tpu.memory_space<vmem>>
      %dma_wait3A_84 = arith.constant 0 : i32
      %dma_wait3A_85 = arith.constant 0 : i32
      %dma_wait3A_86 = tpu.memref_slice %arg2[%dma_wait3A_84, %dma_wait3A_85] : memref<100000x128xf32, #tpu.memory_space<hbm>> -> memref<100000x128xf32, #tpu.memory_space<hbm>>
      tpu.wait_indirect_dma semaphore(%arg15 : memref<!tpu.dma_semaphore, #tpu.memory_space<semaphore_mem>>) src(%dma_wait3A_86 : memref<100000x128xf32, #tpu.memory_space<hbm>>) dst(%dma_wait3A_81 : memref<64x128xf32, #tpu.memory_space<vmem>>)
      %run_scoped3A_87 = arith.constant 0 : i32
      "tpu.region"() ({
        %run_scoped3A_428 = tpu.sem_alloc : memref<!tpu.dma_semaphore, #tpu.memory_space<semaphore_mem>>
        %dma_start3A_429 = arith.constant 0 : i32
        %dma_start3A_430 = arith.constant 0 : i32
        %dma_start3A_431 = tpu.memref_slice %arg12[%run_scoped3A_87, %dma_start3A_429, %dma_start3A_430] : memref<2x64x128xf32, #tpu.memory_space<vmem>> -> memref<1x64x128xf32, #tpu.memory_space<vmem>>
        %dma_start3A_432 = tpu.memref_squeeze %dma_start3A_431 : memref<1x64x128xf32, #tpu.memory_space<vmem>> -> memref<64x128xf32, #tpu.memory_space<vmem>>
        %dma_start3A_433 = arith.constant 0 : i32
        %dma_start3A_434 = arith.constant 0 : i32
        %dma_start3A_435 = tpu.memref_slice %arg5[%add3A, %dma_start3A_433, %dma_start3A_434] : memref<32x512x128xf32, #tpu.memory_space<hbm>> -> memref<1x64x128xf32, #tpu.memory_space<hbm>>
        %dma_start3A_436 = tpu.memref_squeeze %dma_start3A_435 : memref<1x64x128xf32, #tpu.memory_space<hbm>> -> memref<64x128xf32, #tpu.memory_space<hbm>>
        %dma_start3A_437 = arith.constant 0 : i32
        %dma_start3A_438 = arith.constant 0 : i32
        %dma_start3A_439 = tpu.memref_slice %arg5[%add3A, %dma_start3A_437, %dma_start3A_438] : memref<32x512x128xf32, #tpu.memory_space<hbm>> -> memref<1x64x128xf32, #tpu.memory_space<hbm>>
        %dma_start3A_440 = tpu.memref_squeeze %dma_start3A_439 : memref<1x64x128xf32, #tpu.memory_space<hbm>> -> memref<64x128xf32, #tpu.memory_space<hbm>>
        %dma_start3A_441 = arith.constant 0 : i32
        %dma_start3A_442 = arith.constant 0 : i32
        %dma_start3A_443 = tpu.memref_slice %arg12[%run_scoped3A_87, %dma_start3A_441, %dma_start3A_442] : memref<2x64x128xf32, #tpu.memory_space<vmem>> -> memref<1x64x128xf32, #tpu.memory_space<vmem>>
        %dma_start3A_444 = tpu.memref_squeeze %dma_start3A_443 : memref<1x64x128xf32, #tpu.memory_space<vmem>> -> memref<64x128xf32, #tpu.memory_space<vmem>>
        tpu.enqueue_dma source(%dma_start3A_444 : memref<64x128xf32, #tpu.memory_space<vmem>>) target(%dma_start3A_440 : memref<64x128xf32, #tpu.memory_space<hbm>>) target_semaphore(%run_scoped3A_428 : memref<!tpu.dma_semaphore, #tpu.memory_space<semaphore_mem>>)
        %dma_wait3A_445 = arith.constant 0 : i32
        %dma_wait3A_446 = arith.constant 0 : i32
        %dma_wait3A_447 = tpu.memref_slice %arg12[%run_scoped3A_87, %dma_wait3A_445, %dma_wait3A_446] : memref<2x64x128xf32, #tpu.memory_space<vmem>> -> memref<1x64x128xf32, #tpu.memory_space<vmem>>
        %dma_wait3A_448 = tpu.memref_squeeze %dma_wait3A_447 : memref<1x64x128xf32, #tpu.memory_space<vmem>> -> memref<64x128xf32, #tpu.memory_space<vmem>>
        %dma_wait3A_449 = arith.constant 0 : i32
        %dma_wait3A_450 = arith.constant 0 : i32
        %dma_wait3A_451 = tpu.memref_slice %arg5[%add3A, %dma_wait3A_449, %dma_wait3A_450] : memref<32x512x128xf32, #tpu.memory_space<hbm>> -> memref<1x64x128xf32, #tpu.memory_space<hbm>>
        %dma_wait3A_452 = tpu.memref_squeeze %dma_wait3A_451 : memref<1x64x128xf32, #tpu.memory_space<hbm>> -> memref<64x128xf32, #tpu.memory_space<hbm>>
        %dma_wait3A_453 = arith.constant 0 : i32
        %dma_wait3A_454 = arith.constant 0 : i32
        %dma_wait3A_455 = tpu.memref_slice %arg5[%add3A, %dma_wait3A_453, %dma_wait3A_454] : memref<32x512x128xf32, #tpu.memory_space<hbm>> -> memref<1x64x128xf32, #tpu.memory_space<hbm>>
        %dma_wait3A_456 = tpu.memref_squeeze %dma_wait3A_455 : memref<1x64x128xf32, #tpu.memory_space<hbm>> -> memref<64x128xf32, #tpu.memory_space<hbm>>
        %dma_wait3A_457 = arith.constant 0 : i32
        %dma_wait3A_458 = arith.constant 0 : i32
        %dma_wait3A_459 = tpu.memref_slice %arg12[%run_scoped3A_87, %dma_wait3A_457, %dma_wait3A_458] : memref<2x64x128xf32, #tpu.memory_space<vmem>> -> memref<1x64x128xf32, #tpu.memory_space<vmem>>
        %dma_wait3A_460 = tpu.memref_squeeze %dma_wait3A_459 : memref<1x64x128xf32, #tpu.memory_space<vmem>> -> memref<64x128xf32, #tpu.memory_space<vmem>>
        tpu.wait_dma2 semaphore(%run_scoped3A_428 : memref<!tpu.dma_semaphore, #tpu.memory_space<semaphore_mem>>) src(%dma_wait3A_460 : memref<64x128xf32, #tpu.memory_space<vmem>>) dst(%dma_wait3A_456 : memref<64x128xf32, #tpu.memory_space<hbm>>)
        tpu.yield
      }) : () -> ()
      %dma_start3A_88 = arith.constant 0 : i32
      %dma_start3A_89 = arith.constant 0 : i32
      %dma_start3A_90 = arith.constant 0 : i32
      %dma_start3A_91 = tpu.memref_slice %arg12[%dma_start3A_88, %dma_start3A_89, %dma_start3A_90] : memref<2x64x128xf32, #tpu.memory_space<vmem>> -> memref<1x64x128xf32, #tpu.memory_space<vmem>>
      %dma_start3A_92 = tpu.memref_squeeze %dma_start3A_91 : memref<1x64x128xf32, #tpu.memory_space<vmem>> -> memref<64x128xf32, #tpu.memory_space<vmem>>
      %dma_start3A_93 = arith.constant 128 : i32
      %dma_start3A_94 = tpu.memref_slice %arg8[%dma_start3A_93] : memref<512xi32, #tpu.memory_space<vmem>> -> memref<64xi32, #tpu.memory_space<vmem>>
      %dma_start3A_95 = arith.constant 0 : i32
      %dma_start3A_96 = arith.constant 0 : i32
      %dma_start3A_97 = tpu.memref_slice %arg2[%dma_start3A_95, %dma_start3A_96] : memref<100000x128xf32, #tpu.memory_space<hbm>> -> memref<100000x128xf32, #tpu.memory_space<hbm>>
      tpu.enqueue_indirect_dma source(%dma_start3A_97 : memref<100000x128xf32, #tpu.memory_space<hbm>>) target(%dma_start3A_92 : memref<64x128xf32, #tpu.memory_space<vmem>>) offsets(%dma_start3A_94 : memref<64xi32, #tpu.memory_space<vmem>>) semaphore(%arg15 : memref<!tpu.dma_semaphore, #tpu.memory_space<semaphore_mem>>)
      %dma_wait3A_98 = arith.constant 0 : i32
      %dma_wait3A_99 = tpu.memref_slice %arg7[%run_scoped3A_47, %dma_wait3A_98] : memref<2x2048xi32, #tpu.memory_space<vmem>> -> memref<1x2048xi32, #tpu.memory_space<vmem>>
      %dma_wait3A_100 = tpu.memref_squeeze %dma_wait3A_99 : memref<1x2048xi32, #tpu.memory_space<vmem>> -> memref<2048xi32, #tpu.memory_space<vmem>>
      %dma_wait3A_101 = arith.constant 2048 : i32
      %dma_wait3A_102 = tpu.memref_slice %arg4[%dma_wait3A_101] : memref<16384xi32, #tpu.memory_space<hbm>> -> memref<2048xi32, #tpu.memory_space<hbm>>
      %dma_wait3A_103 = arith.constant 0 : i32
      %dma_wait3A_104 = tpu.memref_slice %arg7[%run_scoped3A_47, %dma_wait3A_103] : memref<2x2048xi32, #tpu.memory_space<vmem>> -> memref<1x2048xi32, #tpu.memory_space<vmem>>
      %dma_wait3A_105 = tpu.memref_squeeze %dma_wait3A_104 : memref<1x2048xi32, #tpu.memory_space<vmem>> -> memref<2048xi32, #tpu.memory_space<vmem>>
      %dma_wait3A_106 = arith.constant 2048 : i32
      %dma_wait3A_107 = tpu.memref_slice %arg4[%dma_wait3A_106] : memref<16384xi32, #tpu.memory_space<hbm>> -> memref<2048xi32, #tpu.memory_space<hbm>>
      tpu.wait_dma2 semaphore(%arg14 : memref<!tpu.dma_semaphore, #tpu.memory_space<semaphore_mem>>) src(%dma_wait3A_107 : memref<2048xi32, #tpu.memory_space<hbm>>) dst(%dma_wait3A_105 : memref<2048xi32, #tpu.memory_space<vmem>>)
      %parallel_loop3A_108 = arith.constant 0 : i32
      %parallel_loop3A_109 = arith.constant 128 : i32
      %parallel_loop3A_110 = arith.constant 1 : i32
      scf.for %parallel_loop3A_428 = %parallel_loop3A_108 to %parallel_loop3A_109 step %parallel_loop3A_110  : i32 {
        %parallel_loop3A_429 = arith.constant 16 : i32
        %parallel_loop3A_430 = arith.muli %parallel_loop3A_428, %parallel_loop3A_429 : i32
        %parallel_loop3A_431 = arith.constant 1 : i32
        %parallel_loop3A_432 = arith.index_cast %parallel_loop3A_431 : i32 to index
        %parallel_loop3A_433 = arith.index_cast %parallel_loop3A_430 : i32 to index
        %parallel_loop3A_434 = tpu.vector_load %arg7[%parallel_loop3A_432, %parallel_loop3A_433] {strides = array<i32>} : memref<2x2048xi32, #tpu.memory_space<vmem>>, vector<16xi32>,
        %parallel_loop3A_435 = arith.constant 16 : i32
        %parallel_loop3A_436 = vector.broadcast %parallel_loop3A_435 : i32 to vector<16xi32>
        %parallel_loop3A_437 = arith.muli %parallel_loop3A_434, %parallel_loop3A_436 : vector<16xi32>
        %parallel_loop3A_438 = arith.addi %parallel_loop3A_437, %iota3A : vector<16xi32>
        %parallel_loop3A_439 = arith.constant dense<true> : vector<16xi1>
        %parallel_loop3A_440, %parallel_loop3A_441, %parallel_loop3A_442 = tpu.sort %parallel_loop3A_438, %parallel_loop3A_438 masked %parallel_loop3A_439 : (vector<16xi32>, vector<16xi32>, vector<16xi1>) -> (vector<16xi1>, vector<16xi32>, vector<16xi32>)
        %parallel_loop3A_443 = arith.constant 4 : i32
        %parallel_loop3A_444 = vector.broadcast %parallel_loop3A_443 : i32 to vector<16xi32>
        %parallel_loop3A_445 = arith.shrui %parallel_loop3A_441, %parallel_loop3A_444 : vector<16xi32>
        %parallel_loop3A_446 = arith.constant 16 : i32
        %parallel_loop3A_447 = arith.muli %parallel_loop3A_428, %parallel_loop3A_446 : i32
        %parallel_loop3A_448 = arith.index_cast %parallel_loop3A_447 : i32 to index
        %parallel_loop3A_449 = tpu.vector_load %arg10[%parallel_loop3A_448] {strides = array<i32>} : memref<2064xi32, #tpu.memory_space<vmem>>, vector<16xi32>,
        tpu.vector_store %arg10[%parallel_loop3A_448], %parallel_loop3A_445 {strides = array<i32>} : memref<2064xi32, #tpu.memory_space<vmem>>, vector<16xi32>,
        %parallel_loop3A_450 = arith.constant 16 : i32
        %parallel_loop3A_451 = arith.muli %parallel_loop3A_428, %parallel_loop3A_450 : i32
        %parallel_loop3A_452 = arith.constant 2048 : i32
        %parallel_loop3A_453 = arith.addi %parallel_loop3A_452, %parallel_loop3A_451 : i32
        %parallel_loop3A_454 = arith.constant 15 : i32
        %parallel_loop3A_455 = vector.broadcast %parallel_loop3A_454 : i32 to vector<16xi32>
        %parallel_loop3A_456 = arith.andi %parallel_loop3A_441, %parallel_loop3A_455 : vector<16xi32>
        %parallel_loop3A_457 = vector.broadcast %parallel_loop3A_453 : i32 to vector<16xi32>
        %parallel_loop3A_458 = arith.addi %parallel_loop3A_457, %parallel_loop3A_456 : vector<16xi32>
        %parallel_loop3A_459 = arith.constant 16 : i32
        %parallel_loop3A_460 = arith.muli %parallel_loop3A_428, %parallel_loop3A_459 : i32
        %parallel_loop3A_461 = arith.index_cast %parallel_loop3A_460 : i32 to index
        %parallel_loop3A_462 = tpu.vector_load %arg11[%parallel_loop3A_461] {strides = array<i32>} : memref<2048xi32, #tpu.memory_space<vmem>>, vector<16xi32>,
        tpu.vector_store %arg11[%parallel_loop3A_461], %parallel_loop3A_458 {strides = array<i32>} : memref<2048xi32, #tpu.memory_space<vmem>>, vector<16xi32>,
      } {sc.loop_unroll_factor = 4 : i64, sc.parallel_access}
      %scan3A_111 = arith.constant 0 : i32
      %scan3A_112 = arith.constant 0 : i32
      %scan3A_113 = arith.constant 64 : i32
      %scan3A_114 = arith.addi %scan3A_112, %scan3A_113 : i32
      %scan3A_115 = arith.constant 1 : i32
      %scan3A_116 = scf.for %scan3A_428 = %scan3A_112 to %scan3A_114 step %scan3A_115 iter_args(%scan3A_429 = %scan3A_111) -> (i32)  : i32 {
        %mul3A_430 = arith.constant 2 : i32
        %mul3A_431 = arith.muli %scan3A_428, %mul3A_430 : i32
        %add3A_432 = arith.constant 0 : i32
        %add3A_433 = arith.addi %mul3A_431, %add3A_432 : i32
        %mul3A_434 = arith.constant 16 : i32
        %mul3A_435 = arith.muli %add3A_433, %mul3A_434 : i32
        %get3A = arith.index_cast %mul3A_435 : i32 to index
        %get3A_436 = tpu.vector_load %arg10[%get3A] {strides = array<i32>} : memref<2064xi32, #tpu.memory_space<vmem>>, vector<16xi32>,
        %mul3A_437 = arith.constant 16 : i32
        %mul3A_438 = arith.muli %add3A_433, %mul3A_437 : i32
        %add3A_439 = arith.constant 1 : i32
        %add3A_440 = arith.addi %mul3A_438, %add3A_439 : i32
        %get3A_441 = arith.index_cast %add3A_440 : i32 to index
        %get3A_442 = tpu.vector_load %arg10[%get3A_441] {strides = array<i32>} : memref<2064xi32, #tpu.memory_space<vmem>>, vector<16xi32>,
        %mul3A_443 = arith.constant 16 : i32
        %mul3A_444 = arith.muli %add3A_433, %mul3A_443 : i32
        %get3A_445 = arith.index_cast %mul3A_444 : i32 to index
        %get3A_446 = tpu.vector_load %arg11[%get3A_445] {strides = array<i32>} : memref<2048xi32, #tpu.memory_space<vmem>>, vector<16xi32>,
        %ne3A = arith.cmpi ne, %get3A_436, %get3A_442 : vector<16xi32>
        %jit3A = arith.constant 100000 : i32
        %broadcast_in_dim3A_447 = vector.broadcast %jit3A : i32 to vector<16xi32>
        %select_n3A = arith.select %ne3A, %get3A_436, %broadcast_in_dim3A_447 : vector<16xi1>, vector<16xi32>
        tpu.vector_store_idx %run_scoped3A_49[%select_n3A], %get3A_446 : memref<100016xi32, #tpu.memory_space<vmem>>[vector<16xi32>], vector<16xi32>,
        %mul3A_448 = arith.constant 2 : i32
        %mul3A_449 = arith.muli %scan3A_428, %mul3A_448 : i32
        %add3A_450 = arith.constant 1 : i32
        %add3A_451 = arith.addi %mul3A_449, %add3A_450 : i32
        %mul3A_452 = arith.constant 16 : i32
        %mul3A_453 = arith.muli %add3A_451, %mul3A_452 : i32
        %get3A_454 = arith.index_cast %mul3A_453 : i32 to index
        %get3A_455 = tpu.vector_load %arg10[%get3A_454] {strides = array<i32>} : memref<2064xi32, #tpu.memory_space<vmem>>, vector<16xi32>,
        %mul3A_456 = arith.constant 16 : i32
        %mul3A_457 = arith.muli %add3A_451, %mul3A_456 : i32
        %add3A_458 = arith.constant 1 : i32
        %add3A_459 = arith.addi %mul3A_457, %add3A_458 : i32
        %get3A_460 = arith.index_cast %add3A_459 : i32 to index
        %get3A_461 = tpu.vector_load %arg10[%get3A_460] {strides = array<i32>} : memref<2064xi32, #tpu.memory_space<vmem>>, vector<16xi32>,
        %mul3A_462 = arith.constant 16 : i32
        %mul3A_463 = arith.muli %add3A_451, %mul3A_462 : i32
        %get3A_464 = arith.index_cast %mul3A_463 : i32 to index
        %get3A_465 = tpu.vector_load %arg11[%get3A_464] {strides = array<i32>} : memref<2048xi32, #tpu.memory_space<vmem>>, vector<16xi32>,
        %ne3A_466 = arith.cmpi ne, %get3A_455, %get3A_461 : vector<16xi32>
        %jit3A_467 = arith.constant 100000 : i32
        %broadcast_in_dim3A_468 = vector.broadcast %jit3A_467 : i32 to vector<16xi32>
        %select_n3A_469 = arith.select %ne3A_466, %get3A_455, %broadcast_in_dim3A_468 : vector<16xi1>, vector<16xi32>
        tpu.vector_store_idx %run_scoped3A_49[%select_n3A_469], %get3A_465 : memref<100016xi32, #tpu.memory_space<vmem>>[vector<16xi32>], vector<16xi32>,
        %scan3A_470 = arith.constant 0 : i32
        scf.yield %scan3A_470 : i32
      }
      %scan3A_117 = arith.constant 64 : i32
      %dma_start3A_118 = arith.constant 1 : i32
      %dma_start3A_119 = arith.constant 0 : i32
      %dma_start3A_120 = tpu.memref_slice %arg7[%dma_start3A_118, %dma_start3A_119] : memref<2x2048xi32, #tpu.memory_space<vmem>> -> memref<1x2048xi32, #tpu.memory_space<vmem>>
      %dma_start3A_121 = tpu.memref_squeeze %dma_start3A_120 : memref<1x2048xi32, #tpu.memory_space<vmem>> -> memref<2048xi32, #tpu.memory_space<vmem>>
      %dma_start3A_122 = arith.constant 6144 : i32
      %dma_start3A_123 = tpu.memref_slice %arg4[%dma_start3A_122] : memref<16384xi32, #tpu.memory_space<hbm>> -> memref<2048xi32, #tpu.memory_space<hbm>>
      %dma_start3A_124 = arith.constant 0 : i32
      %dma_start3A_125 = tpu.memref_slice %arg7[%dma_start3A_118, %dma_start3A_124] : memref<2x2048xi32, #tpu.memory_space<vmem>> -> memref<1x2048xi32, #tpu.memory_space<vmem>>
      %dma_start3A_126 = tpu.memref_squeeze %dma_start3A_125 : memref<1x2048xi32, #tpu.memory_space<vmem>> -> memref<2048xi32, #tpu.memory_space<vmem>>
      %dma_start3A_127 = arith.constant 6144 : i32
      %dma_start3A_128 = tpu.memref_slice %arg4[%dma_start3A_127] : memref<16384xi32, #tpu.memory_space<hbm>> -> memref<2048xi32, #tpu.memory_space<hbm>>
      tpu.enqueue_dma source(%dma_start3A_128 : memref<2048xi32, #tpu.memory_space<hbm>>) target(%dma_start3A_126 : memref<2048xi32, #tpu.memory_space<vmem>>) target_semaphore(%arg14 : memref<!tpu.dma_semaphore, #tpu.memory_space<semaphore_mem>>)
      %dma_wait3A_129 = arith.constant 0 : i32
      %dma_wait3A_130 = arith.constant 0 : i32
      %dma_wait3A_131 = tpu.memref_slice %arg12[%run_scoped3A_48, %dma_wait3A_129, %dma_wait3A_130] : memref<2x64x128xf32, #tpu.memory_space<vmem>> -> memref<1x64x128xf32, #tpu.memory_space<vmem>>
      %dma_wait3A_132 = tpu.memref_squeeze %dma_wait3A_131 : memref<1x64x128xf32, #tpu.memory_space<vmem>> -> memref<64x128xf32, #tpu.memory_space<vmem>>
      %dma_wait3A_133 = arith.constant 64 : i32
      %dma_wait3A_134 = tpu.memref_slice %arg8[%dma_wait3A_133] : memref<512xi32, #tpu.memory_space<vmem>> -> memref<64xi32, #tpu.memory_space<vmem>>
      %dma_wait3A_135 = arith.constant 0 : i32
      %dma_wait3A_136 = arith.constant 0 : i32
      %dma_wait3A_137 = tpu.memref_slice %arg2[%dma_wait3A_135, %dma_wait3A_136] : memref<100000x128xf32, #tpu.memory_space<hbm>> -> memref<100000x128xf32, #tpu.memory_space<hbm>>
      tpu.wait_indirect_dma semaphore(%arg16 : memref<!tpu.dma_semaphore, #tpu.memory_space<semaphore_mem>>) src(%dma_wait3A_137 : memref<100000x128xf32, #tpu.memory_space<hbm>>) dst(%dma_wait3A_132 : memref<64x128xf32, #tpu.memory_space<vmem>>)
      %run_scoped3A_138 = arith.constant 1 : i32
      "tpu.region"() ({
        %run_scoped3A_428 = tpu.sem_alloc : memref<!tpu.dma_semaphore, #tpu.memory_space<semaphore_mem>>
        %dma_start3A_429 = arith.constant 0 : i32
        %dma_start3A_430 = arith.constant 0 : i32
        %dma_start3A_431 = tpu.memref_slice %arg12[%run_scoped3A_138, %dma_start3A_429, %dma_start3A_430] : memref<2x64x128xf32, #tpu.memory_space<vmem>> -> memref<1x64x128xf32, #tpu.memory_space<vmem>>
        %dma_start3A_432 = tpu.memref_squeeze %dma_start3A_431 : memref<1x64x128xf32, #tpu.memory_space<vmem>> -> memref<64x128xf32, #tpu.memory_space<vmem>>
        %dma_start3A_433 = arith.constant 64 : i32
        %dma_start3A_434 = arith.constant 0 : i32
        %dma_start3A_435 = tpu.memref_slice %arg5[%add3A, %dma_start3A_433, %dma_start3A_434] : memref<32x512x128xf32, #tpu.memory_space<hbm>> -> memref<1x64x128xf32, #tpu.memory_space<hbm>>
        %dma_start3A_436 = tpu.memref_squeeze %dma_start3A_435 : memref<1x64x128xf32, #tpu.memory_space<hbm>> -> memref<64x128xf32, #tpu.memory_space<hbm>>
        %dma_start3A_437 = arith.constant 64 : i32
        %dma_start3A_438 = arith.constant 0 : i32
        %dma_start3A_439 = tpu.memref_slice %arg5[%add3A, %dma_start3A_437, %dma_start3A_438] : memref<32x512x128xf32, #tpu.memory_space<hbm>> -> memref<1x64x128xf32, #tpu.memory_space<hbm>>
        %dma_start3A_440 = tpu.memref_squeeze %dma_start3A_439 : memref<1x64x128xf32, #tpu.memory_space<hbm>> -> memref<64x128xf32, #tpu.memory_space<hbm>>
        %dma_start3A_441 = arith.constant 0 : i32
        %dma_start3A_442 = arith.constant 0 : i32
        %dma_start3A_443 = tpu.memref_slice %arg12[%run_scoped3A_138, %dma_start3A_441, %dma_start3A_442] : memref<2x64x128xf32, #tpu.memory_space<vmem>> -> memref<1x64x128xf32, #tpu.memory_space<vmem>>
        %dma_start3A_444 = tpu.memref_squeeze %dma_start3A_443 : memref<1x64x128xf32, #tpu.memory_space<vmem>> -> memref<64x128xf32, #tpu.memory_space<vmem>>
        tpu.enqueue_dma source(%dma_start3A_444 : memref<64x128xf32, #tpu.memory_space<vmem>>) target(%dma_start3A_440 : memref<64x128xf32, #tpu.memory_space<hbm>>) target_semaphore(%run_scoped3A_428 : memref<!tpu.dma_semaphore, #tpu.memory_space<semaphore_mem>>)
        %dma_wait3A_445 = arith.constant 0 : i32
        %dma_wait3A_446 = arith.constant 0 : i32
        %dma_wait3A_447 = tpu.memref_slice %arg12[%run_scoped3A_138, %dma_wait3A_445, %dma_wait3A_446] : memref<2x64x128xf32, #tpu.memory_space<vmem>> -> memref<1x64x128xf32, #tpu.memory_space<vmem>>
        %dma_wait3A_448 = tpu.memref_squeeze %dma_wait3A_447 : memref<1x64x128xf32, #tpu.memory_space<vmem>> -> memref<64x128xf32, #tpu.memory_space<vmem>>
        %dma_wait3A_449 = arith.constant 64 : i32
        %dma_wait3A_450 = arith.constant 0 : i32
        %dma_wait3A_451 = tpu.memref_slice %arg5[%add3A, %dma_wait3A_449, %dma_wait3A_450] : memref<32x512x128xf32, #tpu.memory_space<hbm>> -> memref<1x64x128xf32, #tpu.memory_space<hbm>>
        %dma_wait3A_452 = tpu.memref_squeeze %dma_wait3A_451 : memref<1x64x128xf32, #tpu.memory_space<hbm>> -> memref<64x128xf32, #tpu.memory_space<hbm>>
        %dma_wait3A_453 = arith.constant 64 : i32
        %dma_wait3A_454 = arith.constant 0 : i32
        %dma_wait3A_455 = tpu.memref_slice %arg5[%add3A, %dma_wait3A_453, %dma_wait3A_454] : memref<32x512x128xf32, #tpu.memory_space<hbm>> -> memref<1x64x128xf32, #tpu.memory_space<hbm>>
        %dma_wait3A_456 = tpu.memref_squeeze %dma_wait3A_455 : memref<1x64x128xf32, #tpu.memory_space<hbm>> -> memref<64x128xf32, #tpu.memory_space<hbm>>
        %dma_wait3A_457 = arith.constant 0 : i32
        %dma_wait3A_458 = arith.constant 0 : i32
        %dma_wait3A_459 = tpu.memref_slice %arg12[%run_scoped3A_138, %dma_wait3A_457, %dma_wait3A_458] : memref<2x64x128xf32, #tpu.memory_space<vmem>> -> memref<1x64x128xf32, #tpu.memory_space<vmem>>
        %dma_wait3A_460 = tpu.memref_squeeze %dma_wait3A_459 : memref<1x64x128xf32, #tpu.memory_space<vmem>> -> memref<64x128xf32, #tpu.memory_space<vmem>>
        tpu.wait_dma2 semaphore(%run_scoped3A_428 : memref<!tpu.dma_semaphore, #tpu.memory_space<semaphore_mem>>) src(%dma_wait3A_460 : memref<64x128xf32, #tpu.memory_space<vmem>>) dst(%dma_wait3A_456 : memref<64x128xf32, #tpu.memory_space<hbm>>)
        tpu.yield
      }) : () -> ()
      %dma_start3A_139 = arith.constant 1 : i32
      %dma_start3A_140 = arith.constant 0 : i32
      %dma_start3A_141 = arith.constant 0 : i32
      %dma_start3A_142 = tpu.memref_slice %arg12[%dma_start3A_139, %dma_start3A_140, %dma_start3A_141] : memref<2x64x128xf32, #tpu.memory_space<vmem>> -> memref<1x64x128xf32, #tpu.memory_space<vmem>>
      %dma_start3A_143 = tpu.memref_squeeze %dma_start3A_142 : memref<1x64x128xf32, #tpu.memory_space<vmem>> -> memref<64x128xf32, #tpu.memory_space<vmem>>
      %dma_start3A_144 = arith.constant 192 : i32
      %dma_start3A_145 = tpu.memref_slice %arg8[%dma_start3A_144] : memref<512xi32, #tpu.memory_space<vmem>> -> memref<64xi32, #tpu.memory_space<vmem>>
      %dma_start3A_146 = arith.constant 0 : i32
      %dma_start3A_147 = arith.constant 0 : i32
      %dma_start3A_148 = tpu.memref_slice %arg2[%dma_start3A_146, %dma_start3A_147] : memref<100000x128xf32, #tpu.memory_space<hbm>> -> memref<100000x128xf32, #tpu.memory_space<hbm>>
      tpu.enqueue_indirect_dma source(%dma_start3A_148 : memref<100000x128xf32, #tpu.memory_space<hbm>>) target(%dma_start3A_143 : memref<64x128xf32, #tpu.memory_space<vmem>>) offsets(%dma_start3A_145 : memref<64xi32, #tpu.memory_space<vmem>>) semaphore(%arg16 : memref<!tpu.dma_semaphore, #tpu.memory_space<semaphore_mem>>)
      %dma_wait3A_149 = arith.constant 0 : i32
      %dma_wait3A_150 = arith.constant 0 : i32
      %dma_wait3A_151 = tpu.memref_slice %arg7[%dma_wait3A_149, %dma_wait3A_150] : memref<2x2048xi32, #tpu.memory_space<vmem>> -> memref<1x2048xi32, #tpu.memory_space<vmem>>
      %dma_wait3A_152 = tpu.memref_squeeze %dma_wait3A_151 : memref<1x2048xi32, #tpu.memory_space<vmem>> -> memref<2048xi32, #tpu.memory_space<vmem>>
      %dma_wait3A_153 = arith.constant 4096 : i32
      %dma_wait3A_154 = tpu.memref_slice %arg4[%dma_wait3A_153] : memref<16384xi32, #tpu.memory_space<hbm>> -> memref<2048xi32, #tpu.memory_space<hbm>>
      %dma_wait3A_155 = arith.constant 0 : i32
      %dma_wait3A_156 = tpu.memref_slice %arg7[%dma_wait3A_149, %dma_wait3A_155] : memref<2x2048xi32, #tpu.memory_space<vmem>> -> memref<1x2048xi32, #tpu.memory_space<vmem>>
      %dma_wait3A_157 = tpu.memref_squeeze %dma_wait3A_156 : memref<1x2048xi32, #tpu.memory_space<vmem>> -> memref<2048xi32, #tpu.memory_space<vmem>>
      %dma_wait3A_158 = arith.constant 4096 : i32
      %dma_wait3A_159 = tpu.memref_slice %arg4[%dma_wait3A_158] : memref<16384xi32, #tpu.memory_space<hbm>> -> memref<2048xi32, #tpu.memory_space<hbm>>
      tpu.wait_dma2 semaphore(%arg13 : memref<!tpu.dma_semaphore, #tpu.memory_space<semaphore_mem>>) src(%dma_wait3A_159 : memref<2048xi32, #tpu.memory_space<hbm>>) dst(%dma_wait3A_157 : memref<2048xi32, #tpu.memory_space<vmem>>)
      %parallel_loop3A_160 = arith.constant 0 : i32
      %parallel_loop3A_161 = arith.constant 128 : i32
      %parallel_loop3A_162 = arith.constant 1 : i32
      scf.for %parallel_loop3A_428 = %parallel_loop3A_160 to %parallel_loop3A_161 step %parallel_loop3A_162  : i32 {
        %parallel_loop3A_429 = arith.constant 16 : i32
        %parallel_loop3A_430 = arith.muli %parallel_loop3A_428, %parallel_loop3A_429 : i32
        %parallel_loop3A_431 = arith.constant 0 : i32
        %parallel_loop3A_432 = arith.index_cast %parallel_loop3A_431 : i32 to index
        %parallel_loop3A_433 = arith.index_cast %parallel_loop3A_430 : i32 to index
        %parallel_loop3A_434 = tpu.vector_load %arg7[%parallel_loop3A_432, %parallel_loop3A_433] {strides = array<i32>} : memref<2x2048xi32, #tpu.memory_space<vmem>>, vector<16xi32>,
        %parallel_loop3A_435 = arith.constant 16 : i32
        %parallel_loop3A_436 = vector.broadcast %parallel_loop3A_435 : i32 to vector<16xi32>
        %parallel_loop3A_437 = arith.muli %parallel_loop3A_434, %parallel_loop3A_436 : vector<16xi32>
        %parallel_loop3A_438 = arith.addi %parallel_loop3A_437, %iota3A : vector<16xi32>
        %parallel_loop3A_439 = arith.constant dense<true> : vector<16xi1>
        %parallel_loop3A_440, %parallel_loop3A_441, %parallel_loop3A_442 = tpu.sort %parallel_loop3A_438, %parallel_loop3A_438 masked %parallel_loop3A_439 : (vector<16xi32>, vector<16xi32>, vector<16xi1>) -> (vector<16xi1>, vector<16xi32>, vector<16xi32>)
        %parallel_loop3A_443 = arith.constant 4 : i32
        %parallel_loop3A_444 = vector.broadcast %parallel_loop3A_443 : i32 to vector<16xi32>
        %parallel_loop3A_445 = arith.shrui %parallel_loop3A_441, %parallel_loop3A_444 : vector<16xi32>
        %parallel_loop3A_446 = arith.constant 16 : i32
        %parallel_loop3A_447 = arith.muli %parallel_loop3A_428, %parallel_loop3A_446 : i32
        %parallel_loop3A_448 = arith.index_cast %parallel_loop3A_447 : i32 to index
        %parallel_loop3A_449 = tpu.vector_load %arg10[%parallel_loop3A_448] {strides = array<i32>} : memref<2064xi32, #tpu.memory_space<vmem>>, vector<16xi32>,
        tpu.vector_store %arg10[%parallel_loop3A_448], %parallel_loop3A_445 {strides = array<i32>} : memref<2064xi32, #tpu.memory_space<vmem>>, vector<16xi32>,
        %parallel_loop3A_450 = arith.constant 16 : i32
        %parallel_loop3A_451 = arith.muli %parallel_loop3A_428, %parallel_loop3A_450 : i32
        %parallel_loop3A_452 = arith.constant 4096 : i32
        %parallel_loop3A_453 = arith.addi %parallel_loop3A_452, %parallel_loop3A_451 : i32
        %parallel_loop3A_454 = arith.constant 15 : i32
        %parallel_loop3A_455 = vector.broadcast %parallel_loop3A_454 : i32 to vector<16xi32>
        %parallel_loop3A_456 = arith.andi %parallel_loop3A_441, %parallel_loop3A_455 : vector<16xi32>
        %parallel_loop3A_457 = vector.broadcast %parallel_loop3A_453 : i32 to vector<16xi32>
        %parallel_loop3A_458 = arith.addi %parallel_loop3A_457, %parallel_loop3A_456 : vector<16xi32>
        %parallel_loop3A_459 = arith.constant 16 : i32
        %parallel_loop3A_460 = arith.muli %parallel_loop3A_428, %parallel_loop3A_459 : i32
        %parallel_loop3A_461 = arith.index_cast %parallel_loop3A_460 : i32 to index
        %parallel_loop3A_462 = tpu.vector_load %arg11[%parallel_loop3A_461] {strides = array<i32>} : memref<2048xi32, #tpu.memory_space<vmem>>, vector<16xi32>,
        tpu.vector_store %arg11[%parallel_loop3A_461], %parallel_loop3A_458 {strides = array<i32>} : memref<2048xi32, #tpu.memory_space<vmem>>, vector<16xi32>,
      } {sc.loop_unroll_factor = 4 : i64, sc.parallel_access}
      %scan3A_163 = arith.constant 0 : i32
      %scan3A_164 = arith.constant 0 : i32
      %scan3A_165 = arith.constant 64 : i32
      %scan3A_166 = arith.addi %scan3A_164, %scan3A_165 : i32
      %scan3A_167 = arith.constant 1 : i32
      %scan3A_168 = scf.for %scan3A_428 = %scan3A_164 to %scan3A_166 step %scan3A_167 iter_args(%scan3A_429 = %scan3A_163) -> (i32)  : i32 {
        %mul3A_430 = arith.constant 2 : i32
        %mul3A_431 = arith.muli %scan3A_428, %mul3A_430 : i32
        %add3A_432 = arith.constant 0 : i32
        %add3A_433 = arith.addi %mul3A_431, %add3A_432 : i32
        %mul3A_434 = arith.constant 16 : i32
        %mul3A_435 = arith.muli %add3A_433, %mul3A_434 : i32
        %get3A = arith.index_cast %mul3A_435 : i32 to index
        %get3A_436 = tpu.vector_load %arg10[%get3A] {strides = array<i32>} : memref<2064xi32, #tpu.memory_space<vmem>>, vector<16xi32>,
        %mul3A_437 = arith.constant 16 : i32
        %mul3A_438 = arith.muli %add3A_433, %mul3A_437 : i32
        %add3A_439 = arith.constant 1 : i32
        %add3A_440 = arith.addi %mul3A_438, %add3A_439 : i32
        %get3A_441 = arith.index_cast %add3A_440 : i32 to index
        %get3A_442 = tpu.vector_load %arg10[%get3A_441] {strides = array<i32>} : memref<2064xi32, #tpu.memory_space<vmem>>, vector<16xi32>,
        %mul3A_443 = arith.constant 16 : i32
        %mul3A_444 = arith.muli %add3A_433, %mul3A_443 : i32
        %get3A_445 = arith.index_cast %mul3A_444 : i32 to index
        %get3A_446 = tpu.vector_load %arg11[%get3A_445] {strides = array<i32>} : memref<2048xi32, #tpu.memory_space<vmem>>, vector<16xi32>,
        %ne3A = arith.cmpi ne, %get3A_436, %get3A_442 : vector<16xi32>
        %jit3A = arith.constant 100000 : i32
        %broadcast_in_dim3A_447 = vector.broadcast %jit3A : i32 to vector<16xi32>
        %select_n3A = arith.select %ne3A, %get3A_436, %broadcast_in_dim3A_447 : vector<16xi1>, vector<16xi32>
        tpu.vector_store_idx %run_scoped3A_49[%select_n3A], %get3A_446 : memref<100016xi32, #tpu.memory_space<vmem>>[vector<16xi32>], vector<16xi32>,
        %mul3A_448 = arith.constant 2 : i32
        %mul3A_449 = arith.muli %scan3A_428, %mul3A_448 : i32
        %add3A_450 = arith.constant 1 : i32
        %add3A_451 = arith.addi %mul3A_449, %add3A_450 : i32
        %mul3A_452 = arith.constant 16 : i32
        %mul3A_453 = arith.muli %add3A_451, %mul3A_452 : i32
        %get3A_454 = arith.index_cast %mul3A_453 : i32 to index
        %get3A_455 = tpu.vector_load %arg10[%get3A_454] {strides = array<i32>} : memref<2064xi32, #tpu.memory_space<vmem>>, vector<16xi32>,
        %mul3A_456 = arith.constant 16 : i32
        %mul3A_457 = arith.muli %add3A_451, %mul3A_456 : i32
        %add3A_458 = arith.constant 1 : i32
        %add3A_459 = arith.addi %mul3A_457, %add3A_458 : i32
        %get3A_460 = arith.index_cast %add3A_459 : i32 to index
        %get3A_461 = tpu.vector_load %arg10[%get3A_460] {strides = array<i32>} : memref<2064xi32, #tpu.memory_space<vmem>>, vector<16xi32>,
        %mul3A_462 = arith.constant 16 : i32
        %mul3A_463 = arith.muli %add3A_451, %mul3A_462 : i32
        %get3A_464 = arith.index_cast %mul3A_463 : i32 to index
        %get3A_465 = tpu.vector_load %arg11[%get3A_464] {strides = array<i32>} : memref<2048xi32, #tpu.memory_space<vmem>>, vector<16xi32>,
        %ne3A_466 = arith.cmpi ne, %get3A_455, %get3A_461 : vector<16xi32>
        %jit3A_467 = arith.constant 100000 : i32
        %broadcast_in_dim3A_468 = vector.broadcast %jit3A_467 : i32 to vector<16xi32>
        %select_n3A_469 = arith.select %ne3A_466, %get3A_455, %broadcast_in_dim3A_468 : vector<16xi1>, vector<16xi32>
        tpu.vector_store_idx %run_scoped3A_49[%select_n3A_469], %get3A_465 : memref<100016xi32, #tpu.memory_space<vmem>>[vector<16xi32>], vector<16xi32>,
        %scan3A_470 = arith.constant 0 : i32
        scf.yield %scan3A_470 : i32
      }
      %scan3A_169 = arith.constant 64 : i32
      %dma_start3A_170 = arith.constant 0 : i32
      %dma_start3A_171 = arith.constant 0 : i32
      %dma_start3A_172 = tpu.memref_slice %arg7[%dma_start3A_170, %dma_start3A_171] : memref<2x2048xi32, #tpu.memory_space<vmem>> -> memref<1x2048xi32, #tpu.memory_space<vmem>>
      %dma_start3A_173 = tpu.memref_squeeze %dma_start3A_172 : memref<1x2048xi32, #tpu.memory_space<vmem>> -> memref<2048xi32, #tpu.memory_space<vmem>>
      %dma_start3A_174 = arith.constant 8192 : i32
      %dma_start3A_175 = tpu.memref_slice %arg4[%dma_start3A_174] : memref<16384xi32, #tpu.memory_space<hbm>> -> memref<2048xi32, #tpu.memory_space<hbm>>
      %dma_start3A_176 = arith.constant 0 : i32
      %dma_start3A_177 = tpu.memref_slice %arg7[%dma_start3A_170, %dma_start3A_176] : memref<2x2048xi32, #tpu.memory_space<vmem>> -> memref<1x2048xi32, #tpu.memory_space<vmem>>
      %dma_start3A_178 = tpu.memref_squeeze %dma_start3A_177 : memref<1x2048xi32, #tpu.memory_space<vmem>> -> memref<2048xi32, #tpu.memory_space<vmem>>
      %dma_start3A_179 = arith.constant 8192 : i32
      %dma_start3A_180 = tpu.memref_slice %arg4[%dma_start3A_179] : memref<16384xi32, #tpu.memory_space<hbm>> -> memref<2048xi32, #tpu.memory_space<hbm>>
      tpu.enqueue_dma source(%dma_start3A_180 : memref<2048xi32, #tpu.memory_space<hbm>>) target(%dma_start3A_178 : memref<2048xi32, #tpu.memory_space<vmem>>) target_semaphore(%arg13 : memref<!tpu.dma_semaphore, #tpu.memory_space<semaphore_mem>>)
      %dma_wait3A_181 = arith.constant 0 : i32
      %dma_wait3A_182 = arith.constant 0 : i32
      %dma_wait3A_183 = arith.constant 0 : i32
      %dma_wait3A_184 = tpu.memref_slice %arg12[%dma_wait3A_181, %dma_wait3A_182, %dma_wait3A_183] : memref<2x64x128xf32, #tpu.memory_space<vmem>> -> memref<1x64x128xf32, #tpu.memory_space<vmem>>
      %dma_wait3A_185 = tpu.memref_squeeze %dma_wait3A_184 : memref<1x64x128xf32, #tpu.memory_space<vmem>> -> memref<64x128xf32, #tpu.memory_space<vmem>>
      %dma_wait3A_186 = arith.constant 128 : i32
      %dma_wait3A_187 = tpu.memref_slice %arg8[%dma_wait3A_186] : memref<512xi32, #tpu.memory_space<vmem>> -> memref<64xi32, #tpu.memory_space<vmem>>
      %dma_wait3A_188 = arith.constant 0 : i32
      %dma_wait3A_189 = arith.constant 0 : i32
      %dma_wait3A_190 = tpu.memref_slice %arg2[%dma_wait3A_188, %dma_wait3A_189] : memref<100000x128xf32, #tpu.memory_space<hbm>> -> memref<100000x128xf32, #tpu.memory_space<hbm>>
      tpu.wait_indirect_dma semaphore(%arg15 : memref<!tpu.dma_semaphore, #tpu.memory_space<semaphore_mem>>) src(%dma_wait3A_190 : memref<100000x128xf32, #tpu.memory_space<hbm>>) dst(%dma_wait3A_185 : memref<64x128xf32, #tpu.memory_space<vmem>>)
      %run_scoped3A_191 = arith.constant 0 : i32
      "tpu.region"() ({
        %run_scoped3A_428 = tpu.sem_alloc : memref<!tpu.dma_semaphore, #tpu.memory_space<semaphore_mem>>
        %dma_start3A_429 = arith.constant 0 : i32
        %dma_start3A_430 = arith.constant 0 : i32
        %dma_start3A_431 = tpu.memref_slice %arg12[%run_scoped3A_191, %dma_start3A_429, %dma_start3A_430] : memref<2x64x128xf32, #tpu.memory_space<vmem>> -> memref<1x64x128xf32, #tpu.memory_space<vmem>>
        %dma_start3A_432 = tpu.memref_squeeze %dma_start3A_431 : memref<1x64x128xf32, #tpu.memory_space<vmem>> -> memref<64x128xf32, #tpu.memory_space<vmem>>
        %dma_start3A_433 = arith.constant 128 : i32
        %dma_start3A_434 = arith.constant 0 : i32
        %dma_start3A_435 = tpu.memref_slice %arg5[%add3A, %dma_start3A_433, %dma_start3A_434] : memref<32x512x128xf32, #tpu.memory_space<hbm>> -> memref<1x64x128xf32, #tpu.memory_space<hbm>>
        %dma_start3A_436 = tpu.memref_squeeze %dma_start3A_435 : memref<1x64x128xf32, #tpu.memory_space<hbm>> -> memref<64x128xf32, #tpu.memory_space<hbm>>
        %dma_start3A_437 = arith.constant 128 : i32
        %dma_start3A_438 = arith.constant 0 : i32
        %dma_start3A_439 = tpu.memref_slice %arg5[%add3A, %dma_start3A_437, %dma_start3A_438] : memref<32x512x128xf32, #tpu.memory_space<hbm>> -> memref<1x64x128xf32, #tpu.memory_space<hbm>>
        %dma_start3A_440 = tpu.memref_squeeze %dma_start3A_439 : memref<1x64x128xf32, #tpu.memory_space<hbm>> -> memref<64x128xf32, #tpu.memory_space<hbm>>
        %dma_start3A_441 = arith.constant 0 : i32
        %dma_start3A_442 = arith.constant 0 : i32
        %dma_start3A_443 = tpu.memref_slice %arg12[%run_scoped3A_191, %dma_start3A_441, %dma_start3A_442] : memref<2x64x128xf32, #tpu.memory_space<vmem>> -> memref<1x64x128xf32, #tpu.memory_space<vmem>>
        %dma_start3A_444 = tpu.memref_squeeze %dma_start3A_443 : memref<1x64x128xf32, #tpu.memory_space<vmem>> -> memref<64x128xf32, #tpu.memory_space<vmem>>
        tpu.enqueue_dma source(%dma_start3A_444 : memref<64x128xf32, #tpu.memory_space<vmem>>) target(%dma_start3A_440 : memref<64x128xf32, #tpu.memory_space<hbm>>) target_semaphore(%run_scoped3A_428 : memref<!tpu.dma_semaphore, #tpu.memory_space<semaphore_mem>>)
        %dma_wait3A_445 = arith.constant 0 : i32
        %dma_wait3A_446 = arith.constant 0 : i32
        %dma_wait3A_447 = tpu.memref_slice %arg12[%run_scoped3A_191, %dma_wait3A_445, %dma_wait3A_446] : memref<2x64x128xf32, #tpu.memory_space<vmem>> -> memref<1x64x128xf32, #tpu.memory_space<vmem>>
        %dma_wait3A_448 = tpu.memref_squeeze %dma_wait3A_447 : memref<1x64x128xf32, #tpu.memory_space<vmem>> -> memref<64x128xf32, #tpu.memory_space<vmem>>
        %dma_wait3A_449 = arith.constant 128 : i32
        %dma_wait3A_450 = arith.constant 0 : i32
        %dma_wait3A_451 = tpu.memref_slice %arg5[%add3A, %dma_wait3A_449, %dma_wait3A_450] : memref<32x512x128xf32, #tpu.memory_space<hbm>> -> memref<1x64x128xf32, #tpu.memory_space<hbm>>
        %dma_wait3A_452 = tpu.memref_squeeze %dma_wait3A_451 : memref<1x64x128xf32, #tpu.memory_space<hbm>> -> memref<64x128xf32, #tpu.memory_space<hbm>>
        %dma_wait3A_453 = arith.constant 128 : i32
        %dma_wait3A_454 = arith.constant 0 : i32
        %dma_wait3A_455 = tpu.memref_slice %arg5[%add3A, %dma_wait3A_453, %dma_wait3A_454] : memref<32x512x128xf32, #tpu.memory_space<hbm>> -> memref<1x64x128xf32, #tpu.memory_space<hbm>>
        %dma_wait3A_456 = tpu.memref_squeeze %dma_wait3A_455 : memref<1x64x128xf32, #tpu.memory_space<hbm>> -> memref<64x128xf32, #tpu.memory_space<hbm>>
        %dma_wait3A_457 = arith.constant 0 : i32
        %dma_wait3A_458 = arith.constant 0 : i32
        %dma_wait3A_459 = tpu.memref_slice %arg12[%run_scoped3A_191, %dma_wait3A_457, %dma_wait3A_458] : memref<2x64x128xf32, #tpu.memory_space<vmem>> -> memref<1x64x128xf32, #tpu.memory_space<vmem>>
        %dma_wait3A_460 = tpu.memref_squeeze %dma_wait3A_459 : memref<1x64x128xf32, #tpu.memory_space<vmem>> -> memref<64x128xf32, #tpu.memory_space<vmem>>
        tpu.wait_dma2 semaphore(%run_scoped3A_428 : memref<!tpu.dma_semaphore, #tpu.memory_space<semaphore_mem>>) src(%dma_wait3A_460 : memref<64x128xf32, #tpu.memory_space<vmem>>) dst(%dma_wait3A_456 : memref<64x128xf32, #tpu.memory_space<hbm>>)
        tpu.yield
      }) : () -> ()
      %dma_start3A_192 = arith.constant 0 : i32
      %dma_start3A_193 = arith.constant 0 : i32
      %dma_start3A_194 = arith.constant 0 : i32
      %dma_start3A_195 = tpu.memref_slice %arg12[%dma_start3A_192, %dma_start3A_193, %dma_start3A_194] : memref<2x64x128xf32, #tpu.memory_space<vmem>> -> memref<1x64x128xf32, #tpu.memory_space<vmem>>
      %dma_start3A_196 = tpu.memref_squeeze %dma_start3A_195 : memref<1x64x128xf32, #tpu.memory_space<vmem>> -> memref<64x128xf32, #tpu.memory_space<vmem>>
      %dma_start3A_197 = arith.constant 256 : i32
      %dma_start3A_198 = tpu.memref_slice %arg8[%dma_start3A_197] : memref<512xi32, #tpu.memory_space<vmem>> -> memref<64xi32, #tpu.memory_space<vmem>>
      %dma_start3A_199 = arith.constant 0 : i32
      %dma_start3A_200 = arith.constant 0 : i32
      %dma_start3A_201 = tpu.memref_slice %arg2[%dma_start3A_199, %dma_start3A_200] : memref<100000x128xf32, #tpu.memory_space<hbm>> -> memref<100000x128xf32, #tpu.memory_space<hbm>>
      tpu.enqueue_indirect_dma source(%dma_start3A_201 : memref<100000x128xf32, #tpu.memory_space<hbm>>) target(%dma_start3A_196 : memref<64x128xf32, #tpu.memory_space<vmem>>) offsets(%dma_start3A_198 : memref<64xi32, #tpu.memory_space<vmem>>) semaphore(%arg15 : memref<!tpu.dma_semaphore, #tpu.memory_space<semaphore_mem>>)
      %dma_wait3A_202 = arith.constant 1 : i32
      %dma_wait3A_203 = arith.constant 0 : i32
      %dma_wait3A_204 = tpu.memref_slice %arg7[%dma_wait3A_202, %dma_wait3A_203] : memref<2x2048xi32, #tpu.memory_space<vmem>> -> memref<1x2048xi32, #tpu.memory_space<vmem>>
      %dma_wait3A_205 = tpu.memref_squeeze %dma_wait3A_204 : memref<1x2048xi32, #tpu.memory_space<vmem>> -> memref<2048xi32, #tpu.memory_space<vmem>>
      %dma_wait3A_206 = arith.constant 6144 : i32
      %dma_wait3A_207 = tpu.memref_slice %arg4[%dma_wait3A_206] : memref<16384xi32, #tpu.memory_space<hbm>> -> memref<2048xi32, #tpu.memory_space<hbm>>
      %dma_wait3A_208 = arith.constant 0 : i32
      %dma_wait3A_209 = tpu.memref_slice %arg7[%dma_wait3A_202, %dma_wait3A_208] : memref<2x2048xi32, #tpu.memory_space<vmem>> -> memref<1x2048xi32, #tpu.memory_space<vmem>>
      %dma_wait3A_210 = tpu.memref_squeeze %dma_wait3A_209 : memref<1x2048xi32, #tpu.memory_space<vmem>> -> memref<2048xi32, #tpu.memory_space<vmem>>
      %dma_wait3A_211 = arith.constant 6144 : i32
      %dma_wait3A_212 = tpu.memref_slice %arg4[%dma_wait3A_211] : memref<16384xi32, #tpu.memory_space<hbm>> -> memref<2048xi32, #tpu.memory_space<hbm>>
      tpu.wait_dma2 semaphore(%arg14 : memref<!tpu.dma_semaphore, #tpu.memory_space<semaphore_mem>>) src(%dma_wait3A_212 : memref<2048xi32, #tpu.memory_space<hbm>>) dst(%dma_wait3A_210 : memref<2048xi32, #tpu.memory_space<vmem>>)
      %parallel_loop3A_213 = arith.constant 0 : i32
      %parallel_loop3A_214 = arith.constant 128 : i32
      %parallel_loop3A_215 = arith.constant 1 : i32
      scf.for %parallel_loop3A_428 = %parallel_loop3A_213 to %parallel_loop3A_214 step %parallel_loop3A_215  : i32 {
        %parallel_loop3A_429 = arith.constant 16 : i32
        %parallel_loop3A_430 = arith.muli %parallel_loop3A_428, %parallel_loop3A_429 : i32
        %parallel_loop3A_431 = arith.constant 1 : i32
        %parallel_loop3A_432 = arith.index_cast %parallel_loop3A_431 : i32 to index
        %parallel_loop3A_433 = arith.index_cast %parallel_loop3A_430 : i32 to index
        %parallel_loop3A_434 = tpu.vector_load %arg7[%parallel_loop3A_432, %parallel_loop3A_433] {strides = array<i32>} : memref<2x2048xi32, #tpu.memory_space<vmem>>, vector<16xi32>,
        %parallel_loop3A_435 = arith.constant 16 : i32
        %parallel_loop3A_436 = vector.broadcast %parallel_loop3A_435 : i32 to vector<16xi32>
        %parallel_loop3A_437 = arith.muli %parallel_loop3A_434, %parallel_loop3A_436 : vector<16xi32>
        %parallel_loop3A_438 = arith.addi %parallel_loop3A_437, %iota3A : vector<16xi32>
        %parallel_loop3A_439 = arith.constant dense<true> : vector<16xi1>
        %parallel_loop3A_440, %parallel_loop3A_441, %parallel_loop3A_442 = tpu.sort %parallel_loop3A_438, %parallel_loop3A_438 masked %parallel_loop3A_439 : (vector<16xi32>, vector<16xi32>, vector<16xi1>) -> (vector<16xi1>, vector<16xi32>, vector<16xi32>)
        %parallel_loop3A_443 = arith.constant 4 : i32
        %parallel_loop3A_444 = vector.broadcast %parallel_loop3A_443 : i32 to vector<16xi32>
        %parallel_loop3A_445 = arith.shrui %parallel_loop3A_441, %parallel_loop3A_444 : vector<16xi32>
        %parallel_loop3A_446 = arith.constant 16 : i32
        %parallel_loop3A_447 = arith.muli %parallel_loop3A_428, %parallel_loop3A_446 : i32
        %parallel_loop3A_448 = arith.index_cast %parallel_loop3A_447 : i32 to index
        %parallel_loop3A_449 = tpu.vector_load %arg10[%parallel_loop3A_448] {strides = array<i32>} : memref<2064xi32, #tpu.memory_space<vmem>>, vector<16xi32>,
        tpu.vector_store %arg10[%parallel_loop3A_448], %parallel_loop3A_445 {strides = array<i32>} : memref<2064xi32, #tpu.memory_space<vmem>>, vector<16xi32>,
        %parallel_loop3A_450 = arith.constant 16 : i32
        %parallel_loop3A_451 = arith.muli %parallel_loop3A_428, %parallel_loop3A_450 : i32
        %parallel_loop3A_452 = arith.constant 6144 : i32
        %parallel_loop3A_453 = arith.addi %parallel_loop3A_452, %parallel_loop3A_451 : i32
        %parallel_loop3A_454 = arith.constant 15 : i32
        %parallel_loop3A_455 = vector.broadcast %parallel_loop3A_454 : i32 to vector<16xi32>
        %parallel_loop3A_456 = arith.andi %parallel_loop3A_441, %parallel_loop3A_455 : vector<16xi32>
        %parallel_loop3A_457 = vector.broadcast %parallel_loop3A_453 : i32 to vector<16xi32>
        %parallel_loop3A_458 = arith.addi %parallel_loop3A_457, %parallel_loop3A_456 : vector<16xi32>
        %parallel_loop3A_459 = arith.constant 16 : i32
        %parallel_loop3A_460 = arith.muli %parallel_loop3A_428, %parallel_loop3A_459 : i32
        %parallel_loop3A_461 = arith.index_cast %parallel_loop3A_460 : i32 to index
        %parallel_loop3A_462 = tpu.vector_load %arg11[%parallel_loop3A_461] {strides = array<i32>} : memref<2048xi32, #tpu.memory_space<vmem>>, vector<16xi32>,
        tpu.vector_store %arg11[%parallel_loop3A_461], %parallel_loop3A_458 {strides = array<i32>} : memref<2048xi32, #tpu.memory_space<vmem>>, vector<16xi32>,
      } {sc.loop_unroll_factor = 4 : i64, sc.parallel_access}
      %scan3A_216 = arith.constant 0 : i32
      %scan3A_217 = arith.constant 0 : i32
      %scan3A_218 = arith.constant 64 : i32
      %scan3A_219 = arith.addi %scan3A_217, %scan3A_218 : i32
      %scan3A_220 = arith.constant 1 : i32
      %scan3A_221 = scf.for %scan3A_428 = %scan3A_217 to %scan3A_219 step %scan3A_220 iter_args(%scan3A_429 = %scan3A_216) -> (i32)  : i32 {
        %mul3A_430 = arith.constant 2 : i32
        %mul3A_431 = arith.muli %scan3A_428, %mul3A_430 : i32
        %add3A_432 = arith.constant 0 : i32
        %add3A_433 = arith.addi %mul3A_431, %add3A_432 : i32
        %mul3A_434 = arith.constant 16 : i32
        %mul3A_435 = arith.muli %add3A_433, %mul3A_434 : i32
        %get3A = arith.index_cast %mul3A_435 : i32 to index
        %get3A_436 = tpu.vector_load %arg10[%get3A] {strides = array<i32>} : memref<2064xi32, #tpu.memory_space<vmem>>, vector<16xi32>,
        %mul3A_437 = arith.constant 16 : i32
        %mul3A_438 = arith.muli %add3A_433, %mul3A_437 : i32
        %add3A_439 = arith.constant 1 : i32
        %add3A_440 = arith.addi %mul3A_438, %add3A_439 : i32
        %get3A_441 = arith.index_cast %add3A_440 : i32 to index
        %get3A_442 = tpu.vector_load %arg10[%get3A_441] {strides = array<i32>} : memref<2064xi32, #tpu.memory_space<vmem>>, vector<16xi32>,
        %mul3A_443 = arith.constant 16 : i32
        %mul3A_444 = arith.muli %add3A_433, %mul3A_443 : i32
        %get3A_445 = arith.index_cast %mul3A_444 : i32 to index
        %get3A_446 = tpu.vector_load %arg11[%get3A_445] {strides = array<i32>} : memref<2048xi32, #tpu.memory_space<vmem>>, vector<16xi32>,
        %ne3A = arith.cmpi ne, %get3A_436, %get3A_442 : vector<16xi32>
        %jit3A = arith.constant 100000 : i32
        %broadcast_in_dim3A_447 = vector.broadcast %jit3A : i32 to vector<16xi32>
        %select_n3A = arith.select %ne3A, %get3A_436, %broadcast_in_dim3A_447 : vector<16xi1>, vector<16xi32>
        tpu.vector_store_idx %run_scoped3A_49[%select_n3A], %get3A_446 : memref<100016xi32, #tpu.memory_space<vmem>>[vector<16xi32>], vector<16xi32>,
        %mul3A_448 = arith.constant 2 : i32
        %mul3A_449 = arith.muli %scan3A_428, %mul3A_448 : i32
        %add3A_450 = arith.constant 1 : i32
        %add3A_451 = arith.addi %mul3A_449, %add3A_450 : i32
        %mul3A_452 = arith.constant 16 : i32
        %mul3A_453 = arith.muli %add3A_451, %mul3A_452 : i32
        %get3A_454 = arith.index_cast %mul3A_453 : i32 to index
        %get3A_455 = tpu.vector_load %arg10[%get3A_454] {strides = array<i32>} : memref<2064xi32, #tpu.memory_space<vmem>>, vector<16xi32>,
        %mul3A_456 = arith.constant 16 : i32
        %mul3A_457 = arith.muli %add3A_451, %mul3A_456 : i32
        %add3A_458 = arith.constant 1 : i32
        %add3A_459 = arith.addi %mul3A_457, %add3A_458 : i32
        %get3A_460 = arith.index_cast %add3A_459 : i32 to index
        %get3A_461 = tpu.vector_load %arg10[%get3A_460] {strides = array<i32>} : memref<2064xi32, #tpu.memory_space<vmem>>, vector<16xi32>,
        %mul3A_462 = arith.constant 16 : i32
        %mul3A_463 = arith.muli %add3A_451, %mul3A_462 : i32
        %get3A_464 = arith.index_cast %mul3A_463 : i32 to index
        %get3A_465 = tpu.vector_load %arg11[%get3A_464] {strides = array<i32>} : memref<2048xi32, #tpu.memory_space<vmem>>, vector<16xi32>,
        %ne3A_466 = arith.cmpi ne, %get3A_455, %get3A_461 : vector<16xi32>
        %jit3A_467 = arith.constant 100000 : i32
        %broadcast_in_dim3A_468 = vector.broadcast %jit3A_467 : i32 to vector<16xi32>
        %select_n3A_469 = arith.select %ne3A_466, %get3A_455, %broadcast_in_dim3A_468 : vector<16xi1>, vector<16xi32>
        tpu.vector_store_idx %run_scoped3A_49[%select_n3A_469], %get3A_465 : memref<100016xi32, #tpu.memory_space<vmem>>[vector<16xi32>], vector<16xi32>,
        %scan3A_470 = arith.constant 0 : i32
        scf.yield %scan3A_470 : i32
      }
      %scan3A_222 = arith.constant 64 : i32
      %dma_start3A_223 = arith.constant 1 : i32
      %dma_start3A_224 = arith.constant 0 : i32
      %dma_start3A_225 = tpu.memref_slice %arg7[%dma_start3A_223, %dma_start3A_224] : memref<2x2048xi32, #tpu.memory_space<vmem>> -> memref<1x2048xi32, #tpu.memory_space<vmem>>
      %dma_start3A_226 = tpu.memref_squeeze %dma_start3A_225 : memref<1x2048xi32, #tpu.memory_space<vmem>> -> memref<2048xi32, #tpu.memory_space<vmem>>
      %dma_start3A_227 = arith.constant 10240 : i32
      %dma_start3A_228 = tpu.memref_slice %arg4[%dma_start3A_227] : memref<16384xi32, #tpu.memory_space<hbm>> -> memref<2048xi32, #tpu.memory_space<hbm>>
      %dma_start3A_229 = arith.constant 0 : i32
      %dma_start3A_230 = tpu.memref_slice %arg7[%dma_start3A_223, %dma_start3A_229] : memref<2x2048xi32, #tpu.memory_space<vmem>> -> memref<1x2048xi32, #tpu.memory_space<vmem>>
      %dma_start3A_231 = tpu.memref_squeeze %dma_start3A_230 : memref<1x2048xi32, #tpu.memory_space<vmem>> -> memref<2048xi32, #tpu.memory_space<vmem>>
      %dma_start3A_232 = arith.constant 10240 : i32
      %dma_start3A_233 = tpu.memref_slice %arg4[%dma_start3A_232] : memref<16384xi32, #tpu.memory_space<hbm>> -> memref<2048xi32, #tpu.memory_space<hbm>>
      tpu.enqueue_dma source(%dma_start3A_233 : memref<2048xi32, #tpu.memory_space<hbm>>) target(%dma_start3A_231 : memref<2048xi32, #tpu.memory_space<vmem>>) target_semaphore(%arg14 : memref<!tpu.dma_semaphore, #tpu.memory_space<semaphore_mem>>)
      %dma_wait3A_234 = arith.constant 1 : i32
      %dma_wait3A_235 = arith.constant 0 : i32
      %dma_wait3A_236 = arith.constant 0 : i32
      %dma_wait3A_237 = tpu.memref_slice %arg12[%dma_wait3A_234, %dma_wait3A_235, %dma_wait3A_236] : memref<2x64x128xf32, #tpu.memory_space<vmem>> -> memref<1x64x128xf32, #tpu.memory_space<vmem>>
      %dma_wait3A_238 = tpu.memref_squeeze %dma_wait3A_237 : memref<1x64x128xf32, #tpu.memory_space<vmem>> -> memref<64x128xf32, #tpu.memory_space<vmem>>
      %dma_wait3A_239 = arith.constant 192 : i32
      %dma_wait3A_240 = tpu.memref_slice %arg8[%dma_wait3A_239] : memref<512xi32, #tpu.memory_space<vmem>> -> memref<64xi32, #tpu.memory_space<vmem>>
      %dma_wait3A_241 = arith.constant 0 : i32
      %dma_wait3A_242 = arith.constant 0 : i32
      %dma_wait3A_243 = tpu.memref_slice %arg2[%dma_wait3A_241, %dma_wait3A_242] : memref<100000x128xf32, #tpu.memory_space<hbm>> -> memref<100000x128xf32, #tpu.memory_space<hbm>>
      tpu.wait_indirect_dma semaphore(%arg16 : memref<!tpu.dma_semaphore, #tpu.memory_space<semaphore_mem>>) src(%dma_wait3A_243 : memref<100000x128xf32, #tpu.memory_space<hbm>>) dst(%dma_wait3A_238 : memref<64x128xf32, #tpu.memory_space<vmem>>)
      %run_scoped3A_244 = arith.constant 1 : i32
      "tpu.region"() ({
        %run_scoped3A_428 = tpu.sem_alloc : memref<!tpu.dma_semaphore, #tpu.memory_space<semaphore_mem>>
        %dma_start3A_429 = arith.constant 0 : i32
        %dma_start3A_430 = arith.constant 0 : i32
        %dma_start3A_431 = tpu.memref_slice %arg12[%run_scoped3A_244, %dma_start3A_429, %dma_start3A_430] : memref<2x64x128xf32, #tpu.memory_space<vmem>> -> memref<1x64x128xf32, #tpu.memory_space<vmem>>
        %dma_start3A_432 = tpu.memref_squeeze %dma_start3A_431 : memref<1x64x128xf32, #tpu.memory_space<vmem>> -> memref<64x128xf32, #tpu.memory_space<vmem>>
        %dma_start3A_433 = arith.constant 192 : i32
        %dma_start3A_434 = arith.constant 0 : i32
        %dma_start3A_435 = tpu.memref_slice %arg5[%add3A, %dma_start3A_433, %dma_start3A_434] : memref<32x512x128xf32, #tpu.memory_space<hbm>> -> memref<1x64x128xf32, #tpu.memory_space<hbm>>
        %dma_start3A_436 = tpu.memref_squeeze %dma_start3A_435 : memref<1x64x128xf32, #tpu.memory_space<hbm>> -> memref<64x128xf32, #tpu.memory_space<hbm>>
        %dma_start3A_437 = arith.constant 192 : i32
        %dma_start3A_438 = arith.constant 0 : i32
        %dma_start3A_439 = tpu.memref_slice %arg5[%add3A, %dma_start3A_437, %dma_start3A_438] : memref<32x512x128xf32, #tpu.memory_space<hbm>> -> memref<1x64x128xf32, #tpu.memory_space<hbm>>
        %dma_start3A_440 = tpu.memref_squeeze %dma_start3A_439 : memref<1x64x128xf32, #tpu.memory_space<hbm>> -> memref<64x128xf32, #tpu.memory_space<hbm>>
        %dma_start3A_441 = arith.constant 0 : i32
        %dma_start3A_442 = arith.constant 0 : i32
        %dma_start3A_443 = tpu.memref_slice %arg12[%run_scoped3A_244, %dma_start3A_441, %dma_start3A_442] : memref<2x64x128xf32, #tpu.memory_space<vmem>> -> memref<1x64x128xf32, #tpu.memory_space<vmem>>
        %dma_start3A_444 = tpu.memref_squeeze %dma_start3A_443 : memref<1x64x128xf32, #tpu.memory_space<vmem>> -> memref<64x128xf32, #tpu.memory_space<vmem>>
        tpu.enqueue_dma source(%dma_start3A_444 : memref<64x128xf32, #tpu.memory_space<vmem>>) target(%dma_start3A_440 : memref<64x128xf32, #tpu.memory_space<hbm>>) target_semaphore(%run_scoped3A_428 : memref<!tpu.dma_semaphore, #tpu.memory_space<semaphore_mem>>)
        %dma_wait3A_445 = arith.constant 0 : i32
        %dma_wait3A_446 = arith.constant 0 : i32
        %dma_wait3A_447 = tpu.memref_slice %arg12[%run_scoped3A_244, %dma_wait3A_445, %dma_wait3A_446] : memref<2x64x128xf32, #tpu.memory_space<vmem>> -> memref<1x64x128xf32, #tpu.memory_space<vmem>>
        %dma_wait3A_448 = tpu.memref_squeeze %dma_wait3A_447 : memref<1x64x128xf32, #tpu.memory_space<vmem>> -> memref<64x128xf32, #tpu.memory_space<vmem>>
        %dma_wait3A_449 = arith.constant 192 : i32
        %dma_wait3A_450 = arith.constant 0 : i32
        %dma_wait3A_451 = tpu.memref_slice %arg5[%add3A, %dma_wait3A_449, %dma_wait3A_450] : memref<32x512x128xf32, #tpu.memory_space<hbm>> -> memref<1x64x128xf32, #tpu.memory_space<hbm>>
        %dma_wait3A_452 = tpu.memref_squeeze %dma_wait3A_451 : memref<1x64x128xf32, #tpu.memory_space<hbm>> -> memref<64x128xf32, #tpu.memory_space<hbm>>
        %dma_wait3A_453 = arith.constant 192 : i32
        %dma_wait3A_454 = arith.constant 0 : i32
        %dma_wait3A_455 = tpu.memref_slice %arg5[%add3A, %dma_wait3A_453, %dma_wait3A_454] : memref<32x512x128xf32, #tpu.memory_space<hbm>> -> memref<1x64x128xf32, #tpu.memory_space<hbm>>
        %dma_wait3A_456 = tpu.memref_squeeze %dma_wait3A_455 : memref<1x64x128xf32, #tpu.memory_space<hbm>> -> memref<64x128xf32, #tpu.memory_space<hbm>>
        %dma_wait3A_457 = arith.constant 0 : i32
        %dma_wait3A_458 = arith.constant 0 : i32
        %dma_wait3A_459 = tpu.memref_slice %arg12[%run_scoped3A_244, %dma_wait3A_457, %dma_wait3A_458] : memref<2x64x128xf32, #tpu.memory_space<vmem>> -> memref<1x64x128xf32, #tpu.memory_space<vmem>>
        %dma_wait3A_460 = tpu.memref_squeeze %dma_wait3A_459 : memref<1x64x128xf32, #tpu.memory_space<vmem>> -> memref<64x128xf32, #tpu.memory_space<vmem>>
        tpu.wait_dma2 semaphore(%run_scoped3A_428 : memref<!tpu.dma_semaphore, #tpu.memory_space<semaphore_mem>>) src(%dma_wait3A_460 : memref<64x128xf32, #tpu.memory_space<vmem>>) dst(%dma_wait3A_456 : memref<64x128xf32, #tpu.memory_space<hbm>>)
        tpu.yield
      }) : () -> ()
      %dma_start3A_245 = arith.constant 1 : i32
      %dma_start3A_246 = arith.constant 0 : i32
      %dma_start3A_247 = arith.constant 0 : i32
      %dma_start3A_248 = tpu.memref_slice %arg12[%dma_start3A_245, %dma_start3A_246, %dma_start3A_247] : memref<2x64x128xf32, #tpu.memory_space<vmem>> -> memref<1x64x128xf32, #tpu.memory_space<vmem>>
      %dma_start3A_249 = tpu.memref_squeeze %dma_start3A_248 : memref<1x64x128xf32, #tpu.memory_space<vmem>> -> memref<64x128xf32, #tpu.memory_space<vmem>>
      %dma_start3A_250 = arith.constant 320 : i32
      %dma_start3A_251 = tpu.memref_slice %arg8[%dma_start3A_250] : memref<512xi32, #tpu.memory_space<vmem>> -> memref<64xi32, #tpu.memory_space<vmem>>
      %dma_start3A_252 = arith.constant 0 : i32
      %dma_start3A_253 = arith.constant 0 : i32
      %dma_start3A_254 = tpu.memref_slice %arg2[%dma_start3A_252, %dma_start3A_253] : memref<100000x128xf32, #tpu.memory_space<hbm>> -> memref<100000x128xf32, #tpu.memory_space<hbm>>
      tpu.enqueue_indirect_dma source(%dma_start3A_254 : memref<100000x128xf32, #tpu.memory_space<hbm>>) target(%dma_start3A_249 : memref<64x128xf32, #tpu.memory_space<vmem>>) offsets(%dma_start3A_251 : memref<64xi32, #tpu.memory_space<vmem>>) semaphore(%arg16 : memref<!tpu.dma_semaphore, #tpu.memory_space<semaphore_mem>>)
      %dma_wait3A_255 = arith.constant 0 : i32
      %dma_wait3A_256 = arith.constant 0 : i32
      %dma_wait3A_257 = tpu.memref_slice %arg7[%dma_wait3A_255, %dma_wait3A_256] : memref<2x2048xi32, #tpu.memory_space<vmem>> -> memref<1x2048xi32, #tpu.memory_space<vmem>>
      %dma_wait3A_258 = tpu.memref_squeeze %dma_wait3A_257 : memref<1x2048xi32, #tpu.memory_space<vmem>> -> memref<2048xi32, #tpu.memory_space<vmem>>
      %dma_wait3A_259 = arith.constant 8192 : i32
      %dma_wait3A_260 = tpu.memref_slice %arg4[%dma_wait3A_259] : memref<16384xi32, #tpu.memory_space<hbm>> -> memref<2048xi32, #tpu.memory_space<hbm>>
      %dma_wait3A_261 = arith.constant 0 : i32
      %dma_wait3A_262 = tpu.memref_slice %arg7[%dma_wait3A_255, %dma_wait3A_261] : memref<2x2048xi32, #tpu.memory_space<vmem>> -> memref<1x2048xi32, #tpu.memory_space<vmem>>
      %dma_wait3A_263 = tpu.memref_squeeze %dma_wait3A_262 : memref<1x2048xi32, #tpu.memory_space<vmem>> -> memref<2048xi32, #tpu.memory_space<vmem>>
      %dma_wait3A_264 = arith.constant 8192 : i32
      %dma_wait3A_265 = tpu.memref_slice %arg4[%dma_wait3A_264] : memref<16384xi32, #tpu.memory_space<hbm>> -> memref<2048xi32, #tpu.memory_space<hbm>>
      tpu.wait_dma2 semaphore(%arg13 : memref<!tpu.dma_semaphore, #tpu.memory_space<semaphore_mem>>) src(%dma_wait3A_265 : memref<2048xi32, #tpu.memory_space<hbm>>) dst(%dma_wait3A_263 : memref<2048xi32, #tpu.memory_space<vmem>>)
      %parallel_loop3A_266 = arith.constant 0 : i32
      %parallel_loop3A_267 = arith.constant 128 : i32
      %parallel_loop3A_268 = arith.constant 1 : i32
      scf.for %parallel_loop3A_428 = %parallel_loop3A_266 to %parallel_loop3A_267 step %parallel_loop3A_268  : i32 {
        %parallel_loop3A_429 = arith.constant 16 : i32
        %parallel_loop3A_430 = arith.muli %parallel_loop3A_428, %parallel_loop3A_429 : i32
        %parallel_loop3A_431 = arith.constant 0 : i32
        %parallel_loop3A_432 = arith.index_cast %parallel_loop3A_431 : i32 to index
        %parallel_loop3A_433 = arith.index_cast %parallel_loop3A_430 : i32 to index
        %parallel_loop3A_434 = tpu.vector_load %arg7[%parallel_loop3A_432, %parallel_loop3A_433] {strides = array<i32>} : memref<2x2048xi32, #tpu.memory_space<vmem>>, vector<16xi32>,
        %parallel_loop3A_435 = arith.constant 16 : i32
        %parallel_loop3A_436 = vector.broadcast %parallel_loop3A_435 : i32 to vector<16xi32>
        %parallel_loop3A_437 = arith.muli %parallel_loop3A_434, %parallel_loop3A_436 : vector<16xi32>
        %parallel_loop3A_438 = arith.addi %parallel_loop3A_437, %iota3A : vector<16xi32>
        %parallel_loop3A_439 = arith.constant dense<true> : vector<16xi1>
        %parallel_loop3A_440, %parallel_loop3A_441, %parallel_loop3A_442 = tpu.sort %parallel_loop3A_438, %parallel_loop3A_438 masked %parallel_loop3A_439 : (vector<16xi32>, vector<16xi32>, vector<16xi1>) -> (vector<16xi1>, vector<16xi32>, vector<16xi32>)
        %parallel_loop3A_443 = arith.constant 4 : i32
        %parallel_loop3A_444 = vector.broadcast %parallel_loop3A_443 : i32 to vector<16xi32>
        %parallel_loop3A_445 = arith.shrui %parallel_loop3A_441, %parallel_loop3A_444 : vector<16xi32>
        %parallel_loop3A_446 = arith.constant 16 : i32
        %parallel_loop3A_447 = arith.muli %parallel_loop3A_428, %parallel_loop3A_446 : i32
        %parallel_loop3A_448 = arith.index_cast %parallel_loop3A_447 : i32 to index
        %parallel_loop3A_449 = tpu.vector_load %arg10[%parallel_loop3A_448] {strides = array<i32>} : memref<2064xi32, #tpu.memory_space<vmem>>, vector<16xi32>,
        tpu.vector_store %arg10[%parallel_loop3A_448], %parallel_loop3A_445 {strides = array<i32>} : memref<2064xi32, #tpu.memory_space<vmem>>, vector<16xi32>,
        %parallel_loop3A_450 = arith.constant 16 : i32
        %parallel_loop3A_451 = arith.muli %parallel_loop3A_428, %parallel_loop3A_450 : i32
        %parallel_loop3A_452 = arith.constant 8192 : i32
        %parallel_loop3A_453 = arith.addi %parallel_loop3A_452, %parallel_loop3A_451 : i32
        %parallel_loop3A_454 = arith.constant 15 : i32
        %parallel_loop3A_455 = vector.broadcast %parallel_loop3A_454 : i32 to vector<16xi32>
        %parallel_loop3A_456 = arith.andi %parallel_loop3A_441, %parallel_loop3A_455 : vector<16xi32>
        %parallel_loop3A_457 = vector.broadcast %parallel_loop3A_453 : i32 to vector<16xi32>
        %parallel_loop3A_458 = arith.addi %parallel_loop3A_457, %parallel_loop3A_456 : vector<16xi32>
        %parallel_loop3A_459 = arith.constant 16 : i32
        %parallel_loop3A_460 = arith.muli %parallel_loop3A_428, %parallel_loop3A_459 : i32
        %parallel_loop3A_461 = arith.index_cast %parallel_loop3A_460 : i32 to index
        %parallel_loop3A_462 = tpu.vector_load %arg11[%parallel_loop3A_461] {strides = array<i32>} : memref<2048xi32, #tpu.memory_space<vmem>>, vector<16xi32>,
        tpu.vector_store %arg11[%parallel_loop3A_461], %parallel_loop3A_458 {strides = array<i32>} : memref<2048xi32, #tpu.memory_space<vmem>>, vector<16xi32>,
      } {sc.loop_unroll_factor = 4 : i64, sc.parallel_access}
      %scan3A_269 = arith.constant 0 : i32
      %scan3A_270 = arith.constant 0 : i32
      %scan3A_271 = arith.constant 64 : i32
      %scan3A_272 = arith.addi %scan3A_270, %scan3A_271 : i32
      %scan3A_273 = arith.constant 1 : i32
      %scan3A_274 = scf.for %scan3A_428 = %scan3A_270 to %scan3A_272 step %scan3A_273 iter_args(%scan3A_429 = %scan3A_269) -> (i32)  : i32 {
        %mul3A_430 = arith.constant 2 : i32
        %mul3A_431 = arith.muli %scan3A_428, %mul3A_430 : i32
        %add3A_432 = arith.constant 0 : i32
        %add3A_433 = arith.addi %mul3A_431, %add3A_432 : i32
        %mul3A_434 = arith.constant 16 : i32
        %mul3A_435 = arith.muli %add3A_433, %mul3A_434 : i32
        %get3A = arith.index_cast %mul3A_435 : i32 to index
        %get3A_436 = tpu.vector_load %arg10[%get3A] {strides = array<i32>} : memref<2064xi32, #tpu.memory_space<vmem>>, vector<16xi32>,
        %mul3A_437 = arith.constant 16 : i32
        %mul3A_438 = arith.muli %add3A_433, %mul3A_437 : i32
        %add3A_439 = arith.constant 1 : i32
        %add3A_440 = arith.addi %mul3A_438, %add3A_439 : i32
        %get3A_441 = arith.index_cast %add3A_440 : i32 to index
        %get3A_442 = tpu.vector_load %arg10[%get3A_441] {strides = array<i32>} : memref<2064xi32, #tpu.memory_space<vmem>>, vector<16xi32>,
        %mul3A_443 = arith.constant 16 : i32
        %mul3A_444 = arith.muli %add3A_433, %mul3A_443 : i32
        %get3A_445 = arith.index_cast %mul3A_444 : i32 to index
        %get3A_446 = tpu.vector_load %arg11[%get3A_445] {strides = array<i32>} : memref<2048xi32, #tpu.memory_space<vmem>>, vector<16xi32>,
        %ne3A = arith.cmpi ne, %get3A_436, %get3A_442 : vector<16xi32>
        %jit3A = arith.constant 100000 : i32
        %broadcast_in_dim3A_447 = vector.broadcast %jit3A : i32 to vector<16xi32>
        %select_n3A = arith.select %ne3A, %get3A_436, %broadcast_in_dim3A_447 : vector<16xi1>, vector<16xi32>
        tpu.vector_store_idx %run_scoped3A_49[%select_n3A], %get3A_446 : memref<100016xi32, #tpu.memory_space<vmem>>[vector<16xi32>], vector<16xi32>,
        %mul3A_448 = arith.constant 2 : i32
        %mul3A_449 = arith.muli %scan3A_428, %mul3A_448 : i32
        %add3A_450 = arith.constant 1 : i32
        %add3A_451 = arith.addi %mul3A_449, %add3A_450 : i32
        %mul3A_452 = arith.constant 16 : i32
        %mul3A_453 = arith.muli %add3A_451, %mul3A_452 : i32
        %get3A_454 = arith.index_cast %mul3A_453 : i32 to index
        %get3A_455 = tpu.vector_load %arg10[%get3A_454] {strides = array<i32>} : memref<2064xi32, #tpu.memory_space<vmem>>, vector<16xi32>,
        %mul3A_456 = arith.constant 16 : i32
        %mul3A_457 = arith.muli %add3A_451, %mul3A_456 : i32
        %add3A_458 = arith.constant 1 : i32
        %add3A_459 = arith.addi %mul3A_457, %add3A_458 : i32
        %get3A_460 = arith.index_cast %add3A_459 : i32 to index
        %get3A_461 = tpu.vector_load %arg10[%get3A_460] {strides = array<i32>} : memref<2064xi32, #tpu.memory_space<vmem>>, vector<16xi32>,
        %mul3A_462 = arith.constant 16 : i32
        %mul3A_463 = arith.muli %add3A_451, %mul3A_462 : i32
        %get3A_464 = arith.index_cast %mul3A_463 : i32 to index
        %get3A_465 = tpu.vector_load %arg11[%get3A_464] {strides = array<i32>} : memref<2048xi32, #tpu.memory_space<vmem>>, vector<16xi32>,
        %ne3A_466 = arith.cmpi ne, %get3A_455, %get3A_461 : vector<16xi32>
        %jit3A_467 = arith.constant 100000 : i32
        %broadcast_in_dim3A_468 = vector.broadcast %jit3A_467 : i32 to vector<16xi32>
        %select_n3A_469 = arith.select %ne3A_466, %get3A_455, %broadcast_in_dim3A_468 : vector<16xi1>, vector<16xi32>
        tpu.vector_store_idx %run_scoped3A_49[%select_n3A_469], %get3A_465 : memref<100016xi32, #tpu.memory_space<vmem>>[vector<16xi32>], vector<16xi32>,
        %scan3A_470 = arith.constant 0 : i32
        scf.yield %scan3A_470 : i32
      }
      %scan3A_275 = arith.constant 64 : i32
      %dma_start3A_276 = arith.constant 0 : i32
      %dma_start3A_277 = arith.constant 0 : i32
      %dma_start3A_278 = tpu.memref_slice %arg7[%dma_start3A_276, %dma_start3A_277] : memref<2x2048xi32, #tpu.memory_space<vmem>> -> memref<1x2048xi32, #tpu.memory_space<vmem>>
      %dma_start3A_279 = tpu.memref_squeeze %dma_start3A_278 : memref<1x2048xi32, #tpu.memory_space<vmem>> -> memref<2048xi32, #tpu.memory_space<vmem>>
      %dma_start3A_280 = arith.constant 12288 : i32
      %dma_start3A_281 = tpu.memref_slice %arg4[%dma_start3A_280] : memref<16384xi32, #tpu.memory_space<hbm>> -> memref<2048xi32, #tpu.memory_space<hbm>>
      %dma_start3A_282 = arith.constant 0 : i32
      %dma_start3A_283 = tpu.memref_slice %arg7[%dma_start3A_276, %dma_start3A_282] : memref<2x2048xi32, #tpu.memory_space<vmem>> -> memref<1x2048xi32, #tpu.memory_space<vmem>>
      %dma_start3A_284 = tpu.memref_squeeze %dma_start3A_283 : memref<1x2048xi32, #tpu.memory_space<vmem>> -> memref<2048xi32, #tpu.memory_space<vmem>>
      %dma_start3A_285 = arith.constant 12288 : i32
      %dma_start3A_286 = tpu.memref_slice %arg4[%dma_start3A_285] : memref<16384xi32, #tpu.memory_space<hbm>> -> memref<2048xi32, #tpu.memory_space<hbm>>
      tpu.enqueue_dma source(%dma_start3A_286 : memref<2048xi32, #tpu.memory_space<hbm>>) target(%dma_start3A_284 : memref<2048xi32, #tpu.memory_space<vmem>>) target_semaphore(%arg13 : memref<!tpu.dma_semaphore, #tpu.memory_space<semaphore_mem>>)
      %dma_wait3A_287 = arith.constant 0 : i32
      %dma_wait3A_288 = arith.constant 0 : i32
      %dma_wait3A_289 = arith.constant 0 : i32
      %dma_wait3A_290 = tpu.memref_slice %arg12[%dma_wait3A_287, %dma_wait3A_288, %dma_wait3A_289] : memref<2x64x128xf32, #tpu.memory_space<vmem>> -> memref<1x64x128xf32, #tpu.memory_space<vmem>>
      %dma_wait3A_291 = tpu.memref_squeeze %dma_wait3A_290 : memref<1x64x128xf32, #tpu.memory_space<vmem>> -> memref<64x128xf32, #tpu.memory_space<vmem>>
      %dma_wait3A_292 = arith.constant 256 : i32
      %dma_wait3A_293 = tpu.memref_slice %arg8[%dma_wait3A_292] : memref<512xi32, #tpu.memory_space<vmem>> -> memref<64xi32, #tpu.memory_space<vmem>>
      %dma_wait3A_294 = arith.constant 0 : i32
      %dma_wait3A_295 = arith.constant 0 : i32
      %dma_wait3A_296 = tpu.memref_slice %arg2[%dma_wait3A_294, %dma_wait3A_295] : memref<100000x128xf32, #tpu.memory_space<hbm>> -> memref<100000x128xf32, #tpu.memory_space<hbm>>
      tpu.wait_indirect_dma semaphore(%arg15 : memref<!tpu.dma_semaphore, #tpu.memory_space<semaphore_mem>>) src(%dma_wait3A_296 : memref<100000x128xf32, #tpu.memory_space<hbm>>) dst(%dma_wait3A_291 : memref<64x128xf32, #tpu.memory_space<vmem>>)
      %run_scoped3A_297 = arith.constant 0 : i32
      "tpu.region"() ({
        %run_scoped3A_428 = tpu.sem_alloc : memref<!tpu.dma_semaphore, #tpu.memory_space<semaphore_mem>>
        %dma_start3A_429 = arith.constant 0 : i32
        %dma_start3A_430 = arith.constant 0 : i32
        %dma_start3A_431 = tpu.memref_slice %arg12[%run_scoped3A_297, %dma_start3A_429, %dma_start3A_430] : memref<2x64x128xf32, #tpu.memory_space<vmem>> -> memref<1x64x128xf32, #tpu.memory_space<vmem>>
        %dma_start3A_432 = tpu.memref_squeeze %dma_start3A_431 : memref<1x64x128xf32, #tpu.memory_space<vmem>> -> memref<64x128xf32, #tpu.memory_space<vmem>>
        %dma_start3A_433 = arith.constant 256 : i32
        %dma_start3A_434 = arith.constant 0 : i32
        %dma_start3A_435 = tpu.memref_slice %arg5[%add3A, %dma_start3A_433, %dma_start3A_434] : memref<32x512x128xf32, #tpu.memory_space<hbm>> -> memref<1x64x128xf32, #tpu.memory_space<hbm>>
        %dma_start3A_436 = tpu.memref_squeeze %dma_start3A_435 : memref<1x64x128xf32, #tpu.memory_space<hbm>> -> memref<64x128xf32, #tpu.memory_space<hbm>>
        %dma_start3A_437 = arith.constant 256 : i32
        %dma_start3A_438 = arith.constant 0 : i32
        %dma_start3A_439 = tpu.memref_slice %arg5[%add3A, %dma_start3A_437, %dma_start3A_438] : memref<32x512x128xf32, #tpu.memory_space<hbm>> -> memref<1x64x128xf32, #tpu.memory_space<hbm>>
        %dma_start3A_440 = tpu.memref_squeeze %dma_start3A_439 : memref<1x64x128xf32, #tpu.memory_space<hbm>> -> memref<64x128xf32, #tpu.memory_space<hbm>>
        %dma_start3A_441 = arith.constant 0 : i32
        %dma_start3A_442 = arith.constant 0 : i32
        %dma_start3A_443 = tpu.memref_slice %arg12[%run_scoped3A_297, %dma_start3A_441, %dma_start3A_442] : memref<2x64x128xf32, #tpu.memory_space<vmem>> -> memref<1x64x128xf32, #tpu.memory_space<vmem>>
        %dma_start3A_444 = tpu.memref_squeeze %dma_start3A_443 : memref<1x64x128xf32, #tpu.memory_space<vmem>> -> memref<64x128xf32, #tpu.memory_space<vmem>>
        tpu.enqueue_dma source(%dma_start3A_444 : memref<64x128xf32, #tpu.memory_space<vmem>>) target(%dma_start3A_440 : memref<64x128xf32, #tpu.memory_space<hbm>>) target_semaphore(%run_scoped3A_428 : memref<!tpu.dma_semaphore, #tpu.memory_space<semaphore_mem>>)
        %dma_wait3A_445 = arith.constant 0 : i32
        %dma_wait3A_446 = arith.constant 0 : i32
        %dma_wait3A_447 = tpu.memref_slice %arg12[%run_scoped3A_297, %dma_wait3A_445, %dma_wait3A_446] : memref<2x64x128xf32, #tpu.memory_space<vmem>> -> memref<1x64x128xf32, #tpu.memory_space<vmem>>
        %dma_wait3A_448 = tpu.memref_squeeze %dma_wait3A_447 : memref<1x64x128xf32, #tpu.memory_space<vmem>> -> memref<64x128xf32, #tpu.memory_space<vmem>>
        %dma_wait3A_449 = arith.constant 256 : i32
        %dma_wait3A_450 = arith.constant 0 : i32
        %dma_wait3A_451 = tpu.memref_slice %arg5[%add3A, %dma_wait3A_449, %dma_wait3A_450] : memref<32x512x128xf32, #tpu.memory_space<hbm>> -> memref<1x64x128xf32, #tpu.memory_space<hbm>>
        %dma_wait3A_452 = tpu.memref_squeeze %dma_wait3A_451 : memref<1x64x128xf32, #tpu.memory_space<hbm>> -> memref<64x128xf32, #tpu.memory_space<hbm>>
        %dma_wait3A_453 = arith.constant 256 : i32
        %dma_wait3A_454 = arith.constant 0 : i32
        %dma_wait3A_455 = tpu.memref_slice %arg5[%add3A, %dma_wait3A_453, %dma_wait3A_454] : memref<32x512x128xf32, #tpu.memory_space<hbm>> -> memref<1x64x128xf32, #tpu.memory_space<hbm>>
        %dma_wait3A_456 = tpu.memref_squeeze %dma_wait3A_455 : memref<1x64x128xf32, #tpu.memory_space<hbm>> -> memref<64x128xf32, #tpu.memory_space<hbm>>
        %dma_wait3A_457 = arith.constant 0 : i32
        %dma_wait3A_458 = arith.constant 0 : i32
        %dma_wait3A_459 = tpu.memref_slice %arg12[%run_scoped3A_297, %dma_wait3A_457, %dma_wait3A_458] : memref<2x64x128xf32, #tpu.memory_space<vmem>> -> memref<1x64x128xf32, #tpu.memory_space<vmem>>
        %dma_wait3A_460 = tpu.memref_squeeze %dma_wait3A_459 : memref<1x64x128xf32, #tpu.memory_space<vmem>> -> memref<64x128xf32, #tpu.memory_space<vmem>>
        tpu.wait_dma2 semaphore(%run_scoped3A_428 : memref<!tpu.dma_semaphore, #tpu.memory_space<semaphore_mem>>) src(%dma_wait3A_460 : memref<64x128xf32, #tpu.memory_space<vmem>>) dst(%dma_wait3A_456 : memref<64x128xf32, #tpu.memory_space<hbm>>)
        tpu.yield
      }) : () -> ()
      %dma_start3A_298 = arith.constant 0 : i32
      %dma_start3A_299 = arith.constant 0 : i32
      %dma_start3A_300 = arith.constant 0 : i32
      %dma_start3A_301 = tpu.memref_slice %arg12[%dma_start3A_298, %dma_start3A_299, %dma_start3A_300] : memref<2x64x128xf32, #tpu.memory_space<vmem>> -> memref<1x64x128xf32, #tpu.memory_space<vmem>>
      %dma_start3A_302 = tpu.memref_squeeze %dma_start3A_301 : memref<1x64x128xf32, #tpu.memory_space<vmem>> -> memref<64x128xf32, #tpu.memory_space<vmem>>
      %dma_start3A_303 = arith.constant 384 : i32
      %dma_start3A_304 = tpu.memref_slice %arg8[%dma_start3A_303] : memref<512xi32, #tpu.memory_space<vmem>> -> memref<64xi32, #tpu.memory_space<vmem>>
      %dma_start3A_305 = arith.constant 0 : i32
      %dma_start3A_306 = arith.constant 0 : i32
      %dma_start3A_307 = tpu.memref_slice %arg2[%dma_start3A_305, %dma_start3A_306] : memref<100000x128xf32, #tpu.memory_space<hbm>> -> memref<100000x128xf32, #tpu.memory_space<hbm>>
      tpu.enqueue_indirect_dma source(%dma_start3A_307 : memref<100000x128xf32, #tpu.memory_space<hbm>>) target(%dma_start3A_302 : memref<64x128xf32, #tpu.memory_space<vmem>>) offsets(%dma_start3A_304 : memref<64xi32, #tpu.memory_space<vmem>>) semaphore(%arg15 : memref<!tpu.dma_semaphore, #tpu.memory_space<semaphore_mem>>)
      %dma_wait3A_308 = arith.constant 1 : i32
      %dma_wait3A_309 = arith.constant 0 : i32
      %dma_wait3A_310 = tpu.memref_slice %arg7[%dma_wait3A_308, %dma_wait3A_309] : memref<2x2048xi32, #tpu.memory_space<vmem>> -> memref<1x2048xi32, #tpu.memory_space<vmem>>
      %dma_wait3A_311 = tpu.memref_squeeze %dma_wait3A_310 : memref<1x2048xi32, #tpu.memory_space<vmem>> -> memref<2048xi32, #tpu.memory_space<vmem>>
      %dma_wait3A_312 = arith.constant 10240 : i32
      %dma_wait3A_313 = tpu.memref_slice %arg4[%dma_wait3A_312] : memref<16384xi32, #tpu.memory_space<hbm>> -> memref<2048xi32, #tpu.memory_space<hbm>>
      %dma_wait3A_314 = arith.constant 0 : i32
      %dma_wait3A_315 = tpu.memref_slice %arg7[%dma_wait3A_308, %dma_wait3A_314] : memref<2x2048xi32, #tpu.memory_space<vmem>> -> memref<1x2048xi32, #tpu.memory_space<vmem>>
      %dma_wait3A_316 = tpu.memref_squeeze %dma_wait3A_315 : memref<1x2048xi32, #tpu.memory_space<vmem>> -> memref<2048xi32, #tpu.memory_space<vmem>>
      %dma_wait3A_317 = arith.constant 10240 : i32
      %dma_wait3A_318 = tpu.memref_slice %arg4[%dma_wait3A_317] : memref<16384xi32, #tpu.memory_space<hbm>> -> memref<2048xi32, #tpu.memory_space<hbm>>
      tpu.wait_dma2 semaphore(%arg14 : memref<!tpu.dma_semaphore, #tpu.memory_space<semaphore_mem>>) src(%dma_wait3A_318 : memref<2048xi32, #tpu.memory_space<hbm>>) dst(%dma_wait3A_316 : memref<2048xi32, #tpu.memory_space<vmem>>)
      %parallel_loop3A_319 = arith.constant 0 : i32
      %parallel_loop3A_320 = arith.constant 128 : i32
      %parallel_loop3A_321 = arith.constant 1 : i32
      scf.for %parallel_loop3A_428 = %parallel_loop3A_319 to %parallel_loop3A_320 step %parallel_loop3A_321  : i32 {
        %parallel_loop3A_429 = arith.constant 16 : i32
        %parallel_loop3A_430 = arith.muli %parallel_loop3A_428, %parallel_loop3A_429 : i32
        %parallel_loop3A_431 = arith.constant 1 : i32
        %parallel_loop3A_432 = arith.index_cast %parallel_loop3A_431 : i32 to index
        %parallel_loop3A_433 = arith.index_cast %parallel_loop3A_430 : i32 to index
        %parallel_loop3A_434 = tpu.vector_load %arg7[%parallel_loop3A_432, %parallel_loop3A_433] {strides = array<i32>} : memref<2x2048xi32, #tpu.memory_space<vmem>>, vector<16xi32>,
        %parallel_loop3A_435 = arith.constant 16 : i32
        %parallel_loop3A_436 = vector.broadcast %parallel_loop3A_435 : i32 to vector<16xi32>
        %parallel_loop3A_437 = arith.muli %parallel_loop3A_434, %parallel_loop3A_436 : vector<16xi32>
        %parallel_loop3A_438 = arith.addi %parallel_loop3A_437, %iota3A : vector<16xi32>
        %parallel_loop3A_439 = arith.constant dense<true> : vector<16xi1>
        %parallel_loop3A_440, %parallel_loop3A_441, %parallel_loop3A_442 = tpu.sort %parallel_loop3A_438, %parallel_loop3A_438 masked %parallel_loop3A_439 : (vector<16xi32>, vector<16xi32>, vector<16xi1>) -> (vector<16xi1>, vector<16xi32>, vector<16xi32>)
        %parallel_loop3A_443 = arith.constant 4 : i32
        %parallel_loop3A_444 = vector.broadcast %parallel_loop3A_443 : i32 to vector<16xi32>
        %parallel_loop3A_445 = arith.shrui %parallel_loop3A_441, %parallel_loop3A_444 : vector<16xi32>
        %parallel_loop3A_446 = arith.constant 16 : i32
        %parallel_loop3A_447 = arith.muli %parallel_loop3A_428, %parallel_loop3A_446 : i32
        %parallel_loop3A_448 = arith.index_cast %parallel_loop3A_447 : i32 to index
        %parallel_loop3A_449 = tpu.vector_load %arg10[%parallel_loop3A_448] {strides = array<i32>} : memref<2064xi32, #tpu.memory_space<vmem>>, vector<16xi32>,
        tpu.vector_store %arg10[%parallel_loop3A_448], %parallel_loop3A_445 {strides = array<i32>} : memref<2064xi32, #tpu.memory_space<vmem>>, vector<16xi32>,
        %parallel_loop3A_450 = arith.constant 16 : i32
        %parallel_loop3A_451 = arith.muli %parallel_loop3A_428, %parallel_loop3A_450 : i32
        %parallel_loop3A_452 = arith.constant 10240 : i32
        %parallel_loop3A_453 = arith.addi %parallel_loop3A_452, %parallel_loop3A_451 : i32
        %parallel_loop3A_454 = arith.constant 15 : i32
        %parallel_loop3A_455 = vector.broadcast %parallel_loop3A_454 : i32 to vector<16xi32>
        %parallel_loop3A_456 = arith.andi %parallel_loop3A_441, %parallel_loop3A_455 : vector<16xi32>
        %parallel_loop3A_457 = vector.broadcast %parallel_loop3A_453 : i32 to vector<16xi32>
        %parallel_loop3A_458 = arith.addi %parallel_loop3A_457, %parallel_loop3A_456 : vector<16xi32>
        %parallel_loop3A_459 = arith.constant 16 : i32
        %parallel_loop3A_460 = arith.muli %parallel_loop3A_428, %parallel_loop3A_459 : i32
        %parallel_loop3A_461 = arith.index_cast %parallel_loop3A_460 : i32 to index
        %parallel_loop3A_462 = tpu.vector_load %arg11[%parallel_loop3A_461] {strides = array<i32>} : memref<2048xi32, #tpu.memory_space<vmem>>, vector<16xi32>,
        tpu.vector_store %arg11[%parallel_loop3A_461], %parallel_loop3A_458 {strides = array<i32>} : memref<2048xi32, #tpu.memory_space<vmem>>, vector<16xi32>,
      } {sc.loop_unroll_factor = 4 : i64, sc.parallel_access}
      %scan3A_322 = arith.constant 0 : i32
      %scan3A_323 = arith.constant 0 : i32
      %scan3A_324 = arith.constant 64 : i32
      %scan3A_325 = arith.addi %scan3A_323, %scan3A_324 : i32
      %scan3A_326 = arith.constant 1 : i32
      %scan3A_327 = scf.for %scan3A_428 = %scan3A_323 to %scan3A_325 step %scan3A_326 iter_args(%scan3A_429 = %scan3A_322) -> (i32)  : i32 {
        %mul3A_430 = arith.constant 2 : i32
        %mul3A_431 = arith.muli %scan3A_428, %mul3A_430 : i32
        %add3A_432 = arith.constant 0 : i32
        %add3A_433 = arith.addi %mul3A_431, %add3A_432 : i32
        %mul3A_434 = arith.constant 16 : i32
        %mul3A_435 = arith.muli %add3A_433, %mul3A_434 : i32
        %get3A = arith.index_cast %mul3A_435 : i32 to index
        %get3A_436 = tpu.vector_load %arg10[%get3A] {strides = array<i32>} : memref<2064xi32, #tpu.memory_space<vmem>>, vector<16xi32>,
        %mul3A_437 = arith.constant 16 : i32
        %mul3A_438 = arith.muli %add3A_433, %mul3A_437 : i32
        %add3A_439 = arith.constant 1 : i32
        %add3A_440 = arith.addi %mul3A_438, %add3A_439 : i32
        %get3A_441 = arith.index_cast %add3A_440 : i32 to index
        %get3A_442 = tpu.vector_load %arg10[%get3A_441] {strides = array<i32>} : memref<2064xi32, #tpu.memory_space<vmem>>, vector<16xi32>,
        %mul3A_443 = arith.constant 16 : i32
        %mul3A_444 = arith.muli %add3A_433, %mul3A_443 : i32
        %get3A_445 = arith.index_cast %mul3A_444 : i32 to index
        %get3A_446 = tpu.vector_load %arg11[%get3A_445] {strides = array<i32>} : memref<2048xi32, #tpu.memory_space<vmem>>, vector<16xi32>,
        %ne3A = arith.cmpi ne, %get3A_436, %get3A_442 : vector<16xi32>
        %jit3A = arith.constant 100000 : i32
        %broadcast_in_dim3A_447 = vector.broadcast %jit3A : i32 to vector<16xi32>
        %select_n3A = arith.select %ne3A, %get3A_436, %broadcast_in_dim3A_447 : vector<16xi1>, vector<16xi32>
        tpu.vector_store_idx %run_scoped3A_49[%select_n3A], %get3A_446 : memref<100016xi32, #tpu.memory_space<vmem>>[vector<16xi32>], vector<16xi32>,
        %mul3A_448 = arith.constant 2 : i32
        %mul3A_449 = arith.muli %scan3A_428, %mul3A_448 : i32
        %add3A_450 = arith.constant 1 : i32
        %add3A_451 = arith.addi %mul3A_449, %add3A_450 : i32
        %mul3A_452 = arith.constant 16 : i32
        %mul3A_453 = arith.muli %add3A_451, %mul3A_452 : i32
        %get3A_454 = arith.index_cast %mul3A_453 : i32 to index
        %get3A_455 = tpu.vector_load %arg10[%get3A_454] {strides = array<i32>} : memref<2064xi32, #tpu.memory_space<vmem>>, vector<16xi32>,
        %mul3A_456 = arith.constant 16 : i32
        %mul3A_457 = arith.muli %add3A_451, %mul3A_456 : i32
        %add3A_458 = arith.constant 1 : i32
        %add3A_459 = arith.addi %mul3A_457, %add3A_458 : i32
        %get3A_460 = arith.index_cast %add3A_459 : i32 to index
        %get3A_461 = tpu.vector_load %arg10[%get3A_460] {strides = array<i32>} : memref<2064xi32, #tpu.memory_space<vmem>>, vector<16xi32>,
        %mul3A_462 = arith.constant 16 : i32
        %mul3A_463 = arith.muli %add3A_451, %mul3A_462 : i32
        %get3A_464 = arith.index_cast %mul3A_463 : i32 to index
        %get3A_465 = tpu.vector_load %arg11[%get3A_464] {strides = array<i32>} : memref<2048xi32, #tpu.memory_space<vmem>>, vector<16xi32>,
        %ne3A_466 = arith.cmpi ne, %get3A_455, %get3A_461 : vector<16xi32>
        %jit3A_467 = arith.constant 100000 : i32
        %broadcast_in_dim3A_468 = vector.broadcast %jit3A_467 : i32 to vector<16xi32>
        %select_n3A_469 = arith.select %ne3A_466, %get3A_455, %broadcast_in_dim3A_468 : vector<16xi1>, vector<16xi32>
        tpu.vector_store_idx %run_scoped3A_49[%select_n3A_469], %get3A_465 : memref<100016xi32, #tpu.memory_space<vmem>>[vector<16xi32>], vector<16xi32>,
        %scan3A_470 = arith.constant 0 : i32
        scf.yield %scan3A_470 : i32
      }
      %scan3A_328 = arith.constant 64 : i32
      %dma_start3A_329 = arith.constant 1 : i32
      %dma_start3A_330 = arith.constant 0 : i32
      %dma_start3A_331 = tpu.memref_slice %arg7[%dma_start3A_329, %dma_start3A_330] : memref<2x2048xi32, #tpu.memory_space<vmem>> -> memref<1x2048xi32, #tpu.memory_space<vmem>>
      %dma_start3A_332 = tpu.memref_squeeze %dma_start3A_331 : memref<1x2048xi32, #tpu.memory_space<vmem>> -> memref<2048xi32, #tpu.memory_space<vmem>>
      %dma_start3A_333 = arith.constant 14336 : i32
      %dma_start3A_334 = tpu.memref_slice %arg4[%dma_start3A_333] : memref<16384xi32, #tpu.memory_space<hbm>> -> memref<2048xi32, #tpu.memory_space<hbm>>
      %dma_start3A_335 = arith.constant 0 : i32
      %dma_start3A_336 = tpu.memref_slice %arg7[%dma_start3A_329, %dma_start3A_335] : memref<2x2048xi32, #tpu.memory_space<vmem>> -> memref<1x2048xi32, #tpu.memory_space<vmem>>
      %dma_start3A_337 = tpu.memref_squeeze %dma_start3A_336 : memref<1x2048xi32, #tpu.memory_space<vmem>> -> memref<2048xi32, #tpu.memory_space<vmem>>
      %dma_start3A_338 = arith.constant 14336 : i32
      %dma_start3A_339 = tpu.memref_slice %arg4[%dma_start3A_338] : memref<16384xi32, #tpu.memory_space<hbm>> -> memref<2048xi32, #tpu.memory_space<hbm>>
      tpu.enqueue_dma source(%dma_start3A_339 : memref<2048xi32, #tpu.memory_space<hbm>>) target(%dma_start3A_337 : memref<2048xi32, #tpu.memory_space<vmem>>) target_semaphore(%arg14 : memref<!tpu.dma_semaphore, #tpu.memory_space<semaphore_mem>>)
      %dma_wait3A_340 = arith.constant 1 : i32
      %dma_wait3A_341 = arith.constant 0 : i32
      %dma_wait3A_342 = arith.constant 0 : i32
      %dma_wait3A_343 = tpu.memref_slice %arg12[%dma_wait3A_340, %dma_wait3A_341, %dma_wait3A_342] : memref<2x64x128xf32, #tpu.memory_space<vmem>> -> memref<1x64x128xf32, #tpu.memory_space<vmem>>
      %dma_wait3A_344 = tpu.memref_squeeze %dma_wait3A_343 : memref<1x64x128xf32, #tpu.memory_space<vmem>> -> memref<64x128xf32, #tpu.memory_space<vmem>>
      %dma_wait3A_345 = arith.constant 320 : i32
      %dma_wait3A_346 = tpu.memref_slice %arg8[%dma_wait3A_345] : memref<512xi32, #tpu.memory_space<vmem>> -> memref<64xi32, #tpu.memory_space<vmem>>
      %dma_wait3A_347 = arith.constant 0 : i32
      %dma_wait3A_348 = arith.constant 0 : i32
      %dma_wait3A_349 = tpu.memref_slice %arg2[%dma_wait3A_347, %dma_wait3A_348] : memref<100000x128xf32, #tpu.memory_space<hbm>> -> memref<100000x128xf32, #tpu.memory_space<hbm>>
      tpu.wait_indirect_dma semaphore(%arg16 : memref<!tpu.dma_semaphore, #tpu.memory_space<semaphore_mem>>) src(%dma_wait3A_349 : memref<100000x128xf32, #tpu.memory_space<hbm>>) dst(%dma_wait3A_344 : memref<64x128xf32, #tpu.memory_space<vmem>>)
      %run_scoped3A_350 = arith.constant 1 : i32
      "tpu.region"() ({
        %run_scoped3A_428 = tpu.sem_alloc : memref<!tpu.dma_semaphore, #tpu.memory_space<semaphore_mem>>
        %dma_start3A_429 = arith.constant 0 : i32
        %dma_start3A_430 = arith.constant 0 : i32
        %dma_start3A_431 = tpu.memref_slice %arg12[%run_scoped3A_350, %dma_start3A_429, %dma_start3A_430] : memref<2x64x128xf32, #tpu.memory_space<vmem>> -> memref<1x64x128xf32, #tpu.memory_space<vmem>>
        %dma_start3A_432 = tpu.memref_squeeze %dma_start3A_431 : memref<1x64x128xf32, #tpu.memory_space<vmem>> -> memref<64x128xf32, #tpu.memory_space<vmem>>
        %dma_start3A_433 = arith.constant 320 : i32
        %dma_start3A_434 = arith.constant 0 : i32
        %dma_start3A_435 = tpu.memref_slice %arg5[%add3A, %dma_start3A_433, %dma_start3A_434] : memref<32x512x128xf32, #tpu.memory_space<hbm>> -> memref<1x64x128xf32, #tpu.memory_space<hbm>>
        %dma_start3A_436 = tpu.memref_squeeze %dma_start3A_435 : memref<1x64x128xf32, #tpu.memory_space<hbm>> -> memref<64x128xf32, #tpu.memory_space<hbm>>
        %dma_start3A_437 = arith.constant 320 : i32
        %dma_start3A_438 = arith.constant 0 : i32
        %dma_start3A_439 = tpu.memref_slice %arg5[%add3A, %dma_start3A_437, %dma_start3A_438] : memref<32x512x128xf32, #tpu.memory_space<hbm>> -> memref<1x64x128xf32, #tpu.memory_space<hbm>>
        %dma_start3A_440 = tpu.memref_squeeze %dma_start3A_439 : memref<1x64x128xf32, #tpu.memory_space<hbm>> -> memref<64x128xf32, #tpu.memory_space<hbm>>
        %dma_start3A_441 = arith.constant 0 : i32
        %dma_start3A_442 = arith.constant 0 : i32
        %dma_start3A_443 = tpu.memref_slice %arg12[%run_scoped3A_350, %dma_start3A_441, %dma_start3A_442] : memref<2x64x128xf32, #tpu.memory_space<vmem>> -> memref<1x64x128xf32, #tpu.memory_space<vmem>>
        %dma_start3A_444 = tpu.memref_squeeze %dma_start3A_443 : memref<1x64x128xf32, #tpu.memory_space<vmem>> -> memref<64x128xf32, #tpu.memory_space<vmem>>
        tpu.enqueue_dma source(%dma_start3A_444 : memref<64x128xf32, #tpu.memory_space<vmem>>) target(%dma_start3A_440 : memref<64x128xf32, #tpu.memory_space<hbm>>) target_semaphore(%run_scoped3A_428 : memref<!tpu.dma_semaphore, #tpu.memory_space<semaphore_mem>>)
        %dma_wait3A_445 = arith.constant 0 : i32
        %dma_wait3A_446 = arith.constant 0 : i32
        %dma_wait3A_447 = tpu.memref_slice %arg12[%run_scoped3A_350, %dma_wait3A_445, %dma_wait3A_446] : memref<2x64x128xf32, #tpu.memory_space<vmem>> -> memref<1x64x128xf32, #tpu.memory_space<vmem>>
        %dma_wait3A_448 = tpu.memref_squeeze %dma_wait3A_447 : memref<1x64x128xf32, #tpu.memory_space<vmem>> -> memref<64x128xf32, #tpu.memory_space<vmem>>
        %dma_wait3A_449 = arith.constant 320 : i32
        %dma_wait3A_450 = arith.constant 0 : i32
        %dma_wait3A_451 = tpu.memref_slice %arg5[%add3A, %dma_wait3A_449, %dma_wait3A_450] : memref<32x512x128xf32, #tpu.memory_space<hbm>> -> memref<1x64x128xf32, #tpu.memory_space<hbm>>
        %dma_wait3A_452 = tpu.memref_squeeze %dma_wait3A_451 : memref<1x64x128xf32, #tpu.memory_space<hbm>> -> memref<64x128xf32, #tpu.memory_space<hbm>>
        %dma_wait3A_453 = arith.constant 320 : i32
        %dma_wait3A_454 = arith.constant 0 : i32
        %dma_wait3A_455 = tpu.memref_slice %arg5[%add3A, %dma_wait3A_453, %dma_wait3A_454] : memref<32x512x128xf32, #tpu.memory_space<hbm>> -> memref<1x64x128xf32, #tpu.memory_space<hbm>>
        %dma_wait3A_456 = tpu.memref_squeeze %dma_wait3A_455 : memref<1x64x128xf32, #tpu.memory_space<hbm>> -> memref<64x128xf32, #tpu.memory_space<hbm>>
        %dma_wait3A_457 = arith.constant 0 : i32
        %dma_wait3A_458 = arith.constant 0 : i32
        %dma_wait3A_459 = tpu.memref_slice %arg12[%run_scoped3A_350, %dma_wait3A_457, %dma_wait3A_458] : memref<2x64x128xf32, #tpu.memory_space<vmem>> -> memref<1x64x128xf32, #tpu.memory_space<vmem>>
        %dma_wait3A_460 = tpu.memref_squeeze %dma_wait3A_459 : memref<1x64x128xf32, #tpu.memory_space<vmem>> -> memref<64x128xf32, #tpu.memory_space<vmem>>
        tpu.wait_dma2 semaphore(%run_scoped3A_428 : memref<!tpu.dma_semaphore, #tpu.memory_space<semaphore_mem>>) src(%dma_wait3A_460 : memref<64x128xf32, #tpu.memory_space<vmem>>) dst(%dma_wait3A_456 : memref<64x128xf32, #tpu.memory_space<hbm>>)
        tpu.yield
      }) : () -> ()
      %dma_start3A_351 = arith.constant 1 : i32
      %dma_start3A_352 = arith.constant 0 : i32
      %dma_start3A_353 = arith.constant 0 : i32
      %dma_start3A_354 = tpu.memref_slice %arg12[%dma_start3A_351, %dma_start3A_352, %dma_start3A_353] : memref<2x64x128xf32, #tpu.memory_space<vmem>> -> memref<1x64x128xf32, #tpu.memory_space<vmem>>
      %dma_start3A_355 = tpu.memref_squeeze %dma_start3A_354 : memref<1x64x128xf32, #tpu.memory_space<vmem>> -> memref<64x128xf32, #tpu.memory_space<vmem>>
      %dma_start3A_356 = arith.constant 448 : i32
      %dma_start3A_357 = tpu.memref_slice %arg8[%dma_start3A_356] : memref<512xi32, #tpu.memory_space<vmem>> -> memref<64xi32, #tpu.memory_space<vmem>>
      %dma_start3A_358 = arith.constant 0 : i32
      %dma_start3A_359 = arith.constant 0 : i32
      %dma_start3A_360 = tpu.memref_slice %arg2[%dma_start3A_358, %dma_start3A_359] : memref<100000x128xf32, #tpu.memory_space<hbm>> -> memref<100000x128xf32, #tpu.memory_space<hbm>>
      tpu.enqueue_indirect_dma source(%dma_start3A_360 : memref<100000x128xf32, #tpu.memory_space<hbm>>) target(%dma_start3A_355 : memref<64x128xf32, #tpu.memory_space<vmem>>) offsets(%dma_start3A_357 : memref<64xi32, #tpu.memory_space<vmem>>) semaphore(%arg16 : memref<!tpu.dma_semaphore, #tpu.memory_space<semaphore_mem>>)
      %dma_wait3A_361 = arith.constant 0 : i32
      %dma_wait3A_362 = arith.constant 0 : i32
      %dma_wait3A_363 = tpu.memref_slice %arg7[%dma_wait3A_361, %dma_wait3A_362] : memref<2x2048xi32, #tpu.memory_space<vmem>> -> memref<1x2048xi32, #tpu.memory_space<vmem>>
      %dma_wait3A_364 = tpu.memref_squeeze %dma_wait3A_363 : memref<1x2048xi32, #tpu.memory_space<vmem>> -> memref<2048xi32, #tpu.memory_space<vmem>>
      %dma_wait3A_365 = arith.constant 12288 : i32
      %dma_wait3A_366 = tpu.memref_slice %arg4[%dma_wait3A_365] : memref<16384xi32, #tpu.memory_space<hbm>> -> memref<2048xi32, #tpu.memory_space<hbm>>
      %dma_wait3A_367 = arith.constant 0 : i32
      %dma_wait3A_368 = tpu.memref_slice %arg7[%dma_wait3A_361, %dma_wait3A_367] : memref<2x2048xi32, #tpu.memory_space<vmem>> -> memref<1x2048xi32, #tpu.memory_space<vmem>>
      %dma_wait3A_369 = tpu.memref_squeeze %dma_wait3A_368 : memref<1x2048xi32, #tpu.memory_space<vmem>> -> memref<2048xi32, #tpu.memory_space<vmem>>
      %dma_wait3A_370 = arith.constant 12288 : i32
      %dma_wait3A_371 = tpu.memref_slice %arg4[%dma_wait3A_370] : memref<16384xi32, #tpu.memory_space<hbm>> -> memref<2048xi32, #tpu.memory_space<hbm>>
      tpu.wait_dma2 semaphore(%arg13 : memref<!tpu.dma_semaphore, #tpu.memory_space<semaphore_mem>>) src(%dma_wait3A_371 : memref<2048xi32, #tpu.memory_space<hbm>>) dst(%dma_wait3A_369 : memref<2048xi32, #tpu.memory_space<vmem>>)
      %parallel_loop3A_372 = arith.constant 0 : i32
      %parallel_loop3A_373 = arith.constant 128 : i32
      %parallel_loop3A_374 = arith.constant 1 : i32
      scf.for %parallel_loop3A_428 = %parallel_loop3A_372 to %parallel_loop3A_373 step %parallel_loop3A_374  : i32 {
        %parallel_loop3A_429 = arith.constant 16 : i32
        %parallel_loop3A_430 = arith.muli %parallel_loop3A_428, %parallel_loop3A_429 : i32
        %parallel_loop3A_431 = arith.constant 0 : i32
        %parallel_loop3A_432 = arith.index_cast %parallel_loop3A_431 : i32 to index
        %parallel_loop3A_433 = arith.index_cast %parallel_loop3A_430 : i32 to index
        %parallel_loop3A_434 = tpu.vector_load %arg7[%parallel_loop3A_432, %parallel_loop3A_433] {strides = array<i32>} : memref<2x2048xi32, #tpu.memory_space<vmem>>, vector<16xi32>,
        %parallel_loop3A_435 = arith.constant 16 : i32
        %parallel_loop3A_436 = vector.broadcast %parallel_loop3A_435 : i32 to vector<16xi32>
        %parallel_loop3A_437 = arith.muli %parallel_loop3A_434, %parallel_loop3A_436 : vector<16xi32>
        %parallel_loop3A_438 = arith.addi %parallel_loop3A_437, %iota3A : vector<16xi32>
        %parallel_loop3A_439 = arith.constant dense<true> : vector<16xi1>
        %parallel_loop3A_440, %parallel_loop3A_441, %parallel_loop3A_442 = tpu.sort %parallel_loop3A_438, %parallel_loop3A_438 masked %parallel_loop3A_439 : (vector<16xi32>, vector<16xi32>, vector<16xi1>) -> (vector<16xi1>, vector<16xi32>, vector<16xi32>)
        %parallel_loop3A_443 = arith.constant 4 : i32
        %parallel_loop3A_444 = vector.broadcast %parallel_loop3A_443 : i32 to vector<16xi32>
        %parallel_loop3A_445 = arith.shrui %parallel_loop3A_441, %parallel_loop3A_444 : vector<16xi32>
        %parallel_loop3A_446 = arith.constant 16 : i32
        %parallel_loop3A_447 = arith.muli %parallel_loop3A_428, %parallel_loop3A_446 : i32
        %parallel_loop3A_448 = arith.index_cast %parallel_loop3A_447 : i32 to index
        %parallel_loop3A_449 = tpu.vector_load %arg10[%parallel_loop3A_448] {strides = array<i32>} : memref<2064xi32, #tpu.memory_space<vmem>>, vector<16xi32>,
        tpu.vector_store %arg10[%parallel_loop3A_448], %parallel_loop3A_445 {strides = array<i32>} : memref<2064xi32, #tpu.memory_space<vmem>>, vector<16xi32>,
        %parallel_loop3A_450 = arith.constant 16 : i32
        %parallel_loop3A_451 = arith.muli %parallel_loop3A_428, %parallel_loop3A_450 : i32
        %parallel_loop3A_452 = arith.constant 12288 : i32
        %parallel_loop3A_453 = arith.addi %parallel_loop3A_452, %parallel_loop3A_451 : i32
        %parallel_loop3A_454 = arith.constant 15 : i32
        %parallel_loop3A_455 = vector.broadcast %parallel_loop3A_454 : i32 to vector<16xi32>
        %parallel_loop3A_456 = arith.andi %parallel_loop3A_441, %parallel_loop3A_455 : vector<16xi32>
        %parallel_loop3A_457 = vector.broadcast %parallel_loop3A_453 : i32 to vector<16xi32>
        %parallel_loop3A_458 = arith.addi %parallel_loop3A_457, %parallel_loop3A_456 : vector<16xi32>
        %parallel_loop3A_459 = arith.constant 16 : i32
        %parallel_loop3A_460 = arith.muli %parallel_loop3A_428, %parallel_loop3A_459 : i32
        %parallel_loop3A_461 = arith.index_cast %parallel_loop3A_460 : i32 to index
        %parallel_loop3A_462 = tpu.vector_load %arg11[%parallel_loop3A_461] {strides = array<i32>} : memref<2048xi32, #tpu.memory_space<vmem>>, vector<16xi32>,
        tpu.vector_store %arg11[%parallel_loop3A_461], %parallel_loop3A_458 {strides = array<i32>} : memref<2048xi32, #tpu.memory_space<vmem>>, vector<16xi32>,
      } {sc.loop_unroll_factor = 4 : i64, sc.parallel_access}
      %scan3A_375 = arith.constant 0 : i32
      %scan3A_376 = arith.constant 0 : i32
      %scan3A_377 = arith.constant 64 : i32
      %scan3A_378 = arith.addi %scan3A_376, %scan3A_377 : i32
      %scan3A_379 = arith.constant 1 : i32
      %scan3A_380 = scf.for %scan3A_428 = %scan3A_376 to %scan3A_378 step %scan3A_379 iter_args(%scan3A_429 = %scan3A_375) -> (i32)  : i32 {
        %mul3A_430 = arith.constant 2 : i32
        %mul3A_431 = arith.muli %scan3A_428, %mul3A_430 : i32
        %add3A_432 = arith.constant 0 : i32
        %add3A_433 = arith.addi %mul3A_431, %add3A_432 : i32
        %mul3A_434 = arith.constant 16 : i32
        %mul3A_435 = arith.muli %add3A_433, %mul3A_434 : i32
        %get3A = arith.index_cast %mul3A_435 : i32 to index
        %get3A_436 = tpu.vector_load %arg10[%get3A] {strides = array<i32>} : memref<2064xi32, #tpu.memory_space<vmem>>, vector<16xi32>,
        %mul3A_437 = arith.constant 16 : i32
        %mul3A_438 = arith.muli %add3A_433, %mul3A_437 : i32
        %add3A_439 = arith.constant 1 : i32
        %add3A_440 = arith.addi %mul3A_438, %add3A_439 : i32
        %get3A_441 = arith.index_cast %add3A_440 : i32 to index
        %get3A_442 = tpu.vector_load %arg10[%get3A_441] {strides = array<i32>} : memref<2064xi32, #tpu.memory_space<vmem>>, vector<16xi32>,
        %mul3A_443 = arith.constant 16 : i32
        %mul3A_444 = arith.muli %add3A_433, %mul3A_443 : i32
        %get3A_445 = arith.index_cast %mul3A_444 : i32 to index
        %get3A_446 = tpu.vector_load %arg11[%get3A_445] {strides = array<i32>} : memref<2048xi32, #tpu.memory_space<vmem>>, vector<16xi32>,
        %ne3A = arith.cmpi ne, %get3A_436, %get3A_442 : vector<16xi32>
        %jit3A = arith.constant 100000 : i32
        %broadcast_in_dim3A_447 = vector.broadcast %jit3A : i32 to vector<16xi32>
        %select_n3A = arith.select %ne3A, %get3A_436, %broadcast_in_dim3A_447 : vector<16xi1>, vector<16xi32>
        tpu.vector_store_idx %run_scoped3A_49[%select_n3A], %get3A_446 : memref<100016xi32, #tpu.memory_space<vmem>>[vector<16xi32>], vector<16xi32>,
        %mul3A_448 = arith.constant 2 : i32
        %mul3A_449 = arith.muli %scan3A_428, %mul3A_448 : i32
        %add3A_450 = arith.constant 1 : i32
        %add3A_451 = arith.addi %mul3A_449, %add3A_450 : i32
        %mul3A_452 = arith.constant 16 : i32
        %mul3A_453 = arith.muli %add3A_451, %mul3A_452 : i32
        %get3A_454 = arith.index_cast %mul3A_453 : i32 to index
        %get3A_455 = tpu.vector_load %arg10[%get3A_454] {strides = array<i32>} : memref<2064xi32, #tpu.memory_space<vmem>>, vector<16xi32>,
        %mul3A_456 = arith.constant 16 : i32
        %mul3A_457 = arith.muli %add3A_451, %mul3A_456 : i32
        %add3A_458 = arith.constant 1 : i32
        %add3A_459 = arith.addi %mul3A_457, %add3A_458 : i32
        %get3A_460 = arith.index_cast %add3A_459 : i32 to index
        %get3A_461 = tpu.vector_load %arg10[%get3A_460] {strides = array<i32>} : memref<2064xi32, #tpu.memory_space<vmem>>, vector<16xi32>,
        %mul3A_462 = arith.constant 16 : i32
        %mul3A_463 = arith.muli %add3A_451, %mul3A_462 : i32
        %get3A_464 = arith.index_cast %mul3A_463 : i32 to index
        %get3A_465 = tpu.vector_load %arg11[%get3A_464] {strides = array<i32>} : memref<2048xi32, #tpu.memory_space<vmem>>, vector<16xi32>,
        %ne3A_466 = arith.cmpi ne, %get3A_455, %get3A_461 : vector<16xi32>
        %jit3A_467 = arith.constant 100000 : i32
        %broadcast_in_dim3A_468 = vector.broadcast %jit3A_467 : i32 to vector<16xi32>
        %select_n3A_469 = arith.select %ne3A_466, %get3A_455, %broadcast_in_dim3A_468 : vector<16xi1>, vector<16xi32>
        tpu.vector_store_idx %run_scoped3A_49[%select_n3A_469], %get3A_465 : memref<100016xi32, #tpu.memory_space<vmem>>[vector<16xi32>], vector<16xi32>,
        %scan3A_470 = arith.constant 0 : i32
        scf.yield %scan3A_470 : i32
      }
      %scan3A_381 = arith.constant 64 : i32
      %dma_wait3A_382 = arith.constant 0 : i32
      %dma_wait3A_383 = arith.constant 0 : i32
      %dma_wait3A_384 = arith.constant 0 : i32
      %dma_wait3A_385 = tpu.memref_slice %arg12[%dma_wait3A_382, %dma_wait3A_383, %dma_wait3A_384] : memref<2x64x128xf32, #tpu.memory_space<vmem>> -> memref<1x64x128xf32, #tpu.memory_space<vmem>>
      %dma_wait3A_386 = tpu.memref_squeeze %dma_wait3A_385 : memref<1x64x128xf32, #tpu.memory_space<vmem>> -> memref<64x128xf32, #tpu.memory_space<vmem>>
      %dma_wait3A_387 = arith.constant 384 : i32
      %dma_wait3A_388 = tpu.memref_slice %arg8[%dma_wait3A_387] : memref<512xi32, #tpu.memory_space<vmem>> -> memref<64xi32, #tpu.memory_space<vmem>>
      %dma_wait3A_389 = arith.constant 0 : i32
      %dma_wait3A_390 = arith.constant 0 : i32
      %dma_wait3A_391 = tpu.memref_slice %arg2[%dma_wait3A_389, %dma_wait3A_390] : memref<100000x128xf32, #tpu.memory_space<hbm>> -> memref<100000x128xf32, #tpu.memory_space<hbm>>
      tpu.wait_indirect_dma semaphore(%arg15 : memref<!tpu.dma_semaphore, #tpu.memory_space<semaphore_mem>>) src(%dma_wait3A_391 : memref<100000x128xf32, #tpu.memory_space<hbm>>) dst(%dma_wait3A_386 : memref<64x128xf32, #tpu.memory_space<vmem>>)
      %run_scoped3A_392 = arith.constant 0 : i32
      "tpu.region"() ({
        %run_scoped3A_428 = tpu.sem_alloc : memref<!tpu.dma_semaphore, #tpu.memory_space<semaphore_mem>>
        %dma_start3A_429 = arith.constant 0 : i32
        %dma_start3A_430 = arith.constant 0 : i32
        %dma_start3A_431 = tpu.memref_slice %arg12[%run_scoped3A_392, %dma_start3A_429, %dma_start3A_430] : memref<2x64x128xf32, #tpu.memory_space<vmem>> -> memref<1x64x128xf32, #tpu.memory_space<vmem>>
        %dma_start3A_432 = tpu.memref_squeeze %dma_start3A_431 : memref<1x64x128xf32, #tpu.memory_space<vmem>> -> memref<64x128xf32, #tpu.memory_space<vmem>>
        %dma_start3A_433 = arith.constant 384 : i32
        %dma_start3A_434 = arith.constant 0 : i32
        %dma_start3A_435 = tpu.memref_slice %arg5[%add3A, %dma_start3A_433, %dma_start3A_434] : memref<32x512x128xf32, #tpu.memory_space<hbm>> -> memref<1x64x128xf32, #tpu.memory_space<hbm>>
        %dma_start3A_436 = tpu.memref_squeeze %dma_start3A_435 : memref<1x64x128xf32, #tpu.memory_space<hbm>> -> memref<64x128xf32, #tpu.memory_space<hbm>>
        %dma_start3A_437 = arith.constant 384 : i32
        %dma_start3A_438 = arith.constant 0 : i32
        %dma_start3A_439 = tpu.memref_slice %arg5[%add3A, %dma_start3A_437, %dma_start3A_438] : memref<32x512x128xf32, #tpu.memory_space<hbm>> -> memref<1x64x128xf32, #tpu.memory_space<hbm>>
        %dma_start3A_440 = tpu.memref_squeeze %dma_start3A_439 : memref<1x64x128xf32, #tpu.memory_space<hbm>> -> memref<64x128xf32, #tpu.memory_space<hbm>>
        %dma_start3A_441 = arith.constant 0 : i32
        %dma_start3A_442 = arith.constant 0 : i32
        %dma_start3A_443 = tpu.memref_slice %arg12[%run_scoped3A_392, %dma_start3A_441, %dma_start3A_442] : memref<2x64x128xf32, #tpu.memory_space<vmem>> -> memref<1x64x128xf32, #tpu.memory_space<vmem>>
        %dma_start3A_444 = tpu.memref_squeeze %dma_start3A_443 : memref<1x64x128xf32, #tpu.memory_space<vmem>> -> memref<64x128xf32, #tpu.memory_space<vmem>>
        tpu.enqueue_dma source(%dma_start3A_444 : memref<64x128xf32, #tpu.memory_space<vmem>>) target(%dma_start3A_440 : memref<64x128xf32, #tpu.memory_space<hbm>>) target_semaphore(%run_scoped3A_428 : memref<!tpu.dma_semaphore, #tpu.memory_space<semaphore_mem>>)
        %dma_wait3A_445 = arith.constant 0 : i32
        %dma_wait3A_446 = arith.constant 0 : i32
        %dma_wait3A_447 = tpu.memref_slice %arg12[%run_scoped3A_392, %dma_wait3A_445, %dma_wait3A_446] : memref<2x64x128xf32, #tpu.memory_space<vmem>> -> memref<1x64x128xf32, #tpu.memory_space<vmem>>
        %dma_wait3A_448 = tpu.memref_squeeze %dma_wait3A_447 : memref<1x64x128xf32, #tpu.memory_space<vmem>> -> memref<64x128xf32, #tpu.memory_space<vmem>>
        %dma_wait3A_449 = arith.constant 384 : i32
        %dma_wait3A_450 = arith.constant 0 : i32
        %dma_wait3A_451 = tpu.memref_slice %arg5[%add3A, %dma_wait3A_449, %dma_wait3A_450] : memref<32x512x128xf32, #tpu.memory_space<hbm>> -> memref<1x64x128xf32, #tpu.memory_space<hbm>>
        %dma_wait3A_452 = tpu.memref_squeeze %dma_wait3A_451 : memref<1x64x128xf32, #tpu.memory_space<hbm>> -> memref<64x128xf32, #tpu.memory_space<hbm>>
        %dma_wait3A_453 = arith.constant 384 : i32
        %dma_wait3A_454 = arith.constant 0 : i32
        %dma_wait3A_455 = tpu.memref_slice %arg5[%add3A, %dma_wait3A_453, %dma_wait3A_454] : memref<32x512x128xf32, #tpu.memory_space<hbm>> -> memref<1x64x128xf32, #tpu.memory_space<hbm>>
        %dma_wait3A_456 = tpu.memref_squeeze %dma_wait3A_455 : memref<1x64x128xf32, #tpu.memory_space<hbm>> -> memref<64x128xf32, #tpu.memory_space<hbm>>
        %dma_wait3A_457 = arith.constant 0 : i32
        %dma_wait3A_458 = arith.constant 0 : i32
        %dma_wait3A_459 = tpu.memref_slice %arg12[%run_scoped3A_392, %dma_wait3A_457, %dma_wait3A_458] : memref<2x64x128xf32, #tpu.memory_space<vmem>> -> memref<1x64x128xf32, #tpu.memory_space<vmem>>
        %dma_wait3A_460 = tpu.memref_squeeze %dma_wait3A_459 : memref<1x64x128xf32, #tpu.memory_space<vmem>> -> memref<64x128xf32, #tpu.memory_space<vmem>>
        tpu.wait_dma2 semaphore(%run_scoped3A_428 : memref<!tpu.dma_semaphore, #tpu.memory_space<semaphore_mem>>) src(%dma_wait3A_460 : memref<64x128xf32, #tpu.memory_space<vmem>>) dst(%dma_wait3A_456 : memref<64x128xf32, #tpu.memory_space<hbm>>)
        tpu.yield
      }) : () -> ()
      %dma_wait3A_393 = arith.constant 1 : i32
      %dma_wait3A_394 = arith.constant 0 : i32
      %dma_wait3A_395 = tpu.memref_slice %arg7[%dma_wait3A_393, %dma_wait3A_394] : memref<2x2048xi32, #tpu.memory_space<vmem>> -> memref<1x2048xi32, #tpu.memory_space<vmem>>
      %dma_wait3A_396 = tpu.memref_squeeze %dma_wait3A_395 : memref<1x2048xi32, #tpu.memory_space<vmem>> -> memref<2048xi32, #tpu.memory_space<vmem>>
      %dma_wait3A_397 = arith.constant 14336 : i32
      %dma_wait3A_398 = tpu.memref_slice %arg4[%dma_wait3A_397] : memref<16384xi32, #tpu.memory_space<hbm>> -> memref<2048xi32, #tpu.memory_space<hbm>>
      %dma_wait3A_399 = arith.constant 0 : i32
      %dma_wait3A_400 = tpu.memref_slice %arg7[%dma_wait3A_393, %dma_wait3A_399] : memref<2x2048xi32, #tpu.memory_space<vmem>> -> memref<1x2048xi32, #tpu.memory_space<vmem>>
      %dma_wait3A_401 = tpu.memref_squeeze %dma_wait3A_400 : memref<1x2048xi32, #tpu.memory_space<vmem>> -> memref<2048xi32, #tpu.memory_space<vmem>>
      %dma_wait3A_402 = arith.constant 14336 : i32
      %dma_wait3A_403 = tpu.memref_slice %arg4[%dma_wait3A_402] : memref<16384xi32, #tpu.memory_space<hbm>> -> memref<2048xi32, #tpu.memory_space<hbm>>
      tpu.wait_dma2 semaphore(%arg14 : memref<!tpu.dma_semaphore, #tpu.memory_space<semaphore_mem>>) src(%dma_wait3A_403 : memref<2048xi32, #tpu.memory_space<hbm>>) dst(%dma_wait3A_401 : memref<2048xi32, #tpu.memory_space<vmem>>)
      %parallel_loop3A_404 = arith.constant 0 : i32
      %parallel_loop3A_405 = arith.constant 128 : i32
      %parallel_loop3A_406 = arith.constant 1 : i32
      scf.for %parallel_loop3A_428 = %parallel_loop3A_404 to %parallel_loop3A_405 step %parallel_loop3A_406  : i32 {
        %parallel_loop3A_429 = arith.constant 16 : i32
        %parallel_loop3A_430 = arith.muli %parallel_loop3A_428, %parallel_loop3A_429 : i32
        %parallel_loop3A_431 = arith.constant 1 : i32
        %parallel_loop3A_432 = arith.index_cast %parallel_loop3A_431 : i32 to index
        %parallel_loop3A_433 = arith.index_cast %parallel_loop3A_430 : i32 to index
        %parallel_loop3A_434 = tpu.vector_load %arg7[%parallel_loop3A_432, %parallel_loop3A_433] {strides = array<i32>} : memref<2x2048xi32, #tpu.memory_space<vmem>>, vector<16xi32>,
        %parallel_loop3A_435 = arith.constant 16 : i32
        %parallel_loop3A_436 = vector.broadcast %parallel_loop3A_435 : i32 to vector<16xi32>
        %parallel_loop3A_437 = arith.muli %parallel_loop3A_434, %parallel_loop3A_436 : vector<16xi32>
        %parallel_loop3A_438 = arith.addi %parallel_loop3A_437, %iota3A : vector<16xi32>
        %parallel_loop3A_439 = arith.constant dense<true> : vector<16xi1>
        %parallel_loop3A_440, %parallel_loop3A_441, %parallel_loop3A_442 = tpu.sort %parallel_loop3A_438, %parallel_loop3A_438 masked %parallel_loop3A_439 : (vector<16xi32>, vector<16xi32>, vector<16xi1>) -> (vector<16xi1>, vector<16xi32>, vector<16xi32>)
        %parallel_loop3A_443 = arith.constant 4 : i32
        %parallel_loop3A_444 = vector.broadcast %parallel_loop3A_443 : i32 to vector<16xi32>
        %parallel_loop3A_445 = arith.shrui %parallel_loop3A_441, %parallel_loop3A_444 : vector<16xi32>
        %parallel_loop3A_446 = arith.constant 16 : i32
        %parallel_loop3A_447 = arith.muli %parallel_loop3A_428, %parallel_loop3A_446 : i32
        %parallel_loop3A_448 = arith.index_cast %parallel_loop3A_447 : i32 to index
        %parallel_loop3A_449 = tpu.vector_load %arg10[%parallel_loop3A_448] {strides = array<i32>} : memref<2064xi32, #tpu.memory_space<vmem>>, vector<16xi32>,
        tpu.vector_store %arg10[%parallel_loop3A_448], %parallel_loop3A_445 {strides = array<i32>} : memref<2064xi32, #tpu.memory_space<vmem>>, vector<16xi32>,
        %parallel_loop3A_450 = arith.constant 16 : i32
        %parallel_loop3A_451 = arith.muli %parallel_loop3A_428, %parallel_loop3A_450 : i32
        %parallel_loop3A_452 = arith.constant 14336 : i32
        %parallel_loop3A_453 = arith.addi %parallel_loop3A_452, %parallel_loop3A_451 : i32
        %parallel_loop3A_454 = arith.constant 15 : i32
        %parallel_loop3A_455 = vector.broadcast %parallel_loop3A_454 : i32 to vector<16xi32>
        %parallel_loop3A_456 = arith.andi %parallel_loop3A_441, %parallel_loop3A_455 : vector<16xi32>
        %parallel_loop3A_457 = vector.broadcast %parallel_loop3A_453 : i32 to vector<16xi32>
        %parallel_loop3A_458 = arith.addi %parallel_loop3A_457, %parallel_loop3A_456 : vector<16xi32>
        %parallel_loop3A_459 = arith.constant 16 : i32
        %parallel_loop3A_460 = arith.muli %parallel_loop3A_428, %parallel_loop3A_459 : i32
        %parallel_loop3A_461 = arith.index_cast %parallel_loop3A_460 : i32 to index
        %parallel_loop3A_462 = tpu.vector_load %arg11[%parallel_loop3A_461] {strides = array<i32>} : memref<2048xi32, #tpu.memory_space<vmem>>, vector<16xi32>,
        tpu.vector_store %arg11[%parallel_loop3A_461], %parallel_loop3A_458 {strides = array<i32>} : memref<2048xi32, #tpu.memory_space<vmem>>, vector<16xi32>,
      } {sc.loop_unroll_factor = 4 : i64, sc.parallel_access}
      %scan3A_407 = arith.constant 0 : i32
      %scan3A_408 = arith.constant 0 : i32
      %scan3A_409 = arith.constant 64 : i32
      %scan3A_410 = arith.addi %scan3A_408, %scan3A_409 : i32
      %scan3A_411 = arith.constant 1 : i32
      %scan3A_412 = scf.for %scan3A_428 = %scan3A_408 to %scan3A_410 step %scan3A_411 iter_args(%scan3A_429 = %scan3A_407) -> (i32)  : i32 {
        %mul3A_430 = arith.constant 2 : i32
        %mul3A_431 = arith.muli %scan3A_428, %mul3A_430 : i32
        %add3A_432 = arith.constant 0 : i32
        %add3A_433 = arith.addi %mul3A_431, %add3A_432 : i32
        %mul3A_434 = arith.constant 16 : i32
        %mul3A_435 = arith.muli %add3A_433, %mul3A_434 : i32
        %get3A = arith.index_cast %mul3A_435 : i32 to index
        %get3A_436 = tpu.vector_load %arg10[%get3A] {strides = array<i32>} : memref<2064xi32, #tpu.memory_space<vmem>>, vector<16xi32>,
        %mul3A_437 = arith.constant 16 : i32
        %mul3A_438 = arith.muli %add3A_433, %mul3A_437 : i32
        %add3A_439 = arith.constant 1 : i32
        %add3A_440 = arith.addi %mul3A_438, %add3A_439 : i32
        %get3A_441 = arith.index_cast %add3A_440 : i32 to index
        %get3A_442 = tpu.vector_load %arg10[%get3A_441] {strides = array<i32>} : memref<2064xi32, #tpu.memory_space<vmem>>, vector<16xi32>,
        %mul3A_443 = arith.constant 16 : i32
        %mul3A_444 = arith.muli %add3A_433, %mul3A_443 : i32
        %get3A_445 = arith.index_cast %mul3A_444 : i32 to index
        %get3A_446 = tpu.vector_load %arg11[%get3A_445] {strides = array<i32>} : memref<2048xi32, #tpu.memory_space<vmem>>, vector<16xi32>,
        %ne3A = arith.cmpi ne, %get3A_436, %get3A_442 : vector<16xi32>
        %jit3A = arith.constant 100000 : i32
        %broadcast_in_dim3A_447 = vector.broadcast %jit3A : i32 to vector<16xi32>
        %select_n3A = arith.select %ne3A, %get3A_436, %broadcast_in_dim3A_447 : vector<16xi1>, vector<16xi32>
        tpu.vector_store_idx %run_scoped3A_49[%select_n3A], %get3A_446 : memref<100016xi32, #tpu.memory_space<vmem>>[vector<16xi32>], vector<16xi32>,
        %mul3A_448 = arith.constant 2 : i32
        %mul3A_449 = arith.muli %scan3A_428, %mul3A_448 : i32
        %add3A_450 = arith.constant 1 : i32
        %add3A_451 = arith.addi %mul3A_449, %add3A_450 : i32
        %mul3A_452 = arith.constant 16 : i32
        %mul3A_453 = arith.muli %add3A_451, %mul3A_452 : i32
        %get3A_454 = arith.index_cast %mul3A_453 : i32 to index
        %get3A_455 = tpu.vector_load %arg10[%get3A_454] {strides = array<i32>} : memref<2064xi32, #tpu.memory_space<vmem>>, vector<16xi32>,
        %mul3A_456 = arith.constant 16 : i32
        %mul3A_457 = arith.muli %add3A_451, %mul3A_456 : i32
        %add3A_458 = arith.constant 1 : i32
        %add3A_459 = arith.addi %mul3A_457, %add3A_458 : i32
        %get3A_460 = arith.index_cast %add3A_459 : i32 to index
        %get3A_461 = tpu.vector_load %arg10[%get3A_460] {strides = array<i32>} : memref<2064xi32, #tpu.memory_space<vmem>>, vector<16xi32>,
        %mul3A_462 = arith.constant 16 : i32
        %mul3A_463 = arith.muli %add3A_451, %mul3A_462 : i32
        %get3A_464 = arith.index_cast %mul3A_463 : i32 to index
        %get3A_465 = tpu.vector_load %arg11[%get3A_464] {strides = array<i32>} : memref<2048xi32, #tpu.memory_space<vmem>>, vector<16xi32>,
        %ne3A_466 = arith.cmpi ne, %get3A_455, %get3A_461 : vector<16xi32>
        %jit3A_467 = arith.constant 100000 : i32
        %broadcast_in_dim3A_468 = vector.broadcast %jit3A_467 : i32 to vector<16xi32>
        %select_n3A_469 = arith.select %ne3A_466, %get3A_455, %broadcast_in_dim3A_468 : vector<16xi1>, vector<16xi32>
        tpu.vector_store_idx %run_scoped3A_49[%select_n3A_469], %get3A_465 : memref<100016xi32, #tpu.memory_space<vmem>>[vector<16xi32>], vector<16xi32>,
        %scan3A_470 = arith.constant 0 : i32
        scf.yield %scan3A_470 : i32
      }
      %scan3A_413 = arith.constant 64 : i32
      %dma_wait3A_414 = arith.constant 1 : i32
      %dma_wait3A_415 = arith.constant 0 : i32
      %dma_wait3A_416 = arith.constant 0 : i32
      %dma_wait3A_417 = tpu.memref_slice %arg12[%dma_wait3A_414, %dma_wait3A_415, %dma_wait3A_416] : memref<2x64x128xf32, #tpu.memory_space<vmem>> -> memref<1x64x128xf32, #tpu.memory_space<vmem>>
      %dma_wait3A_418 = tpu.memref_squeeze %dma_wait3A_417 : memref<1x64x128xf32, #tpu.memory_space<vmem>> -> memref<64x128xf32, #tpu.memory_space<vmem>>
      %dma_wait3A_419 = arith.constant 448 : i32
      %dma_wait3A_420 = tpu.memref_slice %arg8[%dma_wait3A_419] : memref<512xi32, #tpu.memory_space<vmem>> -> memref<64xi32, #tpu.memory_space<vmem>>
      %dma_wait3A_421 = arith.constant 0 : i32
      %dma_wait3A_422 = arith.constant 0 : i32
      %dma_wait3A_423 = tpu.memref_slice %arg2[%dma_wait3A_421, %dma_wait3A_422] : memref<100000x128xf32, #tpu.memory_space<hbm>> -> memref<100000x128xf32, #tpu.memory_space<hbm>>
      tpu.wait_indirect_dma semaphore(%arg16 : memref<!tpu.dma_semaphore, #tpu.memory_space<semaphore_mem>>) src(%dma_wait3A_423 : memref<100000x128xf32, #tpu.memory_space<hbm>>) dst(%dma_wait3A_418 : memref<64x128xf32, #tpu.memory_space<vmem>>)
      %run_scoped3A_424 = arith.constant 1 : i32
      "tpu.region"() ({
        %run_scoped3A_428 = tpu.sem_alloc : memref<!tpu.dma_semaphore, #tpu.memory_space<semaphore_mem>>
        %dma_start3A_429 = arith.constant 0 : i32
        %dma_start3A_430 = arith.constant 0 : i32
        %dma_start3A_431 = tpu.memref_slice %arg12[%run_scoped3A_424, %dma_start3A_429, %dma_start3A_430] : memref<2x64x128xf32, #tpu.memory_space<vmem>> -> memref<1x64x128xf32, #tpu.memory_space<vmem>>
        %dma_start3A_432 = tpu.memref_squeeze %dma_start3A_431 : memref<1x64x128xf32, #tpu.memory_space<vmem>> -> memref<64x128xf32, #tpu.memory_space<vmem>>
        %dma_start3A_433 = arith.constant 448 : i32
        %dma_start3A_434 = arith.constant 0 : i32
        %dma_start3A_435 = tpu.memref_slice %arg5[%add3A, %dma_start3A_433, %dma_start3A_434] : memref<32x512x128xf32, #tpu.memory_space<hbm>> -> memref<1x64x128xf32, #tpu.memory_space<hbm>>
        %dma_start3A_436 = tpu.memref_squeeze %dma_start3A_435 : memref<1x64x128xf32, #tpu.memory_space<hbm>> -> memref<64x128xf32, #tpu.memory_space<hbm>>
        %dma_start3A_437 = arith.constant 448 : i32
        %dma_start3A_438 = arith.constant 0 : i32
        %dma_start3A_439 = tpu.memref_slice %arg5[%add3A, %dma_start3A_437, %dma_start3A_438] : memref<32x512x128xf32, #tpu.memory_space<hbm>> -> memref<1x64x128xf32, #tpu.memory_space<hbm>>
        %dma_start3A_440 = tpu.memref_squeeze %dma_start3A_439 : memref<1x64x128xf32, #tpu.memory_space<hbm>> -> memref<64x128xf32, #tpu.memory_space<hbm>>
        %dma_start3A_441 = arith.constant 0 : i32
        %dma_start3A_442 = arith.constant 0 : i32
        %dma_start3A_443 = tpu.memref_slice %arg12[%run_scoped3A_424, %dma_start3A_441, %dma_start3A_442] : memref<2x64x128xf32, #tpu.memory_space<vmem>> -> memref<1x64x128xf32, #tpu.memory_space<vmem>>
        %dma_start3A_444 = tpu.memref_squeeze %dma_start3A_443 : memref<1x64x128xf32, #tpu.memory_space<vmem>> -> memref<64x128xf32, #tpu.memory_space<vmem>>
        tpu.enqueue_dma source(%dma_start3A_444 : memref<64x128xf32, #tpu.memory_space<vmem>>) target(%dma_start3A_440 : memref<64x128xf32, #tpu.memory_space<hbm>>) target_semaphore(%run_scoped3A_428 : memref<!tpu.dma_semaphore, #tpu.memory_space<semaphore_mem>>)
        %dma_wait3A_445 = arith.constant 0 : i32
        %dma_wait3A_446 = arith.constant 0 : i32
        %dma_wait3A_447 = tpu.memref_slice %arg12[%run_scoped3A_424, %dma_wait3A_445, %dma_wait3A_446] : memref<2x64x128xf32, #tpu.memory_space<vmem>> -> memref<1x64x128xf32, #tpu.memory_space<vmem>>
        %dma_wait3A_448 = tpu.memref_squeeze %dma_wait3A_447 : memref<1x64x128xf32, #tpu.memory_space<vmem>> -> memref<64x128xf32, #tpu.memory_space<vmem>>
        %dma_wait3A_449 = arith.constant 448 : i32
        %dma_wait3A_450 = arith.constant 0 : i32
        %dma_wait3A_451 = tpu.memref_slice %arg5[%add3A, %dma_wait3A_449, %dma_wait3A_450] : memref<32x512x128xf32, #tpu.memory_space<hbm>> -> memref<1x64x128xf32, #tpu.memory_space<hbm>>
        %dma_wait3A_452 = tpu.memref_squeeze %dma_wait3A_451 : memref<1x64x128xf32, #tpu.memory_space<hbm>> -> memref<64x128xf32, #tpu.memory_space<hbm>>
        %dma_wait3A_453 = arith.constant 448 : i32
        %dma_wait3A_454 = arith.constant 0 : i32
        %dma_wait3A_455 = tpu.memref_slice %arg5[%add3A, %dma_wait3A_453, %dma_wait3A_454] : memref<32x512x128xf32, #tpu.memory_space<hbm>> -> memref<1x64x128xf32, #tpu.memory_space<hbm>>
        %dma_wait3A_456 = tpu.memref_squeeze %dma_wait3A_455 : memref<1x64x128xf32, #tpu.memory_space<hbm>> -> memref<64x128xf32, #tpu.memory_space<hbm>>
        %dma_wait3A_457 = arith.constant 0 : i32
        %dma_wait3A_458 = arith.constant 0 : i32
        %dma_wait3A_459 = tpu.memref_slice %arg12[%run_scoped3A_424, %dma_wait3A_457, %dma_wait3A_458] : memref<2x64x128xf32, #tpu.memory_space<vmem>> -> memref<1x64x128xf32, #tpu.memory_space<vmem>>
        %dma_wait3A_460 = tpu.memref_squeeze %dma_wait3A_459 : memref<1x64x128xf32, #tpu.memory_space<vmem>> -> memref<64x128xf32, #tpu.memory_space<vmem>>
        tpu.wait_dma2 semaphore(%run_scoped3A_428 : memref<!tpu.dma_semaphore, #tpu.memory_space<semaphore_mem>>) src(%dma_wait3A_460 : memref<64x128xf32, #tpu.memory_space<vmem>>) dst(%dma_wait3A_456 : memref<64x128xf32, #tpu.memory_space<hbm>>)
        tpu.yield
      }) : () -> ()
      %parallel_loop3A_425 = arith.constant 0 : i32
      %parallel_loop3A_426 = arith.constant 32 : i32
      %parallel_loop3A_427 = arith.constant 1 : i32
      scf.for %parallel_loop3A_428 = %parallel_loop3A_425 to %parallel_loop3A_426 step %parallel_loop3A_427  : i32 {
        %parallel_loop3A_429 = arith.constant 16 : i32
        %parallel_loop3A_430 = arith.muli %parallel_loop3A_428, %parallel_loop3A_429 : i32
        %parallel_loop3A_431 = arith.index_cast %parallel_loop3A_430 : i32 to index
        %parallel_loop3A_432 = tpu.vector_load %arg8[%parallel_loop3A_431] {strides = array<i32>} : memref<512xi32, #tpu.memory_space<vmem>>, vector<16xi32>,
        %parallel_loop3A_433 = tpu.vector_load_idx %run_scoped3A_49[%parallel_loop3A_432] : memref<100016xi32, #tpu.memory_space<vmem>>[vector<16xi32>], vector<16xi32>,
        %parallel_loop3A_434 = arith.constant 16 : i32
        %parallel_loop3A_435 = arith.muli %parallel_loop3A_428, %parallel_loop3A_434 : i32
        %parallel_loop3A_436 = arith.index_cast %parallel_loop3A_435 : i32 to index
        %parallel_loop3A_437 = tpu.vector_load %arg9[%parallel_loop3A_436] {strides = array<i32>} : memref<512xi32, #tpu.memory_space<vmem>>, vector<16xi32>,
        tpu.vector_store %arg9[%parallel_loop3A_436], %parallel_loop3A_433 {strides = array<i32>} : memref<512xi32, #tpu.memory_space<vmem>>, vector<16xi32>,
      } {sc.loop_unroll_factor = 4 : i64, sc.parallel_access}
      tpu.yield
    }) : () -> ()
    "tpu.region"() ({
      %run_scoped3A_49 = memref.alloca() : memref<512x128xf32, #tpu.memory_space<vmem>>
      %dma_start3A_50 = arith.constant 0 : i32
      %dma_start3A_51 = arith.constant 0 : i32
      %dma_start3A_52 = tpu.memref_slice %run_scoped3A_49[%dma_start3A_50, %dma_start3A_51] : memref<512x128xf32, #tpu.memory_space<vmem>> -> memref<128x128xf32, #tpu.memory_space<vmem>>
      %dma_start3A_53 = arith.constant 0 : i32
      %dma_start3A_54 = tpu.memref_slice %arg9[%dma_start3A_53] : memref<512xi32, #tpu.memory_space<vmem>> -> memref<128xi32, #tpu.memory_space<vmem>>
      %dma_start3A_55 = arith.constant 0 : i32
      %dma_start3A_56 = arith.constant 0 : i32
      %dma_start3A_57 = tpu.memref_slice %arg3[%dma_start3A_55, %dma_start3A_56] : memref<16384x128xf32, #tpu.memory_space<hbm>> -> memref<16384x128xf32, #tpu.memory_space<hbm>>
      tpu.enqueue_indirect_dma source(%dma_start3A_57 : memref<16384x128xf32, #tpu.memory_space<hbm>>) target(%dma_start3A_52 : memref<128x128xf32, #tpu.memory_space<vmem>>) offsets(%dma_start3A_54 : memref<128xi32, #tpu.memory_space<vmem>>) semaphore(%arg15 : memref<!tpu.dma_semaphore, #tpu.memory_space<semaphore_mem>>)
      %dma_start3A_58 = arith.constant 128 : i32
      %dma_start3A_59 = arith.constant 0 : i32
      %dma_start3A_60 = tpu.memref_slice %run_scoped3A_49[%dma_start3A_58, %dma_start3A_59] : memref<512x128xf32, #tpu.memory_space<vmem>> -> memref<128x128xf32, #tpu.memory_space<vmem>>
      %dma_start3A_61 = arith.constant 128 : i32
      %dma_start3A_62 = tpu.memref_slice %arg9[%dma_start3A_61] : memref<512xi32, #tpu.memory_space<vmem>> -> memref<128xi32, #tpu.memory_space<vmem>>
      %dma_start3A_63 = arith.constant 0 : i32
      %dma_start3A_64 = arith.constant 0 : i32
      %dma_start3A_65 = tpu.memref_slice %arg3[%dma_start3A_63, %dma_start3A_64] : memref<16384x128xf32, #tpu.memory_space<hbm>> -> memref<16384x128xf32, #tpu.memory_space<hbm>>
      tpu.enqueue_indirect_dma source(%dma_start3A_65 : memref<16384x128xf32, #tpu.memory_space<hbm>>) target(%dma_start3A_60 : memref<128x128xf32, #tpu.memory_space<vmem>>) offsets(%dma_start3A_62 : memref<128xi32, #tpu.memory_space<vmem>>) semaphore(%arg16 : memref<!tpu.dma_semaphore, #tpu.memory_space<semaphore_mem>>)
      %dma_start3A_66 = arith.constant 256 : i32
      %dma_start3A_67 = arith.constant 0 : i32
      %dma_start3A_68 = tpu.memref_slice %run_scoped3A_49[%dma_start3A_66, %dma_start3A_67] : memref<512x128xf32, #tpu.memory_space<vmem>> -> memref<128x128xf32, #tpu.memory_space<vmem>>
      %dma_start3A_69 = arith.constant 256 : i32
      %dma_start3A_70 = tpu.memref_slice %arg9[%dma_start3A_69] : memref<512xi32, #tpu.memory_space<vmem>> -> memref<128xi32, #tpu.memory_space<vmem>>
      %dma_start3A_71 = arith.constant 0 : i32
      %dma_start3A_72 = arith.constant 0 : i32
      %dma_start3A_73 = tpu.memref_slice %arg3[%dma_start3A_71, %dma_start3A_72] : memref<16384x128xf32, #tpu.memory_space<hbm>> -> memref<16384x128xf32, #tpu.memory_space<hbm>>
      tpu.enqueue_indirect_dma source(%dma_start3A_73 : memref<16384x128xf32, #tpu.memory_space<hbm>>) target(%dma_start3A_68 : memref<128x128xf32, #tpu.memory_space<vmem>>) offsets(%dma_start3A_70 : memref<128xi32, #tpu.memory_space<vmem>>) semaphore(%arg13 : memref<!tpu.dma_semaphore, #tpu.memory_space<semaphore_mem>>)
      %dma_start3A_74 = arith.constant 384 : i32
      %dma_start3A_75 = arith.constant 0 : i32
      %dma_start3A_76 = tpu.memref_slice %run_scoped3A_49[%dma_start3A_74, %dma_start3A_75] : memref<512x128xf32, #tpu.memory_space<vmem>> -> memref<128x128xf32, #tpu.memory_space<vmem>>
      %dma_start3A_77 = arith.constant 384 : i32
      %dma_start3A_78 = tpu.memref_slice %arg9[%dma_start3A_77] : memref<512xi32, #tpu.memory_space<vmem>> -> memref<128xi32, #tpu.memory_space<vmem>>
      %dma_start3A_79 = arith.constant 0 : i32
      %dma_start3A_80 = arith.constant 0 : i32
      %dma_start3A_81 = tpu.memref_slice %arg3[%dma_start3A_79, %dma_start3A_80] : memref<16384x128xf32, #tpu.memory_space<hbm>> -> memref<16384x128xf32, #tpu.memory_space<hbm>>
      tpu.enqueue_indirect_dma source(%dma_start3A_81 : memref<16384x128xf32, #tpu.memory_space<hbm>>) target(%dma_start3A_76 : memref<128x128xf32, #tpu.memory_space<vmem>>) offsets(%dma_start3A_78 : memref<128xi32, #tpu.memory_space<vmem>>) semaphore(%arg14 : memref<!tpu.dma_semaphore, #tpu.memory_space<semaphore_mem>>)
      %dma_wait3A = arith.constant 0 : i32
      %dma_wait3A_82 = arith.constant 0 : i32
      %dma_wait3A_83 = tpu.memref_slice %run_scoped3A_49[%dma_wait3A, %dma_wait3A_82] : memref<512x128xf32, #tpu.memory_space<vmem>> -> memref<128x128xf32, #tpu.memory_space<vmem>>
      %dma_wait3A_84 = arith.constant 0 : i32
      %dma_wait3A_85 = tpu.memref_slice %arg9[%dma_wait3A_84] : memref<512xi32, #tpu.memory_space<vmem>> -> memref<128xi32, #tpu.memory_space<vmem>>
      %dma_wait3A_86 = arith.constant 0 : i32
      %dma_wait3A_87 = arith.constant 0 : i32
      %dma_wait3A_88 = tpu.memref_slice %arg3[%dma_wait3A_86, %dma_wait3A_87] : memref<16384x128xf32, #tpu.memory_space<hbm>> -> memref<16384x128xf32, #tpu.memory_space<hbm>>
      tpu.wait_indirect_dma semaphore(%arg15 : memref<!tpu.dma_semaphore, #tpu.memory_space<semaphore_mem>>) src(%dma_wait3A_88 : memref<16384x128xf32, #tpu.memory_space<hbm>>) dst(%dma_wait3A_83 : memref<128x128xf32, #tpu.memory_space<vmem>>)
      "tpu.region"() ({
        %run_scoped3A_113 = tpu.sem_alloc : memref<!tpu.dma_semaphore, #tpu.memory_space<semaphore_mem>>
        %dma_start3A_114 = arith.constant 0 : i32
        %dma_start3A_115 = arith.constant 0 : i32
        %dma_start3A_116 = tpu.memref_slice %run_scoped3A_49[%dma_start3A_114, %dma_start3A_115] : memref<512x128xf32, #tpu.memory_space<vmem>> -> memref<128x128xf32, #tpu.memory_space<vmem>>
        %dma_start3A_117 = arith.constant 0 : i32
        %dma_start3A_118 = arith.constant 0 : i32
        %dma_start3A_119 = tpu.memref_slice %arg6[%add3A, %dma_start3A_117, %dma_start3A_118] : memref<32x512x128xf32, #tpu.memory_space<hbm>> -> memref<1x128x128xf32, #tpu.memory_space<hbm>>
        %dma_start3A_120 = tpu.memref_squeeze %dma_start3A_119 : memref<1x128x128xf32, #tpu.memory_space<hbm>> -> memref<128x128xf32, #tpu.memory_space<hbm>>
        %dma_start3A_121 = arith.constant 0 : i32
        %dma_start3A_122 = arith.constant 0 : i32
        %dma_start3A_123 = tpu.memref_slice %arg6[%add3A, %dma_start3A_121, %dma_start3A_122] : memref<32x512x128xf32, #tpu.memory_space<hbm>> -> memref<1x128x128xf32, #tpu.memory_space<hbm>>
        %dma_start3A_124 = tpu.memref_squeeze %dma_start3A_123 : memref<1x128x128xf32, #tpu.memory_space<hbm>> -> memref<128x128xf32, #tpu.memory_space<hbm>>
        %dma_start3A_125 = arith.constant 0 : i32
        %dma_start3A_126 = arith.constant 0 : i32
        %dma_start3A_127 = tpu.memref_slice %run_scoped3A_49[%dma_start3A_125, %dma_start3A_126] : memref<512x128xf32, #tpu.memory_space<vmem>> -> memref<128x128xf32, #tpu.memory_space<vmem>>
        tpu.enqueue_dma source(%dma_start3A_127 : memref<128x128xf32, #tpu.memory_space<vmem>>) target(%dma_start3A_124 : memref<128x128xf32, #tpu.memory_space<hbm>>) target_semaphore(%run_scoped3A_113 : memref<!tpu.dma_semaphore, #tpu.memory_space<semaphore_mem>>)
        %dma_wait3A_128 = arith.constant 0 : i32
        %dma_wait3A_129 = arith.constant 0 : i32
        %dma_wait3A_130 = tpu.memref_slice %run_scoped3A_49[%dma_wait3A_128, %dma_wait3A_129] : memref<512x128xf32, #tpu.memory_space<vmem>> -> memref<128x128xf32, #tpu.memory_space<vmem>>
        %dma_wait3A_131 = arith.constant 0 : i32
        %dma_wait3A_132 = arith.constant 0 : i32
        %dma_wait3A_133 = tpu.memref_slice %arg6[%add3A, %dma_wait3A_131, %dma_wait3A_132] : memref<32x512x128xf32, #tpu.memory_space<hbm>> -> memref<1x128x128xf32, #tpu.memory_space<hbm>>
        %dma_wait3A_134 = tpu.memref_squeeze %dma_wait3A_133 : memref<1x128x128xf32, #tpu.memory_space<hbm>> -> memref<128x128xf32, #tpu.memory_space<hbm>>
        %dma_wait3A_135 = arith.constant 0 : i32
        %dma_wait3A_136 = arith.constant 0 : i32
        %dma_wait3A_137 = tpu.memref_slice %arg6[%add3A, %dma_wait3A_135, %dma_wait3A_136] : memref<32x512x128xf32, #tpu.memory_space<hbm>> -> memref<1x128x128xf32, #tpu.memory_space<hbm>>
        %dma_wait3A_138 = tpu.memref_squeeze %dma_wait3A_137 : memref<1x128x128xf32, #tpu.memory_space<hbm>> -> memref<128x128xf32, #tpu.memory_space<hbm>>
        %dma_wait3A_139 = arith.constant 0 : i32
        %dma_wait3A_140 = arith.constant 0 : i32
        %dma_wait3A_141 = tpu.memref_slice %run_scoped3A_49[%dma_wait3A_139, %dma_wait3A_140] : memref<512x128xf32, #tpu.memory_space<vmem>> -> memref<128x128xf32, #tpu.memory_space<vmem>>
        tpu.wait_dma2 semaphore(%run_scoped3A_113 : memref<!tpu.dma_semaphore, #tpu.memory_space<semaphore_mem>>) src(%dma_wait3A_141 : memref<128x128xf32, #tpu.memory_space<vmem>>) dst(%dma_wait3A_138 : memref<128x128xf32, #tpu.memory_space<hbm>>)
        tpu.yield
      }) : () -> ()
      %dma_wait3A_89 = arith.constant 128 : i32
      %dma_wait3A_90 = arith.constant 0 : i32
      %dma_wait3A_91 = tpu.memref_slice %run_scoped3A_49[%dma_wait3A_89, %dma_wait3A_90] : memref<512x128xf32, #tpu.memory_space<vmem>> -> memref<128x128xf32, #tpu.memory_space<vmem>>
      %dma_wait3A_92 = arith.constant 128 : i32
      %dma_wait3A_93 = tpu.memref_slice %arg9[%dma_wait3A_92] : memref<512xi32, #tpu.memory_space<vmem>> -> memref<128xi32, #tpu.memory_space<vmem>>
      %dma_wait3A_94 = arith.constant 0 : i32
      %dma_wait3A_95 = arith.constant 0 : i32
      %dma_wait3A_96 = tpu.memref_slice %arg3[%dma_wait3A_94, %dma_wait3A_95] : memref<16384x128xf32, #tpu.memory_space<hbm>> -> memref<16384x128xf32, #tpu.memory_space<hbm>>
      tpu.wait_indirect_dma semaphore(%arg16 : memref<!tpu.dma_semaphore, #tpu.memory_space<semaphore_mem>>) src(%dma_wait3A_96 : memref<16384x128xf32, #tpu.memory_space<hbm>>) dst(%dma_wait3A_91 : memref<128x128xf32, #tpu.memory_space<vmem>>)
      "tpu.region"() ({
        %run_scoped3A_113 = tpu.sem_alloc : memref<!tpu.dma_semaphore, #tpu.memory_space<semaphore_mem>>
        %dma_start3A_114 = arith.constant 128 : i32
        %dma_start3A_115 = arith.constant 0 : i32
        %dma_start3A_116 = tpu.memref_slice %run_scoped3A_49[%dma_start3A_114, %dma_start3A_115] : memref<512x128xf32, #tpu.memory_space<vmem>> -> memref<128x128xf32, #tpu.memory_space<vmem>>
        %dma_start3A_117 = arith.constant 128 : i32
        %dma_start3A_118 = arith.constant 0 : i32
        %dma_start3A_119 = tpu.memref_slice %arg6[%add3A, %dma_start3A_117, %dma_start3A_118] : memref<32x512x128xf32, #tpu.memory_space<hbm>> -> memref<1x128x128xf32, #tpu.memory_space<hbm>>
        %dma_start3A_120 = tpu.memref_squeeze %dma_start3A_119 : memref<1x128x128xf32, #tpu.memory_space<hbm>> -> memref<128x128xf32, #tpu.memory_space<hbm>>
        %dma_start3A_121 = arith.constant 128 : i32
        %dma_start3A_122 = arith.constant 0 : i32
        %dma_start3A_123 = tpu.memref_slice %arg6[%add3A, %dma_start3A_121, %dma_start3A_122] : memref<32x512x128xf32, #tpu.memory_space<hbm>> -> memref<1x128x128xf32, #tpu.memory_space<hbm>>
        %dma_start3A_124 = tpu.memref_squeeze %dma_start3A_123 : memref<1x128x128xf32, #tpu.memory_space<hbm>> -> memref<128x128xf32, #tpu.memory_space<hbm>>
        %dma_start3A_125 = arith.constant 128 : i32
        %dma_start3A_126 = arith.constant 0 : i32
        %dma_start3A_127 = tpu.memref_slice %run_scoped3A_49[%dma_start3A_125, %dma_start3A_126] : memref<512x128xf32, #tpu.memory_space<vmem>> -> memref<128x128xf32, #tpu.memory_space<vmem>>
        tpu.enqueue_dma source(%dma_start3A_127 : memref<128x128xf32, #tpu.memory_space<vmem>>) target(%dma_start3A_124 : memref<128x128xf32, #tpu.memory_space<hbm>>) target_semaphore(%run_scoped3A_113 : memref<!tpu.dma_semaphore, #tpu.memory_space<semaphore_mem>>)
        %dma_wait3A_128 = arith.constant 128 : i32
        %dma_wait3A_129 = arith.constant 0 : i32
        %dma_wait3A_130 = tpu.memref_slice %run_scoped3A_49[%dma_wait3A_128, %dma_wait3A_129] : memref<512x128xf32, #tpu.memory_space<vmem>> -> memref<128x128xf32, #tpu.memory_space<vmem>>
        %dma_wait3A_131 = arith.constant 128 : i32
        %dma_wait3A_132 = arith.constant 0 : i32
        %dma_wait3A_133 = tpu.memref_slice %arg6[%add3A, %dma_wait3A_131, %dma_wait3A_132] : memref<32x512x128xf32, #tpu.memory_space<hbm>> -> memref<1x128x128xf32, #tpu.memory_space<hbm>>
        %dma_wait3A_134 = tpu.memref_squeeze %dma_wait3A_133 : memref<1x128x128xf32, #tpu.memory_space<hbm>> -> memref<128x128xf32, #tpu.memory_space<hbm>>
        %dma_wait3A_135 = arith.constant 128 : i32
        %dma_wait3A_136 = arith.constant 0 : i32
        %dma_wait3A_137 = tpu.memref_slice %arg6[%add3A, %dma_wait3A_135, %dma_wait3A_136] : memref<32x512x128xf32, #tpu.memory_space<hbm>> -> memref<1x128x128xf32, #tpu.memory_space<hbm>>
        %dma_wait3A_138 = tpu.memref_squeeze %dma_wait3A_137 : memref<1x128x128xf32, #tpu.memory_space<hbm>> -> memref<128x128xf32, #tpu.memory_space<hbm>>
        %dma_wait3A_139 = arith.constant 128 : i32
        %dma_wait3A_140 = arith.constant 0 : i32
        %dma_wait3A_141 = tpu.memref_slice %run_scoped3A_49[%dma_wait3A_139, %dma_wait3A_140] : memref<512x128xf32, #tpu.memory_space<vmem>> -> memref<128x128xf32, #tpu.memory_space<vmem>>
        tpu.wait_dma2 semaphore(%run_scoped3A_113 : memref<!tpu.dma_semaphore, #tpu.memory_space<semaphore_mem>>) src(%dma_wait3A_141 : memref<128x128xf32, #tpu.memory_space<vmem>>) dst(%dma_wait3A_138 : memref<128x128xf32, #tpu.memory_space<hbm>>)
        tpu.yield
      }) : () -> ()
      %dma_wait3A_97 = arith.constant 256 : i32
      %dma_wait3A_98 = arith.constant 0 : i32
      %dma_wait3A_99 = tpu.memref_slice %run_scoped3A_49[%dma_wait3A_97, %dma_wait3A_98] : memref<512x128xf32, #tpu.memory_space<vmem>> -> memref<128x128xf32, #tpu.memory_space<vmem>>
      %dma_wait3A_100 = arith.constant 256 : i32
      %dma_wait3A_101 = tpu.memref_slice %arg9[%dma_wait3A_100] : memref<512xi32, #tpu.memory_space<vmem>> -> memref<128xi32, #tpu.memory_space<vmem>>
      %dma_wait3A_102 = arith.constant 0 : i32
      %dma_wait3A_103 = arith.constant 0 : i32
      %dma_wait3A_104 = tpu.memref_slice %arg3[%dma_wait3A_102, %dma_wait3A_103] : memref<16384x128xf32, #tpu.memory_space<hbm>> -> memref<16384x128xf32, #tpu.memory_space<hbm>>
      tpu.wait_indirect_dma semaphore(%arg13 : memref<!tpu.dma_semaphore, #tpu.memory_space<semaphore_mem>>) src(%dma_wait3A_104 : memref<16384x128xf32, #tpu.memory_space<hbm>>) dst(%dma_wait3A_99 : memref<128x128xf32, #tpu.memory_space<vmem>>)
      "tpu.region"() ({
        %run_scoped3A_113 = tpu.sem_alloc : memref<!tpu.dma_semaphore, #tpu.memory_space<semaphore_mem>>
        %dma_start3A_114 = arith.constant 256 : i32
        %dma_start3A_115 = arith.constant 0 : i32
        %dma_start3A_116 = tpu.memref_slice %run_scoped3A_49[%dma_start3A_114, %dma_start3A_115] : memref<512x128xf32, #tpu.memory_space<vmem>> -> memref<128x128xf32, #tpu.memory_space<vmem>>
        %dma_start3A_117 = arith.constant 256 : i32
        %dma_start3A_118 = arith.constant 0 : i32
        %dma_start3A_119 = tpu.memref_slice %arg6[%add3A, %dma_start3A_117, %dma_start3A_118] : memref<32x512x128xf32, #tpu.memory_space<hbm>> -> memref<1x128x128xf32, #tpu.memory_space<hbm>>
        %dma_start3A_120 = tpu.memref_squeeze %dma_start3A_119 : memref<1x128x128xf32, #tpu.memory_space<hbm>> -> memref<128x128xf32, #tpu.memory_space<hbm>>
        %dma_start3A_121 = arith.constant 256 : i32
        %dma_start3A_122 = arith.constant 0 : i32
        %dma_start3A_123 = tpu.memref_slice %arg6[%add3A, %dma_start3A_121, %dma_start3A_122] : memref<32x512x128xf32, #tpu.memory_space<hbm>> -> memref<1x128x128xf32, #tpu.memory_space<hbm>>
        %dma_start3A_124 = tpu.memref_squeeze %dma_start3A_123 : memref<1x128x128xf32, #tpu.memory_space<hbm>> -> memref<128x128xf32, #tpu.memory_space<hbm>>
        %dma_start3A_125 = arith.constant 256 : i32
        %dma_start3A_126 = arith.constant 0 : i32
        %dma_start3A_127 = tpu.memref_slice %run_scoped3A_49[%dma_start3A_125, %dma_start3A_126] : memref<512x128xf32, #tpu.memory_space<vmem>> -> memref<128x128xf32, #tpu.memory_space<vmem>>
        tpu.enqueue_dma source(%dma_start3A_127 : memref<128x128xf32, #tpu.memory_space<vmem>>) target(%dma_start3A_124 : memref<128x128xf32, #tpu.memory_space<hbm>>) target_semaphore(%run_scoped3A_113 : memref<!tpu.dma_semaphore, #tpu.memory_space<semaphore_mem>>)
        %dma_wait3A_128 = arith.constant 256 : i32
        %dma_wait3A_129 = arith.constant 0 : i32
        %dma_wait3A_130 = tpu.memref_slice %run_scoped3A_49[%dma_wait3A_128, %dma_wait3A_129] : memref<512x128xf32, #tpu.memory_space<vmem>> -> memref<128x128xf32, #tpu.memory_space<vmem>>
        %dma_wait3A_131 = arith.constant 256 : i32
        %dma_wait3A_132 = arith.constant 0 : i32
        %dma_wait3A_133 = tpu.memref_slice %arg6[%add3A, %dma_wait3A_131, %dma_wait3A_132] : memref<32x512x128xf32, #tpu.memory_space<hbm>> -> memref<1x128x128xf32, #tpu.memory_space<hbm>>
        %dma_wait3A_134 = tpu.memref_squeeze %dma_wait3A_133 : memref<1x128x128xf32, #tpu.memory_space<hbm>> -> memref<128x128xf32, #tpu.memory_space<hbm>>
        %dma_wait3A_135 = arith.constant 256 : i32
        %dma_wait3A_136 = arith.constant 0 : i32
        %dma_wait3A_137 = tpu.memref_slice %arg6[%add3A, %dma_wait3A_135, %dma_wait3A_136] : memref<32x512x128xf32, #tpu.memory_space<hbm>> -> memref<1x128x128xf32, #tpu.memory_space<hbm>>
        %dma_wait3A_138 = tpu.memref_squeeze %dma_wait3A_137 : memref<1x128x128xf32, #tpu.memory_space<hbm>> -> memref<128x128xf32, #tpu.memory_space<hbm>>
        %dma_wait3A_139 = arith.constant 256 : i32
        %dma_wait3A_140 = arith.constant 0 : i32
        %dma_wait3A_141 = tpu.memref_slice %run_scoped3A_49[%dma_wait3A_139, %dma_wait3A_140] : memref<512x128xf32, #tpu.memory_space<vmem>> -> memref<128x128xf32, #tpu.memory_space<vmem>>
        tpu.wait_dma2 semaphore(%run_scoped3A_113 : memref<!tpu.dma_semaphore, #tpu.memory_space<semaphore_mem>>) src(%dma_wait3A_141 : memref<128x128xf32, #tpu.memory_space<vmem>>) dst(%dma_wait3A_138 : memref<128x128xf32, #tpu.memory_space<hbm>>)
        tpu.yield
      }) : () -> ()
      %dma_wait3A_105 = arith.constant 384 : i32
      %dma_wait3A_106 = arith.constant 0 : i32
      %dma_wait3A_107 = tpu.memref_slice %run_scoped3A_49[%dma_wait3A_105, %dma_wait3A_106] : memref<512x128xf32, #tpu.memory_space<vmem>> -> memref<128x128xf32, #tpu.memory_space<vmem>>
      %dma_wait3A_108 = arith.constant 384 : i32
      %dma_wait3A_109 = tpu.memref_slice %arg9[%dma_wait3A_108] : memref<512xi32, #tpu.memory_space<vmem>> -> memref<128xi32, #tpu.memory_space<vmem>>
      %dma_wait3A_110 = arith.constant 0 : i32
      %dma_wait3A_111 = arith.constant 0 : i32
      %dma_wait3A_112 = tpu.memref_slice %arg3[%dma_wait3A_110, %dma_wait3A_111] : memref<16384x128xf32, #tpu.memory_space<hbm>> -> memref<16384x128xf32, #tpu.memory_space<hbm>>
      tpu.wait_indirect_dma semaphore(%arg14 : memref<!tpu.dma_semaphore, #tpu.memory_space<semaphore_mem>>) src(%dma_wait3A_112 : memref<16384x128xf32, #tpu.memory_space<hbm>>) dst(%dma_wait3A_107 : memref<128x128xf32, #tpu.memory_space<vmem>>)
      "tpu.region"() ({
        %run_scoped3A_113 = tpu.sem_alloc : memref<!tpu.dma_semaphore, #tpu.memory_space<semaphore_mem>>
        %dma_start3A_114 = arith.constant 384 : i32
        %dma_start3A_115 = arith.constant 0 : i32
        %dma_start3A_116 = tpu.memref_slice %run_scoped3A_49[%dma_start3A_114, %dma_start3A_115] : memref<512x128xf32, #tpu.memory_space<vmem>> -> memref<128x128xf32, #tpu.memory_space<vmem>>
        %dma_start3A_117 = arith.constant 384 : i32
        %dma_start3A_118 = arith.constant 0 : i32
        %dma_start3A_119 = tpu.memref_slice %arg6[%add3A, %dma_start3A_117, %dma_start3A_118] : memref<32x512x128xf32, #tpu.memory_space<hbm>> -> memref<1x128x128xf32, #tpu.memory_space<hbm>>
        %dma_start3A_120 = tpu.memref_squeeze %dma_start3A_119 : memref<1x128x128xf32, #tpu.memory_space<hbm>> -> memref<128x128xf32, #tpu.memory_space<hbm>>
        %dma_start3A_121 = arith.constant 384 : i32
        %dma_start3A_122 = arith.constant 0 : i32
        %dma_start3A_123 = tpu.memref_slice %arg6[%add3A, %dma_start3A_121, %dma_start3A_122] : memref<32x512x128xf32, #tpu.memory_space<hbm>> -> memref<1x128x128xf32, #tpu.memory_space<hbm>>
        %dma_start3A_124 = tpu.memref_squeeze %dma_start3A_123 : memref<1x128x128xf32, #tpu.memory_space<hbm>> -> memref<128x128xf32, #tpu.memory_space<hbm>>
        %dma_start3A_125 = arith.constant 384 : i32
        %dma_start3A_126 = arith.constant 0 : i32
        %dma_start3A_127 = tpu.memref_slice %run_scoped3A_49[%dma_start3A_125, %dma_start3A_126] : memref<512x128xf32, #tpu.memory_space<vmem>> -> memref<128x128xf32, #tpu.memory_space<vmem>>
        tpu.enqueue_dma source(%dma_start3A_127 : memref<128x128xf32, #tpu.memory_space<vmem>>) target(%dma_start3A_124 : memref<128x128xf32, #tpu.memory_space<hbm>>) target_semaphore(%run_scoped3A_113 : memref<!tpu.dma_semaphore, #tpu.memory_space<semaphore_mem>>)
        %dma_wait3A_128 = arith.constant 384 : i32
        %dma_wait3A_129 = arith.constant 0 : i32
        %dma_wait3A_130 = tpu.memref_slice %run_scoped3A_49[%dma_wait3A_128, %dma_wait3A_129] : memref<512x128xf32, #tpu.memory_space<vmem>> -> memref<128x128xf32, #tpu.memory_space<vmem>>
        %dma_wait3A_131 = arith.constant 384 : i32
        %dma_wait3A_132 = arith.constant 0 : i32
        %dma_wait3A_133 = tpu.memref_slice %arg6[%add3A, %dma_wait3A_131, %dma_wait3A_132] : memref<32x512x128xf32, #tpu.memory_space<hbm>> -> memref<1x128x128xf32, #tpu.memory_space<hbm>>
        %dma_wait3A_134 = tpu.memref_squeeze %dma_wait3A_133 : memref<1x128x128xf32, #tpu.memory_space<hbm>> -> memref<128x128xf32, #tpu.memory_space<hbm>>
        %dma_wait3A_135 = arith.constant 384 : i32
        %dma_wait3A_136 = arith.constant 0 : i32
        %dma_wait3A_137 = tpu.memref_slice %arg6[%add3A, %dma_wait3A_135, %dma_wait3A_136] : memref<32x512x128xf32, #tpu.memory_space<hbm>> -> memref<1x128x128xf32, #tpu.memory_space<hbm>>
        %dma_wait3A_138 = tpu.memref_squeeze %dma_wait3A_137 : memref<1x128x128xf32, #tpu.memory_space<hbm>> -> memref<128x128xf32, #tpu.memory_space<hbm>>
        %dma_wait3A_139 = arith.constant 384 : i32
        %dma_wait3A_140 = arith.constant 0 : i32
        %dma_wait3A_141 = tpu.memref_slice %run_scoped3A_49[%dma_wait3A_139, %dma_wait3A_140] : memref<512x128xf32, #tpu.memory_space<vmem>> -> memref<128x128xf32, #tpu.memory_space<vmem>>
        tpu.wait_dma2 semaphore(%run_scoped3A_113 : memref<!tpu.dma_semaphore, #tpu.memory_space<semaphore_mem>>) src(%dma_wait3A_141 : memref<128x128xf32, #tpu.memory_space<vmem>>) dst(%dma_wait3A_138 : memref<128x128xf32, #tpu.memory_space<hbm>>)
        tpu.yield
      }) : () -> ()
      tpu.yield
    }) : () -> ()
    return
  }
}

module attributes {stable_mosaic.version = 14 : i64} {
  func.func @_mm_body(%arg0: i32, %arg1: memref<1x1xi32, #tpu.memory_space<smem>>, %arg2: memref<4096x128xf32, #tpu.memory_space<vmem>>, %arg3: memref<4096x128xf32, #tpu.memory_space<vmem>>, %arg4: memref<128x128xf32, #tpu.memory_space<vmem>>, %arg5: memref<4096x128xf32, #tpu.memory_space<vmem>>) attributes {dimension_semantics = [#tpu.dimension_semantics<arbitrary>], iteration_bounds = array<i64: 4>, scalar_prefetch = 0 : i64, scratch_operands = 0 : i64, tpu.core_type = #tpu.core_type<tc>, window_params = [{transform_indices = @transform_0, window_bounds = array<i64: 1, 1>}, {transform_indices = @transform_1, window_bounds = array<i64: 4096, 128>}, {transform_indices = @transform_2, window_bounds = array<i64: 4096, 128>}, {pipeline_mode = #tpu.pipeline_mode<synchronous>, transform_indices = @transform_3, window_bounds = array<i64: 128, 128>}, {transform_indices = @transform_4, window_bounds = array<i64: 4096, 128>}]} {
    %get3A = arith.constant 0 : index
    %get3A_0 = arith.constant 0 : index
    %get3A_1 = memref.load %arg1[%get3A, %get3A_0] : memref<1x1xi32, #tpu.memory_space<smem>>
    %eq3A = arith.constant 0 : i32
    %eq3A_2 = arith.cmpi eq, %get3A_1, %eq3A : i32
    %jit3A = arith.constant 0.000000e+00 : f32
    %jit3A_3 = arith.constant 1.000000e+00 : f32
    %select_n3A = arith.select %eq3A_2, %jit3A, %jit3A_3 : f32
    %get3A_4 = arith.constant 0 : index
    %get3A_5 = arith.constant 0 : index
    %get3A_6 = vector.load %arg2[%get3A_4, %get3A_5] : memref<4096x128xf32, #tpu.memory_space<vmem>>, vector<4096x128xf32>
    %mul3A = vector.broadcast %select_n3A : f32 to vector<4096x128xf32>
    %mul3A_7 = arith.mulf %mul3A, %get3A_6 : vector<4096x128xf32>
    %get3A_8 = arith.constant 0 : index
    %get3A_9 = arith.constant 0 : index
    %get3A_10 = vector.load %arg3[%get3A_8, %get3A_9] : memref<4096x128xf32, #tpu.memory_space<vmem>>, vector<4096x128xf32>
    %sub3A = arith.subf %get3A_10, %mul3A_7 : vector<4096x128xf32>
    %get3A_11 = arith.constant 0 : index
    %get3A_12 = arith.constant 0 : index
    %get3A_13 = vector.load %arg4[%get3A_11, %get3A_12] : memref<128x128xf32, #tpu.memory_space<vmem>>, vector<128x128xf32>
    %dot_general3A = arith.constant dense<0.000000e+00> : vector<4096x128xf32>
    %dot_general3A_14 = tpu.matmul %sub3A, %get3A_13, %dot_general3A {dimension_numbers = #tpu.dot_dimension_numbers<[1], [0], [0], [1], [0, 0, 1, 1], [], []>, transpose_lhs_hint = false} : vector<4096x128xf32>, vector<128x128xf32>, vector<4096x128xf32> -> vector<4096x128xf32>
    %add3A = arith.addf %mul3A_7, %dot_general3A_14 : vector<4096x128xf32>
    %swap3A = arith.constant 0 : index
    %swap3A_15 = arith.constant 0 : index
    %swap3A_16 = vector.load %arg5[%swap3A, %swap3A_15] : memref<4096x128xf32, #tpu.memory_space<vmem>>, vector<4096x128xf32>
    tpu.vector_store %arg5[%swap3A, %swap3A_15], %add3A {strides = array<i32>} : memref<4096x128xf32, #tpu.memory_space<vmem>>, vector<4096x128xf32>,
    return
  }
  func.func @transform_0(%arg0: i32) -> (i32, i32) {
    %c0_i32 = arith.constant 0 : i32
    %c0_i32_0 = arith.constant 0 : i32
    %c0_i32_1 = arith.constant 0 : i32
    return %c0_i32, %c0_i32_0 : i32, i32
  }
  func.func @transform_1(%arg0: i32) -> (i32, i32) {
    %c0_i32 = arith.constant 0 : i32
    %c0_i32_0 = arith.constant 0 : i32
    return %arg0, %c0_i32 : i32, i32
  }
  func.func @transform_2(%arg0: i32) -> (i32, i32) {
    %c0_i32 = arith.constant 0 : i32
    %c0_i32_0 = arith.constant 0 : i32
    return %arg0, %c0_i32 : i32, i32
  }
  func.func @transform_3(%arg0: i32) -> (i32, i32) {
    %c0_i32 = arith.constant 0 : i32
    %c0_i32_0 = arith.constant 0 : i32
    %c0_i32_1 = arith.constant 0 : i32
    return %c0_i32, %c0_i32_0 : i32, i32
  }
  func.func @transform_4(%arg0: i32) -> (i32, i32) {
    %c0_i32 = arith.constant 0 : i32
    %c0_i32_0 = arith.constant 0 : i32
    return %arg0, %c0_i32 : i32, i32
  }
}

</mosaic_0001>

<sc_bundles>
// kernel: kernel.4.cloned.1.call-start
scs
__scs_entry_jumppad:
0x0: {  	(pc) =	sbr.rel $0x88, $3  }
0x1: {  	(tag) =	ssettag $0x0;
	lr =	simm.s32 $0x1  }
0x2: {  	[smem:$0x3F9C] =	sst lr;
	_ =	strace $0xD0000000  }
0x3: {  	_ = 	snop  }
0x4: {  	_ = 	snop  }
0x5: {  	_ = 	snop  }
0x6: {  	_ = 	snop  }
0x7: {  	_ = 	snop  }
__scs_overlays_trampoline_lowered:
0x8: {  	[smem:$0x3FAB] =	sst s0  }
0x9: {  	[smem:$0x3FAC] =	sst s1  }
0xa: {  	[smem:$0x3FAD] =	sst s2  }
0xb: {  	[smem:$0x3FAE] =	sst s3  }
0xc: {  	[smem:$0x3FAF] =	sst s4  }
0xd: {  	[smem:$0x3FB0] =	sst s5  }
0xe: {  	[smem:$0x3FB1] =	sst s6  }
0xf: {  	[smem:$0x3FB2] =	sst s7  }
0x10: {  	[smem:$0x3FB3] =	sst s8  }
0x11: {  	[smem:$0x3FB4] =	sst s9;
	s0 =	simm.s32 @!p0 $0x0  }
0x12: {  	s1 =	sld [smem:$0x3F9A];
	s0 =	simm.s32 @p0 $0x1  }
0x13: {  	[smem:$0x3FB5] =	sst s0;
	s0 =	simm.s32 @!p1 $0x0  }
0x14: {  	s2 =	sld [smem:$0x3F99];
	s0 =	simm.s32 @p1 $0x1  }
0x15: {  	[smem:$0x3FB6] =	sst s0;
	s0 =	simm.s32 @!p2 $0x0  }
0x16: {  	s3 =	sld [smem:$0x3FDB];
	s0 =	simm.s32 @p2 $0x1  }
0x17: {  	s4 =	simm.s32 $0x1BF5;
	[smem:$0x3FB8] =	sst s0  }
0x18: {  	s0 =	sld [smem:$0x3F9B];
	_ =	swait.ge [sflag:s4], $0x0  }
0x19: {  	s7 =	sld [smem:$0x3F9C]  }
0x1a: {  	s8 =	sadd.s32 $0xFFFFE003, lr  }
0x1b: {  	s9 =	sadd.s32 $0xFFFFFEF7, lr;
	s5 =	simm.s32 $0xFFFFFFFF;
	p2 =	slt.u32 s8, $0xFFFFF086  }
0x1c: {  	p1 =	slt.u32 s9, $0xF7A;
	s5 =	simm.s32 @!p2 $0x0  }
0x1d: {  	s5 =	simm.s32 @p1 $0x1;
	p0 =	seq.s32 s7, s2  }
0x1e: {  	s7 =	smul.u32 @!p0 $0xF7A, s2;
	p2 =	seq.s32 @!p0 s5, $0x0  }
0x1f: {  	s9 =	smul.u32 $0xF7A, s1;
	s8 =	simm.s32 @!p0 $0x1BF5;
	p2 =	por !p2, p0  }
0x20: {  	[sflag:s8] =	ssyncset.s32 @!p0 $0xFFFFF086;
	s6 =	sadd.s32 @!p0 s3, s7;
	s7 =	simm.s32 @!p0 $0x108  }
0x21: {  	s3 =	sadd.s32 s3, s9;
	s6 =	sadd.s32 @!p0 $0x88, s6;
	s7 =	simm.s32 @p2 $0x1082  }
0x22: {  	[simem:s7], [sflag:s8] =	dma.local @!p0 [hbm:s6], $0xF7A  }
0x23: {  	s9 =	sor.u32 $0xD0000000, s2;
	s6 =	simm.s32 $0x108;
	_ =	swait.ge @!p0 [sflag:s8], $0x0  }
0x24: {  	s3 =	sadd.s32 $0x88, s3;
	s6 =	simm.s32 @!p1 $0x1082;
	[sflag:s4] =	ssyncset.s32 $0xFFFFF086  }
0x25: {  	[simem:s6], [sflag:s4] =	dma.local [hbm:s3], $0xF7A  }
0x26: {  	[smem:$0x3F9C] =	sst s1;
	(tag) =	ssettag s2;
	_ =	strace s9  }
0x27: {  	s1 =	sld [smem:$0x3FAC]  }
0x28: {  	s2 =	sld [smem:$0x3FAD]  }
0x29: {  	s4 =	sld [smem:$0x3FAF]  }
0x2a: {  	p0 =	seq.s32 s5, $0x0;
	s5 =	sld [smem:$0x3FB0]  }
0x2b: {  	s6 =	sld [smem:$0x3FB1]  }
0x2c: {  	s7 =	sld [smem:$0x3FB2]  }
0x2d: {  	s3 =	simm.s32 $0x108;
	s8 =	sld [smem:$0x3FB3]  }
0x2e: {  	s3 =	simm.s32 @!p0 $0x1082;
	s9 =	sld [smem:$0x3FB4]  }
0x2f: {  	lr =	sadd.s32 s0, s3;
	s0 =	sld [smem:$0x3FAB]  }
0x30: {  	s3 =	sld [smem:$0x3FAE]  }
0x31: {  	[smem:$0x3FB7] =	sst s10  }
0x32: {  	s10 =	sld [smem:$0x3FB5];
	_ =	sdelay $0x3  }
0x33: {  	p0 =	seq.s32 s10, $0x1;
	s10 =	sld [smem:$0x3FB7];
	_ =	sdelay $0x3  }
0x34: {  	[smem:$0x3FB7] =	sst s10  }
0x35: {  	s10 =	sld [smem:$0x3FB6];
	_ =	sdelay $0x3  }
0x36: {  	p1 =	seq.s32 s10, $0x1;
	s10 =	sld [smem:$0x3FB7];
	_ =	sdelay $0x3  }
0x37: {  	[smem:$0x3FB7] =	sst s10  }
0x38: {  	s10 =	sld [smem:$0x3FB8]  }
0x39: {  	_ = 	snop;
	(pc) =	sbr.ind lr, $3  }
0x3a: {  	_ = 	snop  }
0x3b: {  	_ = 	snop  }
0x3c: {  	p2 =	seq.s32 s10, $0x1;
	s10 =	sld [smem:$0x3FB7]  }
0x3d: {  	_ =	shalt  }
0x3e: {  	_ =	shalt  }
0x3f: {  	_ =	shalt  }
0x40: {  	_ =	shalt  }
0x41: {  	_ =	shalt  }
0x42: {  	_ =	shalt  }
0x43: {  	_ =	shalt  }
0x44: {  	_ =	shalt  }
0x45: {  	_ =	shalt  }
0x46: {  	_ =	shalt  }
0x47: {  	_ =	shalt  }
0x48: {  	_ =	shalt  }
0x49: {  	_ =	shalt  }
0x4a: {  	_ =	shalt  }
0x4b: {  	_ =	shalt  }
0x4c: {  	_ =	shalt  }
0x4d: {  	_ =	shalt  }
0x4e: {  	_ =	shalt  }
0x4f: {  	_ =	shalt  }
0x50: {  	_ =	shalt  }
0x51: {  	_ =	shalt  }
0x52: {  	_ =	shalt  }
0x53: {  	_ =	shalt  }
0x54: {  	_ =	shalt  }
0x55: {  	_ =	shalt  }
0x56: {  	_ =	shalt  }
0x57: {  	_ =	shalt  }
0x58: {  	_ =	shalt  }
0x59: {  	_ =	shalt  }
0x5a: {  	_ =	shalt  }
0x5b: {  	_ =	shalt  }
0x5c: {  	_ =	shalt  }
0x5d: {  	_ =	shalt  }
0x5e: {  	_ =	shalt  }
0x5f: {  	_ =	shalt  }
0x60: {  	_ =	shalt  }
0x61: {  	_ =	shalt  }
0x62: {  	_ =	shalt  }
0x63: {  	_ =	shalt  }
0x64: {  	_ =	shalt  }
0x65: {  	_ =	shalt  }
0x66: {  	_ =	shalt  }
0x67: {  	_ =	shalt  }
0x68: {  	_ =	shalt  }
0x69: {  	_ =	shalt  }
0x6a: {  	_ =	shalt  }
0x6b: {  	_ =	shalt  }
0x6c: {  	_ =	shalt  }
0x6d: {  	_ =	shalt  }
0x6e: {  	_ =	shalt  }
0x6f: {  	_ =	shalt  }
0x70: {  	_ =	shalt  }
0x71: {  	_ =	shalt  }
0x72: {  	_ =	shalt  }
0x73: {  	_ =	shalt  }
0x74: {  	_ =	shalt  }
0x75: {  	_ =	shalt  }
0x76: {  	_ =	shalt  }
0x77: {  	_ =	shalt  }
0x78: {  	_ =	shalt  }
0x79: {  	_ =	shalt  }
0x7a: {  	_ =	shalt  }
0x7b: {  	_ =	shalt  }
0x7c: {  	_ =	shalt  }
0x7d: {  	_ =	shalt  }
0x7e: {  	_ =	shalt  }
0x7f: {  	_ =	shalt  }
0x80: {  	_ =	shalt  }
0x81: {  	_ =	shalt  }
0x82: {  	_ =	shalt  }
0x83: {  	_ =	shalt  }
0x84: {  	_ =	shalt  }
0x85: {  	_ =	shalt  }
0x86: {  	_ =	shalt  }
0x87: {  	_ =	shalt  }
.Lfunc_end0:
.L_simem_size_0:
called_computation_lowered:
.L_overlay_start_0:
0x88: {  	s2 =	sld [smem:$0x3FD9]  }
0x89: {  	s3 =	sld [smem:$0x3FFE];
	_ =	sdelay $0x1  }
0x8a: {  	s1 =	srdreg.scid  }
0x8b: {  	s0 =	sand.u32 $0x1, s1  }
0x8c: {  	s17 =	sshll.u32 s0, $0xA;
	s2 =	sadd.s32 s3, s2  }
0x8d: {  	s2 =	sadd.s32 s2, s17  }
0x8e: {  	[smem:$0x3FC3] =	sst s2  }
0x8f: {  	_ = 	snop  }
0x90: {  	s2 =	sld [smem:$0x3FC9]  }
0x91: {  	s18 =	sld [smem:$0x3FC8]  }
0x92: {  	s4 =	sld [smem:$0x3FC5]  }
0x93: {  	s5 =	sld [smem:$0x3FD0];
	(tm) =	ssettm $0x1  }
0x94: {  	s6 =	sld [smem:$0x3FFB];
	_ =	sdelay $0x3  }
0x95: {  	_ =	strace s6  }
0x96: {  	s6 =	sld [smem:$0x3FFC];
	_ =	sdelay $0x3  }
0x97: {  	_ =	strace s6  }
0x98: {  	s6 =	sld [smem:$0x3FFD];
	_ =	sdelay $0x3  }
0x99: {  	_ =	strace s6  }
0x9a: {  	_ =	strace $0x8FFFFFFF  }
0x9b: {  	s19 =	sld [smem:$0x3FDB];
	_ =	sdelay $0x1  }
0x9c: {  	s7 =	simm.s32 $_scs_section_size  }
0x9d: {  	s8 =	simm.s32 $_size__tile_overlayer_lowered;
	s9 =	simm.s32 $_tile_overlayer_lowered  }
0x9e: {  	s22 =	simm.s32 $0x1BFF;
	s21 =	sshll.u32 s9, $0x1;
	s6 =	sadd.s32 s7, s19  }
0x9f: {  	s10 =	simm.s32 $0x0;
	s20 =	sshll.u32 s8, $0x1;
	s8 =	sadd.s32 s21, s6  }
0xa0: {  	[timem:s10], [sflag:s22] =	dma.local [hbm:s8], s20  }
0xa1: {  	_ =	swait.ge [sflag:s22], s20  }
0xa2: {  	s7 =	ssub.s32 $0x0, s20;
	[sflag:s22] =	ssyncset.done $0x0  }
0xa3: {  	[sflag:s22] =	ssyncadd.s32 s7;
	_ =	sdelay $0x1  }
0xa4: {  	s23 =	simm.s32 $0x1B8B  }
0xa5: {  	_ =	swait.ge [sflag:s23], $0x1  }
0xa6: {  	[sflag:s23] =	ssyncset.done $0x0  }
0xa7: {  	s25 =	simm.s32 $0x1B8E;
	s24 =	sld [smem:$0x3FFE];
	[sflag:s23] =	ssyncadd.s32 $0xFFFFFFFF  }
0xa8: {  	s26 =	simm.s32 $execute0_lowered;
	[smem:$0x3FD2] =	sst s25  }
0xa9: {  	s8 =	sshll.u32 s26, $0x1;
	_ =	strace $0x80000046;
	[dreg:$0x1] =	wrdreg $0xFFFFFFFF  }
0xaa: {  	s28 =	simm.s32 $_size_execute0_lowered;
	s6 =	sadd.s32 s6, s8;
	[dreg:$0x0] =	wrdreg $0x0  }
0xab: {  	s8 =	sshll.u32 s28, $0x1;
	[dreg:$0x2] =	wrdreg s6  }
0xac: {  	[dreg:$0x3] =	wrdreg s8  }
0xad: {  	[dreg:$0x4] =	wrdreg $0xC0  }
0xae: {  	_ =	task [dreg:s10], $0x5FFFF  }
0xaf: {  	[dreg:$0x1] =	wrdreg $0xFFFFFFFF  }
0xb0: {  	[dreg:$0x0] =	wrdreg $0x60  }
0xb1: {  	[dreg:$0x2] =	wrdreg s4  }
0xb2: {  	[dreg:$0x3] =	wrdreg s2  }
0xb3: {  	[dreg:$0x4] =	wrdreg s18  }
0xb4: {  	[dreg:$0x5] =	wrdreg s5  }
0xb5: {  	[dreg:$0x6] =	wrdreg s24  }
0xb6: {  	[dreg:$0x7] =	wrdreg $0x9  }
0xb7: {  	_ =	task.clear_ibuf [dreg:s10], $0x8FFFF;
	_ =	strace $0x90000046  }
0xb8: {  	s29 =	simm.s32 $0x9;
	_ =	strace $0x80000048  }
0xb9: {  	_ =	swait.ge [sflag:s29], $0x1  }
0xba: {  	[sflag:s29] =	ssyncadd.s32 $0xFFFFFFFF  }
0xbb: {  	_ =	strace $0x90000048  }
0xbc: {  	_ =	sfence  }
0xbd: {  	s30 =	sld [smem:$0x0];
	_ =	sdelay $0x2  }
0xbe: {  	s31 =	sshll.u32 s1, $0xD;
	s1 =	sshrl.u32 s1, $0x2  }
0xbf: {  	s3 =	sand.u32 $0x4000, s31;
	s1 =	sadd.s32 s1, s30  }
0xc0: {  	s0 =	sor.u32 s3, s0;
	s1 =	sshll.u32 s1, $0x11  }
0xc1: {  	s0 =	sor.u32 s1, s0  }
0xc2: {  	s0 =	sadd.s32 $0x8F2B, s0  }
0xc3: {  	[sflag:s0] =	ssyncadd.remote.s32 $0x1  }
0xc4: {  	_ =	sfence.sel $0xFFFF  }
0xc5: {  	[dreg:$0x0] =	wrdreg $0xFFFFFFFF;
	(pc) =	sbr.abs _section_cstart, $3  }
0xc6: {  	[dreg:$0x1] =	wrdreg $0xFFFFFFFF  }
0xc7: {  	_ =	task.clear_ibuf [dreg:s10], $0x2FFFF;
	_ =	strace $0x9FFFFFFF  }
0xc8: {  	(tm) =	ssettm $0x7FFFFFFF  }
0xc9: {  	_ =	shalt  }
tec
execute0_lowered:
.L_overlay_start_1:
0x0: {  	(tag) =	ssettag $0x1  }
0x1: {  	s19 =	rddreg [dreg:$0x0]  }
0x2: {  	s7 =	rddreg [dreg:$0x2]  }
0x3: {  	s0 =	rddreg [dreg:$0x3]  }
0x4: {  	s1 =	rddreg [dreg:$0x4]  }
0x5: {  	s2 =	srdreg.scid;
	s5 =	simm.s32 $0x0;
	s4 =	stileid.u32  }
0x6: {  	s2 =	sand.u32 $0x1, s2;
	[smem:$0x7FF] =	sst s5;
	s4 =	sshll.u32 s4, $0x1  }
0x7: {  	s1 =	sadd.s32 $0xE00, s1;
	s14 =	sadd.s32 $0x100, s7;
	s15 =	sadd.s32 $0x200, s7  }
0x8: {  	s13 =	sadd.s32 $0x60, s7;
	_ =	strace $0x80000047;
	[dreg:$0x7] =	wrdreg s14  }
0x9: {  	s3 =	ssub.s32 $0x2, s2;
	s2 =	sor.u32 s2, s4;
	[dreg:$0x8] =	wrdreg s15  }
0xa: {  	[dreg:$0x1b] =	wrdreg s13;
	s15 =	sadd.s32 $0x70, s7;
	s4 =	sshll.u32 s2, $0x6  }
0xb: {  	s2 =	sshll.u32 s2, $0xD;
	[dreg:$0x1c] =	wrdreg s15;
	s4 =	sadd.s32 s7, s4  }
0xc: {  	s23 =	sadd.s32 s1, s2;
	[dreg:$0x6] =	wrdreg s4  }
0xd: {  	s6 =	sshrl.u32 s3, $0x1;
	s8 =	sadd.s32 s0, s2;
	[dreg:$0xf] =	wrdreg s23  }
0xe: {  	s3 =	ssub.s32 s3, s6;
	s6 =	sadd.s32 $0x20, s7;
	[dreg:$0x9] =	wrdreg s8  }
0xf: {  	s17 =	sor.u32 $0x800, s2;
	s16 =	sadd.s32 $0x400, s8;
	[dreg:$0x17] =	wrdreg s6  }
0x10: {  	s20 =	sadd.s32 s0, s17;
	[dreg:$0xa] =	wrdreg s16  }
0x11: {  	s22 =	sor.u32 $0x1000, s2;
	s21 =	sadd.s32 $0xC00, s8;
	[dreg:$0xb] =	wrdreg s20  }
0x12: {  	s9 =	sor.u32 $0x1800, s2;
	s11 =	sadd.s32 s0, s22;
	[dreg:$0xc] =	wrdreg s21  }
0x13: {  	s0 =	sadd.s32 s0, s9;
	[dreg:$0xd] =	wrdreg s11  }
0x14: {  	s24 =	sadd.s32 s1, s17;
	[dreg:$0xe] =	wrdreg s0  }
0x15: {  	s25 =	sadd.s32 s1, s22;
	[dreg:$0x10] =	wrdreg s24  }
0x16: {  	s26 =	sadd.s32 s1, s9;
	[dreg:$0x11] =	wrdreg s25  }
0x17: {  	s28 =	simm.s32 $0x300;
	s1 =	sadd.s32 $0x1400, s8;
	[dreg:$0x12] =	wrdreg s26  }
0x18: {  	s29 =	simm.s32 $0x400;
	s2 =	smax.u32 s3, $0x1;
	[dreg:$0x13] =	wrdreg s1  }
0x19: {  	s30 =	simm.s32 $0x500;
	s3 =	sadd.s32 $0x1C00, s8;
	[dreg:$0x14] =	wrdreg s2  }
0x1a: {  	s31 =	simm.s32 $0x600;
	s4 =	sadd.s32 $0x10, s7;
	[dreg:$0x15] =	wrdreg s3  }
0x1b: {  	s10 =	sadd.s32 $0x300, s7;
	s8 =	sadd.s32 $0x30, s7;
	[dreg:$0x16] =	wrdreg s4  }
0x1c: {  	s12 =	sadd.s32 $0x400, s7;
	s9 =	sadd.s32 $0x40, s7;
	[dreg:$0x18] =	wrdreg s8  }
0x1d: {  	s18 =	sadd.s32 $0x700, s7;
	s17 =	sadd.s32 $0x80, s7;
	[dreg:$0x19] =	wrdreg s9  }
0x1e: {  	s14 =	sadd.s32 $0x500, s7;
	s22 =	sadd.s32 $0xB0, s7;
	[dreg:$0x1d] =	wrdreg s17  }
0x1f: {  	s15 =	simm.s32 $0x6480;
	s23 =	sadd.s32 $0xC0, s7;
	[smem:$0x7F9] =	sst s22  }
0x20: {  	s16 =	sadd.s32 $0x600, s7;
	s11 =	sadd.s32 $0x50, s7;
	[smem:$0x7FA] =	sst s23  }
0x21: {  	s20 =	sadd.s32 $0x90, s7;
	s21 =	sadd.s32 $0xA0, s7;
	[dreg:$0x1a] =	wrdreg s11  }
0x22: {  	s24 =	sadd.s32 $0xD0, s7;
	s25 =	sadd.s32 $0xE0, s7;
	[dreg:$0x1e] =	wrdreg s20  }
0x23: {  	s26 =	sadd.s32 $0xF0, s7;
	s22 =	simm.s32 $0x5;
	[dreg:$0x1f] =	wrdreg s21  }
0x24: {  	s3 =	simm.s32 $0x80;
	s8 =	simm.s32 $0x2480;
	[smem:$0x7FB] =	sst s24  }
0x25: {  	s4 =	simm.s32 $0x1;
	s1 =	simm.s32 $0x0;
	[smem:$0x7FC] =	sst s25  }
0x26: {  	v0 =	vimm.s32 $0xFFFFFFFF;
	v1 =	vlaneseq.u32;
	[smem:$0x7FD] =	sst s26;
	s21 =	simm.s32 $0x100;
	s20 =	simm.s32 $0x4480  }
.LBB2_1:
0x27: {  	[smem:$0x7F8] =	sst s1  }
0x28: {  	s0 =	rddreg [dreg:$0x6];
	s2 =	simm.s32 $0x1000  }
0x29: {  	[tilespmem:s2], [sflag:$0x5] =	stream.linear.gather [hbm4b:s0+s5], $0x200, $0x38;
	[tilespmem:$0x1EB80] =	vst v63  }
0x2a: {  	_ =	swait.ge [sflag:s22], $0x200  }
0x2b: {  	[sflag:s22] =	ssyncset.done $0x0  }
0x2c: {  	s26 =	rddreg [dreg:$0x16];
	[sflag:s22] =	ssyncadd.s32 $0xFFFFFE00  }
0x2d: {  	s25 =	rddreg [dreg:$0x2]  }
0x2e: {  	[tilespmem:s5], [sflag:$0x1] =	stream.linear.gather [hbm4b:s25+s5], $0x80, $0x38;
	[tilespmem:$0x1EB80] =	vst v63  }
0x2f: {  	s1 =	rddreg [dreg:$0x17]  }
0x30: {  	[tilespmem:s21], [sflag:$0x1] =	stream.linear.gather [hbm4b:s26+s5], $0x80, $0x38;
	[tilespmem:$0x1EB80] =	vst v63  }
0x31: {  	s6 =	simm.s32 $0x200;
	s7 =	rddreg [dreg:$0x18]  }
0x32: {  	[tilespmem:s6], [sflag:$0x1] =	stream.linear.gather [hbm4b:s1+s5], $0x80, $0x38;
	[tilespmem:$0x1EB80] =	vst v63  }
0x33: {  	s9 =	rddreg [dreg:$0x19]  }
0x34: {  	[tilespmem:s28], [sflag:$0x1] =	stream.linear.gather [hbm4b:s7+s5], $0x80, $0x38;
	[tilespmem:$0x1EB80] =	vst v63  }
0x35: {  	s11 =	rddreg [dreg:$0x1a]  }
0x36: {  	[tilespmem:s29], [sflag:$0x1] =	stream.linear.gather [hbm4b:s9+s5], $0x80, $0x38;
	[tilespmem:$0x1EB80] =	vst v63  }
0x37: {  	s13 =	rddreg [dreg:$0x1b]  }
0x38: {  	[tilespmem:s30], [sflag:$0x1] =	stream.linear.gather [hbm4b:s11+s5], $0x80, $0x38;
	[tilespmem:$0x1EB80] =	vst v63  }
0x39: {  	s17 =	rddreg [dreg:$0x1c]  }
0x3a: {  	[tilespmem:s31], [sflag:$0x1] =	stream.linear.gather [hbm4b:s13+s5], $0x80, $0x38;
	[tilespmem:$0x1EB80] =	vst v63  }
0x3b: {  	s23 =	rddreg [dreg:$0x1d];
	s21 =	simm.s32 $0x700  }
0x3c: {  	[tilespmem:s21], [sflag:$0x1] =	stream.linear.gather [hbm4b:s17+s5], $0x80, $0x38;
	[tilespmem:$0x1EB80] =	vst v63  }
0x3d: {  	s24 =	simm.s32 $0x800;
	s25 =	rddreg [dreg:$0x1e]  }
0x3e: {  	[tilespmem:s24], [sflag:$0x1] =	stream.linear.gather [hbm4b:s23+s5], $0x80, $0x38;
	[tilespmem:$0x1EB80] =	vst v63  }
0x3f: {  	s26 =	simm.s32 $0x900;
	s1 =	rddreg [dreg:$0x1f]  }
0x40: {  	[tilespmem:s26], [sflag:$0x1] =	stream.linear.gather [hbm4b:s25+s5], $0x80, $0x38;
	[tilespmem:$0x1EB80] =	vst v63  }
0x41: {  	s6 =	simm.s32 $0xA00;
	s7 =	sld [smem:$0x7F9]  }
0x42: {  	[tilespmem:s6], [sflag:$0x1] =	stream.linear.gather [hbm4b:s1+s5], $0x80, $0x38;
	[tilespmem:$0x1EB80] =	vst v63  }
0x43: {  	s9 =	simm.s32 $0xB00;
	s11 =	sld [smem:$0x7FA]  }
0x44: {  	[tilespmem:s9], [sflag:$0x1] =	stream.linear.gather [hbm4b:s7+s5], $0x80, $0x38;
	[tilespmem:$0x1EB80] =	vst v63  }
0x45: {  	s13 =	simm.s32 $0xC00;
	s17 =	sld [smem:$0x7FB]  }
0x46: {  	[tilespmem:s13], [sflag:$0x1] =	stream.linear.gather [hbm4b:s11+s5], $0x80, $0x38;
	[tilespmem:$0x1EB80] =	vst v63  }
0x47: {  	s21 =	simm.s32 $0xD00;
	s23 =	sld [smem:$0x7FC]  }
0x48: {  	[tilespmem:s21], [sflag:$0x1] =	stream.linear.gather [hbm4b:s17+s5], $0x80, $0x38;
	[tilespmem:$0x1EB80] =	vst v63  }
0x49: {  	s24 =	simm.s32 $0xE00;
	s25 =	sld [smem:$0x7FD]  }
0x4a: {  	[tilespmem:s24], [sflag:$0x1] =	stream.linear.gather [hbm4b:s23+s5], $0x80, $0x38;
	[tilespmem:$0x1EB80] =	vst v63  }
0x4b: {  	s26 =	simm.s32 $0xF00  }
0x4c: {  	[tilespmem:s26], [sflag:$0x1] =	stream.linear.gather [hbm4b:s25+s5], $0x80, $0x38;
	[tilespmem:$0x1EB80] =	vst v63  }
0x4d: {  	s1 =	rddreg [dreg:$0x7]  }
0x4e: {  	[tilespmem:s3], [sflag:$0x2] =	stream.linear.gather [hbm4b:s1+s5], $0x80, $0x38;
	[tilespmem:$0x1EB80] =	vst v63  }
0x4f: {  	s6 =	simm.s32 $0x180;
	s3 =	sadd.s32 $0x10, s1  }
0x50: {  	[tilespmem:s6], [sflag:$0x2] =	stream.linear.gather [hbm4b:s3+s5], $0x80, $0x38;
	[tilespmem:$0x1EB80] =	vst v63  }
0x51: {  	s7 =	sadd.s32 $0x20, s1;
	s9 =	simm.s32 $0x280  }
0x52: {  	[tilespmem:s9], [sflag:$0x2] =	stream.linear.gather [hbm4b:s7+s5], $0x80, $0x38;
	[tilespmem:$0x1EB80] =	vst v63  }
0x53: {  	s11 =	sadd.s32 $0x30, s1;
	s13 =	simm.s32 $0x380  }
0x54: {  	[tilespmem:s13], [sflag:$0x2] =	stream.linear.gather [hbm4b:s11+s5], $0x80, $0x38;
	[tilespmem:$0x1EB80] =	vst v63  }
0x55: {  	s17 =	sadd.s32 $0x40, s1;
	s21 =	simm.s32 $0x480  }
0x56: {  	[tilespmem:s21], [sflag:$0x2] =	stream.linear.gather [hbm4b:s17+s5], $0x80, $0x38;
	[tilespmem:$0x1EB80] =	vst v63  }
0x57: {  	s23 =	sadd.s32 $0x50, s1;
	s24 =	simm.s32 $0x580  }
0x58: {  	[tilespmem:s24], [sflag:$0x2] =	stream.linear.gather [hbm4b:s23+s5], $0x80, $0x38;
	[tilespmem:$0x1EB80] =	vst v63  }
0x59: {  	s25 =	sadd.s32 $0x60, s1;
	s26 =	simm.s32 $0x680  }
0x5a: {  	[tilespmem:s26], [sflag:$0x2] =	stream.linear.gather [hbm4b:s25+s5], $0x80, $0x38;
	[tilespmem:$0x1EB80] =	vst v63  }
0x5b: {  	s3 =	sadd.s32 $0x70, s1;
	s6 =	simm.s32 $0x780  }
0x5c: {  	[tilespmem:s6], [sflag:$0x2] =	stream.linear.gather [hbm4b:s3+s5], $0x80, $0x38;
	[tilespmem:$0x1EB80] =	vst v63  }
0x5d: {  	s7 =	sadd.s32 $0x80, s1;
	s9 =	simm.s32 $0x880  }
0x5e: {  	[tilespmem:s9], [sflag:$0x2] =	stream.linear.gather [hbm4b:s7+s5], $0x80, $0x38;
	[tilespmem:$0x1EB80] =	vst v63  }
0x5f: {  	s11 =	sadd.s32 $0x90, s1;
	s13 =	simm.s32 $0x980  }
0x60: {  	[tilespmem:s13], [sflag:$0x2] =	stream.linear.gather [hbm4b:s11+s5], $0x80, $0x38;
	[tilespmem:$0x1EB80] =	vst v63  }
0x61: {  	s17 =	sadd.s32 $0xA0, s1;
	s21 =	simm.s32 $0xA80  }
0x62: {  	[tilespmem:s21], [sflag:$0x2] =	stream.linear.gather [hbm4b:s17+s5], $0x80, $0x38;
	[tilespmem:$0x1EB80] =	vst v63  }
0x63: {  	s23 =	sadd.s32 $0xB0, s1;
	s24 =	simm.s32 $0xB80  }
0x64: {  	[tilespmem:s24], [sflag:$0x2] =	stream.linear.gather [hbm4b:s23+s5], $0x80, $0x38;
	[tilespmem:$0x1EB80] =	vst v63  }
0x65: {  	s25 =	sadd.s32 $0xC0, s1;
	s26 =	simm.s32 $0xC80  }
0x66: {  	[tilespmem:s26], [sflag:$0x2] =	stream.linear.gather [hbm4b:s25+s5], $0x80, $0x38;
	[tilespmem:$0x1EB80] =	vst v63  }
0x67: {  	s6 =	sadd.s32 $0xD0, s1;
	s7 =	simm.s32 $0xD80  }
0x68: {  	[tilespmem:s7], [sflag:$0x2] =	stream.linear.gather [hbm4b:s6+s5], $0x80, $0x38;
	[tilespmem:$0x1EB80] =	vst v63  }
0x69: {  	s9 =	sadd.s32 $0xE0, s1;
	s11 =	simm.s32 $0xE80  }
0x6a: {  	[tilespmem:s11], [sflag:$0x2] =	stream.linear.gather [hbm4b:s9+s5], $0x80, $0x38;
	[tilespmem:$0x1EB80] =	vst v63  }
0x6b: {  	s13 =	sadd.s32 $0xF0, s1;
	s17 =	simm.s32 $0xF80  }
0x6c: {  	[tilespmem:s17], [sflag:$0x2] =	stream.linear.gather [hbm4b:s13+s5], $0x80, $0x38;
	[tilespmem:$0x1EB80] =	vst v63  }
0x6d: {  	s21 =	simm.s32 $0x40  }
0x6e: {  	[tilespmem:s8], [sflag:$0x3] =	stream.indirect.gather [hbm4b:s19+s21], $0x80, s2, s21, $0xb8;
	[tilespmem:$0x1EB80] =	vst v63  }
0x6f: {  	s23 =	simm.s32 $0x1040  }
0x70: {  	[tilespmem:s20], [sflag:$0x4] =	stream.indirect.gather [hbm4b:s19+s21], $0x80, s23, s21, $0xb8;
	[tilespmem:$0x1EB80] =	vst v63  }
0x71: {  	s30 =	simm.s32 $0x30;
	[tilespmem:$0x1C00] =	vst v0  }
0x72: {  	s3 =	simm.s32 $0x20;
	s24 =	simm.s32 $0x0;
	_ =	swait.ge [sflag:s4], $0x800  }
0x73: {  	s0 =	sand.u32 $0xF00, s24;
	s25 =	sand.u32 $0x60, s3;
	[sflag:s4] =	ssyncset.done $0x0  }
0x74: {  	s26 =	sand.u32 $0x70, s30;
	s1 =	sor.u32 s25, s0;
	[sflag:s4] =	ssyncadd.s32 $0xFFFFF800  }
0x75: {  	s4 =	sor.u32 s26, s0;
	v2 =	vld [tilespmem:s1+$0x0]  }
0x76: {  	v3 =	vld [tilespmem:s4+$0x0];
	_ =	sdelay $0x2  }
0x77: {  	s28 =	simm.s32 $0x10  }
0x78: {  	s6 =	sand.u32 $0x40, s5;
	s7 =	sand.u32 $0x50, s28;
	v2 =	vshll.u32 v2, $0x4  }
0x79: {  	s1 =	sor.u32 s6, s0;
	s0 =	sor.u32 s7, s0;
	v3 =	vshll.u32 v3, $0x4;
	v2 =	vor.u32 v1, v2  }
0x7a: {  	v3 =	vor.u32 v1, v3;
	(xrf1) =	vsort.ascd.msk.u32 $0xffff, v2, v2;
	v2 =	vld [tilespmem:s0+$0x0]  }
0x7b: {  	(xrf1) =	vsort.ascd.msk.u32 $0xffff, v3, v3;
	v3 =	vld [tilespmem:s1+$0x0];
	_ =	sdelay $0x2  }
0x7c: {  	s24 =	simm.s32 $0x40;
	s9 =	simm.s32 $0x80;
	s26 =	simm.s32 $0x60  }
0x7d: {  	s25 =	simm.s32 $0x70;
	s11 =	sand.u32 $0xF00, s9;
	s13 =	sand.u32 $0x60, s26;
	v2 =	vshll.u32 v2, $0x4  }
0x7e: {  	s17 =	sand.u32 $0x70, s25;
	s23 =	simm.s32 $0x50;
	s2 =	sor.u32 s13, s11;
	v3 =	vshll.u32 v3, $0x4;
	v2 =	vor.u32 v1, v2  }
0x7f: {  	s8 =	smov.u32 s19;
	s19 =	sand.u32 $0x50, s23;
	v4 =	vld [tilespmem:s2+$0x0];
	s1 =	sor.u32 s17, s11;
	(xrf1) =	vsort.ascd.msk.u32 $0xffff, v2, v2;
	v2 =	vor.u32 v1, v3  }
0x80: {  	s20 =	sand.u32 $0x40, s24;
	s4 =	sor.u32 s19, s11;
	v5 =	vld [tilespmem:s1+$0x0];
	(xrf1) =	vsort.ascd.msk.u32 $0xffff, v2, v2  }
0x81: {  	v6 =	vld [tilespmem:s4+$0x0];
	s0 =	sor.u32 s20, s11  }
0x82: {  	v7 =	vld [tilespmem:s0+$0x0];
	_ =	sdelay $0x1  }
0x83: {  	v3 =	vshll.u32 v4, $0x4  }
0x84: {  	v2 =	vor.u32 v1, v3;
	v3 =	vshll.u32 v5, $0x4  }
0x85: {  	s29 =	simm.s32 $0xA0;
	s31 =	simm.s32 $0x90;
	s6 =	simm.s32 $0x400;
	v4 =	vshll.u32 v6, $0x4;
	v3 =	vor.u32 v1, v3;
	(xrf1) =	vsort.ascd.msk.u32 $0xffff, v2, v2  }
0x86: {  	s7 =	sand.u32 $0x50, s31;
	s4 =	simm.s32 $0x1420;
	s2 =	simm.s32 $0x80;
	v4 =	vor.u32 v1, v4;
	v2 =	vshll.u32 v7, $0x4;
	(xrf1) =	vsort.ascd.msk.u32 $0xffff, v3, v3  }
0x87: {  	s13 =	sand.u32 $0x60, s29;
	s9 =	sand.u32 $0x40, s2;
	s11 =	simm.s32 $0x100;
	v3 =	vor.u32 v1, v2;
	(xrf1) =	vsort.ascd.msk.u32 $0xffff, v4, v4  }
0x88: {  	s17 =	simm.s32 $0x8;
	s0 =	simm.s32 $0xB0;
	s11 =	sand.u32 $0xF00, s11;
	(xrf1) =	vsort.ascd.msk.u32 $0xffff, v3, v3  }
0x89: {  	s1 =	simm.s32 $0x1CA0;
	s21 =	sand.u32 $0x70, s0;
	s13 =	sor.u32 s13, s11;
	v4, _, _ =	vpop (xrf1)  }
0x8a: {  	s19 =	sor.u32 s7, s11;
	s21 =	sor.u32 s21, s11;
	v2 =	vld [tilespmem:s13+$0x0];
	s13 =	sor.u32 s9, s11;
	v5 =	vshrl.u32 v4, $0x4;
	v4 =	vand.u32 $0xF, v4;
	v6, _, _ =	vpop (xrf1)  }
0x8b: {  	s11 =	simm.s32 $0x1420;
	s9 =	simm.s32 $0x0;
	v3 =	vld [tilespmem:s21+$0x0];
	[tilespmem:s4+$0x0] =	vst v5;
	v5 =	vor.u32 s3, v4;
	v4 =	vshrl.u32 v6, $0x4;
	v6 =	vand.u32 $0xF, v6;
	s3 =	simm.s32 $0x1CA0  }
.LBB2_2:
0x8c: {  	s17 =	sadd.s32 $0x4, s17;
	v7 =	vld [tilespmem:s19+$0x0];
	[tilespmem:s1+$0x0] =	vst v5;
	v5 =	vor.u32 s30, v6;
	s4 =	sadd.s32 $0x40, s4;
	s3 =	sadd.s32 $0x40, s3;
	v6, _, _ =	vpop (xrf1)  }
0x8d: {  	s30 =	smov.u32 s25;
	s25 =	smov.u32 s0;
	p0 =	slt.u32 s17, $0x7C;
	v8 =	vld [tilespmem:s13+$0x0];
	v9 =	vshrl.u32 v6, $0x4;
	v6 =	vand.u32 $0xF, v6;
	[tilespmem:s11+$0x10] =	vst v4;
	v4, _, _ =	vpop (xrf1)  }
0x8e: {  	v10 =	vshrl.u32 v4, $0x4;
	v4 =	vand.u32 $0xF, v4;
	v6 =	vor.u32 s28, v6;
	[tilespmem:s1+$0x10] =	vst v5;
	s28 =	smov.u32 s23;
	s23 =	smov.u32 s31  }
0x8f: {  	s6 =	sadd.s32 $0x200, s6;
	v2 =	vshll.u32 v2, $0x4;
	[tilespmem:s11+$0xFFFFFFE0] =	vst v10;
	v4 =	vor.u32 s9, v4;
	s9 =	smov.u32 s24;
	s24 =	smov.u32 s2  }
0x90: {  	s19 =	sshrl.u32 s6, $0x2;
	s2 =	sadd.s32 $0x40, s2;
	v2 =	vor.u32 v1, v2;
	v3 =	vshll.u32 v3, $0x4;
	[tilespmem:s11+$0xFFFFFFF0] =	vst v9;
	s11 =	smov.u32 s4  }
0x91: {  	s13 =	sand.u32 $0x40, s2;
	s20 =	sadd.s32 $0x20, s2;
	s0 =	sadd.s32 $0x30, s2;
	v5 =	vshll.u32 v7, $0x4;
	v3 =	vor.u32 v1, v3;
	(xrf1) =	vsort.ascd.msk.u32 $0xffff, v2, v2;
	[tilespmem:s1+$0xFFFFFFE0] =	vst v4  }
.Ltmp0:
0x92: {  	s31 =	sadd.s32 $0x10, s2;
	s21 =	sand.u32 $0x70, s0;
	v2 =	vshll.u32 v8, $0x4;
	v5 =	vor.u32 v1, v5;
	(xrf1) =	vsort.ascd.msk.u32 $0xffff, v3, v3;
	[tilespmem:s1+$0xFFFFFFF0] =	vst v6;
	(pc) =	sbr.rel @p0 .LBB2_2-.Ltmp0, $4  }
0x93: {  	s7 =	sand.u32 $0x60, s20;
	s1 =	sand.u32 $0xF00, s19;
	s19 =	sand.u32 $0x50, s31;
	v3 =	vor.u32 v1, v2  }
0x94: {  	s13 =	sor.u32 s13, s1;
	s19 =	sor.u32 s19, s1;
	s7 =	sor.u32 s7, s1;
	(xrf1) =	vsort.ascd.msk.u32 $0xffff, v5, v5;
	v4, _, _ =	vpop (xrf1)  }
0x95: {  	v2 =	vld [tilespmem:s7+$0x0];
	s7 =	sor.u32 s21, s1;
	(xrf1) =	vsort.ascd.msk.u32 $0xffff, v3, v3;
	v5 =	vshrl.u32 v4, $0x4;
	v4 =	vand.u32 $0xF, v4;
	v6, _, _ =	vpop (xrf1);
	s1 =	smov.u32 s3  }
0x96: {  	v3 =	vld [tilespmem:s7+$0x0];
	[tilespmem:s4+$0x0] =	vst v5;
	v5 =	vor.u32 s26, v4;
	v4 =	vshrl.u32 v6, $0x4;
	v6 =	vand.u32 $0xF, v6;
	s26 =	smov.u32 s29;
	s29 =	smov.u32 s20  }
0x97: {  	v7 =	vld [tilespmem:s19+$0x0]  }
0x98: {  	v8 =	vld [tilespmem:s13+$0x0]  }
0x99: {  	v52, _, _ =	vpop (xrf1)  }
0x9a: {  	v54, _, _ =	vpop (xrf1);
	v56 =	vshrl.u32 v52, $0x4;
	v2 =	vshll.u32 v2, $0x4  }
0x9b: {  	[tilespmem:s11+$0x10] =	vst v4;
	v4 =	vand.u32 $0xF, v54;
	v2 =	vor.u32 v1, v2;
	v3 =	vshll.u32 v3, $0x4  }
0x9c: {  	[tilespmem:s11+$0xFFFFFFF0] =	vst v56;
	(xrf1) =	vsort.ascd.msk.u32 $0xffff, v2, v2;
	v53 =	vshll.u32 v7, $0x4;
	v3 =	vor.u32 v1, v3  }
0x9d: {  	v2 =	vor.u32 s30, v6;
	v55 =	vshll.u32 v8, $0x4;
	v6 =	vor.u32 v1, v53;
	(xrf1) =	vsort.ascd.msk.u32 $0xffff, v3, v3  }
0x9e: {  	v3 =	vshrl.u32 v54, $0x4;
	[tilespmem:s1+$0x10] =	vst v2;
	v2 =	vor.u32 v1, v55;
	(xrf1) =	vsort.ascd.msk.u32 $0xffff, v6, v6  }
0x9f: {  	[tilespmem:s11+$0xFFFFFFE0] =	vst v3;
	v3 =	vor.u32 s9, v4;
	(xrf1) =	vsort.ascd.msk.u32 $0xffff, v2, v2;
	v2 =	vand.u32 $0xF, v52  }
0xa0: {  	v57, _, _ =	vpop (xrf1);
	[tilespmem:s1+$0xFFFFFFE0] =	vst v3;
	v2 =	vor.u32 s28, v2  }
0xa1: {  	s4 =	sadd.s32 $0x40, s4;
	v3 =	vand.u32 $0xF, v57;
	[tilespmem:s1+$0xFFFFFFF0] =	vst v2;
	v2 =	vshrl.u32 v57, $0x4  }
0xa2: {  	v58, _, _ =	vpop (xrf1);
	[tilespmem:s4+$0x0] =	vst v2;
	v2 =	vor.u32 s26, v3  }
0xa3: {  	v3 =	vshrl.u32 v58, $0x4  }
0xa4: {  	s28 =	sadd.s32 $0x40, s3  }
0xa5: {  	[tilespmem:s28+$0x0] =	vst v2;
	v2, _, _ =	vpop (xrf1)  }
0xa6: {  	[tilespmem:s4+$0x10] =	vst v3;
	v3, _, _ =	vpop (xrf1)  }
0xa7: {  	v59 =	vshrl.u32 v3, $0x4;
	v3 =	vand.u32 $0xF, v3  }
0xa8: {  	[tilespmem:s1+$0x0] =	vst v5;
	v60 =	vshrl.u32 v2, $0x4;
	v3 =	vor.u32 s24, v3  }
0xa9: {  	[tilespmem:s4+$0xFFFFFFF0] =	vst v60  }
0xaa: {  	v2 =	vand.u32 $0xF, v2;
	[tilespmem:s4+$0xFFFFFFE0] =	vst v59  }
0xab: {  	v2 =	vor.u32 s23, v2;
	[tilespmem:s28+$0xFFFFFFE0] =	vst v3;
	v3, _, _ =	vpop (xrf1)  }
0xac: {  	s30 =	sadd.s32 $0x40, s4;
	v4 =	vand.u32 $0xF, v58;
	[tilespmem:s28+$0xFFFFFFF0] =	vst v2;
	v2 =	vshrl.u32 v3, $0x4;
	v3 =	vand.u32 $0xF, v3  }
0xad: {  	v4 =	vor.u32 s25, v4;
	v61, _, _ =	vpop (xrf1);
	[tilespmem:s30+$0x0] =	vst v2;
	v2 =	vor.u32 s29, v3  }
0xae: {  	s1 =	sadd.s32 $0x40, s28;
	[tilespmem:s28+$0x10] =	vst v4;
	v3 =	vshrl.u32 v61, $0x4  }
0xaf: {  	v4 =	vand.u32 $0xF, v61;
	[tilespmem:s1+$0x0] =	vst v2  }
0xb0: {  	v4 =	vor.u32 s0, v4;
	[tilespmem:s30+$0x10] =	vst v3;
	v2, _, _ =	vpop (xrf1)  }
0xb1: {  	[tilespmem:s1+$0x10] =	vst v4;
	v3, _, _ =	vpop (xrf1);
	v63 =	vshrl.u32 v2, $0x4  }
0xb2: {  	v2 =	vand.u32 $0xF, v2;
	v62 =	vshrl.u32 v3, $0x4;
	[tilespmem:s30+$0xFFFFFFF0] =	vst v63  }
0xb3: {  	v3 =	vand.u32 $0xF, v3;
	v2 =	vor.u32 s31, v2;
	[tilespmem:s30+$0xFFFFFFE0] =	vst v62  }
0xb4: {  	v3 =	vor.u32 s2, v3;
	[tilespmem:s1+$0xFFFFFFF0] =	vst v2  }
0xb5: {  	s0 =	simm.s32 $0x0;
	[tilespmem:s1+$0xFFFFFFE0] =	vst v3  }
.LBB2_4:
0xb6: {  	s1 =	sshra.s32 s0, $0x2  }
0xb7: {  	v2 =	vld [tilespmem:s1+$0x1400]  }
0xb8: {  	v3 =	vld [tilespmem:s1+$0x1401];
	_ =	sdelay $0x4  }
0xb9: {  	vm0 =	veq.s32 v2, v3  }
0xba: {  	v3 =	vld [tilespmem:s1+$0x1C80];
	v2 =	vsel vm0, $0x186A0, v2;
	_ =	sdelay $0x4  }
0xbb: {  	[tilespmem:v2+s15+$0x0] =	vst.idx.msk $0xffff, v3  }
0xbc: {  	v2 =	vld [tilespmem:s1+$0x1410]  }
0xbd: {  	v3 =	vld [tilespmem:s1+$0x1411];
	_ =	sdelay $0x4  }
0xbe: {  	vm15 =	veq.s32 v2, v3  }
0xbf: {  	p0 =	sne.s32 s0, $0x1F80;
	v3 =	vld [tilespmem:s1+$0x1C90];
	v2 =	vsel vm15, $0x186A0, v2  }
.Ltmp1:
0xc0: {  	_ = 	snop;
	(pc) =	sbr.rel @p0 .LBB2_4-.Ltmp1, $2  }
0xc1: {  	_ =	sdelay $0x2  }
0xc2: {  	s0 =	sadd.s32 $0x80, s0;
	[tilespmem:v2+s15+$0x0] =	vst.idx.msk $0xffff, v3  }
0xc3: {  	s2 =	simm.s32 $0x0;
	s1 =	rddreg [dreg:$0x8]  }
0xc4: {  	[tilespmem:s2], [sflag:$0x1] =	stream.linear.gather [hbm4b:s1+s2], $0x80, $0x38;
	[tilespmem:$0x1EB80] =	vst v63  }
0xc5: {  	s20 =	simm.s32 $0x100;
	s0 =	sadd.s32 $0x10, s1  }
0xc6: {  	[tilespmem:s20], [sflag:$0x1] =	stream.linear.gather [hbm4b:s0+s2], $0x80, $0x38;
	[tilespmem:$0x1EB80] =	vst v63  }
0xc7: {  	s21 =	simm.s32 $0x200;
	s7 =	sadd.s32 $0x20, s1  }
0xc8: {  	[tilespmem:s21], [sflag:$0x1] =	stream.linear.gather [hbm4b:s7+s2], $0x80, $0x38;
	[tilespmem:$0x1EB80] =	vst v63  }
0xc9: {  	s28 =	simm.s32 $0x300;
	s9 =	sadd.s32 $0x30, s1  }
0xca: {  	[tilespmem:s28], [sflag:$0x1] =	stream.linear.gather [hbm4b:s9+s2], $0x80, $0x38;
	[tilespmem:$0x1EB80] =	vst v63  }
0xcb: {  	s29 =	simm.s32 $0x400;
	s11 =	sadd.s32 $0x40, s1  }
0xcc: {  	[tilespmem:s29], [sflag:$0x1] =	stream.linear.gather [hbm4b:s11+s2], $0x80, $0x38;
	[tilespmem:$0x1EB80] =	vst v63  }
0xcd: {  	s30 =	simm.s32 $0x500;
	s13 =	sadd.s32 $0x50, s1  }
0xce: {  	[tilespmem:s30], [sflag:$0x1] =	stream.linear.gather [hbm4b:s13+s2], $0x80, $0x38;
	[tilespmem:$0x1EB80] =	vst v63  }
0xcf: {  	s31 =	simm.s32 $0x600;
	s17 =	sadd.s32 $0x60, s1  }
0xd0: {  	[tilespmem:s31], [sflag:$0x1] =	stream.linear.gather [hbm4b:s17+s2], $0x80, $0x38;
	[tilespmem:$0x1EB80] =	vst v63  }
0xd1: {  	s3 =	simm.s32 $0x700;
	s19 =	sadd.s32 $0x70, s1  }
0xd2: {  	[tilespmem:s3], [sflag:$0x1] =	stream.linear.gather [hbm4b:s19+s2], $0x80, $0x38;
	[tilespmem:$0x1EB80] =	vst v63  }
0xd3: {  	s24 =	simm.s32 $0x800;
	s23 =	sadd.s32 $0x80, s1  }
0xd4: {  	[tilespmem:s24], [sflag:$0x1] =	stream.linear.gather [hbm4b:s23+s2], $0x80, $0x38;
	[tilespmem:$0x1EB80] =	vst v63  }
0xd5: {  	s26 =	simm.s32 $0x900;
	s25 =	sadd.s32 $0x90, s1  }
0xd6: {  	[tilespmem:s26], [sflag:$0x1] =	stream.linear.gather [hbm4b:s25+s2], $0x80, $0x38;
	[tilespmem:$0x1EB80] =	vst v63  }
0xd7: {  	s4 =	simm.s32 $0xA00;
	s3 =	sadd.s32 $0xA0, s1  }
0xd8: {  	[tilespmem:s4], [sflag:$0x1] =	stream.linear.gather [hbm4b:s3+s2], $0x80, $0x38;
	[tilespmem:$0x1EB80] =	vst v63  }
0xd9: {  	s6 =	sadd.s32 $0xB0, s1;
	s7 =	simm.s32 $0xB00  }
0xda: {  	[tilespmem:s7], [sflag:$0x1] =	stream.linear.gather [hbm4b:s6+s2], $0x80, $0x38;
	[tilespmem:$0x1EB80] =	vst v63  }
0xdb: {  	s9 =	sadd.s32 $0xC0, s1;
	s11 =	simm.s32 $0xC00  }
0xdc: {  	[tilespmem:s11], [sflag:$0x1] =	stream.linear.gather [hbm4b:s9+s2], $0x80, $0x38;
	[tilespmem:$0x1EB80] =	vst v63  }
0xdd: {  	s13 =	sadd.s32 $0xD0, s1;
	s17 =	simm.s32 $0xD00  }
0xde: {  	[tilespmem:s17], [sflag:$0x1] =	stream.linear.gather [hbm4b:s13+s2], $0x80, $0x38;
	[tilespmem:$0x1EB80] =	vst v63  }
0xdf: {  	s19 =	sadd.s32 $0xE0, s1;
	s23 =	simm.s32 $0xE00  }
0xe0: {  	[tilespmem:s23], [sflag:$0x1] =	stream.linear.gather [hbm4b:s19+s2], $0x80, $0x38;
	[tilespmem:$0x1EB80] =	vst v63  }
0xe1: {  	s24 =	sadd.s32 $0xF0, s1;
	s25 =	simm.s32 $0xF00;
	s26 =	simm.s32 $0x3  }
0xe2: {  	[tilespmem:s25], [sflag:$0x1] =	stream.linear.gather [hbm4b:s24+s2], $0x80, $0x38;
	[tilespmem:$0x1EB80] =	vst v63  }
0xe3: {  	_ =	swait.ge [sflag:s26], $0x2000  }
0xe4: {  	[sflag:s26] =	ssyncset.done $0x0  }
0xe5: {  	s3 =	simm.s32 $0x2480;
	s1 =	rddreg [dreg:$0x9];
	[sflag:s26] =	ssyncadd.s32 $0xFFFFE000  }
0xe6: {  	[hbm4b:s1+s2] =	stream.linear.scatter [tilespmem:s3], [sflag:$0x5], $0x2000, $0x38;
	[tilespmem:$0x1EB80] =	vst v63  }
0xe7: {  	_ =	swait.ge [sflag:s22], $0x2000  }
0xe8: {  	s4 =	simm.s32 $0x40;
	[sflag:s22] =	ssyncset.done $0x0  }
0xe9: {  	s6 =	simm.s32 $0x1080;
	s7 =	simm.s32 $0x20;
	[sflag:s22] =	ssyncadd.s32 $0xFFFFE000  }
0xea: {  	[tilespmem:s3], [sflag:$0x3] =	stream.indirect.gather [hbm4b:s8+s4], $0x80, s6, s4, $0xb8;
	[tilespmem:$0x1EB80] =	vst v63  }
0xeb: {  	s0 =	sand.u32 $0x60, s7;
	s4 =	simm.s32 $0x2  }
0xec: {  	s19 =	smov.u32 s8;
	s8 =	simm.s32 $0x0;
	_ =	swait.ge [sflag:s4], $0x800  }
0xed: {  	s9 =	simm.s32 $0x30;
	s1 =	sand.u32 $0xF00, s8;
	[sflag:s4] =	ssyncset.done $0x0  }
0xee: {  	s3 =	sand.u32 $0x70, s9;
	s0 =	sor.u32 s0, s1;
	[sflag:s4] =	ssyncadd.s32 $0xFFFFF800  }
0xef: {  	s11 =	sor.u32 s3, s1;
	v2 =	vld [tilespmem:s0+$0x80]  }
0xf0: {  	v3 =	vld [tilespmem:s11+$0x80];
	_ =	sdelay $0x2  }
0xf1: {  	s13 =	simm.s32 $0x10  }
0xf2: {  	s17 =	simm.s32 $0x0;
	s0 =	sand.u32 $0x50, s13;
	v2 =	vshll.u32 v2, $0x4  }
0xf3: {  	s3 =	sand.u32 $0x40, s17;
	s0 =	sor.u32 s0, s1;
	v3 =	vshll.u32 v3, $0x4;
	v2 =	vor.u32 v1, v2  }
0xf4: {  	s1 =	sor.u32 s3, s1;
	v3 =	vor.u32 v1, v3;
	(xrf1) =	vsort.ascd.msk.u32 $0xffff, v2, v2;
	v2 =	vld [tilespmem:s0+$0x80]  }
0xf5: {  	(xrf1) =	vsort.ascd.msk.u32 $0xffff, v3, v3;
	v3 =	vld [tilespmem:s1+$0x80];
	_ =	sdelay $0x1  }
0xf6: {  	s23 =	simm.s32 $0x60;
	s24 =	simm.s32 $0x80  }
0xf7: {  	s25 =	simm.s32 $0x70;
	s4 =	sand.u32 $0xF00, s24;
	s3 =	sand.u32 $0x60, s23  }
0xf8: {  	s26 =	simm.s32 $0x50;
	s3 =	sor.u32 s3, s4;
	s0 =	sand.u32 $0x70, s25;
	v2 =	vshll.u32 v2, $0x4  }
0xf9: {  	v4 =	vld [tilespmem:s3+$0x80];
	s1 =	sand.u32 $0x50, s26;
	s0 =	sor.u32 s0, s4;
	v3 =	vshll.u32 v3, $0x4;
	v2 =	vor.u32 v1, v2  }
0xfa: {  	s6 =	simm.s32 $0x40;
	s1 =	sor.u32 s1, s4;
	v5 =	vld [tilespmem:s0+$0x80];
	(xrf1) =	vsort.ascd.msk.u32 $0xffff, v2, v2;
	v2 =	vor.u32 v1, v3  }
0xfb: {  	s7 =	sand.u32 $0x40, s6;
	v6 =	vld [tilespmem:s1+$0x80];
	(xrf1) =	vsort.ascd.msk.u32 $0xffff, v2, v2  }
0xfc: {  	s3 =	sor.u32 s7, s4  }
0xfd: {  	v7 =	vld [tilespmem:s3+$0x80];
	_ =	sdelay $0x1  }
0xfe: {  	s9 =	simm.s32 $0xB0;
	s8 =	simm.s32 $0x80;
	v3 =	vshll.u32 v4, $0x4  }
0xff: {  	s9 =	sand.u32 $0x70, s9;
	s6 =	sand.u32 $0x40, s8;
	v2 =	vor.u32 v1, v3;
	v3 =	vshll.u32 v5, $0x4;
	v4 =	vshll.u32 v6, $0x4  }
0x100: {  	s24 =	simm.s32 $0x870;
	s11 =	simm.s32 $0x100;
	s13 =	simm.s32 $0x90;
	v3 =	vor.u32 v1, v3;
	(xrf1) =	vsort.ascd.msk.u32 $0xffff, v2, v2;
	v4 =	vor.u32 v1, v4  }
0x101: {  	s23 =	simm.s32 $0x8B0;
	s17 =	sand.u32 $0xF00, s11;
	s13 =	sand.u32 $0x50, s13;
	v2 =	vshll.u32 v7, $0x4;
	(xrf1) =	vsort.ascd.msk.u32 $0xffff, v3, v3  }
0x102: {  	s13 =	sor.u32 s13, s17;
	s11 =	sor.u32 s6, s17;
	s7 =	simm.s32 $0xA0;
	v3 =	vor.u32 v1, v2;
	(xrf1) =	vsort.ascd.msk.u32 $0xffff, v4, v4  }
0x103: {  	s6 =	simm.s32 $0x810;
	s3 =	simm.s32 $0x820;
	s7 =	sand.u32 $0x60, s7;
	v4, _, _ =	vpop (xrf1);
	(xrf1) =	vsort.ascd.msk.u32 $0xffff, v3, v3  }
0x104: {  	s7 =	sor.u32 s7, s17;
	s17 =	sor.u32 s9, s17;
	s9 =	simm.s32 $0x1420  }
0x105: {  	s25 =	simm.s32 $0x1420;
	s26 =	simm.s32 $0x400;
	s0 =	simm.s32 $0x830;
	v2 =	vld [tilespmem:s7+$0x80];
	v5 =	vshrl.u32 v4, $0x4;
	v4 =	vand.u32 $0xF, v4;
	v6, _, _ =	vpop (xrf1)  }
0x106: {  	s4 =	simm.s32 $0x8;
	s1 =	simm.s32 $0x1CA0;
	v3 =	vld [tilespmem:s17+$0x80];
	[tilespmem:s25+$0x0] =	vst v5;
	v5 =	vor.u32 s3, v4;
	v4 =	vshrl.u32 v6, $0x4;
	v6 =	vand.u32 $0xF, v6;
	s3 =	simm.s32 $0x1CA0  }
.LBB2_6:
0x107: {  	s4 =	sadd.s32 $0x4, s4;
	v7 =	vld [tilespmem:s13+$0x80];
	[tilespmem:s1+$0x0] =	vst v5;
	v5 =	vor.u32 s0, v6;
	s25 =	sadd.s32 $0x40, s25;
	s3 =	sadd.s32 $0x40, s3;
	v6, _, _ =	vpop (xrf1)  }
0x108: {  	p0 =	slt.u32 s4, $0x7C;
	v8 =	vld [tilespmem:s11+$0x80];
	v9 =	vshrl.u32 v6, $0x4;
	v6 =	vand.u32 $0xF, v6;
	[tilespmem:s9+$0x10] =	vst v4;
	v4, _, _ =	vpop (xrf1)  }
0x109: {  	s7 =	sadd.s32 $0xFFFFFFD0, s0;
	s0 =	smov.u32 s24;
	s24 =	smov.u32 s23;
	v10 =	vshrl.u32 v4, $0x4;
	v4 =	vand.u32 $0xF, v4;
	v6 =	vor.u32 s6, v6;
	[tilespmem:s1+$0x10] =	vst v5  }
0x10a: {  	s23 =	sadd.s32 $0x40, s23;
	v2 =	vshll.u32 v2, $0x4;
	[tilespmem:s9+$0xFFFFFFE0] =	vst v10;
	v4 =	vor.u32 s7, v4  }
0x10b: {  	s26 =	sadd.s32 $0x200, s26;
	s11 =	sadd.s32 $0xFFFFF800, s23;
	s7 =	sadd.s32 $0xFFFFFFF0, s0;
	v2 =	vor.u32 v1, v2;
	v3 =	vshll.u32 v3, $0x4;
	[tilespmem:s9+$0xFFFFFFF0] =	vst v9  }
0x10c: {  	s13 =	sshrl.u32 s26, $0x2;
	s6 =	sadd.s32 $0xFFFFF7D0, s23;
	s9 =	sadd.s32 $0xFFFFF7F0, s23;
	v5 =	vshll.u32 v7, $0x4;
	v3 =	vor.u32 v1, v3;
	(xrf1) =	vsort.ascd.msk.u32 $0xffff, v2, v2;
	[tilespmem:s1+$0xFFFFFFE0] =	vst v4  }
.Ltmp2:
0x10d: {  	s17 =	sadd.s32 $0xFFFFF7E0, s23;
	s9 =	sand.u32 $0x60, s9;
	v2 =	vshll.u32 v8, $0x4;
	v5 =	vor.u32 v1, v5;
	(xrf1) =	vsort.ascd.msk.u32 $0xffff, v3, v3;
	[tilespmem:s1+$0xFFFFFFF0] =	vst v6;
	(pc) =	sbr.rel @p0 .LBB2_6-.Ltmp2, $4  }
0x10e: {  	s1 =	sand.u32 $0xF00, s13;
	s13 =	sand.u32 $0x50, s17;
	s17 =	sand.u32 $0x70, s11;
	v3 =	vor.u32 v1, v2  }
0x10f: {  	s6 =	sand.u32 $0x40, s6;
	s13 =	sor.u32 s13, s1;
	s9 =	sor.u32 s9, s1;
	(xrf1) =	vsort.ascd.msk.u32 $0xffff, v5, v5;
	v4, _, _ =	vpop (xrf1)  }
0x110: {  	s11 =	sor.u32 s6, s1;
	s1 =	sor.u32 s17, s1;
	s6 =	sadd.s32 $0xFFFFFFE0, s0;
	v2 =	vld [tilespmem:s9+$0x80];
	(xrf1) =	vsort.ascd.msk.u32 $0xffff, v3, v3;
	v5 =	vshrl.u32 v4, $0x4;
	v4 =	vand.u32 $0xF, v4;
	v6, _, _ =	vpop (xrf1)  }
0x111: {  	s9 =	smov.u32 s25;
	v3 =	vld [tilespmem:s1+$0x80];
	[tilespmem:s25+$0x0] =	vst v5;
	v5 =	vor.u32 s7, v4;
	v4 =	vshrl.u32 v6, $0x4;
	v6 =	vand.u32 $0xF, v6;
	s1 =	smov.u32 s3  }
0x112: {  	v7 =	vld [tilespmem:s13+$0x80]  }
0x113: {  	v8 =	vld [tilespmem:s11+$0x80]  }
0x114: {  	v52, _, _ =	vpop (xrf1)  }
0x115: {  	v54, _, _ =	vpop (xrf1);
	v56 =	vshrl.u32 v52, $0x4;
	v2 =	vshll.u32 v2, $0x4  }
0x116: {  	[tilespmem:s9+$0x10] =	vst v4;
	v4 =	vand.u32 $0xF, v54;
	v2 =	vor.u32 v1, v2;
	v3 =	vshll.u32 v3, $0x4  }
0x117: {  	[tilespmem:s9+$0xFFFFFFF0] =	vst v56;
	(xrf1) =	vsort.ascd.msk.u32 $0xffff, v2, v2;
	v53 =	vshll.u32 v7, $0x4;
	v3 =	vor.u32 v1, v3  }
0x118: {  	v2 =	vor.u32 s0, v6;
	v55 =	vshll.u32 v8, $0x4;
	v6 =	vor.u32 v1, v53;
	(xrf1) =	vsort.ascd.msk.u32 $0xffff, v3, v3  }
0x119: {  	s8 =	sadd.s32 $0xFFFFFFD0, s0;
	v3 =	vshrl.u32 v54, $0x4;
	[tilespmem:s1+$0x10] =	vst v2;
	v2 =	vor.u32 v1, v55;
	(xrf1) =	vsort.ascd.msk.u32 $0xffff, v6, v6  }
0x11a: {  	[tilespmem:s9+$0xFFFFFFE0] =	vst v3;
	v3 =	vor.u32 s8, v4;
	(xrf1) =	vsort.ascd.msk.u32 $0xffff, v2, v2;
	v2 =	vand.u32 $0xF, v52  }
0x11b: {  	v57, _, _ =	vpop (xrf1);
	[tilespmem:s1+$0xFFFFFFE0] =	vst v3;
	v2 =	vor.u32 s6, v2  }
0x11c: {  	s4 =	sadd.s32 $0xFFFFFFF0, s24;
	s9 =	sadd.s32 $0x40, s25;
	v3 =	vand.u32 $0xF, v57;
	[tilespmem:s1+$0xFFFFFFF0] =	vst v2;
	v2 =	vshrl.u32 v57, $0x4  }
0x11d: {  	v58, _, _ =	vpop (xrf1);
	[tilespmem:s9+$0x0] =	vst v2;
	v2 =	vor.u32 s4, v3  }
0x11e: {  	v3 =	vshrl.u32 v58, $0x4  }
0x11f: {  	s11 =	sadd.s32 $0x40, s3  }
0x120: {  	[tilespmem:s11+$0x0] =	vst v2;
	v2, _, _ =	vpop (xrf1)  }
0x121: {  	[tilespmem:s9+$0x10] =	vst v3;
	v3, _, _ =	vpop (xrf1)  }
0x122: {  	s13 =	sadd.s32 $0xFFFFFFD0, s24;
	v59 =	vshrl.u32 v3, $0x4;
	v3 =	vand.u32 $0xF, v3  }
0x123: {  	[tilespmem:s1+$0x0] =	vst v5;
	v60 =	vshrl.u32 v2, $0x4;
	v3 =	vor.u32 s13, v3  }
0x124: {  	[tilespmem:s9+$0xFFFFFFF0] =	vst v60  }
0x125: {  	s17 =	sadd.s32 $0xFFFFFFE0, s24;
	v2 =	vand.u32 $0xF, v2;
	[tilespmem:s9+$0xFFFFFFE0] =	vst v59  }
0x126: {  	v4 =	vand.u32 $0xF, v58;
	v2 =	vor.u32 s17, v2;
	[tilespmem:s11+$0xFFFFFFE0] =	vst v3;
	v3, _, _ =	vpop (xrf1)  }
0x127: {  	s0 =	sadd.s32 $0x40, s9;
	v4 =	vor.u32 s24, v4;
	s24 =	sadd.s32 $0xFFFFFFF0, s23;
	[tilespmem:s11+$0xFFFFFFF0] =	vst v2;
	v2 =	vshrl.u32 v3, $0x4;
	v3 =	vand.u32 $0xF, v3  }
0x128: {  	v61, _, _ =	vpop (xrf1);
	[tilespmem:s0+$0x0] =	vst v2;
	v2 =	vor.u32 s24, v3  }
0x129: {  	s1 =	sadd.s32 $0x40, s11;
	[tilespmem:s11+$0x10] =	vst v4;
	v3 =	vshrl.u32 v61, $0x4  }
0x12a: {  	v4 =	vand.u32 $0xF, v61;
	[tilespmem:s1+$0x0] =	vst v2  }
0x12b: {  	v4 =	vor.u32 s23, v4;
	[tilespmem:s0+$0x10] =	vst v3;
	v2, _, _ =	vpop (xrf1)  }
0x12c: {  	[tilespmem:s1+$0x10] =	vst v4;
	v3, _, _ =	vpop (xrf1);
	v63 =	vshrl.u32 v2, $0x4  }
0x12d: {  	s26 =	sadd.s32 $0xFFFFFFE0, s23;
	v2 =	vand.u32 $0xF, v2;
	v62 =	vshrl.u32 v3, $0x4;
	[tilespmem:s0+$0xFFFFFFF0] =	vst v63  }
0x12e: {  	s25 =	sadd.s32 $0xFFFFFFD0, s23;
	v3 =	vand.u32 $0xF, v3;
	v2 =	vor.u32 s26, v2;
	[tilespmem:s0+$0xFFFFFFE0] =	vst v62  }
0x12f: {  	v3 =	vor.u32 s25, v3;
	[tilespmem:s1+$0xFFFFFFF0] =	vst v2  }
0x130: {  	[tilespmem:s1+$0xFFFFFFE0] =	vst v3  }
.LBB2_8:
0x131: {  	s0 =	sshra.s32 s2, $0x2  }
0x132: {  	v2 =	vld [tilespmem:s0+$0x1400]  }
0x133: {  	v3 =	vld [tilespmem:s0+$0x1401];
	_ =	sdelay $0x4  }
0x134: {  	vm0 =	veq.s32 v2, v3  }
0x135: {  	v3 =	vld [tilespmem:s0+$0x1C80];
	v2 =	vsel vm0, $0x186A0, v2;
	_ =	sdelay $0x4  }
0x136: {  	[tilespmem:v2+s15+$0x0] =	vst.idx.msk $0xffff, v3  }
0x137: {  	v2 =	vld [tilespmem:s0+$0x1410]  }
0x138: {  	v3 =	vld [tilespmem:s0+$0x1411];
	_ =	sdelay $0x4  }
0x139: {  	vm15 =	veq.s32 v2, v3  }
0x13a: {  	p0 =	sne.s32 s2, $0x1F80;
	v3 =	vld [tilespmem:s0+$0x1C90];
	v2 =	vsel vm15, $0x186A0, v2  }
.Ltmp3:
0x13b: {  	_ = 	snop;
	(pc) =	sbr.rel @p0 .LBB2_8-.Ltmp3, $2  }
0x13c: {  	_ =	sdelay $0x2  }
0x13d: {  	s2 =	sadd.s32 $0x80, s2;
	[tilespmem:v2+s15+$0x0] =	vst.idx.msk $0xffff, v3  }
0x13e: {  	s2 =	simm.s32 $0x0;
	s0 =	simm.s32 $0x80  }
0x13f: {  	[tilespmem:s0], [sflag:$0x2] =	stream.linear.gather [hbm4b:s10+s2], $0x80, $0x38;
	[tilespmem:$0x1EB80] =	vst v63  }
0x140: {  	s26 =	sadd.s32 $0x10, s10;
	s1 =	simm.s32 $0x180  }
0x141: {  	[tilespmem:s1], [sflag:$0x2] =	stream.linear.gather [hbm4b:s26+s2], $0x80, $0x38;
	[tilespmem:$0x1EB80] =	vst v63  }
0x142: {  	s3 =	simm.s32 $0x280;
	s1 =	sadd.s32 $0x20, s10  }
0x143: {  	[tilespmem:s3], [sflag:$0x2] =	stream.linear.gather [hbm4b:s1+s2], $0x80, $0x38;
	[tilespmem:$0x1EB80] =	vst v63  }
0x144: {  	s4 =	sadd.s32 $0x30, s10;
	s6 =	simm.s32 $0x380  }
0x145: {  	[tilespmem:s6], [sflag:$0x2] =	stream.linear.gather [hbm4b:s4+s2], $0x80, $0x38;
	[tilespmem:$0x1EB80] =	vst v63  }
0x146: {  	s7 =	sadd.s32 $0x40, s10;
	s8 =	simm.s32 $0x480  }
0x147: {  	[tilespmem:s8], [sflag:$0x2] =	stream.linear.gather [hbm4b:s7+s2], $0x80, $0x38;
	[tilespmem:$0x1EB80] =	vst v63  }
0x148: {  	s9 =	sadd.s32 $0x50, s10;
	s11 =	simm.s32 $0x580  }
0x149: {  	[tilespmem:s11], [sflag:$0x2] =	stream.linear.gather [hbm4b:s9+s2], $0x80, $0x38;
	[tilespmem:$0x1EB80] =	vst v63  }
0x14a: {  	s13 =	sadd.s32 $0x60, s10;
	s17 =	simm.s32 $0x680  }
0x14b: {  	[tilespmem:s17], [sflag:$0x2] =	stream.linear.gather [hbm4b:s13+s2], $0x80, $0x38;
	[tilespmem:$0x1EB80] =	vst v63  }
0x14c: {  	s23 =	sadd.s32 $0x70, s10;
	s24 =	simm.s32 $0x780  }
0x14d: {  	[tilespmem:s24], [sflag:$0x2] =	stream.linear.gather [hbm4b:s23+s2], $0x80, $0x38;
	[tilespmem:$0x1EB80] =	vst v63  }
0x14e: {  	s25 =	sadd.s32 $0x80, s10;
	s26 =	simm.s32 $0x880  }
0x14f: {  	[tilespmem:s26], [sflag:$0x2] =	stream.linear.gather [hbm4b:s25+s2], $0x80, $0x38;
	[tilespmem:$0x1EB80] =	vst v63  }
0x150: {  	s1 =	sadd.s32 $0x90, s10;
	s3 =	simm.s32 $0x980  }
0x151: {  	[tilespmem:s3], [sflag:$0x2] =	stream.linear.gather [hbm4b:s1+s2], $0x80, $0x38;
	[tilespmem:$0x1EB80] =	vst v63  }
0x152: {  	s4 =	sadd.s32 $0xA0, s10;
	s6 =	simm.s32 $0xA80  }
0x153: {  	[tilespmem:s6], [sflag:$0x2] =	stream.linear.gather [hbm4b:s4+s2], $0x80, $0x38;
	[tilespmem:$0x1EB80] =	vst v63  }
0x154: {  	s7 =	sadd.s32 $0xB0, s10;
	s8 =	simm.s32 $0xB80  }
0x155: {  	[tilespmem:s8], [sflag:$0x2] =	stream.linear.gather [hbm4b:s7+s2], $0x80, $0x38;
	[tilespmem:$0x1EB80] =	vst v63  }
0x156: {  	s9 =	sadd.s32 $0xC0, s10;
	s11 =	simm.s32 $0xC80  }
0x157: {  	[tilespmem:s11], [sflag:$0x2] =	stream.linear.gather [hbm4b:s9+s2], $0x80, $0x38;
	[tilespmem:$0x1EB80] =	vst v63  }
0x158: {  	s13 =	sadd.s32 $0xD0, s10;
	s17 =	simm.s32 $0xD80  }
0x159: {  	[tilespmem:s17], [sflag:$0x2] =	stream.linear.gather [hbm4b:s13+s2], $0x80, $0x38;
	[tilespmem:$0x1EB80] =	vst v63  }
0x15a: {  	s23 =	sadd.s32 $0xE0, s10;
	s24 =	simm.s32 $0xE80  }
0x15b: {  	[tilespmem:s24], [sflag:$0x2] =	stream.linear.gather [hbm4b:s23+s2], $0x80, $0x38;
	[tilespmem:$0x1EB80] =	vst v63  }
0x15c: {  	s25 =	sadd.s32 $0xF0, s10;
	s26 =	simm.s32 $0xF80;
	s1 =	simm.s32 $0x4  }
0x15d: {  	[tilespmem:s26], [sflag:$0x2] =	stream.linear.gather [hbm4b:s25+s2], $0x80, $0x38;
	[tilespmem:$0x1EB80] =	vst v63  }
0x15e: {  	_ =	swait.ge [sflag:s1], $0x2000  }
0x15f: {  	[sflag:s1] =	ssyncset.done $0x0  }
0x160: {  	s4 =	simm.s32 $0x4480;
	s3 =	rddreg [dreg:$0xa];
	[sflag:s1] =	ssyncadd.s32 $0xFFFFE000  }
0x161: {  	[hbm4b:s3+s2] =	stream.linear.scatter [tilespmem:s4], [sflag:$0x5], $0x2000, $0x38;
	[tilespmem:$0x1EB80] =	vst v63  }
0x162: {  	_ =	swait.ge [sflag:s22], $0x2000  }
0x163: {  	[sflag:s22] =	ssyncset.done $0x0  }
0x164: {  	s6 =	simm.s32 $0x40;
	s3 =	simm.s32 $0x10C0;
	[sflag:s22] =	ssyncadd.s32 $0xFFFFE000  }
0x165: {  	[tilespmem:s4], [sflag:$0x4] =	stream.indirect.gather [hbm4b:s19+s6], $0x80, s3, s6, $0xb8;
	[tilespmem:$0x1EB80] =	vst v63  }
0x166: {  	s7 =	simm.s32 $0x20;
	s4 =	simm.s32 $0x1  }
0x167: {  	s8 =	simm.s32 $0x0;
	s0 =	sand.u32 $0x60, s7;
	_ =	swait.ge [sflag:s4], $0x800  }
0x168: {  	s9 =	simm.s32 $0x30;
	s1 =	sand.u32 $0xF00, s8;
	[sflag:s4] =	ssyncset.done $0x0  }
0x169: {  	s0 =	sor.u32 s0, s1;
	s3 =	sand.u32 $0x70, s9;
	[sflag:s4] =	ssyncadd.s32 $0xFFFFF800  }
0x16a: {  	s11 =	sor.u32 s3, s1;
	v2 =	vld [tilespmem:s0+$0x0]  }
0x16b: {  	v3 =	vld [tilespmem:s11+$0x0];
	_ =	sdelay $0x2  }
0x16c: {  	s13 =	simm.s32 $0x10  }
0x16d: {  	s17 =	simm.s32 $0x0;
	s0 =	sand.u32 $0x50, s13;
	v2 =	vshll.u32 v2, $0x4  }
0x16e: {  	s3 =	sand.u32 $0x40, s17;
	s0 =	sor.u32 s0, s1;
	v3 =	vshll.u32 v3, $0x4;
	v2 =	vor.u32 v1, v2  }
0x16f: {  	s1 =	sor.u32 s3, s1;
	v3 =	vor.u32 v1, v3;
	(xrf1) =	vsort.ascd.msk.u32 $0xffff, v2, v2;
	v2 =	vld [tilespmem:s0+$0x0]  }
0x170: {  	(xrf1) =	vsort.ascd.msk.u32 $0xffff, v3, v3;
	v3 =	vld [tilespmem:s1+$0x0];
	_ =	sdelay $0x1  }
0x171: {  	s23 =	simm.s32 $0x60;
	s24 =	simm.s32 $0x80  }
0x172: {  	s25 =	simm.s32 $0x70;
	s4 =	sand.u32 $0xF00, s24;
	s3 =	sand.u32 $0x60, s23  }
0x173: {  	s26 =	simm.s32 $0x50;
	s3 =	sor.u32 s3, s4;
	s0 =	sand.u32 $0x70, s25;
	v2 =	vshll.u32 v2, $0x4  }
0x174: {  	v4 =	vld [tilespmem:s3+$0x0];
	s1 =	sand.u32 $0x50, s26;
	s0 =	sor.u32 s0, s4;
	v3 =	vshll.u32 v3, $0x4;
	v2 =	vor.u32 v1, v2  }
0x175: {  	s6 =	simm.s32 $0x40;
	s1 =	sor.u32 s1, s4;
	v5 =	vld [tilespmem:s0+$0x0];
	(xrf1) =	vsort.ascd.msk.u32 $0xffff, v2, v2;
	v2 =	vor.u32 v1, v3  }
0x176: {  	s7 =	sand.u32 $0x40, s6;
	v6 =	vld [tilespmem:s1+$0x0];
	(xrf1) =	vsort.ascd.msk.u32 $0xffff, v2, v2  }
0x177: {  	s3 =	sor.u32 s7, s4  }
0x178: {  	v7 =	vld [tilespmem:s3+$0x0];
	_ =	sdelay $0x1  }
0x179: {  	s8 =	simm.s32 $0x80;
	s9 =	simm.s32 $0xB0;
	v3 =	vshll.u32 v4, $0x4  }
0x17a: {  	s9 =	sand.u32 $0x70, s9;
	s6 =	sand.u32 $0x40, s8;
	s8 =	simm.s32 $0x700;
	v2 =	vor.u32 v1, v3;
	v3 =	vshll.u32 v5, $0x4;
	v4 =	vshll.u32 v6, $0x4  }
0x17b: {  	s24 =	simm.s32 $0x1070;
	s11 =	simm.s32 $0x100;
	s13 =	simm.s32 $0x90;
	v3 =	vor.u32 v1, v3;
	(xrf1) =	vsort.ascd.msk.u32 $0xffff, v2, v2;
	v4 =	vor.u32 v1, v4  }
0x17c: {  	s23 =	simm.s32 $0x10B0;
	s17 =	sand.u32 $0xF00, s11;
	s13 =	sand.u32 $0x50, s13;
	v2 =	vshll.u32 v7, $0x4;
	(xrf1) =	vsort.ascd.msk.u32 $0xffff, v3, v3  }
0x17d: {  	s13 =	sor.u32 s13, s17;
	s11 =	sor.u32 s6, s17;
	s7 =	simm.s32 $0xA0;
	v3 =	vor.u32 v1, v2;
	(xrf1) =	vsort.ascd.msk.u32 $0xffff, v4, v4  }
0x17e: {  	s6 =	simm.s32 $0x1010;
	s3 =	simm.s32 $0x1020;
	s7 =	sand.u32 $0x60, s7;
	v4, _, _ =	vpop (xrf1);
	(xrf1) =	vsort.ascd.msk.u32 $0xffff, v3, v3  }
0x17f: {  	s7 =	sor.u32 s7, s17;
	s17 =	sor.u32 s9, s17;
	s9 =	simm.s32 $0x1420  }
0x180: {  	s25 =	simm.s32 $0x1420;
	s26 =	simm.s32 $0x400;
	s0 =	simm.s32 $0x1030;
	v2 =	vld [tilespmem:s7+$0x0];
	v5 =	vshrl.u32 v4, $0x4;
	v4 =	vand.u32 $0xF, v4;
	v6, _, _ =	vpop (xrf1)  }
0x181: {  	s4 =	simm.s32 $0x8;
	s1 =	simm.s32 $0x1CA0;
	v3 =	vld [tilespmem:s17+$0x0];
	[tilespmem:s25+$0x0] =	vst v5;
	v5 =	vor.u32 s3, v4;
	v4 =	vshrl.u32 v6, $0x4;
	v6 =	vand.u32 $0xF, v6;
	s3 =	simm.s32 $0x1CA0  }
.LBB2_10:
0x182: {  	s4 =	sadd.s32 $0x4, s4;
	v7 =	vld [tilespmem:s13+$0x0];
	[tilespmem:s1+$0x0] =	vst v5;
	v5 =	vor.u32 s0, v6;
	s25 =	sadd.s32 $0x40, s25;
	s3 =	sadd.s32 $0x40, s3;
	v6, _, _ =	vpop (xrf1)  }
0x183: {  	p0 =	slt.u32 s4, $0x7C;
	v8 =	vld [tilespmem:s11+$0x0];
	v9 =	vshrl.u32 v6, $0x4;
	v6 =	vand.u32 $0xF, v6;
	[tilespmem:s9+$0x10] =	vst v4;
	v4, _, _ =	vpop (xrf1)  }
0x184: {  	s7 =	sadd.s32 $0xFFFFFFD0, s0;
	s0 =	smov.u32 s24;
	s24 =	smov.u32 s23;
	v10 =	vshrl.u32 v4, $0x4;
	v4 =	vand.u32 $0xF, v4;
	v6 =	vor.u32 s6, v6;
	[tilespmem:s1+$0x10] =	vst v5  }
0x185: {  	s23 =	sadd.s32 $0x40, s23;
	v2 =	vshll.u32 v2, $0x4;
	[tilespmem:s9+$0xFFFFFFE0] =	vst v10;
	v4 =	vor.u32 s7, v4  }
0x186: {  	s26 =	sadd.s32 $0x200, s26;
	s11 =	sadd.s32 $0xFFFFF000, s23;
	s7 =	sadd.s32 $0xFFFFFFF0, s0;
	v2 =	vor.u32 v1, v2;
	v3 =	vshll.u32 v3, $0x4;
	[tilespmem:s9+$0xFFFFFFF0] =	vst v9  }
0x187: {  	s13 =	sshrl.u32 s26, $0x2;
	s6 =	sadd.s32 $0xFFFFEFD0, s23;
	s9 =	sadd.s32 $0xFFFFEFF0, s23;
	v5 =	vshll.u32 v7, $0x4;
	v3 =	vor.u32 v1, v3;
	(xrf1) =	vsort.ascd.msk.u32 $0xffff, v2, v2;
	[tilespmem:s1+$0xFFFFFFE0] =	vst v4  }
.Ltmp4:
0x188: {  	s17 =	sadd.s32 $0xFFFFEFE0, s23;
	s9 =	sand.u32 $0x60, s9;
	v2 =	vshll.u32 v8, $0x4;
	v5 =	vor.u32 v1, v5;
	(xrf1) =	vsort.ascd.msk.u32 $0xffff, v3, v3;
	[tilespmem:s1+$0xFFFFFFF0] =	vst v6;
	(pc) =	sbr.rel @p0 .LBB2_10-.Ltmp4, $4  }
0x189: {  	s1 =	sand.u32 $0xF00, s13;
	s13 =	sand.u32 $0x50, s17;
	s17 =	sand.u32 $0x70, s11;
	v3 =	vor.u32 v1, v2  }
0x18a: {  	s6 =	sand.u32 $0x40, s6;
	s13 =	sor.u32 s13, s1;
	s9 =	sor.u32 s9, s1;
	(xrf1) =	vsort.ascd.msk.u32 $0xffff, v5, v5;
	v4, _, _ =	vpop (xrf1)  }
0x18b: {  	s11 =	sor.u32 s6, s1;
	s1 =	sor.u32 s17, s1;
	s6 =	sadd.s32 $0xFFFFFFE0, s0;
	v2 =	vld [tilespmem:s9+$0x0];
	(xrf1) =	vsort.ascd.msk.u32 $0xffff, v3, v3;
	v5 =	vshrl.u32 v4, $0x4;
	v4 =	vand.u32 $0xF, v4;
	v6, _, _ =	vpop (xrf1)  }
0x18c: {  	s9 =	smov.u32 s25;
	v3 =	vld [tilespmem:s1+$0x0];
	[tilespmem:s25+$0x0] =	vst v5;
	v5 =	vor.u32 s7, v4;
	v4 =	vshrl.u32 v6, $0x4;
	v6 =	vand.u32 $0xF, v6;
	s1 =	smov.u32 s3  }
0x18d: {  	v7 =	vld [tilespmem:s13+$0x0]  }
0x18e: {  	v8 =	vld [tilespmem:s11+$0x0]  }
0x18f: {  	v52, _, _ =	vpop (xrf1)  }
0x190: {  	v54, _, _ =	vpop (xrf1);
	v56 =	vshrl.u32 v52, $0x4;
	v2 =	vshll.u32 v2, $0x4  }
0x191: {  	[tilespmem:s9+$0x10] =	vst v4;
	v4 =	vand.u32 $0xF, v54;
	v2 =	vor.u32 v1, v2;
	v3 =	vshll.u32 v3, $0x4  }
0x192: {  	[tilespmem:s9+$0xFFFFFFF0] =	vst v56;
	(xrf1) =	vsort.ascd.msk.u32 $0xffff, v2, v2;
	v53 =	vshll.u32 v7, $0x4;
	v3 =	vor.u32 v1, v3  }
0x193: {  	v2 =	vor.u32 s0, v6;
	v55 =	vshll.u32 v8, $0x4;
	v6 =	vor.u32 v1, v53;
	(xrf1) =	vsort.ascd.msk.u32 $0xffff, v3, v3  }
0x194: {  	s7 =	sadd.s32 $0xFFFFFFD0, s0;
	v3 =	vshrl.u32 v54, $0x4;
	[tilespmem:s1+$0x10] =	vst v2;
	v2 =	vor.u32 v1, v55;
	(xrf1) =	vsort.ascd.msk.u32 $0xffff, v6, v6  }
0x195: {  	[tilespmem:s9+$0xFFFFFFE0] =	vst v3;
	v3 =	vor.u32 s7, v4;
	(xrf1) =	vsort.ascd.msk.u32 $0xffff, v2, v2;
	v2 =	vand.u32 $0xF, v52  }
0x196: {  	v57, _, _ =	vpop (xrf1);
	[tilespmem:s1+$0xFFFFFFE0] =	vst v3;
	v2 =	vor.u32 s6, v2  }
0x197: {  	s4 =	sadd.s32 $0xFFFFFFF0, s24;
	s9 =	sadd.s32 $0x40, s25;
	v3 =	vand.u32 $0xF, v57;
	[tilespmem:s1+$0xFFFFFFF0] =	vst v2;
	v2 =	vshrl.u32 v57, $0x4  }
0x198: {  	v58, _, _ =	vpop (xrf1);
	[tilespmem:s9+$0x0] =	vst v2;
	v2 =	vor.u32 s4, v3  }
0x199: {  	v3 =	vshrl.u32 v58, $0x4  }
0x19a: {  	s11 =	sadd.s32 $0x40, s3  }
0x19b: {  	[tilespmem:s11+$0x0] =	vst v2;
	v2, _, _ =	vpop (xrf1)  }
0x19c: {  	[tilespmem:s9+$0x10] =	vst v3;
	v3, _, _ =	vpop (xrf1)  }
0x19d: {  	s13 =	sadd.s32 $0xFFFFFFD0, s24;
	v59 =	vshrl.u32 v3, $0x4;
	v3 =	vand.u32 $0xF, v3  }
0x19e: {  	[tilespmem:s1+$0x0] =	vst v5;
	v60 =	vshrl.u32 v2, $0x4;
	v3 =	vor.u32 s13, v3  }
0x19f: {  	[tilespmem:s9+$0xFFFFFFF0] =	vst v60  }
0x1a0: {  	s17 =	sadd.s32 $0xFFFFFFE0, s24;
	v2 =	vand.u32 $0xF, v2;
	[tilespmem:s9+$0xFFFFFFE0] =	vst v59  }
0x1a1: {  	v4 =	vand.u32 $0xF, v58;
	v2 =	vor.u32 s17, v2;
	[tilespmem:s11+$0xFFFFFFE0] =	vst v3;
	v3, _, _ =	vpop (xrf1)  }
0x1a2: {  	s0 =	sadd.s32 $0x40, s9;
	v4 =	vor.u32 s24, v4;
	s24 =	sadd.s32 $0xFFFFFFF0, s23;
	[tilespmem:s11+$0xFFFFFFF0] =	vst v2;
	v2 =	vshrl.u32 v3, $0x4;
	v3 =	vand.u32 $0xF, v3  }
0x1a3: {  	v61, _, _ =	vpop (xrf1);
	[tilespmem:s0+$0x0] =	vst v2;
	v2 =	vor.u32 s24, v3  }
0x1a4: {  	s1 =	sadd.s32 $0x40, s11;
	[tilespmem:s11+$0x10] =	vst v4;
	v3 =	vshrl.u32 v61, $0x4  }
0x1a5: {  	v4 =	vand.u32 $0xF, v61;
	[tilespmem:s1+$0x0] =	vst v2  }
0x1a6: {  	v4 =	vor.u32 s23, v4;
	[tilespmem:s0+$0x10] =	vst v3;
	v2, _, _ =	vpop (xrf1)  }
0x1a7: {  	[tilespmem:s1+$0x10] =	vst v4;
	v3, _, _ =	vpop (xrf1);
	v63 =	vshrl.u32 v2, $0x4  }
0x1a8: {  	s26 =	sadd.s32 $0xFFFFFFE0, s23;
	v2 =	vand.u32 $0xF, v2;
	v62 =	vshrl.u32 v3, $0x4;
	[tilespmem:s0+$0xFFFFFFF0] =	vst v63  }
0x1a9: {  	s25 =	sadd.s32 $0xFFFFFFD0, s23;
	v3 =	vand.u32 $0xF, v3;
	v2 =	vor.u32 s26, v2;
	[tilespmem:s0+$0xFFFFFFE0] =	vst v62  }
0x1aa: {  	v3 =	vor.u32 s25, v3;
	[tilespmem:s1+$0xFFFFFFF0] =	vst v2  }
0x1ab: {  	[tilespmem:s1+$0xFFFFFFE0] =	vst v3  }
.LBB2_12:
0x1ac: {  	s0 =	sshra.s32 s2, $0x2  }
0x1ad: {  	v2 =	vld [tilespmem:s0+$0x1400]  }
0x1ae: {  	v3 =	vld [tilespmem:s0+$0x1401];
	_ =	sdelay $0x4  }
0x1af: {  	vm0 =	veq.s32 v2, v3  }
0x1b0: {  	v3 =	vld [tilespmem:s0+$0x1C80];
	v2 =	vsel vm0, $0x186A0, v2;
	_ =	sdelay $0x4  }
0x1b1: {  	[tilespmem:v2+s15+$0x0] =	vst.idx.msk $0xffff, v3  }
0x1b2: {  	v2 =	vld [tilespmem:s0+$0x1410]  }
0x1b3: {  	v3 =	vld [tilespmem:s0+$0x1411];
	_ =	sdelay $0x4  }
0x1b4: {  	vm15 =	veq.s32 v2, v3  }
0x1b5: {  	p0 =	sne.s32 s2, $0x1F80;
	v3 =	vld [tilespmem:s0+$0x1C90];
	v2 =	vsel vm15, $0x186A0, v2  }
.Ltmp5:
0x1b6: {  	_ = 	snop;
	(pc) =	sbr.rel @p0 .LBB2_12-.Ltmp5, $2  }
0x1b7: {  	_ =	sdelay $0x2  }
0x1b8: {  	s2 =	sadd.s32 $0x80, s2;
	[tilespmem:v2+s15+$0x0] =	vst.idx.msk $0xffff, v3  }
0x1b9: {  	s2 =	simm.s32 $0x0  }
0x1ba: {  	[tilespmem:s2], [sflag:$0x1] =	stream.linear.gather [hbm4b:s12+s2], $0x80, $0x38;
	[tilespmem:$0x1EB80] =	vst v63  }
0x1bb: {  	s0 =	sadd.s32 $0x10, s12  }
0x1bc: {  	[tilespmem:s20], [sflag:$0x1] =	stream.linear.gather [hbm4b:s0+s2], $0x80, $0x38;
	[tilespmem:$0x1EB80] =	vst v63  }
0x1bd: {  	s11 =	sadd.s32 $0x20, s12  }
0x1be: {  	[tilespmem:s21], [sflag:$0x1] =	stream.linear.gather [hbm4b:s11+s2], $0x80, $0x38;
	[tilespmem:$0x1EB80] =	vst v63  }
0x1bf: {  	s13 =	sadd.s32 $0x30, s12  }
0x1c0: {  	[tilespmem:s28], [sflag:$0x1] =	stream.linear.gather [hbm4b:s13+s2], $0x80, $0x38;
	[tilespmem:$0x1EB80] =	vst v63  }
0x1c1: {  	s17 =	sadd.s32 $0x40, s12  }
0x1c2: {  	[tilespmem:s29], [sflag:$0x1] =	stream.linear.gather [hbm4b:s17+s2], $0x80, $0x38;
	[tilespmem:$0x1EB80] =	vst v63  }
0x1c3: {  	s23 =	sadd.s32 $0x50, s12  }
0x1c4: {  	[tilespmem:s30], [sflag:$0x1] =	stream.linear.gather [hbm4b:s23+s2], $0x80, $0x38;
	[tilespmem:$0x1EB80] =	vst v63  }
0x1c5: {  	s24 =	sadd.s32 $0x60, s12  }
0x1c6: {  	[tilespmem:s31], [sflag:$0x1] =	stream.linear.gather [hbm4b:s24+s2], $0x80, $0x38;
	[tilespmem:$0x1EB80] =	vst v63  }
0x1c7: {  	s25 =	sadd.s32 $0x70, s12  }
0x1c8: {  	[tilespmem:s8], [sflag:$0x1] =	stream.linear.gather [hbm4b:s25+s2], $0x80, $0x38;
	[tilespmem:$0x1EB80] =	vst v63  }
0x1c9: {  	s26 =	sadd.s32 $0x80, s12;
	s1 =	simm.s32 $0x800  }
0x1ca: {  	[tilespmem:s1], [sflag:$0x1] =	stream.linear.gather [hbm4b:s26+s2], $0x80, $0x38;
	[tilespmem:$0x1EB80] =	vst v63  }
0x1cb: {  	s3 =	sadd.s32 $0x90, s12;
	s4 =	simm.s32 $0x900  }
0x1cc: {  	[tilespmem:s4], [sflag:$0x1] =	stream.linear.gather [hbm4b:s3+s2], $0x80, $0x38;
	[tilespmem:$0x1EB80] =	vst v63  }
0x1cd: {  	s6 =	sadd.s32 $0xA0, s12;
	s7 =	simm.s32 $0xA00  }
0x1ce: {  	[tilespmem:s7], [sflag:$0x1] =	stream.linear.gather [hbm4b:s6+s2], $0x80, $0x38;
	[tilespmem:$0x1EB80] =	vst v63  }
0x1cf: {  	s9 =	sadd.s32 $0xB0, s12;
	s11 =	simm.s32 $0xB00  }
0x1d0: {  	[tilespmem:s11], [sflag:$0x1] =	stream.linear.gather [hbm4b:s9+s2], $0x80, $0x38;
	[tilespmem:$0x1EB80] =	vst v63  }
0x1d1: {  	s13 =	sadd.s32 $0xC0, s12;
	s17 =	simm.s32 $0xC00  }
0x1d2: {  	[tilespmem:s17], [sflag:$0x1] =	stream.linear.gather [hbm4b:s13+s2], $0x80, $0x38;
	[tilespmem:$0x1EB80] =	vst v63  }
0x1d3: {  	s23 =	sadd.s32 $0xD0, s12;
	s24 =	simm.s32 $0xD00  }
0x1d4: {  	[tilespmem:s24], [sflag:$0x1] =	stream.linear.gather [hbm4b:s23+s2], $0x80, $0x38;
	[tilespmem:$0x1EB80] =	vst v63  }
0x1d5: {  	s25 =	sadd.s32 $0xE0, s12;
	s26 =	simm.s32 $0xE00  }
0x1d6: {  	[tilespmem:s26], [sflag:$0x1] =	stream.linear.gather [hbm4b:s25+s2], $0x80, $0x38;
	[tilespmem:$0x1EB80] =	vst v63  }
0x1d7: {  	s3 =	sadd.s32 $0xF0, s12;
	s4 =	simm.s32 $0xF00;
	s6 =	simm.s32 $0x3  }
0x1d8: {  	[tilespmem:s4], [sflag:$0x1] =	stream.linear.gather [hbm4b:s3+s2], $0x80, $0x38;
	[tilespmem:$0x1EB80] =	vst v63  }
0x1d9: {  	_ =	swait.ge [sflag:s6], $0x2000  }
0x1da: {  	[sflag:s6] =	ssyncset.done $0x0  }
0x1db: {  	s9 =	simm.s32 $0x2480;
	s7 =	rddreg [dreg:$0xb];
	[sflag:s6] =	ssyncadd.s32 $0xFFFFE000  }
0x1dc: {  	[hbm4b:s7+s2] =	stream.linear.scatter [tilespmem:s9], [sflag:$0x5], $0x2000, $0x38;
	[tilespmem:$0x1EB80] =	vst v63  }
0x1dd: {  	_ =	swait.ge [sflag:s22], $0x2000  }
0x1de: {  	s11 =	simm.s32 $0x40;
	s13 =	simm.s32 $0x20;
	[sflag:s22] =	ssyncset.done $0x0  }
0x1df: {  	s3 =	simm.s32 $0x1100;
	s4 =	simm.s32 $0x2;
	[sflag:s22] =	ssyncadd.s32 $0xFFFFE000  }
0x1e0: {  	[tilespmem:s9], [sflag:$0x3] =	stream.indirect.gather [hbm4b:s19+s11], $0x80, s3, s11, $0xb8;
	[tilespmem:$0x1EB80] =	vst v63  }
0x1e1: {  	s17 =	simm.s32 $0x0;
	s0 =	sand.u32 $0x60, s13;
	_ =	swait.ge [sflag:s4], $0x800  }
0x1e2: {  	s1 =	sand.u32 $0xF00, s17;
	s23 =	simm.s32 $0x30;
	[sflag:s4] =	ssyncset.done $0x0  }
0x1e3: {  	s0 =	sor.u32 s0, s1;
	s3 =	sand.u32 $0x70, s23;
	[sflag:s4] =	ssyncadd.s32 $0xFFFFF800  }
0x1e4: {  	s24 =	sor.u32 s3, s1;
	v2 =	vld [tilespmem:s0+$0x80]  }
0x1e5: {  	v3 =	vld [tilespmem:s24+$0x80];
	_ =	sdelay $0x2  }
0x1e6: {  	s25 =	simm.s32 $0x10  }
0x1e7: {  	s26 =	simm.s32 $0x0;
	s0 =	sand.u32 $0x50, s25;
	v2 =	vshll.u32 v2, $0x4  }
0x1e8: {  	s3 =	sand.u32 $0x40, s26;
	s0 =	sor.u32 s0, s1;
	v3 =	vshll.u32 v3, $0x4;
	v2 =	vor.u32 v1, v2  }
0x1e9: {  	s1 =	sor.u32 s3, s1;
	v3 =	vor.u32 v1, v3;
	(xrf1) =	vsort.ascd.msk.u32 $0xffff, v2, v2;
	v2 =	vld [tilespmem:s0+$0x80]  }
0x1ea: {  	(xrf1) =	vsort.ascd.msk.u32 $0xffff, v3, v3;
	v3 =	vld [tilespmem:s1+$0x80];
	_ =	sdelay $0x1  }
0x1eb: {  	s6 =	simm.s32 $0x80;
	s4 =	simm.s32 $0x60  }
0x1ec: {  	s7 =	simm.s32 $0x70;
	s3 =	sand.u32 $0x60, s4;
	s4 =	sand.u32 $0xF00, s6  }
0x1ed: {  	s9 =	simm.s32 $0x50;
	s3 =	sor.u32 s3, s4;
	s0 =	sand.u32 $0x70, s7;
	v2 =	vshll.u32 v2, $0x4  }
0x1ee: {  	v4 =	vld [tilespmem:s3+$0x80];
	s1 =	sand.u32 $0x50, s9;
	s0 =	sor.u32 s0, s4;
	v3 =	vshll.u32 v3, $0x4;
	v2 =	vor.u32 v1, v2  }
0x1ef: {  	s6 =	simm.s32 $0x40;
	s1 =	sor.u32 s1, s4;
	v5 =	vld [tilespmem:s0+$0x80];
	(xrf1) =	vsort.ascd.msk.u32 $0xffff, v2, v2;
	v2 =	vor.u32 v1, v3  }
0x1f0: {  	s11 =	sand.u32 $0x40, s6;
	v6 =	vld [tilespmem:s1+$0x80];
	(xrf1) =	vsort.ascd.msk.u32 $0xffff, v2, v2  }
0x1f1: {  	s3 =	sor.u32 s11, s4  }
0x1f2: {  	v7 =	vld [tilespmem:s3+$0x80];
	_ =	sdelay $0x1  }
0x1f3: {  	s13 =	simm.s32 $0x90;
	v3 =	vshll.u32 v4, $0x4  }
0x1f4: {  	s13 =	sand.u32 $0x50, s13;
	s23 =	simm.s32 $0x18B0;
	s26 =	simm.s32 $0x400;
	v2 =	vor.u32 v1, v3;
	v3 =	vshll.u32 v5, $0x4;
	v4 =	vshll.u32 v6, $0x4  }
0x1f5: {  	s25 =	simm.s32 $0x1420;
	s6 =	simm.s32 $0x80;
	s11 =	simm.s32 $0x100;
	v3 =	vor.u32 v1, v3;
	(xrf1) =	vsort.ascd.msk.u32 $0xffff, v2, v2;
	v4 =	vor.u32 v1, v4  }
0x1f6: {  	s24 =	simm.s32 $0x1870;
	s6 =	sand.u32 $0x40, s6;
	s17 =	sand.u32 $0xF00, s11;
	v2 =	vshll.u32 v7, $0x4;
	(xrf1) =	vsort.ascd.msk.u32 $0xffff, v3, v3  }
0x1f7: {  	s3 =	simm.s32 $0x1820;
	s13 =	sor.u32 s13, s17;
	s7 =	simm.s32 $0xA0;
	v3 =	vor.u32 v1, v2;
	(xrf1) =	vsort.ascd.msk.u32 $0xffff, v4, v4  }
0x1f8: {  	s11 =	sor.u32 s6, s17;
	s9 =	simm.s32 $0xB0;
	s7 =	sand.u32 $0x60, s7;
	v4, _, _ =	vpop (xrf1);
	(xrf1) =	vsort.ascd.msk.u32 $0xffff, v3, v3  }
0x1f9: {  	s6 =	simm.s32 $0x1810;
	s9 =	sand.u32 $0x70, s9;
	s7 =	sor.u32 s7, s17  }
0x1fa: {  	s0 =	simm.s32 $0x1830;
	s4 =	simm.s32 $0x8;
	s17 =	sor.u32 s9, s17;
	v2 =	vld [tilespmem:s7+$0x80];
	v5 =	vshrl.u32 v4, $0x4;
	v4 =	vand.u32 $0xF, v4;
	v6, _, _ =	vpop (xrf1)  }
0x1fb: {  	s1 =	simm.s32 $0x1CA0;
	s9 =	simm.s32 $0x1420;
	v3 =	vld [tilespmem:s17+$0x80];
	[tilespmem:s25+$0x0] =	vst v5;
	v5 =	vor.u32 s3, v4;
	v4 =	vshrl.u32 v6, $0x4;
	v6 =	vand.u32 $0xF, v6;
	s3 =	simm.s32 $0x1CA0  }
.LBB2_14:
0x1fc: {  	s4 =	sadd.s32 $0x4, s4;
	v7 =	vld [tilespmem:s13+$0x80];
	[tilespmem:s1+$0x0] =	vst v5;
	v5 =	vor.u32 s0, v6;
	s25 =	sadd.s32 $0x40, s25;
	s3 =	sadd.s32 $0x40, s3;
	v6, _, _ =	vpop (xrf1)  }
0x1fd: {  	p0 =	slt.u32 s4, $0x7C;
	v8 =	vld [tilespmem:s11+$0x80];
	v9 =	vshrl.u32 v6, $0x4;
	v6 =	vand.u32 $0xF, v6;
	[tilespmem:s9+$0x10] =	vst v4;
	v4, _, _ =	vpop (xrf1)  }
0x1fe: {  	s7 =	sadd.s32 $0xFFFFFFD0, s0;
	s0 =	smov.u32 s24;
	s24 =	smov.u32 s23;
	v10 =	vshrl.u32 v4, $0x4;
	v4 =	vand.u32 $0xF, v4;
	v6 =	vor.u32 s6, v6;
	[tilespmem:s1+$0x10] =	vst v5  }
0x1ff: {  	s23 =	sadd.s32 $0x40, s23;
	v2 =	vshll.u32 v2, $0x4;
	[tilespmem:s9+$0xFFFFFFE0] =	vst v10;
	v4 =	vor.u32 s7, v4  }
0x200: {  	s26 =	sadd.s32 $0x200, s26;
	s11 =	sadd.s32 $0xFFFFE800, s23;
	s7 =	sadd.s32 $0xFFFFFFF0, s0;
	v2 =	vor.u32 v1, v2;
	v3 =	vshll.u32 v3, $0x4;
	[tilespmem:s9+$0xFFFFFFF0] =	vst v9  }
0x201: {  	s13 =	sshrl.u32 s26, $0x2;
	s6 =	sadd.s32 $0xFFFFE7D0, s23;
	s9 =	sadd.s32 $0xFFFFE7F0, s23;
	v5 =	vshll.u32 v7, $0x4;
	v3 =	vor.u32 v1, v3;
	(xrf1) =	vsort.ascd.msk.u32 $0xffff, v2, v2;
	[tilespmem:s1+$0xFFFFFFE0] =	vst v4  }
.Ltmp6:
0x202: {  	s17 =	sadd.s32 $0xFFFFE7E0, s23;
	s9 =	sand.u32 $0x60, s9;
	v2 =	vshll.u32 v8, $0x4;
	v5 =	vor.u32 v1, v5;
	(xrf1) =	vsort.ascd.msk.u32 $0xffff, v3, v3;
	[tilespmem:s1+$0xFFFFFFF0] =	vst v6;
	(pc) =	sbr.rel @p0 .LBB2_14-.Ltmp6, $4  }
0x203: {  	s1 =	sand.u32 $0xF00, s13;
	s13 =	sand.u32 $0x50, s17;
	s17 =	sand.u32 $0x70, s11;
	v3 =	vor.u32 v1, v2  }
0x204: {  	s6 =	sand.u32 $0x40, s6;
	s13 =	sor.u32 s13, s1;
	s9 =	sor.u32 s9, s1;
	(xrf1) =	vsort.ascd.msk.u32 $0xffff, v5, v5;
	v4, _, _ =	vpop (xrf1)  }
0x205: {  	s11 =	sor.u32 s6, s1;
	s1 =	sor.u32 s17, s1;
	s6 =	sadd.s32 $0xFFFFFFE0, s0;
	v2 =	vld [tilespmem:s9+$0x80];
	(xrf1) =	vsort.ascd.msk.u32 $0xffff, v3, v3;
	v5 =	vshrl.u32 v4, $0x4;
	v4 =	vand.u32 $0xF, v4;
	v6, _, _ =	vpop (xrf1)  }
0x206: {  	s9 =	smov.u32 s25;
	v3 =	vld [tilespmem:s1+$0x80];
	[tilespmem:s25+$0x0] =	vst v5;
	v5 =	vor.u32 s7, v4;
	v4 =	vshrl.u32 v6, $0x4;
	v6 =	vand.u32 $0xF, v6;
	s1 =	smov.u32 s3  }
0x207: {  	v7 =	vld [tilespmem:s13+$0x80]  }
0x208: {  	v8 =	vld [tilespmem:s11+$0x80]  }
0x209: {  	v52, _, _ =	vpop (xrf1)  }
0x20a: {  	v54, _, _ =	vpop (xrf1);
	v56 =	vshrl.u32 v52, $0x4;
	v2 =	vshll.u32 v2, $0x4  }
0x20b: {  	[tilespmem:s9+$0x10] =	vst v4;
	v4 =	vand.u32 $0xF, v54;
	v2 =	vor.u32 v1, v2;
	v3 =	vshll.u32 v3, $0x4  }
0x20c: {  	[tilespmem:s9+$0xFFFFFFF0] =	vst v56;
	(xrf1) =	vsort.ascd.msk.u32 $0xffff, v2, v2;
	v53 =	vshll.u32 v7, $0x4;
	v3 =	vor.u32 v1, v3  }
0x20d: {  	v2 =	vor.u32 s0, v6;
	v55 =	vshll.u32 v8, $0x4;
	v6 =	vor.u32 v1, v53;
	(xrf1) =	vsort.ascd.msk.u32 $0xffff, v3, v3  }
0x20e: {  	s7 =	sadd.s32 $0xFFFFFFD0, s0;
	v3 =	vshrl.u32 v54, $0x4;
	[tilespmem:s1+$0x10] =	vst v2;
	v2 =	vor.u32 v1, v55;
	(xrf1) =	vsort.ascd.msk.u32 $0xffff, v6, v6  }
0x20f: {  	[tilespmem:s9+$0xFFFFFFE0] =	vst v3;
	v3 =	vor.u32 s7, v4;
	(xrf1) =	vsort.ascd.msk.u32 $0xffff, v2, v2;
	v2 =	vand.u32 $0xF, v52  }
0x210: {  	v57, _, _ =	vpop (xrf1);
	[tilespmem:s1+$0xFFFFFFE0] =	vst v3;
	v2 =	vor.u32 s6, v2  }
0x211: {  	s4 =	sadd.s32 $0xFFFFFFF0, s24;
	s9 =	sadd.s32 $0x40, s25;
	v3 =	vand.u32 $0xF, v57;
	[tilespmem:s1+$0xFFFFFFF0] =	vst v2;
	v2 =	vshrl.u32 v57, $0x4  }
0x212: {  	v58, _, _ =	vpop (xrf1);
	[tilespmem:s9+$0x0] =	vst v2;
	v2 =	vor.u32 s4, v3  }
0x213: {  	v3 =	vshrl.u32 v58, $0x4  }
0x214: {  	s11 =	sadd.s32 $0x40, s3  }
0x215: {  	[tilespmem:s11+$0x0] =	vst v2;
	v2, _, _ =	vpop (xrf1)  }
0x216: {  	[tilespmem:s9+$0x10] =	vst v3;
	v3, _, _ =	vpop (xrf1)  }
0x217: {  	s13 =	sadd.s32 $0xFFFFFFD0, s24;
	v59 =	vshrl.u32 v3, $0x4;
	v3 =	vand.u32 $0xF, v3  }
0x218: {  	[tilespmem:s1+$0x0] =	vst v5;
	v60 =	vshrl.u32 v2, $0x4;
	v3 =	vor.u32 s13, v3  }
0x219: {  	[tilespmem:s9+$0xFFFFFFF0] =	vst v60  }
0x21a: {  	s17 =	sadd.s32 $0xFFFFFFE0, s24;
	v2 =	vand.u32 $0xF, v2;
	[tilespmem:s9+$0xFFFFFFE0] =	vst v59  }
0x21b: {  	v4 =	vand.u32 $0xF, v58;
	v2 =	vor.u32 s17, v2;
	[tilespmem:s11+$0xFFFFFFE0] =	vst v3;
	v3, _, _ =	vpop (xrf1)  }
0x21c: {  	s0 =	sadd.s32 $0x40, s9;
	v4 =	vor.u32 s24, v4;
	s24 =	sadd.s32 $0xFFFFFFF0, s23;
	[tilespmem:s11+$0xFFFFFFF0] =	vst v2;
	v2 =	vshrl.u32 v3, $0x4;
	v3 =	vand.u32 $0xF, v3  }
0x21d: {  	v61, _, _ =	vpop (xrf1);
	[tilespmem:s0+$0x0] =	vst v2;
	v2 =	vor.u32 s24, v3  }
0x21e: {  	s1 =	sadd.s32 $0x40, s11;
	[tilespmem:s11+$0x10] =	vst v4;
	v3 =	vshrl.u32 v61, $0x4  }
0x21f: {  	v4 =	vand.u32 $0xF, v61;
	[tilespmem:s1+$0x0] =	vst v2  }
0x220: {  	v4 =	vor.u32 s23, v4;
	[tilespmem:s0+$0x10] =	vst v3;
	v2, _, _ =	vpop (xrf1)  }
0x221: {  	[tilespmem:s1+$0x10] =	vst v4;
	v3, _, _ =	vpop (xrf1);
	v63 =	vshrl.u32 v2, $0x4  }
0x222: {  	s26 =	sadd.s32 $0xFFFFFFE0, s23;
	v2 =	vand.u32 $0xF, v2;
	v62 =	vshrl.u32 v3, $0x4;
	[tilespmem:s0+$0xFFFFFFF0] =	vst v63  }
0x223: {  	s25 =	sadd.s32 $0xFFFFFFD0, s23;
	v3 =	vand.u32 $0xF, v3;
	v2 =	vor.u32 s26, v2;
	[tilespmem:s0+$0xFFFFFFE0] =	vst v62  }
0x224: {  	v3 =	vor.u32 s25, v3;
	[tilespmem:s1+$0xFFFFFFF0] =	vst v2  }
0x225: {  	[tilespmem:s1+$0xFFFFFFE0] =	vst v3  }
.LBB2_16:
0x226: {  	s0 =	sshra.s32 s2, $0x2  }
0x227: {  	v2 =	vld [tilespmem:s0+$0x1400]  }
0x228: {  	v3 =	vld [tilespmem:s0+$0x1401];
	_ =	sdelay $0x4  }
0x229: {  	vm0 =	veq.s32 v2, v3  }
0x22a: {  	v3 =	vld [tilespmem:s0+$0x1C80];
	v2 =	vsel vm0, $0x186A0, v2;
	_ =	sdelay $0x4  }
0x22b: {  	[tilespmem:v2+s15+$0x0] =	vst.idx.msk $0xffff, v3  }
0x22c: {  	v2 =	vld [tilespmem:s0+$0x1410]  }
0x22d: {  	v3 =	vld [tilespmem:s0+$0x1411];
	_ =	sdelay $0x4  }
0x22e: {  	vm15 =	veq.s32 v2, v3  }
0x22f: {  	p0 =	sne.s32 s2, $0x1F80;
	v3 =	vld [tilespmem:s0+$0x1C90];
	v2 =	vsel vm15, $0x186A0, v2  }
.Ltmp7:
0x230: {  	_ = 	snop;
	(pc) =	sbr.rel @p0 .LBB2_16-.Ltmp7, $2  }
0x231: {  	_ =	sdelay $0x2  }
0x232: {  	s2 =	sadd.s32 $0x80, s2;
	[tilespmem:v2+s15+$0x0] =	vst.idx.msk $0xffff, v3  }
0x233: {  	s2 =	simm.s32 $0x0;
	s0 =	simm.s32 $0x80  }
0x234: {  	[tilespmem:s0], [sflag:$0x2] =	stream.linear.gather [hbm4b:s14+s2], $0x80, $0x38;
	[tilespmem:$0x1EB80] =	vst v63  }
0x235: {  	s24 =	sadd.s32 $0x10, s14;
	s1 =	simm.s32 $0x180  }
0x236: {  	[tilespmem:s1], [sflag:$0x2] =	stream.linear.gather [hbm4b:s24+s2], $0x80, $0x38;
	[tilespmem:$0x1EB80] =	vst v63  }
0x237: {  	s25 =	sadd.s32 $0x20, s14;
	s26 =	simm.s32 $0x280  }
0x238: {  	[tilespmem:s26], [sflag:$0x2] =	stream.linear.gather [hbm4b:s25+s2], $0x80, $0x38;
	[tilespmem:$0x1EB80] =	vst v63  }
0x239: {  	s3 =	sadd.s32 $0x30, s14;
	s4 =	simm.s32 $0x380  }
0x23a: {  	[tilespmem:s4], [sflag:$0x2] =	stream.linear.gather [hbm4b:s3+s2], $0x80, $0x38;
	[tilespmem:$0x1EB80] =	vst v63  }
0x23b: {  	s6 =	sadd.s32 $0x40, s14;
	s7 =	simm.s32 $0x480  }
0x23c: {  	[tilespmem:s7], [sflag:$0x2] =	stream.linear.gather [hbm4b:s6+s2], $0x80, $0x38;
	[tilespmem:$0x1EB80] =	vst v63  }
0x23d: {  	s9 =	sadd.s32 $0x50, s14;
	s11 =	simm.s32 $0x580  }
0x23e: {  	[tilespmem:s11], [sflag:$0x2] =	stream.linear.gather [hbm4b:s9+s2], $0x80, $0x38;
	[tilespmem:$0x1EB80] =	vst v63  }
0x23f: {  	s13 =	sadd.s32 $0x60, s14;
	s17 =	simm.s32 $0x680  }
0x240: {  	[tilespmem:s17], [sflag:$0x2] =	stream.linear.gather [hbm4b:s13+s2], $0x80, $0x38;
	[tilespmem:$0x1EB80] =	vst v63  }
0x241: {  	s23 =	sadd.s32 $0x70, s14;
	s24 =	simm.s32 $0x780  }
0x242: {  	[tilespmem:s24], [sflag:$0x2] =	stream.linear.gather [hbm4b:s23+s2], $0x80, $0x38;
	[tilespmem:$0x1EB80] =	vst v63  }
0x243: {  	s25 =	sadd.s32 $0x80, s14;
	s26 =	simm.s32 $0x880  }
0x244: {  	[tilespmem:s26], [sflag:$0x2] =	stream.linear.gather [hbm4b:s25+s2], $0x80, $0x38;
	[tilespmem:$0x1EB80] =	vst v63  }
0x245: {  	s3 =	sadd.s32 $0x90, s14;
	s4 =	simm.s32 $0x980  }
0x246: {  	[tilespmem:s4], [sflag:$0x2] =	stream.linear.gather [hbm4b:s3+s2], $0x80, $0x38;
	[tilespmem:$0x1EB80] =	vst v63  }
0x247: {  	s6 =	sadd.s32 $0xA0, s14;
	s7 =	simm.s32 $0xA80  }
0x248: {  	[tilespmem:s7], [sflag:$0x2] =	stream.linear.gather [hbm4b:s6+s2], $0x80, $0x38;
	[tilespmem:$0x1EB80] =	vst v63  }
0x249: {  	s9 =	sadd.s32 $0xB0, s14;
	s11 =	simm.s32 $0xB80  }
0x24a: {  	[tilespmem:s11], [sflag:$0x2] =	stream.linear.gather [hbm4b:s9+s2], $0x80, $0x38;
	[tilespmem:$0x1EB80] =	vst v63  }
0x24b: {  	s13 =	sadd.s32 $0xC0, s14;
	s17 =	simm.s32 $0xC80  }
0x24c: {  	[tilespmem:s17], [sflag:$0x2] =	stream.linear.gather [hbm4b:s13+s2], $0x80, $0x38;
	[tilespmem:$0x1EB80] =	vst v63  }
0x24d: {  	s23 =	sadd.s32 $0xD0, s14;
	s24 =	simm.s32 $0xD80  }
0x24e: {  	[tilespmem:s24], [sflag:$0x2] =	stream.linear.gather [hbm4b:s23+s2], $0x80, $0x38;
	[tilespmem:$0x1EB80] =	vst v63  }
0x24f: {  	s25 =	sadd.s32 $0xE0, s14;
	s26 =	simm.s32 $0xE80  }
0x250: {  	[tilespmem:s26], [sflag:$0x2] =	stream.linear.gather [hbm4b:s25+s2], $0x80, $0x38;
	[tilespmem:$0x1EB80] =	vst v63  }
0x251: {  	s3 =	sadd.s32 $0xF0, s14;
	s4 =	simm.s32 $0xF80;
	s6 =	simm.s32 $0x4  }
0x252: {  	[tilespmem:s4], [sflag:$0x2] =	stream.linear.gather [hbm4b:s3+s2], $0x80, $0x38;
	[tilespmem:$0x1EB80] =	vst v63  }
0x253: {  	_ =	swait.ge [sflag:s6], $0x2000  }
0x254: {  	[sflag:s6] =	ssyncset.done $0x0  }
0x255: {  	s9 =	simm.s32 $0x4480;
	s7 =	rddreg [dreg:$0xc];
	[sflag:s6] =	ssyncadd.s32 $0xFFFFE000  }
0x256: {  	[hbm4b:s7+s2] =	stream.linear.scatter [tilespmem:s9], [sflag:$0x5], $0x2000, $0x38;
	[tilespmem:$0x1EB80] =	vst v63  }
0x257: {  	_ =	swait.ge [sflag:s22], $0x2000  }
0x258: {  	s11 =	simm.s32 $0x40;
	s13 =	simm.s32 $0x20;
	[sflag:s22] =	ssyncset.done $0x0  }
0x259: {  	s3 =	simm.s32 $0x1140;
	s4 =	simm.s32 $0x1;
	[sflag:s22] =	ssyncadd.s32 $0xFFFFE000  }
0x25a: {  	[tilespmem:s9], [sflag:$0x4] =	stream.indirect.gather [hbm4b:s19+s11], $0x80, s3, s11, $0xb8;
	[tilespmem:$0x1EB80] =	vst v63  }
0x25b: {  	s17 =	simm.s32 $0x0;
	s0 =	sand.u32 $0x60, s13;
	_ =	swait.ge [sflag:s4], $0x800  }
0x25c: {  	s1 =	sand.u32 $0xF00, s17;
	s23 =	simm.s32 $0x30;
	[sflag:s4] =	ssyncset.done $0x0  }
0x25d: {  	s0 =	sor.u32 s0, s1;
	s3 =	sand.u32 $0x70, s23;
	[sflag:s4] =	ssyncadd.s32 $0xFFFFF800  }
0x25e: {  	s24 =	sor.u32 s3, s1;
	v2 =	vld [tilespmem:s0+$0x0]  }
0x25f: {  	v3 =	vld [tilespmem:s24+$0x0];
	_ =	sdelay $0x2  }
0x260: {  	s25 =	simm.s32 $0x10  }
0x261: {  	s26 =	simm.s32 $0x0;
	s0 =	sand.u32 $0x50, s25;
	v2 =	vshll.u32 v2, $0x4  }
0x262: {  	s3 =	sand.u32 $0x40, s26;
	s0 =	sor.u32 s0, s1;
	v3 =	vshll.u32 v3, $0x4;
	v2 =	vor.u32 v1, v2  }
0x263: {  	s1 =	sor.u32 s3, s1;
	v3 =	vor.u32 v1, v3;
	(xrf1) =	vsort.ascd.msk.u32 $0xffff, v2, v2;
	v2 =	vld [tilespmem:s0+$0x0]  }
0x264: {  	(xrf1) =	vsort.ascd.msk.u32 $0xffff, v3, v3;
	v3 =	vld [tilespmem:s1+$0x0];
	_ =	sdelay $0x1  }
0x265: {  	s6 =	simm.s32 $0x80;
	s4 =	simm.s32 $0x60  }
0x266: {  	s7 =	simm.s32 $0x70;
	s3 =	sand.u32 $0x60, s4;
	s4 =	sand.u32 $0xF00, s6  }
0x267: {  	s9 =	simm.s32 $0x50;
	s3 =	sor.u32 s3, s4;
	s0 =	sand.u32 $0x70, s7;
	v2 =	vshll.u32 v2, $0x4  }
0x268: {  	v4 =	vld [tilespmem:s3+$0x0];
	s1 =	sand.u32 $0x50, s9;
	s0 =	sor.u32 s0, s4;
	v3 =	vshll.u32 v3, $0x4;
	v2 =	vor.u32 v1, v2  }
0x269: {  	s6 =	simm.s32 $0x40;
	s1 =	sor.u32 s1, s4;
	v5 =	vld [tilespmem:s0+$0x0];
	(xrf1) =	vsort.ascd.msk.u32 $0xffff, v2, v2;
	v2 =	vor.u32 v1, v3  }
0x26a: {  	s11 =	sand.u32 $0x40, s6;
	v6 =	vld [tilespmem:s1+$0x0];
	(xrf1) =	vsort.ascd.msk.u32 $0xffff, v2, v2  }
0x26b: {  	s3 =	sor.u32 s11, s4  }
0x26c: {  	v7 =	vld [tilespmem:s3+$0x0];
	_ =	sdelay $0x1  }
0x26d: {  	s13 =	simm.s32 $0x90;
	v3 =	vshll.u32 v4, $0x4  }
0x26e: {  	s13 =	sand.u32 $0x50, s13;
	s23 =	simm.s32 $0x20B0;
	s26 =	simm.s32 $0x400;
	v2 =	vor.u32 v1, v3;
	v3 =	vshll.u32 v5, $0x4;
	v4 =	vshll.u32 v6, $0x4  }
0x26f: {  	s25 =	simm.s32 $0x1420;
	s6 =	simm.s32 $0x80;
	s11 =	simm.s32 $0x100;
	v3 =	vor.u32 v1, v3;
	(xrf1) =	vsort.ascd.msk.u32 $0xffff, v2, v2;
	v4 =	vor.u32 v1, v4  }
0x270: {  	s24 =	simm.s32 $0x2070;
	s6 =	sand.u32 $0x40, s6;
	s17 =	sand.u32 $0xF00, s11;
	v2 =	vshll.u32 v7, $0x4;
	(xrf1) =	vsort.ascd.msk.u32 $0xffff, v3, v3  }
0x271: {  	s3 =	simm.s32 $0x2020;
	s13 =	sor.u32 s13, s17;
	s7 =	simm.s32 $0xA0;
	v3 =	vor.u32 v1, v2;
	(xrf1) =	vsort.ascd.msk.u32 $0xffff, v4, v4  }
0x272: {  	s11 =	sor.u32 s6, s17;
	s9 =	simm.s32 $0xB0;
	s7 =	sand.u32 $0x60, s7;
	v4, _, _ =	vpop (xrf1);
	(xrf1) =	vsort.ascd.msk.u32 $0xffff, v3, v3  }
0x273: {  	s6 =	simm.s32 $0x2010;
	s9 =	sand.u32 $0x70, s9;
	s7 =	sor.u32 s7, s17  }
0x274: {  	s0 =	simm.s32 $0x2030;
	s4 =	simm.s32 $0x8;
	s17 =	sor.u32 s9, s17;
	v2 =	vld [tilespmem:s7+$0x0];
	v5 =	vshrl.u32 v4, $0x4;
	v4 =	vand.u32 $0xF, v4;
	v6, _, _ =	vpop (xrf1)  }
0x275: {  	s1 =	simm.s32 $0x1CA0;
	s9 =	simm.s32 $0x1420;
	v3 =	vld [tilespmem:s17+$0x0];
	[tilespmem:s25+$0x0] =	vst v5;
	v5 =	vor.u32 s3, v4;
	v4 =	vshrl.u32 v6, $0x4;
	v6 =	vand.u32 $0xF, v6;
	s3 =	simm.s32 $0x1CA0  }
.LBB2_18:
0x276: {  	s4 =	sadd.s32 $0x4, s4;
	v7 =	vld [tilespmem:s13+$0x0];
	[tilespmem:s1+$0x0] =	vst v5;
	v5 =	vor.u32 s0, v6;
	s25 =	sadd.s32 $0x40, s25;
	s3 =	sadd.s32 $0x40, s3;
	v6, _, _ =	vpop (xrf1)  }
0x277: {  	p0 =	slt.u32 s4, $0x7C;
	v8 =	vld [tilespmem:s11+$0x0];
	v9 =	vshrl.u32 v6, $0x4;
	v6 =	vand.u32 $0xF, v6;
	[tilespmem:s9+$0x10] =	vst v4;
	v4, _, _ =	vpop (xrf1)  }
0x278: {  	s7 =	sadd.s32 $0xFFFFFFD0, s0;
	s0 =	smov.u32 s24;
	s24 =	smov.u32 s23;
	v10 =	vshrl.u32 v4, $0x4;
	v4 =	vand.u32 $0xF, v4;
	v6 =	vor.u32 s6, v6;
	[tilespmem:s1+$0x10] =	vst v5  }
0x279: {  	s23 =	sadd.s32 $0x40, s23;
	v2 =	vshll.u32 v2, $0x4;
	[tilespmem:s9+$0xFFFFFFE0] =	vst v10;
	v4 =	vor.u32 s7, v4  }
0x27a: {  	s26 =	sadd.s32 $0x200, s26;
	s11 =	sadd.s32 $0xFFFFE000, s23;
	s7 =	sadd.s32 $0xFFFFFFF0, s0;
	v2 =	vor.u32 v1, v2;
	v3 =	vshll.u32 v3, $0x4;
	[tilespmem:s9+$0xFFFFFFF0] =	vst v9  }
0x27b: {  	s13 =	sshrl.u32 s26, $0x2;
	s6 =	sadd.s32 $0xFFFFDFD0, s23;
	s9 =	sadd.s32 $0xFFFFDFF0, s23;
	v5 =	vshll.u32 v7, $0x4;
	v3 =	vor.u32 v1, v3;
	(xrf1) =	vsort.ascd.msk.u32 $0xffff, v2, v2;
	[tilespmem:s1+$0xFFFFFFE0] =	vst v4  }
.Ltmp8:
0x27c: {  	s17 =	sadd.s32 $0xFFFFDFE0, s23;
	s9 =	sand.u32 $0x60, s9;
	v2 =	vshll.u32 v8, $0x4;
	v5 =	vor.u32 v1, v5;
	(xrf1) =	vsort.ascd.msk.u32 $0xffff, v3, v3;
	[tilespmem:s1+$0xFFFFFFF0] =	vst v6;
	(pc) =	sbr.rel @p0 .LBB2_18-.Ltmp8, $4  }
0x27d: {  	s1 =	sand.u32 $0xF00, s13;
	s13 =	sand.u32 $0x50, s17;
	s17 =	sand.u32 $0x70, s11;
	v3 =	vor.u32 v1, v2  }
0x27e: {  	s6 =	sand.u32 $0x40, s6;
	s13 =	sor.u32 s13, s1;
	s9 =	sor.u32 s9, s1;
	(xrf1) =	vsort.ascd.msk.u32 $0xffff, v5, v5;
	v4, _, _ =	vpop (xrf1)  }
0x27f: {  	s11 =	sor.u32 s6, s1;
	s1 =	sor.u32 s17, s1;
	s6 =	sadd.s32 $0xFFFFFFE0, s0;
	v2 =	vld [tilespmem:s9+$0x0];
	(xrf1) =	vsort.ascd.msk.u32 $0xffff, v3, v3;
	v5 =	vshrl.u32 v4, $0x4;
	v4 =	vand.u32 $0xF, v4;
	v6, _, _ =	vpop (xrf1)  }
0x280: {  	s9 =	smov.u32 s25;
	v3 =	vld [tilespmem:s1+$0x0];
	[tilespmem:s25+$0x0] =	vst v5;
	v5 =	vor.u32 s7, v4;
	v4 =	vshrl.u32 v6, $0x4;
	v6 =	vand.u32 $0xF, v6;
	s1 =	smov.u32 s3  }
0x281: {  	v7 =	vld [tilespmem:s13+$0x0]  }
0x282: {  	v8 =	vld [tilespmem:s11+$0x0]  }
0x283: {  	v52, _, _ =	vpop (xrf1)  }
0x284: {  	v54, _, _ =	vpop (xrf1);
	v56 =	vshrl.u32 v52, $0x4;
	v2 =	vshll.u32 v2, $0x4  }
0x285: {  	[tilespmem:s9+$0x10] =	vst v4;
	v4 =	vand.u32 $0xF, v54;
	v2 =	vor.u32 v1, v2;
	v3 =	vshll.u32 v3, $0x4  }
0x286: {  	[tilespmem:s9+$0xFFFFFFF0] =	vst v56;
	(xrf1) =	vsort.ascd.msk.u32 $0xffff, v2, v2;
	v53 =	vshll.u32 v7, $0x4;
	v3 =	vor.u32 v1, v3  }
0x287: {  	v2 =	vor.u32 s0, v6;
	v55 =	vshll.u32 v8, $0x4;
	v6 =	vor.u32 v1, v53;
	(xrf1) =	vsort.ascd.msk.u32 $0xffff, v3, v3  }
0x288: {  	s7 =	sadd.s32 $0xFFFFFFD0, s0;
	v3 =	vshrl.u32 v54, $0x4;
	[tilespmem:s1+$0x10] =	vst v2;
	v2 =	vor.u32 v1, v55;
	(xrf1) =	vsort.ascd.msk.u32 $0xffff, v6, v6  }
0x289: {  	[tilespmem:s9+$0xFFFFFFE0] =	vst v3;
	v3 =	vor.u32 s7, v4;
	(xrf1) =	vsort.ascd.msk.u32 $0xffff, v2, v2;
	v2 =	vand.u32 $0xF, v52  }
0x28a: {  	v57, _, _ =	vpop (xrf1);
	[tilespmem:s1+$0xFFFFFFE0] =	vst v3;
	v2 =	vor.u32 s6, v2  }
0x28b: {  	s4 =	sadd.s32 $0xFFFFFFF0, s24;
	s9 =	sadd.s32 $0x40, s25;
	v3 =	vand.u32 $0xF, v57;
	[tilespmem:s1+$0xFFFFFFF0] =	vst v2;
	v2 =	vshrl.u32 v57, $0x4  }
0x28c: {  	v58, _, _ =	vpop (xrf1);
	[tilespmem:s9+$0x0] =	vst v2;
	v2 =	vor.u32 s4, v3  }
0x28d: {  	v3 =	vshrl.u32 v58, $0x4  }
0x28e: {  	s11 =	sadd.s32 $0x40, s3  }
0x28f: {  	[tilespmem:s11+$0x0] =	vst v2;
	v2, _, _ =	vpop (xrf1)  }
0x290: {  	[tilespmem:s9+$0x10] =	vst v3;
	v3, _, _ =	vpop (xrf1)  }
0x291: {  	s13 =	sadd.s32 $0xFFFFFFD0, s24;
	v59 =	vshrl.u32 v3, $0x4;
	v3 =	vand.u32 $0xF, v3  }
0x292: {  	[tilespmem:s1+$0x0] =	vst v5;
	v60 =	vshrl.u32 v2, $0x4;
	v3 =	vor.u32 s13, v3  }
0x293: {  	[tilespmem:s9+$0xFFFFFFF0] =	vst v60  }
0x294: {  	s17 =	sadd.s32 $0xFFFFFFE0, s24;
	v2 =	vand.u32 $0xF, v2;
	[tilespmem:s9+$0xFFFFFFE0] =	vst v59  }
0x295: {  	v4 =	vand.u32 $0xF, v58;
	v2 =	vor.u32 s17, v2;
	[tilespmem:s11+$0xFFFFFFE0] =	vst v3;
	v3, _, _ =	vpop (xrf1)  }
0x296: {  	s0 =	sadd.s32 $0x40, s9;
	v4 =	vor.u32 s24, v4;
	s24 =	sadd.s32 $0xFFFFFFF0, s23;
	[tilespmem:s11+$0xFFFFFFF0] =	vst v2;
	v2 =	vshrl.u32 v3, $0x4;
	v3 =	vand.u32 $0xF, v3  }
0x297: {  	v61, _, _ =	vpop (xrf1);
	[tilespmem:s0+$0x0] =	vst v2;
	v2 =	vor.u32 s24, v3  }
0x298: {  	s1 =	sadd.s32 $0x40, s11;
	[tilespmem:s11+$0x10] =	vst v4;
	v3 =	vshrl.u32 v61, $0x4  }
0x299: {  	v4 =	vand.u32 $0xF, v61;
	[tilespmem:s1+$0x0] =	vst v2  }
0x29a: {  	v4 =	vor.u32 s23, v4;
	[tilespmem:s0+$0x10] =	vst v3;
	v2, _, _ =	vpop (xrf1)  }
0x29b: {  	[tilespmem:s1+$0x10] =	vst v4;
	v3, _, _ =	vpop (xrf1);
	v63 =	vshrl.u32 v2, $0x4  }
0x29c: {  	s26 =	sadd.s32 $0xFFFFFFE0, s23;
	v2 =	vand.u32 $0xF, v2;
	v62 =	vshrl.u32 v3, $0x4;
	[tilespmem:s0+$0xFFFFFFF0] =	vst v63  }
0x29d: {  	s25 =	sadd.s32 $0xFFFFFFD0, s23;
	v3 =	vand.u32 $0xF, v3;
	v2 =	vor.u32 s26, v2;
	[tilespmem:s0+$0xFFFFFFE0] =	vst v62  }
0x29e: {  	v3 =	vor.u32 s25, v3;
	[tilespmem:s1+$0xFFFFFFF0] =	vst v2  }
0x29f: {  	[tilespmem:s1+$0xFFFFFFE0] =	vst v3  }
.LBB2_20:
0x2a0: {  	s0 =	sshra.s32 s2, $0x2  }
0x2a1: {  	v2 =	vld [tilespmem:s0+$0x1400]  }
0x2a2: {  	v3 =	vld [tilespmem:s0+$0x1401];
	_ =	sdelay $0x4  }
0x2a3: {  	vm0 =	veq.s32 v2, v3  }
0x2a4: {  	v3 =	vld [tilespmem:s0+$0x1C80];
	v2 =	vsel vm0, $0x186A0, v2;
	_ =	sdelay $0x4  }
0x2a5: {  	[tilespmem:v2+s15+$0x0] =	vst.idx.msk $0xffff, v3  }
0x2a6: {  	v2 =	vld [tilespmem:s0+$0x1410]  }
0x2a7: {  	v3 =	vld [tilespmem:s0+$0x1411];
	_ =	sdelay $0x4  }
0x2a8: {  	vm15 =	veq.s32 v2, v3  }
0x2a9: {  	p0 =	sne.s32 s2, $0x1F80;
	v3 =	vld [tilespmem:s0+$0x1C90];
	v2 =	vsel vm15, $0x186A0, v2  }
.Ltmp9:
0x2aa: {  	_ = 	snop;
	(pc) =	sbr.rel @p0 .LBB2_20-.Ltmp9, $2  }
0x2ab: {  	_ =	sdelay $0x2  }
0x2ac: {  	s2 =	sadd.s32 $0x80, s2;
	[tilespmem:v2+s15+$0x0] =	vst.idx.msk $0xffff, v3  }
0x2ad: {  	s2 =	simm.s32 $0x0  }
0x2ae: {  	[tilespmem:s2], [sflag:$0x1] =	stream.linear.gather [hbm4b:s16+s2], $0x80, $0x38;
	[tilespmem:$0x1EB80] =	vst v63  }
0x2af: {  	s0 =	sadd.s32 $0x10, s16  }
0x2b0: {  	[tilespmem:s20], [sflag:$0x1] =	stream.linear.gather [hbm4b:s0+s2], $0x80, $0x38;
	[tilespmem:$0x1EB80] =	vst v63  }
0x2b1: {  	s4 =	sadd.s32 $0x20, s16  }
0x2b2: {  	[tilespmem:s21], [sflag:$0x1] =	stream.linear.gather [hbm4b:s4+s2], $0x80, $0x38;
	[tilespmem:$0x1EB80] =	vst v63  }
0x2b3: {  	s6 =	sadd.s32 $0x30, s16  }
0x2b4: {  	[tilespmem:s28], [sflag:$0x1] =	stream.linear.gather [hbm4b:s6+s2], $0x80, $0x38;
	[tilespmem:$0x1EB80] =	vst v63  }
0x2b5: {  	s7 =	sadd.s32 $0x40, s16  }
0x2b6: {  	[tilespmem:s29], [sflag:$0x1] =	stream.linear.gather [hbm4b:s7+s2], $0x80, $0x38;
	[tilespmem:$0x1EB80] =	vst v63  }
0x2b7: {  	s9 =	sadd.s32 $0x50, s16  }
0x2b8: {  	[tilespmem:s30], [sflag:$0x1] =	stream.linear.gather [hbm4b:s9+s2], $0x80, $0x38;
	[tilespmem:$0x1EB80] =	vst v63  }
0x2b9: {  	s11 =	sadd.s32 $0x60, s16  }
0x2ba: {  	[tilespmem:s31], [sflag:$0x1] =	stream.linear.gather [hbm4b:s11+s2], $0x80, $0x38;
	[tilespmem:$0x1EB80] =	vst v63  }
0x2bb: {  	s13 =	sadd.s32 $0x70, s16  }
0x2bc: {  	[tilespmem:s8], [sflag:$0x1] =	stream.linear.gather [hbm4b:s13+s2], $0x80, $0x38;
	[tilespmem:$0x1EB80] =	vst v63  }
0x2bd: {  	s17 =	sadd.s32 $0x80, s16;
	s1 =	simm.s32 $0x800  }
0x2be: {  	[tilespmem:s1], [sflag:$0x1] =	stream.linear.gather [hbm4b:s17+s2], $0x80, $0x38;
	[tilespmem:$0x1EB80] =	vst v63  }
0x2bf: {  	s20 =	sadd.s32 $0x90, s16;
	s21 =	simm.s32 $0x900  }
0x2c0: {  	[tilespmem:s21], [sflag:$0x1] =	stream.linear.gather [hbm4b:s20+s2], $0x80, $0x38;
	[tilespmem:$0x1EB80] =	vst v63  }
0x2c1: {  	s23 =	sadd.s32 $0xA0, s16;
	s24 =	simm.s32 $0xA00  }
0x2c2: {  	[tilespmem:s24], [sflag:$0x1] =	stream.linear.gather [hbm4b:s23+s2], $0x80, $0x38;
	[tilespmem:$0x1EB80] =	vst v63  }
0x2c3: {  	s25 =	sadd.s32 $0xB0, s16;
	s26 =	simm.s32 $0xB00  }
0x2c4: {  	[tilespmem:s26], [sflag:$0x1] =	stream.linear.gather [hbm4b:s25+s2], $0x80, $0x38;
	[tilespmem:$0x1EB80] =	vst v63  }
0x2c5: {  	s3 =	sadd.s32 $0xC0, s16;
	s4 =	simm.s32 $0xC00  }
0x2c6: {  	[tilespmem:s4], [sflag:$0x1] =	stream.linear.gather [hbm4b:s3+s2], $0x80, $0x38;
	[tilespmem:$0x1EB80] =	vst v63  }
0x2c7: {  	s6 =	sadd.s32 $0xD0, s16;
	s7 =	simm.s32 $0xD00  }
0x2c8: {  	[tilespmem:s7], [sflag:$0x1] =	stream.linear.gather [hbm4b:s6+s2], $0x80, $0x38;
	[tilespmem:$0x1EB80] =	vst v63  }
0x2c9: {  	s9 =	simm.s32 $0xE00;
	s8 =	sadd.s32 $0xE0, s16  }
0x2ca: {  	[tilespmem:s9], [sflag:$0x1] =	stream.linear.gather [hbm4b:s8+s2], $0x80, $0x38;
	[tilespmem:$0x1EB80] =	vst v63  }
0x2cb: {  	s11 =	sadd.s32 $0xF0, s16;
	s13 =	simm.s32 $0xF00;
	s17 =	simm.s32 $0x3  }
0x2cc: {  	[tilespmem:s13], [sflag:$0x1] =	stream.linear.gather [hbm4b:s11+s2], $0x80, $0x38;
	[tilespmem:$0x1EB80] =	vst v63  }
0x2cd: {  	_ =	swait.ge [sflag:s17], $0x2000  }
0x2ce: {  	[sflag:s17] =	ssyncset.done $0x0  }
0x2cf: {  	s21 =	simm.s32 $0x2480;
	s20 =	rddreg [dreg:$0xd];
	[sflag:s17] =	ssyncadd.s32 $0xFFFFE000  }
0x2d0: {  	[hbm4b:s20+s2] =	stream.linear.scatter [tilespmem:s21], [sflag:$0x5], $0x2000, $0x38;
	[tilespmem:$0x1EB80] =	vst v63  }
0x2d1: {  	_ =	swait.ge [sflag:s22], $0x2000  }
0x2d2: {  	s23 =	simm.s32 $0x40;
	s24 =	simm.s32 $0x20;
	[sflag:s22] =	ssyncset.done $0x0  }
0x2d3: {  	s3 =	simm.s32 $0x1180;
	s4 =	simm.s32 $0x2;
	[sflag:s22] =	ssyncadd.s32 $0xFFFFE000  }
0x2d4: {  	[tilespmem:s21], [sflag:$0x3] =	stream.indirect.gather [hbm4b:s19+s23], $0x80, s3, s23, $0xb8;
	[tilespmem:$0x1EB80] =	vst v63  }
0x2d5: {  	s0 =	sand.u32 $0x60, s24;
	s25 =	simm.s32 $0x0;
	_ =	swait.ge [sflag:s4], $0x800  }
0x2d6: {  	s26 =	simm.s32 $0x30;
	s1 =	sand.u32 $0xF00, s25;
	[sflag:s4] =	ssyncset.done $0x0  }
0x2d7: {  	s0 =	sor.u32 s0, s1;
	s3 =	sand.u32 $0x70, s26;
	[sflag:s4] =	ssyncadd.s32 $0xFFFFF800  }
0x2d8: {  	s4 =	sor.u32 s3, s1;
	v2 =	vld [tilespmem:s0+$0x80]  }
0x2d9: {  	v3 =	vld [tilespmem:s4+$0x80];
	_ =	sdelay $0x2  }
0x2da: {  	s6 =	simm.s32 $0x10  }
0x2db: {  	s7 =	simm.s32 $0x0;
	s0 =	sand.u32 $0x50, s6;
	v2 =	vshll.u32 v2, $0x4  }
0x2dc: {  	s3 =	sand.u32 $0x40, s7;
	s0 =	sor.u32 s0, s1;
	v3 =	vshll.u32 v3, $0x4;
	v2 =	vor.u32 v1, v2  }
0x2dd: {  	s1 =	sor.u32 s3, s1;
	v3 =	vor.u32 v1, v3;
	(xrf1) =	vsort.ascd.msk.u32 $0xffff, v2, v2;
	v2 =	vld [tilespmem:s0+$0x80]  }
0x2de: {  	(xrf1) =	vsort.ascd.msk.u32 $0xffff, v3, v3;
	v3 =	vld [tilespmem:s1+$0x80];
	_ =	sdelay $0x1  }
0x2df: {  	s9 =	simm.s32 $0x60;
	s11 =	simm.s32 $0x80  }
0x2e0: {  	s13 =	simm.s32 $0x70;
	s4 =	sand.u32 $0xF00, s11;
	s3 =	sand.u32 $0x60, s9  }
0x2e1: {  	s17 =	simm.s32 $0x50;
	s3 =	sor.u32 s3, s4;
	s0 =	sand.u32 $0x70, s13;
	v2 =	vshll.u32 v2, $0x4  }
0x2e2: {  	v4 =	vld [tilespmem:s3+$0x80];
	s1 =	sand.u32 $0x50, s17;
	s0 =	sor.u32 s0, s4;
	v3 =	vshll.u32 v3, $0x4;
	v2 =	vor.u32 v1, v2  }
0x2e3: {  	s6 =	simm.s32 $0x40;
	s1 =	sor.u32 s1, s4;
	v5 =	vld [tilespmem:s0+$0x80];
	(xrf1) =	vsort.ascd.msk.u32 $0xffff, v2, v2;
	v2 =	vor.u32 v1, v3  }
0x2e4: {  	s20 =	sand.u32 $0x40, s6;
	v6 =	vld [tilespmem:s1+$0x80];
	(xrf1) =	vsort.ascd.msk.u32 $0xffff, v2, v2  }
0x2e5: {  	s3 =	sor.u32 s20, s4  }
0x2e6: {  	v7 =	vld [tilespmem:s3+$0x80];
	_ =	sdelay $0x1  }
0x2e7: {  	s24 =	simm.s32 $0x2870;
	s25 =	simm.s32 $0x1420;
	v3 =	vshll.u32 v4, $0x4  }
0x2e8: {  	s8 =	simm.s32 $0x2480;
	s26 =	simm.s32 $0x400;
	s23 =	simm.s32 $0x28B0;
	v2 =	vor.u32 v1, v3;
	v3 =	vshll.u32 v5, $0x4;
	v4 =	vshll.u32 v6, $0x4  }
0x2e9: {  	s21 =	simm.s32 $0x80;
	s7 =	simm.s32 $0xA0;
	s11 =	simm.s32 $0x100;
	v3 =	vor.u32 v1, v3;
	(xrf1) =	vsort.ascd.msk.u32 $0xffff, v2, v2;
	v4 =	vor.u32 v1, v4  }
0x2ea: {  	s7 =	sand.u32 $0x60, s7;
	s9 =	simm.s32 $0xB0;
	s6 =	sand.u32 $0x40, s21;
	v2 =	vshll.u32 v7, $0x4;
	(xrf1) =	vsort.ascd.msk.u32 $0xffff, v3, v3  }
0x2eb: {  	s9 =	sand.u32 $0x70, s9;
	s3 =	simm.s32 $0x2820;
	s13 =	simm.s32 $0x90;
	v3 =	vor.u32 v1, v2;
	(xrf1) =	vsort.ascd.msk.u32 $0xffff, v4, v4  }
0x2ec: {  	s17 =	sand.u32 $0xF00, s11;
	s20 =	sand.u32 $0x50, s13;
	s0 =	simm.s32 $0x2830;
	v4, _, _ =	vpop (xrf1);
	(xrf1) =	vsort.ascd.msk.u32 $0xffff, v3, v3  }
0x2ed: {  	s4 =	simm.s32 $0x8;
	s7 =	sor.u32 s7, s17;
	s13 =	sor.u32 s20, s17  }
0x2ee: {  	s11 =	sor.u32 s6, s17;
	s21 =	sor.u32 s9, s17;
	s6 =	simm.s32 $0x2810;
	v2 =	vld [tilespmem:s7+$0x80];
	v5 =	vshrl.u32 v4, $0x4;
	v4 =	vand.u32 $0xF, v4;
	v6, _, _ =	vpop (xrf1)  }
0x2ef: {  	s9 =	simm.s32 $0x1420;
	s1 =	simm.s32 $0x1CA0;
	v3 =	vld [tilespmem:s21+$0x80];
	[tilespmem:s25+$0x0] =	vst v5;
	v5 =	vor.u32 s3, v4;
	v4 =	vshrl.u32 v6, $0x4;
	v6 =	vand.u32 $0xF, v6;
	s3 =	simm.s32 $0x1CA0  }
.LBB2_22:
0x2f0: {  	s4 =	sadd.s32 $0x4, s4;
	v7 =	vld [tilespmem:s13+$0x80];
	[tilespmem:s1+$0x0] =	vst v5;
	v5 =	vor.u32 s0, v6;
	s25 =	sadd.s32 $0x40, s25;
	s3 =	sadd.s32 $0x40, s3;
	v6, _, _ =	vpop (xrf1)  }
0x2f1: {  	p0 =	slt.u32 s4, $0x7C;
	v8 =	vld [tilespmem:s11+$0x80];
	v9 =	vshrl.u32 v6, $0x4;
	v6 =	vand.u32 $0xF, v6;
	[tilespmem:s9+$0x10] =	vst v4;
	v4, _, _ =	vpop (xrf1)  }
0x2f2: {  	s7 =	sadd.s32 $0xFFFFFFD0, s0;
	s0 =	smov.u32 s24;
	s24 =	smov.u32 s23;
	v10 =	vshrl.u32 v4, $0x4;
	v4 =	vand.u32 $0xF, v4;
	v6 =	vor.u32 s6, v6;
	[tilespmem:s1+$0x10] =	vst v5  }
0x2f3: {  	s23 =	sadd.s32 $0x40, s23;
	v2 =	vshll.u32 v2, $0x4;
	[tilespmem:s9+$0xFFFFFFE0] =	vst v10;
	v4 =	vor.u32 s7, v4  }
0x2f4: {  	s26 =	sadd.s32 $0x200, s26;
	s11 =	sadd.s32 $0xFFFFD800, s23;
	s7 =	sadd.s32 $0xFFFFFFF0, s0;
	v2 =	vor.u32 v1, v2;
	v3 =	vshll.u32 v3, $0x4;
	[tilespmem:s9+$0xFFFFFFF0] =	vst v9  }
0x2f5: {  	s13 =	sshrl.u32 s26, $0x2;
	s6 =	sadd.s32 $0xFFFFD7D0, s23;
	s9 =	sadd.s32 $0xFFFFD7F0, s23;
	v5 =	vshll.u32 v7, $0x4;
	v3 =	vor.u32 v1, v3;
	(xrf1) =	vsort.ascd.msk.u32 $0xffff, v2, v2;
	[tilespmem:s1+$0xFFFFFFE0] =	vst v4  }
.Ltmp10:
0x2f6: {  	s17 =	sadd.s32 $0xFFFFD7E0, s23;
	s9 =	sand.u32 $0x60, s9;
	v2 =	vshll.u32 v8, $0x4;
	v5 =	vor.u32 v1, v5;
	(xrf1) =	vsort.ascd.msk.u32 $0xffff, v3, v3;
	[tilespmem:s1+$0xFFFFFFF0] =	vst v6;
	(pc) =	sbr.rel @p0 .LBB2_22-.Ltmp10, $4  }
0x2f7: {  	s1 =	sand.u32 $0xF00, s13;
	s13 =	sand.u32 $0x50, s17;
	s17 =	sand.u32 $0x70, s11;
	v3 =	vor.u32 v1, v2  }
0x2f8: {  	s6 =	sand.u32 $0x40, s6;
	s13 =	sor.u32 s13, s1;
	s9 =	sor.u32 s9, s1;
	(xrf1) =	vsort.ascd.msk.u32 $0xffff, v5, v5;
	v4, _, _ =	vpop (xrf1)  }
0x2f9: {  	s11 =	sor.u32 s6, s1;
	s1 =	sor.u32 s17, s1;
	s6 =	sadd.s32 $0xFFFFFFE0, s0;
	v2 =	vld [tilespmem:s9+$0x80];
	(xrf1) =	vsort.ascd.msk.u32 $0xffff, v3, v3;
	v5 =	vshrl.u32 v4, $0x4;
	v4 =	vand.u32 $0xF, v4;
	v6, _, _ =	vpop (xrf1)  }
0x2fa: {  	s9 =	smov.u32 s25;
	v3 =	vld [tilespmem:s1+$0x80];
	[tilespmem:s25+$0x0] =	vst v5;
	v5 =	vor.u32 s7, v4;
	v4 =	vshrl.u32 v6, $0x4;
	v6 =	vand.u32 $0xF, v6;
	s1 =	smov.u32 s3  }
0x2fb: {  	v7 =	vld [tilespmem:s13+$0x80]  }
0x2fc: {  	v8 =	vld [tilespmem:s11+$0x80]  }
0x2fd: {  	v52, _, _ =	vpop (xrf1)  }
0x2fe: {  	v54, _, _ =	vpop (xrf1);
	v56 =	vshrl.u32 v52, $0x4;
	v2 =	vshll.u32 v2, $0x4  }
0x2ff: {  	[tilespmem:s9+$0x10] =	vst v4;
	v4 =	vand.u32 $0xF, v54;
	v2 =	vor.u32 v1, v2;
	v3 =	vshll.u32 v3, $0x4  }
0x300: {  	[tilespmem:s9+$0xFFFFFFF0] =	vst v56;
	(xrf1) =	vsort.ascd.msk.u32 $0xffff, v2, v2;
	v53 =	vshll.u32 v7, $0x4;
	v3 =	vor.u32 v1, v3  }
0x301: {  	v2 =	vor.u32 s0, v6;
	v55 =	vshll.u32 v8, $0x4;
	v6 =	vor.u32 v1, v53;
	(xrf1) =	vsort.ascd.msk.u32 $0xffff, v3, v3  }
0x302: {  	s7 =	sadd.s32 $0xFFFFFFD0, s0;
	v3 =	vshrl.u32 v54, $0x4;
	[tilespmem:s1+$0x10] =	vst v2;
	v2 =	vor.u32 v1, v55;
	(xrf1) =	vsort.ascd.msk.u32 $0xffff, v6, v6  }
0x303: {  	[tilespmem:s9+$0xFFFFFFE0] =	vst v3;
	v3 =	vor.u32 s7, v4;
	(xrf1) =	vsort.ascd.msk.u32 $0xffff, v2, v2;
	v2 =	vand.u32 $0xF, v52  }
0x304: {  	v57, _, _ =	vpop (xrf1);
	[tilespmem:s1+$0xFFFFFFE0] =	vst v3;
	v2 =	vor.u32 s6, v2  }
0x305: {  	s11 =	sadd.s32 $0x40, s25;
	s4 =	sadd.s32 $0xFFFFFFF0, s24;
	v3 =	vand.u32 $0xF, v57;
	[tilespmem:s1+$0xFFFFFFF0] =	vst v2;
	v2 =	vshrl.u32 v57, $0x4  }
0x306: {  	v58, _, _ =	vpop (xrf1);
	[tilespmem:s11+$0x0] =	vst v2;
	v2 =	vor.u32 s4, v3  }
0x307: {  	v3 =	vshrl.u32 v58, $0x4  }
0x308: {  	s13 =	sadd.s32 $0x40, s3  }
0x309: {  	[tilespmem:s13+$0x0] =	vst v2;
	v2, _, _ =	vpop (xrf1)  }
0x30a: {  	[tilespmem:s11+$0x10] =	vst v3;
	v3, _, _ =	vpop (xrf1)  }
0x30b: {  	s17 =	sadd.s32 $0xFFFFFFD0, s24;
	v59 =	vshrl.u32 v3, $0x4;
	v3 =	vand.u32 $0xF, v3  }
0x30c: {  	[tilespmem:s1+$0x0] =	vst v5;
	v60 =	vshrl.u32 v2, $0x4;
	v3 =	vor.u32 s17, v3  }
0x30d: {  	[tilespmem:s11+$0xFFFFFFF0] =	vst v60  }
0x30e: {  	s20 =	sadd.s32 $0xFFFFFFE0, s24;
	v2 =	vand.u32 $0xF, v2;
	[tilespmem:s11+$0xFFFFFFE0] =	vst v59  }
0x30f: {  	v4 =	vand.u32 $0xF, v58;
	v2 =	vor.u32 s20, v2;
	[tilespmem:s13+$0xFFFFFFE0] =	vst v3;
	v3, _, _ =	vpop (xrf1)  }
0x310: {  	s0 =	sadd.s32 $0x40, s11;
	v4 =	vor.u32 s24, v4;
	s24 =	sadd.s32 $0xFFFFFFF0, s23;
	[tilespmem:s13+$0xFFFFFFF0] =	vst v2;
	v2 =	vshrl.u32 v3, $0x4;
	v3 =	vand.u32 $0xF, v3  }
0x311: {  	v61, _, _ =	vpop (xrf1);
	[tilespmem:s0+$0x0] =	vst v2;
	v2 =	vor.u32 s24, v3  }
0x312: {  	s1 =	sadd.s32 $0x40, s13;
	[tilespmem:s13+$0x10] =	vst v4;
	v3 =	vshrl.u32 v61, $0x4  }
0x313: {  	v4 =	vand.u32 $0xF, v61;
	[tilespmem:s1+$0x0] =	vst v2  }
0x314: {  	v4 =	vor.u32 s23, v4;
	[tilespmem:s0+$0x10] =	vst v3;
	v2, _, _ =	vpop (xrf1)  }
0x315: {  	[tilespmem:s1+$0x10] =	vst v4;
	v3, _, _ =	vpop (xrf1);
	v63 =	vshrl.u32 v2, $0x4  }
0x316: {  	s26 =	sadd.s32 $0xFFFFFFE0, s23;
	v2 =	vand.u32 $0xF, v2;
	v62 =	vshrl.u32 v3, $0x4;
	[tilespmem:s0+$0xFFFFFFF0] =	vst v63  }
0x317: {  	s25 =	sadd.s32 $0xFFFFFFD0, s23;
	v3 =	vand.u32 $0xF, v3;
	v2 =	vor.u32 s26, v2;
	[tilespmem:s0+$0xFFFFFFE0] =	vst v62  }
0x318: {  	v3 =	vor.u32 s25, v3;
	[tilespmem:s1+$0xFFFFFFF0] =	vst v2  }
0x319: {  	s21 =	simm.s32 $0x100;
	[tilespmem:s1+$0xFFFFFFE0] =	vst v3  }
.LBB2_24:
0x31a: {  	s0 =	sshra.s32 s2, $0x2  }
0x31b: {  	v2 =	vld [tilespmem:s0+$0x1400]  }
0x31c: {  	v3 =	vld [tilespmem:s0+$0x1401];
	_ =	sdelay $0x4  }
0x31d: {  	vm0 =	veq.s32 v2, v3  }
0x31e: {  	v3 =	vld [tilespmem:s0+$0x1C80];
	v2 =	vsel vm0, $0x186A0, v2;
	_ =	sdelay $0x4  }
0x31f: {  	[tilespmem:v2+s15+$0x0] =	vst.idx.msk $0xffff, v3  }
0x320: {  	v2 =	vld [tilespmem:s0+$0x1410]  }
0x321: {  	v3 =	vld [tilespmem:s0+$0x1411];
	_ =	sdelay $0x4  }
0x322: {  	vm15 =	veq.s32 v2, v3  }
0x323: {  	p0 =	sne.s32 s2, $0x1F80;
	v3 =	vld [tilespmem:s0+$0x1C90];
	v2 =	vsel vm15, $0x186A0, v2  }
.Ltmp11:
0x324: {  	_ = 	snop;
	(pc) =	sbr.rel @p0 .LBB2_24-.Ltmp11, $2  }
0x325: {  	_ =	sdelay $0x2  }
0x326: {  	s2 =	sadd.s32 $0x80, s2;
	[tilespmem:v2+s15+$0x0] =	vst.idx.msk $0xffff, v3  }
0x327: {  	s2 =	simm.s32 $0x0;
	s0 =	simm.s32 $0x80  }
0x328: {  	[tilespmem:s0], [sflag:$0x2] =	stream.linear.gather [hbm4b:s18+s2], $0x80, $0x38;
	[tilespmem:$0x1EB80] =	vst v63  }
0x329: {  	s3 =	sadd.s32 $0x10, s18;
	s1 =	simm.s32 $0x180  }
0x32a: {  	[tilespmem:s1], [sflag:$0x2] =	stream.linear.gather [hbm4b:s3+s2], $0x80, $0x38;
	[tilespmem:$0x1EB80] =	vst v63  }
0x32b: {  	s4 =	sadd.s32 $0x20, s18;
	s6 =	simm.s32 $0x280  }
0x32c: {  	[tilespmem:s6], [sflag:$0x2] =	stream.linear.gather [hbm4b:s4+s2], $0x80, $0x38;
	[tilespmem:$0x1EB80] =	vst v63  }
0x32d: {  	s7 =	sadd.s32 $0x30, s18;
	s9 =	simm.s32 $0x380  }
0x32e: {  	[tilespmem:s9], [sflag:$0x2] =	stream.linear.gather [hbm4b:s7+s2], $0x80, $0x38;
	[tilespmem:$0x1EB80] =	vst v63  }
0x32f: {  	s11 =	sadd.s32 $0x40, s18;
	s13 =	simm.s32 $0x480  }
0x330: {  	[tilespmem:s13], [sflag:$0x2] =	stream.linear.gather [hbm4b:s11+s2], $0x80, $0x38;
	[tilespmem:$0x1EB80] =	vst v63  }
0x331: {  	s17 =	sadd.s32 $0x50, s18;
	s20 =	simm.s32 $0x580  }
0x332: {  	[tilespmem:s20], [sflag:$0x2] =	stream.linear.gather [hbm4b:s17+s2], $0x80, $0x38;
	[tilespmem:$0x1EB80] =	vst v63  }
0x333: {  	s23 =	sadd.s32 $0x60, s18;
	s24 =	simm.s32 $0x680  }
0x334: {  	[tilespmem:s24], [sflag:$0x2] =	stream.linear.gather [hbm4b:s23+s2], $0x80, $0x38;
	[tilespmem:$0x1EB80] =	vst v63  }
0x335: {  	s25 =	sadd.s32 $0x70, s18;
	s26 =	simm.s32 $0x780  }
0x336: {  	[tilespmem:s26], [sflag:$0x2] =	stream.linear.gather [hbm4b:s25+s2], $0x80, $0x38;
	[tilespmem:$0x1EB80] =	vst v63  }
0x337: {  	s1 =	sadd.s32 $0x80, s18;
	s3 =	simm.s32 $0x880  }
0x338: {  	[tilespmem:s3], [sflag:$0x2] =	stream.linear.gather [hbm4b:s1+s2], $0x80, $0x38;
	[tilespmem:$0x1EB80] =	vst v63  }
0x339: {  	s4 =	sadd.s32 $0x90, s18;
	s6 =	simm.s32 $0x980  }
0x33a: {  	[tilespmem:s6], [sflag:$0x2] =	stream.linear.gather [hbm4b:s4+s2], $0x80, $0x38;
	[tilespmem:$0x1EB80] =	vst v63  }
0x33b: {  	s7 =	sadd.s32 $0xA0, s18;
	s9 =	simm.s32 $0xA80  }
0x33c: {  	[tilespmem:s9], [sflag:$0x2] =	stream.linear.gather [hbm4b:s7+s2], $0x80, $0x38;
	[tilespmem:$0x1EB80] =	vst v63  }
0x33d: {  	s11 =	sadd.s32 $0xB0, s18;
	s13 =	simm.s32 $0xB80  }
0x33e: {  	[tilespmem:s13], [sflag:$0x2] =	stream.linear.gather [hbm4b:s11+s2], $0x80, $0x38;
	[tilespmem:$0x1EB80] =	vst v63  }
0x33f: {  	s17 =	sadd.s32 $0xC0, s18;
	s20 =	simm.s32 $0xC80  }
0x340: {  	[tilespmem:s20], [sflag:$0x2] =	stream.linear.gather [hbm4b:s17+s2], $0x80, $0x38;
	[tilespmem:$0x1EB80] =	vst v63  }
0x341: {  	s23 =	sadd.s32 $0xD0, s18;
	s24 =	simm.s32 $0xD80  }
0x342: {  	[tilespmem:s24], [sflag:$0x2] =	stream.linear.gather [hbm4b:s23+s2], $0x80, $0x38;
	[tilespmem:$0x1EB80] =	vst v63  }
0x343: {  	s25 =	sadd.s32 $0xE0, s18;
	s26 =	simm.s32 $0xE80  }
0x344: {  	[tilespmem:s26], [sflag:$0x2] =	stream.linear.gather [hbm4b:s25+s2], $0x80, $0x38;
	[tilespmem:$0x1EB80] =	vst v63  }
0x345: {  	s3 =	sadd.s32 $0xF0, s18;
	s4 =	simm.s32 $0xF80;
	s6 =	simm.s32 $0x4  }
0x346: {  	[tilespmem:s4], [sflag:$0x2] =	stream.linear.gather [hbm4b:s3+s2], $0x80, $0x38;
	[tilespmem:$0x1EB80] =	vst v63  }
0x347: {  	_ =	swait.ge [sflag:s6], $0x2000  }
0x348: {  	[sflag:s6] =	ssyncset.done $0x0  }
0x349: {  	s9 =	simm.s32 $0x4480;
	s7 =	rddreg [dreg:$0x13];
	[sflag:s6] =	ssyncadd.s32 $0xFFFFE000  }
0x34a: {  	[hbm4b:s7+s2] =	stream.linear.scatter [tilespmem:s9], [sflag:$0x5], $0x2000, $0x38;
	[tilespmem:$0x1EB80] =	vst v63  }
0x34b: {  	_ =	swait.ge [sflag:s22], $0x2000  }
0x34c: {  	s11 =	simm.s32 $0x40;
	s13 =	simm.s32 $0x20;
	[sflag:s22] =	ssyncset.done $0x0  }
0x34d: {  	s3 =	simm.s32 $0x11C0;
	s4 =	simm.s32 $0x1;
	[sflag:s22] =	ssyncadd.s32 $0xFFFFE000  }
0x34e: {  	[tilespmem:s9], [sflag:$0x4] =	stream.indirect.gather [hbm4b:s19+s11], $0x80, s3, s11, $0xb8;
	[tilespmem:$0x1EB80] =	vst v63  }
0x34f: {  	s0 =	sand.u32 $0x60, s13;
	s17 =	simm.s32 $0x0;
	_ =	swait.ge [sflag:s4], $0x800  }
0x350: {  	s1 =	sand.u32 $0xF00, s17;
	s23 =	simm.s32 $0x30;
	[sflag:s4] =	ssyncset.done $0x0  }
0x351: {  	s0 =	sor.u32 s0, s1;
	s3 =	sand.u32 $0x70, s23;
	[sflag:s4] =	ssyncadd.s32 $0xFFFFF800  }
0x352: {  	s24 =	sor.u32 s3, s1;
	v2 =	vld [tilespmem:s0+$0x0]  }
0x353: {  	v3 =	vld [tilespmem:s24+$0x0];
	_ =	sdelay $0x2  }
0x354: {  	s25 =	simm.s32 $0x10  }
0x355: {  	s26 =	simm.s32 $0x0;
	s0 =	sand.u32 $0x50, s25;
	v2 =	vshll.u32 v2, $0x4  }
0x356: {  	s3 =	sand.u32 $0x40, s26;
	s0 =	sor.u32 s0, s1;
	v3 =	vshll.u32 v3, $0x4;
	v2 =	vor.u32 v1, v2  }
0x357: {  	s1 =	sor.u32 s3, s1;
	v3 =	vor.u32 v1, v3;
	(xrf1) =	vsort.ascd.msk.u32 $0xffff, v2, v2;
	v2 =	vld [tilespmem:s0+$0x0]  }
0x358: {  	(xrf1) =	vsort.ascd.msk.u32 $0xffff, v3, v3;
	v3 =	vld [tilespmem:s1+$0x0];
	_ =	sdelay $0x1  }
0x359: {  	s6 =	simm.s32 $0x80;
	s4 =	simm.s32 $0x60  }
0x35a: {  	s7 =	simm.s32 $0x70;
	s3 =	sand.u32 $0x60, s4;
	s4 =	sand.u32 $0xF00, s6  }
0x35b: {  	s9 =	simm.s32 $0x50;
	s3 =	sor.u32 s3, s4;
	s0 =	sand.u32 $0x70, s7;
	v2 =	vshll.u32 v2, $0x4  }
0x35c: {  	v4 =	vld [tilespmem:s3+$0x0];
	s1 =	sand.u32 $0x50, s9;
	s0 =	sor.u32 s0, s4;
	v3 =	vshll.u32 v3, $0x4;
	v2 =	vor.u32 v1, v2  }
0x35d: {  	s6 =	simm.s32 $0x40;
	s1 =	sor.u32 s1, s4;
	v5 =	vld [tilespmem:s0+$0x0];
	(xrf1) =	vsort.ascd.msk.u32 $0xffff, v2, v2;
	v2 =	vor.u32 v1, v3  }
0x35e: {  	s11 =	sand.u32 $0x40, s6;
	v6 =	vld [tilespmem:s1+$0x0];
	(xrf1) =	vsort.ascd.msk.u32 $0xffff, v2, v2  }
0x35f: {  	s3 =	sor.u32 s11, s4  }
0x360: {  	v7 =	vld [tilespmem:s3+$0x0];
	_ =	sdelay $0x1  }
0x361: {  	s13 =	simm.s32 $0x90;
	s20 =	simm.s32 $0x4480;
	v3 =	vshll.u32 v4, $0x4  }
0x362: {  	s13 =	sand.u32 $0x50, s13;
	s23 =	simm.s32 $0x30B0;
	s26 =	simm.s32 $0x400;
	v2 =	vor.u32 v1, v3;
	v3 =	vshll.u32 v5, $0x4;
	v4 =	vshll.u32 v6, $0x4  }
0x363: {  	s25 =	simm.s32 $0x1420;
	s6 =	simm.s32 $0x80;
	s11 =	simm.s32 $0x100;
	v3 =	vor.u32 v1, v3;
	(xrf1) =	vsort.ascd.msk.u32 $0xffff, v2, v2;
	v4 =	vor.u32 v1, v4  }
0x364: {  	s24 =	simm.s32 $0x3070;
	s6 =	sand.u32 $0x40, s6;
	s17 =	sand.u32 $0xF00, s11;
	v2 =	vshll.u32 v7, $0x4;
	(xrf1) =	vsort.ascd.msk.u32 $0xffff, v3, v3  }
0x365: {  	s3 =	simm.s32 $0x3020;
	s13 =	sor.u32 s13, s17;
	s7 =	simm.s32 $0xA0;
	v3 =	vor.u32 v1, v2;
	(xrf1) =	vsort.ascd.msk.u32 $0xffff, v4, v4  }
0x366: {  	s11 =	sor.u32 s6, s17;
	s9 =	simm.s32 $0xB0;
	s7 =	sand.u32 $0x60, s7;
	v4, _, _ =	vpop (xrf1);
	(xrf1) =	vsort.ascd.msk.u32 $0xffff, v3, v3  }
0x367: {  	s6 =	simm.s32 $0x3010;
	s9 =	sand.u32 $0x70, s9;
	s7 =	sor.u32 s7, s17  }
0x368: {  	s0 =	simm.s32 $0x3030;
	s4 =	simm.s32 $0x8;
	s17 =	sor.u32 s9, s17;
	v2 =	vld [tilespmem:s7+$0x0];
	v5 =	vshrl.u32 v4, $0x4;
	v4 =	vand.u32 $0xF, v4;
	v6, _, _ =	vpop (xrf1)  }
0x369: {  	s1 =	simm.s32 $0x1CA0;
	s9 =	simm.s32 $0x1420;
	v3 =	vld [tilespmem:s17+$0x0];
	[tilespmem:s25+$0x0] =	vst v5;
	v5 =	vor.u32 s3, v4;
	v4 =	vshrl.u32 v6, $0x4;
	v6 =	vand.u32 $0xF, v6;
	s3 =	simm.s32 $0x1CA0  }
.LBB2_26:
0x36a: {  	s4 =	sadd.s32 $0x4, s4;
	v7 =	vld [tilespmem:s13+$0x0];
	[tilespmem:s1+$0x0] =	vst v5;
	v5 =	vor.u32 s0, v6;
	s25 =	sadd.s32 $0x40, s25;
	s3 =	sadd.s32 $0x40, s3;
	v6, _, _ =	vpop (xrf1)  }
0x36b: {  	p0 =	slt.u32 s4, $0x7C;
	v8 =	vld [tilespmem:s11+$0x0];
	v9 =	vshrl.u32 v6, $0x4;
	v6 =	vand.u32 $0xF, v6;
	[tilespmem:s9+$0x10] =	vst v4;
	v4, _, _ =	vpop (xrf1)  }
0x36c: {  	s7 =	sadd.s32 $0xFFFFFFD0, s0;
	s0 =	smov.u32 s24;
	s24 =	smov.u32 s23;
	v10 =	vshrl.u32 v4, $0x4;
	v4 =	vand.u32 $0xF, v4;
	v6 =	vor.u32 s6, v6;
	[tilespmem:s1+$0x10] =	vst v5  }
0x36d: {  	s23 =	sadd.s32 $0x40, s23;
	v2 =	vshll.u32 v2, $0x4;
	[tilespmem:s9+$0xFFFFFFE0] =	vst v10;
	v4 =	vor.u32 s7, v4  }
0x36e: {  	s26 =	sadd.s32 $0x200, s26;
	s11 =	sadd.s32 $0xFFFFD000, s23;
	s7 =	sadd.s32 $0xFFFFFFF0, s0;
	v2 =	vor.u32 v1, v2;
	v3 =	vshll.u32 v3, $0x4;
	[tilespmem:s9+$0xFFFFFFF0] =	vst v9  }
0x36f: {  	s13 =	sshrl.u32 s26, $0x2;
	s6 =	sadd.s32 $0xFFFFCFD0, s23;
	s9 =	sadd.s32 $0xFFFFCFF0, s23;
	v5 =	vshll.u32 v7, $0x4;
	v3 =	vor.u32 v1, v3;
	(xrf1) =	vsort.ascd.msk.u32 $0xffff, v2, v2;
	[tilespmem:s1+$0xFFFFFFE0] =	vst v4  }
.Ltmp12:
0x370: {  	s17 =	sadd.s32 $0xFFFFCFE0, s23;
	s9 =	sand.u32 $0x60, s9;
	v2 =	vshll.u32 v8, $0x4;
	v5 =	vor.u32 v1, v5;
	(xrf1) =	vsort.ascd.msk.u32 $0xffff, v3, v3;
	[tilespmem:s1+$0xFFFFFFF0] =	vst v6;
	(pc) =	sbr.rel @p0 .LBB2_26-.Ltmp12, $4  }
0x371: {  	s1 =	sand.u32 $0xF00, s13;
	s13 =	sand.u32 $0x50, s17;
	s17 =	sand.u32 $0x70, s11;
	v3 =	vor.u32 v1, v2  }
0x372: {  	s6 =	sand.u32 $0x40, s6;
	s13 =	sor.u32 s13, s1;
	s9 =	sor.u32 s9, s1;
	(xrf1) =	vsort.ascd.msk.u32 $0xffff, v5, v5;
	v4, _, _ =	vpop (xrf1)  }
0x373: {  	s11 =	sor.u32 s6, s1;
	s1 =	sor.u32 s17, s1;
	s6 =	sadd.s32 $0xFFFFFFE0, s0;
	v2 =	vld [tilespmem:s9+$0x0];
	(xrf1) =	vsort.ascd.msk.u32 $0xffff, v3, v3;
	v5 =	vshrl.u32 v4, $0x4;
	v4 =	vand.u32 $0xF, v4;
	v6, _, _ =	vpop (xrf1)  }
0x374: {  	s9 =	smov.u32 s25;
	v3 =	vld [tilespmem:s1+$0x0];
	[tilespmem:s25+$0x0] =	vst v5;
	v5 =	vor.u32 s7, v4;
	v4 =	vshrl.u32 v6, $0x4;
	v6 =	vand.u32 $0xF, v6;
	s1 =	smov.u32 s3  }
0x375: {  	v7 =	vld [tilespmem:s13+$0x0]  }
0x376: {  	v8 =	vld [tilespmem:s11+$0x0]  }
0x377: {  	v52, _, _ =	vpop (xrf1)  }
0x378: {  	v54, _, _ =	vpop (xrf1);
	v56 =	vshrl.u32 v52, $0x4;
	v2 =	vshll.u32 v2, $0x4  }
0x379: {  	[tilespmem:s9+$0x10] =	vst v4;
	v4 =	vand.u32 $0xF, v54;
	v2 =	vor.u32 v1, v2;
	v3 =	vshll.u32 v3, $0x4  }
0x37a: {  	[tilespmem:s9+$0xFFFFFFF0] =	vst v56;
	(xrf1) =	vsort.ascd.msk.u32 $0xffff, v2, v2;
	v53 =	vshll.u32 v7, $0x4;
	v3 =	vor.u32 v1, v3  }
0x37b: {  	v2 =	vor.u32 s0, v6;
	v55 =	vshll.u32 v8, $0x4;
	v6 =	vor.u32 v1, v53;
	(xrf1) =	vsort.ascd.msk.u32 $0xffff, v3, v3  }
0x37c: {  	s7 =	sadd.s32 $0xFFFFFFD0, s0;
	v3 =	vshrl.u32 v54, $0x4;
	[tilespmem:s1+$0x10] =	vst v2;
	v2 =	vor.u32 v1, v55;
	(xrf1) =	vsort.ascd.msk.u32 $0xffff, v6, v6  }
0x37d: {  	[tilespmem:s9+$0xFFFFFFE0] =	vst v3;
	v3 =	vor.u32 s7, v4;
	(xrf1) =	vsort.ascd.msk.u32 $0xffff, v2, v2;
	v2 =	vand.u32 $0xF, v52  }
0x37e: {  	v57, _, _ =	vpop (xrf1);
	[tilespmem:s1+$0xFFFFFFE0] =	vst v3;
	v2 =	vor.u32 s6, v2  }
0x37f: {  	s4 =	sadd.s32 $0xFFFFFFF0, s24;
	s9 =	sadd.s32 $0x40, s25;
	v3 =	vand.u32 $0xF, v57;
	[tilespmem:s1+$0xFFFFFFF0] =	vst v2;
	v2 =	vshrl.u32 v57, $0x4  }
0x380: {  	v58, _, _ =	vpop (xrf1);
	[tilespmem:s9+$0x0] =	vst v2;
	v2 =	vor.u32 s4, v3  }
0x381: {  	v3 =	vshrl.u32 v58, $0x4  }
0x382: {  	s11 =	sadd.s32 $0x40, s3  }
0x383: {  	[tilespmem:s11+$0x0] =	vst v2;
	v2, _, _ =	vpop (xrf1)  }
0x384: {  	[tilespmem:s9+$0x10] =	vst v3;
	v3, _, _ =	vpop (xrf1)  }
0x385: {  	s13 =	sadd.s32 $0xFFFFFFD0, s24;
	v59 =	vshrl.u32 v3, $0x4;
	v3 =	vand.u32 $0xF, v3  }
0x386: {  	[tilespmem:s1+$0x0] =	vst v5;
	v60 =	vshrl.u32 v2, $0x4;
	v3 =	vor.u32 s13, v3  }
0x387: {  	[tilespmem:s9+$0xFFFFFFF0] =	vst v60  }
0x388: {  	s17 =	sadd.s32 $0xFFFFFFE0, s24;
	v2 =	vand.u32 $0xF, v2;
	[tilespmem:s9+$0xFFFFFFE0] =	vst v59  }
0x389: {  	v4 =	vand.u32 $0xF, v58;
	v2 =	vor.u32 s17, v2;
	[tilespmem:s11+$0xFFFFFFE0] =	vst v3;
	v3, _, _ =	vpop (xrf1)  }
0x38a: {  	s0 =	sadd.s32 $0x40, s9;
	v4 =	vor.u32 s24, v4;
	s24 =	sadd.s32 $0xFFFFFFF0, s23;
	[tilespmem:s11+$0xFFFFFFF0] =	vst v2;
	v2 =	vshrl.u32 v3, $0x4;
	v3 =	vand.u32 $0xF, v3  }
0x38b: {  	v61, _, _ =	vpop (xrf1);
	[tilespmem:s0+$0x0] =	vst v2;
	v2 =	vor.u32 s24, v3  }
0x38c: {  	s1 =	sadd.s32 $0x40, s11;
	[tilespmem:s11+$0x10] =	vst v4;
	v3 =	vshrl.u32 v61, $0x4  }
0x38d: {  	v4 =	vand.u32 $0xF, v61;
	[tilespmem:s1+$0x0] =	vst v2  }
0x38e: {  	v4 =	vor.u32 s23, v4;
	[tilespmem:s0+$0x10] =	vst v3;
	v2, _, _ =	vpop (xrf1)  }
0x38f: {  	[tilespmem:s1+$0x10] =	vst v4;
	v3, _, _ =	vpop (xrf1);
	v63 =	vshrl.u32 v2, $0x4  }
0x390: {  	s26 =	sadd.s32 $0xFFFFFFE0, s23;
	v2 =	vand.u32 $0xF, v2;
	v62 =	vshrl.u32 v3, $0x4;
	[tilespmem:s0+$0xFFFFFFF0] =	vst v63  }
0x391: {  	s25 =	sadd.s32 $0xFFFFFFD0, s23;
	v3 =	vand.u32 $0xF, v3;
	v2 =	vor.u32 s26, v2;
	[tilespmem:s0+$0xFFFFFFE0] =	vst v62  }
0x392: {  	v3 =	vor.u32 s25, v3;
	[tilespmem:s1+$0xFFFFFFF0] =	vst v2  }
0x393: {  	[tilespmem:s1+$0xFFFFFFE0] =	vst v3  }
.LBB2_28:
0x394: {  	s0 =	sshra.s32 s2, $0x2  }
0x395: {  	v2 =	vld [tilespmem:s0+$0x1400]  }
0x396: {  	v3 =	vld [tilespmem:s0+$0x1401];
	_ =	sdelay $0x4  }
0x397: {  	vm0 =	veq.s32 v2, v3  }
0x398: {  	v3 =	vld [tilespmem:s0+$0x1C80];
	v2 =	vsel vm0, $0x186A0, v2;
	_ =	sdelay $0x4  }
0x399: {  	[tilespmem:v2+s15+$0x0] =	vst.idx.msk $0xffff, v3  }
0x39a: {  	v2 =	vld [tilespmem:s0+$0x1410]  }
0x39b: {  	v3 =	vld [tilespmem:s0+$0x1411];
	_ =	sdelay $0x4  }
0x39c: {  	vm15 =	veq.s32 v2, v3  }
0x39d: {  	p0 =	sne.s32 s2, $0x1F80;
	v3 =	vld [tilespmem:s0+$0x1C90];
	v2 =	vsel vm15, $0x186A0, v2  }
.Ltmp13:
0x39e: {  	_ = 	snop;
	(pc) =	sbr.rel @p0 .LBB2_28-.Ltmp13, $2  }
0x39f: {  	_ =	sdelay $0x2  }
0x3a0: {  	s2 =	sadd.s32 $0x80, s2;
	[tilespmem:v2+s15+$0x0] =	vst.idx.msk $0xffff, v3  }
0x3a1: {  	s0 =	simm.s32 $0x3  }
0x3a2: {  	_ =	swait.ge [sflag:s0], $0x2000  }
0x3a3: {  	[sflag:s0] =	ssyncset.done $0x0  }
0x3a4: {  	s2 =	simm.s32 $0x0;
	s17 =	rddreg [dreg:$0xe];
	[sflag:s0] =	ssyncadd.s32 $0xFFFFE000  }
0x3a5: {  	[hbm4b:s17+s2] =	stream.linear.scatter [tilespmem:s8], [sflag:$0x5], $0x2000, $0x38;
	[tilespmem:$0x1EB80] =	vst v63  }
0x3a6: {  	_ =	swait.ge [sflag:s22], $0x2000  }
0x3a7: {  	[sflag:s22] =	ssyncset.done $0x0  }
0x3a8: {  	s4 =	simm.s32 $0x2;
	s23 =	simm.s32 $0x20;
	[sflag:s22] =	ssyncadd.s32 $0xFFFFE000  }
0x3a9: {  	s1 =	simm.s32 $0x0;
	s3 =	simm.s32 $0x30;
	_ =	swait.ge [sflag:s4], $0x800  }
0x3aa: {  	s1 =	sand.u32 $0xF00, s1;
	s0 =	sand.u32 $0x60, s23;
	[sflag:s4] =	ssyncset.done $0x0  }
0x3ab: {  	s3 =	sand.u32 $0x70, s3;
	s0 =	sor.u32 s0, s1;
	[sflag:s4] =	ssyncadd.s32 $0xFFFFF800  }
0x3ac: {  	s24 =	sor.u32 s3, s1;
	v2 =	vld [tilespmem:s0+$0x80]  }
0x3ad: {  	v3 =	vld [tilespmem:s24+$0x80];
	_ =	sdelay $0x2  }
0x3ae: {  	s25 =	simm.s32 $0x10  }
0x3af: {  	s26 =	simm.s32 $0x0;
	s0 =	sand.u32 $0x50, s25;
	v2 =	vshll.u32 v2, $0x4  }
0x3b0: {  	s3 =	sand.u32 $0x40, s26;
	s0 =	sor.u32 s0, s1;
	v3 =	vshll.u32 v3, $0x4;
	v2 =	vor.u32 v1, v2  }
0x3b1: {  	s1 =	sor.u32 s3, s1;
	v3 =	vor.u32 v1, v3;
	(xrf1) =	vsort.ascd.msk.u32 $0xffff, v2, v2;
	v2 =	vld [tilespmem:s0+$0x80]  }
0x3b2: {  	(xrf1) =	vsort.ascd.msk.u32 $0xffff, v3, v3;
	v3 =	vld [tilespmem:s1+$0x80];
	_ =	sdelay $0x1  }
0x3b3: {  	s6 =	simm.s32 $0x80;
	s4 =	simm.s32 $0x60  }
0x3b4: {  	s7 =	simm.s32 $0x70;
	s3 =	sand.u32 $0x60, s4;
	s4 =	sand.u32 $0xF00, s6  }
0x3b5: {  	s9 =	simm.s32 $0x50;
	s3 =	sor.u32 s3, s4;
	s0 =	sand.u32 $0x70, s7;
	v2 =	vshll.u32 v2, $0x4  }
0x3b6: {  	v4 =	vld [tilespmem:s3+$0x80];
	s1 =	sand.u32 $0x50, s9;
	s0 =	sor.u32 s0, s4;
	v3 =	vshll.u32 v3, $0x4;
	v2 =	vor.u32 v1, v2  }
0x3b7: {  	s6 =	simm.s32 $0x40;
	s1 =	sor.u32 s1, s4;
	v5 =	vld [tilespmem:s0+$0x80];
	(xrf1) =	vsort.ascd.msk.u32 $0xffff, v2, v2;
	v2 =	vor.u32 v1, v3  }
0x3b8: {  	s11 =	sand.u32 $0x40, s6;
	v6 =	vld [tilespmem:s1+$0x80];
	(xrf1) =	vsort.ascd.msk.u32 $0xffff, v2, v2  }
0x3b9: {  	s3 =	sor.u32 s11, s4  }
0x3ba: {  	v7 =	vld [tilespmem:s3+$0x80];
	_ =	sdelay $0x1  }
0x3bb: {  	s13 =	simm.s32 $0x90;
	v3 =	vshll.u32 v4, $0x4  }
0x3bc: {  	s13 =	sand.u32 $0x50, s13;
	s26 =	simm.s32 $0x400;
	s23 =	simm.s32 $0x38B0;
	v2 =	vor.u32 v1, v3;
	v3 =	vshll.u32 v5, $0x4;
	v4 =	vshll.u32 v6, $0x4  }
0x3bd: {  	s25 =	simm.s32 $0x1420;
	s6 =	simm.s32 $0x80;
	s11 =	simm.s32 $0x100;
	v3 =	vor.u32 v1, v3;
	(xrf1) =	vsort.ascd.msk.u32 $0xffff, v2, v2;
	v4 =	vor.u32 v1, v4  }
0x3be: {  	s24 =	simm.s32 $0x3870;
	s6 =	sand.u32 $0x40, s6;
	s17 =	sand.u32 $0xF00, s11;
	v2 =	vshll.u32 v7, $0x4;
	(xrf1) =	vsort.ascd.msk.u32 $0xffff, v3, v3  }
0x3bf: {  	s3 =	simm.s32 $0x3820;
	s13 =	sor.u32 s13, s17;
	s7 =	simm.s32 $0xA0;
	v3 =	vor.u32 v1, v2;
	(xrf1) =	vsort.ascd.msk.u32 $0xffff, v4, v4  }
0x3c0: {  	s11 =	sor.u32 s6, s17;
	s9 =	simm.s32 $0xB0;
	s7 =	sand.u32 $0x60, s7;
	v4, _, _ =	vpop (xrf1);
	(xrf1) =	vsort.ascd.msk.u32 $0xffff, v3, v3  }
0x3c1: {  	s6 =	simm.s32 $0x3810;
	s9 =	sand.u32 $0x70, s9;
	s7 =	sor.u32 s7, s17  }
0x3c2: {  	s0 =	simm.s32 $0x3830;
	s4 =	simm.s32 $0x8;
	s17 =	sor.u32 s9, s17;
	v2 =	vld [tilespmem:s7+$0x80];
	v5 =	vshrl.u32 v4, $0x4;
	v4 =	vand.u32 $0xF, v4;
	v6, _, _ =	vpop (xrf1)  }
0x3c3: {  	s1 =	simm.s32 $0x1CA0;
	s9 =	simm.s32 $0x1420;
	v3 =	vld [tilespmem:s17+$0x80];
	[tilespmem:s25+$0x0] =	vst v5;
	v5 =	vor.u32 s3, v4;
	v4 =	vshrl.u32 v6, $0x4;
	v6 =	vand.u32 $0xF, v6;
	s3 =	simm.s32 $0x1CA0  }
.LBB2_30:
0x3c4: {  	s4 =	sadd.s32 $0x4, s4;
	v7 =	vld [tilespmem:s13+$0x80];
	[tilespmem:s1+$0x0] =	vst v5;
	v5 =	vor.u32 s0, v6;
	s25 =	sadd.s32 $0x40, s25;
	s3 =	sadd.s32 $0x40, s3;
	v6, _, _ =	vpop (xrf1)  }
0x3c5: {  	p0 =	slt.u32 s4, $0x7C;
	v8 =	vld [tilespmem:s11+$0x80];
	v9 =	vshrl.u32 v6, $0x4;
	v6 =	vand.u32 $0xF, v6;
	[tilespmem:s9+$0x10] =	vst v4;
	v4, _, _ =	vpop (xrf1)  }
0x3c6: {  	s7 =	sadd.s32 $0xFFFFFFD0, s0;
	s0 =	smov.u32 s24;
	s24 =	smov.u32 s23;
	v10 =	vshrl.u32 v4, $0x4;
	v4 =	vand.u32 $0xF, v4;
	v6 =	vor.u32 s6, v6;
	[tilespmem:s1+$0x10] =	vst v5  }
0x3c7: {  	s23 =	sadd.s32 $0x40, s23;
	v2 =	vshll.u32 v2, $0x4;
	[tilespmem:s9+$0xFFFFFFE0] =	vst v10;
	v4 =	vor.u32 s7, v4  }
0x3c8: {  	s26 =	sadd.s32 $0x200, s26;
	s11 =	sadd.s32 $0xFFFFC800, s23;
	s7 =	sadd.s32 $0xFFFFFFF0, s0;
	v2 =	vor.u32 v1, v2;
	v3 =	vshll.u32 v3, $0x4;
	[tilespmem:s9+$0xFFFFFFF0] =	vst v9  }
0x3c9: {  	s13 =	sshrl.u32 s26, $0x2;
	s6 =	sadd.s32 $0xFFFFC7D0, s23;
	s9 =	sadd.s32 $0xFFFFC7F0, s23;
	v5 =	vshll.u32 v7, $0x4;
	v3 =	vor.u32 v1, v3;
	(xrf1) =	vsort.ascd.msk.u32 $0xffff, v2, v2;
	[tilespmem:s1+$0xFFFFFFE0] =	vst v4  }
.Ltmp14:
0x3ca: {  	s17 =	sadd.s32 $0xFFFFC7E0, s23;
	s9 =	sand.u32 $0x60, s9;
	v2 =	vshll.u32 v8, $0x4;
	v5 =	vor.u32 v1, v5;
	(xrf1) =	vsort.ascd.msk.u32 $0xffff, v3, v3;
	[tilespmem:s1+$0xFFFFFFF0] =	vst v6;
	(pc) =	sbr.rel @p0 .LBB2_30-.Ltmp14, $4  }
0x3cb: {  	s1 =	sand.u32 $0xF00, s13;
	s13 =	sand.u32 $0x50, s17;
	s17 =	sand.u32 $0x70, s11;
	v3 =	vor.u32 v1, v2  }
0x3cc: {  	s6 =	sand.u32 $0x40, s6;
	s13 =	sor.u32 s13, s1;
	s9 =	sor.u32 s9, s1;
	(xrf1) =	vsort.ascd.msk.u32 $0xffff, v5, v5;
	v4, _, _ =	vpop (xrf1)  }
0x3cd: {  	s11 =	sor.u32 s6, s1;
	s1 =	sor.u32 s17, s1;
	s6 =	sadd.s32 $0xFFFFFFE0, s0;
	v2 =	vld [tilespmem:s9+$0x80];
	(xrf1) =	vsort.ascd.msk.u32 $0xffff, v3, v3;
	v5 =	vshrl.u32 v4, $0x4;
	v4 =	vand.u32 $0xF, v4;
	v6, _, _ =	vpop (xrf1)  }
0x3ce: {  	s9 =	smov.u32 s25;
	v3 =	vld [tilespmem:s1+$0x80];
	[tilespmem:s25+$0x0] =	vst v5;
	v5 =	vor.u32 s7, v4;
	v4 =	vshrl.u32 v6, $0x4;
	v6 =	vand.u32 $0xF, v6;
	s1 =	smov.u32 s3  }
0x3cf: {  	v7 =	vld [tilespmem:s13+$0x80]  }
0x3d0: {  	v8 =	vld [tilespmem:s11+$0x80]  }
0x3d1: {  	v52, _, _ =	vpop (xrf1)  }
0x3d2: {  	v54, _, _ =	vpop (xrf1);
	v56 =	vshrl.u32 v52, $0x4;
	v2 =	vshll.u32 v2, $0x4  }
0x3d3: {  	[tilespmem:s9+$0x10] =	vst v4;
	v4 =	vand.u32 $0xF, v54;
	v2 =	vor.u32 v1, v2;
	v3 =	vshll.u32 v3, $0x4  }
0x3d4: {  	[tilespmem:s9+$0xFFFFFFF0] =	vst v56;
	(xrf1) =	vsort.ascd.msk.u32 $0xffff, v2, v2;
	v53 =	vshll.u32 v7, $0x4;
	v3 =	vor.u32 v1, v3  }
0x3d5: {  	v2 =	vor.u32 s0, v6;
	v55 =	vshll.u32 v8, $0x4;
	v6 =	vor.u32 v1, v53;
	(xrf1) =	vsort.ascd.msk.u32 $0xffff, v3, v3  }
0x3d6: {  	s7 =	sadd.s32 $0xFFFFFFD0, s0;
	v3 =	vshrl.u32 v54, $0x4;
	[tilespmem:s1+$0x10] =	vst v2;
	v2 =	vor.u32 v1, v55;
	(xrf1) =	vsort.ascd.msk.u32 $0xffff, v6, v6  }
0x3d7: {  	[tilespmem:s9+$0xFFFFFFE0] =	vst v3;
	v3 =	vor.u32 s7, v4;
	(xrf1) =	vsort.ascd.msk.u32 $0xffff, v2, v2;
	v2 =	vand.u32 $0xF, v52  }
0x3d8: {  	v57, _, _ =	vpop (xrf1);
	[tilespmem:s1+$0xFFFFFFE0] =	vst v3;
	v2 =	vor.u32 s6, v2  }
0x3d9: {  	s4 =	sadd.s32 $0xFFFFFFF0, s24;
	s9 =	sadd.s32 $0x40, s25;
	v3 =	vand.u32 $0xF, v57;
	[tilespmem:s1+$0xFFFFFFF0] =	vst v2;
	v2 =	vshrl.u32 v57, $0x4  }
0x3da: {  	v58, _, _ =	vpop (xrf1);
	[tilespmem:s9+$0x0] =	vst v2;
	v2 =	vor.u32 s4, v3  }
0x3db: {  	v3 =	vshrl.u32 v58, $0x4  }
0x3dc: {  	s11 =	sadd.s32 $0x40, s3  }
0x3dd: {  	[tilespmem:s11+$0x0] =	vst v2;
	v2, _, _ =	vpop (xrf1)  }
0x3de: {  	[tilespmem:s9+$0x10] =	vst v3;
	v3, _, _ =	vpop (xrf1)  }
0x3df: {  	s13 =	sadd.s32 $0xFFFFFFD0, s24;
	v59 =	vshrl.u32 v3, $0x4;
	v3 =	vand.u32 $0xF, v3  }
0x3e0: {  	[tilespmem:s1+$0x0] =	vst v5;
	v60 =	vshrl.u32 v2, $0x4;
	v3 =	vor.u32 s13, v3  }
0x3e1: {  	[tilespmem:s9+$0xFFFFFFF0] =	vst v60  }
0x3e2: {  	s17 =	sadd.s32 $0xFFFFFFE0, s24;
	v2 =	vand.u32 $0xF, v2;
	[tilespmem:s9+$0xFFFFFFE0] =	vst v59  }
0x3e3: {  	v4 =	vand.u32 $0xF, v58;
	v2 =	vor.u32 s17, v2;
	[tilespmem:s11+$0xFFFFFFE0] =	vst v3;
	v3, _, _ =	vpop (xrf1)  }
0x3e4: {  	s0 =	sadd.s32 $0x40, s9;
	v4 =	vor.u32 s24, v4;
	s24 =	sadd.s32 $0xFFFFFFF0, s23;
	[tilespmem:s11+$0xFFFFFFF0] =	vst v2;
	v2 =	vshrl.u32 v3, $0x4;
	v3 =	vand.u32 $0xF, v3  }
0x3e5: {  	v61, _, _ =	vpop (xrf1);
	[tilespmem:s0+$0x0] =	vst v2;
	v2 =	vor.u32 s24, v3  }
0x3e6: {  	s1 =	sadd.s32 $0x40, s11;
	[tilespmem:s11+$0x10] =	vst v4;
	v3 =	vshrl.u32 v61, $0x4  }
0x3e7: {  	v4 =	vand.u32 $0xF, v61;
	[tilespmem:s1+$0x0] =	vst v2  }
0x3e8: {  	v4 =	vor.u32 s23, v4;
	[tilespmem:s0+$0x10] =	vst v3;
	v2, _, _ =	vpop (xrf1)  }
0x3e9: {  	[tilespmem:s1+$0x10] =	vst v4;
	v3, _, _ =	vpop (xrf1);
	v63 =	vshrl.u32 v2, $0x4  }
0x3ea: {  	s26 =	sadd.s32 $0xFFFFFFE0, s23;
	v2 =	vand.u32 $0xF, v2;
	v62 =	vshrl.u32 v3, $0x4;
	[tilespmem:s0+$0xFFFFFFF0] =	vst v63  }
0x3eb: {  	s25 =	sadd.s32 $0xFFFFFFD0, s23;
	v3 =	vand.u32 $0xF, v3;
	v2 =	vor.u32 s26, v2;
	[tilespmem:s0+$0xFFFFFFE0] =	vst v62  }
0x3ec: {  	v3 =	vor.u32 s25, v3;
	[tilespmem:s1+$0xFFFFFFF0] =	vst v2  }
0x3ed: {  	[tilespmem:s1+$0xFFFFFFE0] =	vst v3  }
.LBB2_32:
0x3ee: {  	s0 =	sshra.s32 s2, $0x2  }
0x3ef: {  	v2 =	vld [tilespmem:s0+$0x1400]  }
0x3f0: {  	v3 =	vld [tilespmem:s0+$0x1401];
	_ =	sdelay $0x4  }
0x3f1: {  	vm0 =	veq.s32 v2, v3  }
0x3f2: {  	v3 =	vld [tilespmem:s0+$0x1C80];
	v2 =	vsel vm0, $0x186A0, v2;
	_ =	sdelay $0x4  }
0x3f3: {  	[tilespmem:v2+s15+$0x0] =	vst.idx.msk $0xffff, v3  }
0x3f4: {  	v2 =	vld [tilespmem:s0+$0x1410]  }
0x3f5: {  	v3 =	vld [tilespmem:s0+$0x1411];
	_ =	sdelay $0x4  }
0x3f6: {  	vm15 =	veq.s32 v2, v3  }
0x3f7: {  	p0 =	sne.s32 s2, $0x1F80;
	v3 =	vld [tilespmem:s0+$0x1C90];
	v2 =	vsel vm15, $0x186A0, v2  }
.Ltmp15:
0x3f8: {  	_ = 	snop;
	(pc) =	sbr.rel @p0 .LBB2_32-.Ltmp15, $2  }
0x3f9: {  	_ =	sdelay $0x2  }
0x3fa: {  	s2 =	sadd.s32 $0x80, s2;
	[tilespmem:v2+s15+$0x0] =	vst.idx.msk $0xffff, v3  }
0x3fb: {  	s0 =	simm.s32 $0x4  }
0x3fc: {  	_ =	swait.ge [sflag:s0], $0x2000  }
0x3fd: {  	[sflag:s0] =	ssyncset.done $0x0  }
0x3fe: {  	s24 =	rddreg [dreg:$0x15];
	[sflag:s0] =	ssyncadd.s32 $0xFFFFE000  }
0x3ff: {  	[hbm4b:s24+s5] =	stream.linear.scatter [tilespmem:s20], [sflag:$0x5], $0x2000, $0x38;
	[tilespmem:$0x1EB80] =	vst v63  }
0x400: {  	_ =	swait.ge [sflag:s22], $0x2000  }
0x401: {  	[sflag:s22] =	ssyncset.done $0x0  }
0x402: {  	s25 =	simm.s32 $0x1020;
	[sflag:s22] =	ssyncadd.s32 $0xFFFFE000  }
0x403: {  	v2 =	vld [tilespmem:s25+$0x10];
	_ =	sdelay $0x1  }
0x404: {  	v4 =	vld [tilespmem:s25+$0xFFFFFFE0]  }
0x405: {  	v5 =	vld [tilespmem:s25+$0xFFFFFFF0]  }
0x406: {  	s26 =	simm.s32 $0x1060;
	v6 =	vld [tilespmem:s25+$0x0]  }
0x407: {  	v9 =	vld [tilespmem:s26+$0x10]  }
0x408: {  	v3 =	vld [tilespmem:s26+$0xFFFFFFF0]  }
0x409: {  	v8 =	vld [tilespmem:s26+$0xFFFFFFE0]  }
0x40a: {  	v10 =	vld.idx.msk [tilespmem:v2+s15+$0x0], $0xffff  }
0x40b: {  	v2 =	vld [tilespmem:s26+$0x0]  }
0x40c: {  	v7 =	vld.idx.msk [tilespmem:v4+s15+$0x0], $0xffff  }
0x40d: {  	v4 =	vld.idx.msk [tilespmem:v5+s15+$0x0], $0xffff  }
0x40e: {  	s1 =	simm.s32 $0x4;
	s0 =	simm.s32 $0x1220;
	v5 =	vld.idx.msk [tilespmem:v6+s15+$0x0], $0xffff  }
0x40f: {  	s2 =	simm.s32 $0x10A0;
	s3 =	simm.s32 $0x80;
	s4 =	simm.s32 $0x1;
	v6 =	vld.idx.msk [tilespmem:v9+s15+$0x0], $0xffff;
	[tilespmem:s0+$0x10] =	vst v10  }
.LBB2_34:
0x410: {  	v9 =	vld [tilespmem:s2+$0x10];
	s1 =	sadd.s32 $0x4, s1  }
0x411: {  	v10 =	vld [tilespmem:s2+$0xFFFFFFF0];
	p0 =	slt.u32 s1, $0x1C;
	[tilespmem:s0+$0xFFFFFFE0] =	vst v7  }
0x412: {  	v11 =	vld [tilespmem:s2+$0x0];
	[tilespmem:s0+$0xFFFFFFF0] =	vst v4  }
0x413: {  	v12 =	vld [tilespmem:s2+$0xFFFFFFE0];
	[tilespmem:s0+$0x0] =	vst v5  }
.Ltmp16:
0x414: {  	s0 =	sadd.s32 $0x40, s0;
	v7 =	vld.idx.msk [tilespmem:v8+s15+$0x0], $0xffff;
	(pc) =	sbr.rel @p0 .LBB2_34-.Ltmp16, $4  }
0x415: {  	v4 =	vld.idx.msk [tilespmem:v3+s15+$0x0], $0xffff;
	[tilespmem:s0+$0x10] =	vst v6  }
0x416: {  	v5 =	vld.idx.msk [tilespmem:v2+s15+$0x0], $0xffff;
	v3 =	vmov v10  }
0x417: {  	v2 =	vmov v11  }
0x418: {  	s2 =	sadd.s32 $0x40, s2;
	v6 =	vld.idx.msk [tilespmem:v9+s15+$0x0], $0xffff;
	v8 =	vmov v12  }
0x419: {  	_ =	sdelay $0x3  }
0x41a: {  	v8 =	vld.idx.msk [tilespmem:v8+s15+$0x0], $0xffff  }
0x41b: {  	[tilespmem:s0+$0xFFFFFFE0] =	vst v7;
	v3 =	vld.idx.msk [tilespmem:v3+s15+$0x0], $0xffff  }
0x41c: {  	v2 =	vld.idx.msk [tilespmem:v2+s15+$0x0], $0xffff;
	[tilespmem:s0+$0xFFFFFFF0] =	vst v4  }
0x41d: {  	s17 =	sadd.s32 $0x40, s0;
	[tilespmem:s0+$0x0] =	vst v5  }
0x41e: {  	[tilespmem:s17+$0x10] =	vst v6  }
0x41f: {  	[tilespmem:s17+$0xFFFFFFE0] =	vst v8  }
0x420: {  	[tilespmem:s17+$0xFFFFFFF0] =	vst v3  }
0x421: {  	s23 =	rddreg [dreg:$0x1];
	s1 =	simm.s32 $0x1200;
	[tilespmem:s17+$0x0] =	vst v2  }
0x422: {  	[tilespmem:s15], [sflag:$0x3] =	stream.indirect.gather [hbm4b:s23+s3], $0x80, s1, s3, $0xb8;
	[tilespmem:$0x1EB80] =	vst v63  }
0x423: {  	s24 =	simm.s32 $0x1280;
	s2 =	simm.s32 $0xA480  }
0x424: {  	[tilespmem:s2], [sflag:$0x4] =	stream.indirect.gather [hbm4b:s23+s3], $0x80, s24, s3, $0xb8;
	[tilespmem:$0x1EB80] =	vst v63  }
0x425: {  	s25 =	simm.s32 $0x1300;
	s6 =	simm.s32 $0xE480  }
0x426: {  	[tilespmem:s6], [sflag:$0x1] =	stream.indirect.gather [hbm4b:s23+s3], $0x80, s25, s3, $0xb8;
	[tilespmem:$0x1EB80] =	vst v63  }
0x427: {  	s26 =	simm.s32 $0x1380;
	s7 =	simm.s32 $0x12480;
	s1 =	simm.s32 $0x3  }
0x428: {  	[tilespmem:s7], [sflag:$0x2] =	stream.indirect.gather [hbm4b:s23+s3], $0x80, s26, s3, $0xb8;
	[tilespmem:$0x1EB80] =	vst v63  }
0x429: {  	_ =	swait.ge [sflag:s1], $0x4000  }
0x42a: {  	[sflag:s1] =	ssyncset.done $0x0  }
0x42b: {  	s9 =	rddreg [dreg:$0xf];
	[sflag:s1] =	ssyncadd.s32 $0xFFFFC000  }
0x42c: {  	[hbm4b:s9+s5] =	stream.linear.scatter [tilespmem:s15], [sflag:$0x5], $0x4000, $0x38;
	[tilespmem:$0x1EB80] =	vst v63  }
0x42d: {  	_ =	swait.ge [sflag:s22], $0x4000  }
0x42e: {  	[sflag:s22] =	ssyncset.done $0x0  }
0x42f: {  	s11 =	simm.s32 $0x4;
	[sflag:s22] =	ssyncadd.s32 $0xFFFFC000  }
0x430: {  	_ =	swait.ge [sflag:s11], $0x4000  }
0x431: {  	[sflag:s11] =	ssyncset.done $0x0  }
0x432: {  	s13 =	rddreg [dreg:$0x10];
	[sflag:s11] =	ssyncadd.s32 $0xFFFFC000  }
0x433: {  	[hbm4b:s13+s5] =	stream.linear.scatter [tilespmem:s2], [sflag:$0x5], $0x4000, $0x38;
	[tilespmem:$0x1EB80] =	vst v63  }
0x434: {  	_ =	swait.ge [sflag:s22], $0x4000  }
0x435: {  	[sflag:s22] =	ssyncset.done $0x0  }
0x436: {  	[sflag:s22] =	ssyncadd.s32 $0xFFFFC000  }
0x437: {  	_ =	swait.ge [sflag:s4], $0x4000  }
0x438: {  	[sflag:s4] =	ssyncset.done $0x0  }
0x439: {  	s17 =	rddreg [dreg:$0x11];
	[sflag:s4] =	ssyncadd.s32 $0xFFFFC000  }
0x43a: {  	[hbm4b:s17+s5] =	stream.linear.scatter [tilespmem:s6], [sflag:$0x5], $0x4000, $0x38;
	[tilespmem:$0x1EB80] =	vst v63  }
0x43b: {  	_ =	swait.ge [sflag:s22], $0x4000  }
0x43c: {  	[sflag:s22] =	ssyncset.done $0x0  }
0x43d: {  	s23 =	simm.s32 $0x2;
	[sflag:s22] =	ssyncadd.s32 $0xFFFFC000  }
0x43e: {  	_ =	swait.ge [sflag:s23], $0x4000  }
0x43f: {  	[sflag:s23] =	ssyncset.done $0x0  }
0x440: {  	s24 =	rddreg [dreg:$0x12];
	[sflag:s23] =	ssyncadd.s32 $0xFFFFC000  }
0x441: {  	[hbm4b:s24+s5] =	stream.linear.scatter [tilespmem:s7], [sflag:$0x5], $0x4000, $0x38;
	[tilespmem:$0x1EB80] =	vst v63  }
0x442: {  	_ =	swait.ge [sflag:s22], $0x4000  }
0x443: {  	s25 =	sld [smem:$0x7F8];
	_ =	sdelay $0x2  }
0x444: {  	s26 =	rddreg [dreg:$0x14];
	s1 =	sadd.s32 $0x1, s25  }
0x445: {  	p0 =	sne.s32 s1, s26  }
.Ltmp17:
0x446: {  	_ = 	snop;
	(pc) =	sbr.rel @p0 .LBB2_1-.Ltmp17, $3  }
0x447: {  	_ =	sdelay $0x1  }
0x448: {  	[sflag:s22] =	ssyncset.done $0x0  }
0x449: {  	[sflag:s22] =	ssyncadd.s32 $0xFFFFC000  }
0x44a: {  	_ =	sfence.sel $0x180000  }
0x44b: {  	[bflag:$0x0] =	sbarrier.arrive $0xFFFF  }
0x44c: {  	_ =	strace $0x90000047  }
0x44d: {  	s0 =	stileid.u32;
	[bflag:$0x2] =	sbarrier.arrive $0xFFFF  }
0x44e: {  	p0 =	sne.s32 s0, $0x0;
	s0 =	rddreg [dreg:$0x5]  }
0x44f: {  	s0 =	sadd.s32 @!p0 $0x100000, s0  }
0x450: {  	[sflag:s0] =	ssyncadd.tile.s32 @!p0 $0x1;
	_ =	shalt  }
.Lfunc_end2:
_tile_overlayer_lowered:
.L_overlay_start_2:
0x451: {  	(tag) =	ssettag $0x2  }
0x452: {  	s0 =	rddreg [dreg:$0x0];
	s2 =	stileid.u32  }
0x453: {  	s1 =	rddreg [dreg:$0x1];
	p0 =	sne.s32 s2, $0x0  }
0x454: {  	s3 =	rddreg [dreg:$0x2];
	[bflag:$0x3] =	sbarrier.arrive $0xFFFF;
	s2 =	simm.s32 @!p0 $0x1C05  }
0x455: {  	[timem:s3], [sflag:s2] =	dma.local @!p0 [hbm:s0], s1  }
0x456: {  	s0 =	simm.s32 @!p0 $0x5  }
0x457: {  	_ =	swait.ge @!p0 [sflag:s0], s1  }
0x458: {  	s1 =	ssub.s32 @!p0 $0x0, s1;
	[sflag:s0] =	ssyncset.done @!p0 $0x0  }
0x459: {  	[sflag:s0] =	ssyncadd.s32 @!p0 s1  }
0x45a: {  	[bflag:$0x3] =	sbarrier.arrive $0xFFFF  }
0x45b: {  	_ =	shalt  }

</sc_bundles>
